<compile_context>
chip_gen: v7x
topology: tpu7x:2x2x1
jax: 0.10.2.dev20260603
libtpu: 0.0.44.dev20260713+nightly
codegen_flags: <defaults>
</compile_context>

<pallas_src>
import functools

import jax
import jax.numpy as jnp
from jax import lax
from jax.experimental import pallas as pl
from jax.experimental.pallas import tpu as pltpu
from jax.experimental.pallas import tpu_sc as plsc

B, S = 64, 8192
L = 16
NCHUNK = S // L
NW = 32
ROWS_PER_W = B // NW
RANK = S // 2 + 1
NBIN = 1024
HCHUNK = NBIN // L
ACC = 4

_mesh = plsc.VectorSubcoreMesh(core_axis_name="c", subcore_axis_name="s")


def _bcast(x, lane):
    return x.at[lane].get(mode="promise_in_bounds")


def _butterfly_max(x):
    lanes = lax.iota(jnp.int32, L)
    for s in (1, 2, 4, 8):
        x = jnp.maximum(x, x.at[lanes ^ s].get(mode="promise_in_bounds"))
    return x


@functools.partial(
    pl.kernel,
    out_type=jax.ShapeDtypeStruct((B, S), jnp.float32),
    mesh=_mesh,
    compiler_params=pltpu.CompilerParams(needs_layout_passes=False),
    scratch_types=[
        pltpu.VMEM((S,), jnp.float32),
        pltpu.VMEM((S,), jnp.float32),
        pltpu.VMEM((S,), jnp.float32),
        pltpu.VMEM((S,), jnp.float32),
        pltpu.VMEM((S,), jnp.int32),
        pltpu.VMEM((NBIN,), jnp.int32),
        pltpu.VMEM((NBIN,), jnp.int32),
        pltpu.VMEM((L,), jnp.float32),
        pltpu.VMEM((L,), jnp.float32),
        pltpu.SemaphoreType.DMA,
        pltpu.SemaphoreType.DMA,
        pltpu.SemaphoreType.DMA,
        pltpu.SemaphoreType.DMA,
        pltpu.SemaphoreType.DMA,
        pltpu.SemaphoreType.DMA,
        pltpu.SemaphoreType.DMA,
    ],
)
def _sparse_importance_sc(attn_hbm, grad_hbm, wa_hbm, wg_hbm, out_hbm,
                          a0_v, a1_v, g0_v, g1_v, cb_v, hist_v, csum_v,
                          wa_v, wg_v, sa0, sg0, sa1, sg1, so0, so1, sw):
    wid = lax.axis_index("s") * 2 + lax.axis_index("c")
    row0 = wid * ROWS_PER_W

    bufs = ((a0_v, g0_v, sa0, sg0), (a1_v, g1_v, sa1, sg1))
    in_cps = []
    for r, (ab, gb, sa, sg) in enumerate(bufs):
        in_cps.append((
            pltpu.async_copy(attn_hbm.at[row0 + r], ab, sa),
            pltpu.async_copy(grad_hbm.at[row0 + r], gb, sg)))
    w_cps = (pltpu.async_copy(wa_hbm, wa_v, sw),
             pltpu.async_copy(wg_hbm, wg_v, sw))

    zero_iv = jnp.zeros((L,), jnp.int32)
    one_iv = jnp.full((L,), 1, jnp.int32)
    rank_v = jnp.full((L,), RANK, jnp.int32)
    mask1023_v = jnp.full((L,), NBIN - 1, jnp.int32)
    lane15_v = jnp.full((L,), L - 1, jnp.int32)
    zero_fv = jnp.zeros((L,), jnp.float32)

    def zero_hist(i):
        hist_v[pl.ds(i * L, L)] = zero_iv

    lanes_v = lax.iota(jnp.int32, L)

    def hist_scan(rank_need_v):
        def csum_body(i):
            h = hist_v[pl.ds(i * L, L)]
            hist_v[pl.ds(i * L, L)] = zero_iv
            csum_v[pl.ds(i * L, L)] = plsc.cumsum(h)
        plsc.parallel_loop(0, HCHUNK, unroll=2)(csum_body)

        prev_v = zero_iv
        j0_v = jnp.full((L,), -1, jnp.int32)
        below_ch_v = zero_iv
        for t in range(HCHUNK // L):
            idx = (jnp.full((L,), t * L, jnp.int32) + lanes_v) * L + (L - 1)
            tots = plsc.load_gather(csum_v, [idx])
            cs2 = prev_v + plsc.cumsum(tots)
            cross = cs2 >= rank_need_v
            pc = plsc.all_reduce_population_count(cross)
            ff = plsc.all_reduce_ffs(cross)
            ffc = jnp.minimum(ff, lane15_v)
            hit = jnp.where(j0_v < 0,
                            jnp.where(pc > 0, one_iv, zero_iv), zero_iv)
            base_v = jnp.full((L,), t * L, jnp.int32)
            j0_v = jnp.where(hit > 0, base_v + ffc, j0_v)
            cs2_at = _bcast(cs2, ffc)
            t_at = _bcast(tots, ffc)
            below_ch_v = jnp.where(hit > 0, cs2_at - t_at, below_ch_v)
            prev_v = _bcast(cs2, lane15_v)

        j0 = jnp.max(j0_v)
        cs0 = csum_v[pl.ds(j0 * L, L)]
        cst = below_ch_v + cs0
        cross = cst >= rank_need_v
        ffc = jnp.minimum(plsc.all_reduce_ffs(cross), lane15_v)
        b_v = j0_v * L + ffc
        ffm1 = jnp.maximum(ffc - 1, zero_iv)
        below_in = jnp.where(ffc > 0, _bcast(cs0, ffm1), zero_iv)
        below_v = below_ch_v + below_in
        return b_v, below_v

    out_cps = []
    for r in range(ROWS_PER_W):
        row = row0 + r
        for cp in in_cps[r]:
            cp.wait()
        ar, gr = bufs[r][0], bufs[r][1]

        def max_body(i, carry):
            new = []
            for k in range(ACC):
                am, gm = carry[k]
                a = ar[pl.ds((i * ACC + k) * L, L)]
                g = gr[pl.ds((i * ACC + k) * L, L)]
                new.append((jnp.maximum(am, a), jnp.maximum(gm, g)))
            return tuple(new)
        neg_fv = jnp.full((L,), -1.0, jnp.float32)
        accs = plsc.parallel_loop(
            0, NCHUNK // ACC, unroll=2,
            carry=tuple((neg_fv, neg_fv) for _ in range(ACC)))(max_body)
        am_v, gm_v = accs[0]
        for k in range(1, ACC):
            am_v = jnp.maximum(am_v, accs[k][0])
            gm_v = jnp.maximum(gm_v, accs[k][1])
        amax_v = _butterfly_max(am_v)
        gmax_v = _butterfly_max(gm_v)
        if r == 0:
            for cp in w_cps:
                cp.wait()
        ca_v = wa_v[...] / (amax_v + 1e-8)
        cg_v = wg_v[...] / (gmax_v + 1e-8)

        if r == 0:
            plsc.parallel_loop(0, HCHUNK, unroll=4)(zero_hist)

        def comb_body(i, carry):
            new = []
            for k in range(ACC):
                cmaxb = carry[k]
                a = ar[pl.ds((i * ACC + k) * L, L)]
                g = gr[pl.ds((i * ACC + k) * L, L)]
                c = ca_v * a + cg_v * g
                cb = lax.bitcast_convert_type(c, jnp.int32)
                cb_v[pl.ds((i * ACC + k) * L, L)] = cb
                bin1 = jnp.minimum(lax.shift_right_logical(cb, 20), mask1023_v)
                plsc.addupdate_scatter(hist_v, [bin1], one_iv)
                new.append(jnp.maximum(cmaxb, cb))
            return tuple(new)
        baccs = plsc.parallel_loop(
            0, NCHUNK // ACC, unroll=2,
            carry=tuple(zero_iv for _ in range(ACC)))(comb_body)
        cmaxb_v = baccs[0]
        for k in range(1, ACC):
            cmaxb_v = jnp.maximum(cmaxb_v, baccs[k])
        cmax_bv = _butterfly_max(cmaxb_v)

        b0_v, below0_v = hist_scan(rank_v)
        rank2_v = rank_v - below0_v

        def h2_body(i):
            for k in range(ACC):
                cb = cb_v[pl.ds((i * ACC + k) * L, L)]
                top = lax.shift_right_logical(cb, 20)
                bin2 = lax.shift_right_logical(cb, 10) & mask1023_v
                plsc.addupdate_scatter(hist_v, [bin2], one_iv,
                                       mask=top == b0_v)
        plsc.parallel_loop(0, NCHUNK // ACC, unroll=2)(h2_body)
        b1_v, below1_v = hist_scan(rank2_v)
        rank3_v = rank2_v - below1_v
        top20_v = lax.shift_left(b0_v, 10) | b1_v

        def h3_body(i):
            for k in range(ACC):
                cb = cb_v[pl.ds((i * ACC + k) * L, L)]
                hi20 = lax.shift_right_logical(cb, 10)
                bin3 = cb & mask1023_v
                plsc.addupdate_scatter(hist_v, [bin3], one_iv,
                                       mask=hi20 == top20_v)
        plsc.parallel_loop(0, NCHUNK // ACC, unroll=2)(h3_body)
        b2_v, _ = hist_scan(rank3_v)
        thr_v = lax.shift_left(top20_v, 10) | b2_v

        cmax_f = lax.bitcast_convert_type(cmax_bv, jnp.float32)
        inv_v = jnp.full((L,), 1.0, jnp.float32) / (cmax_f + 1e-8)

        def out_body(i):
            for k in range(ACC):
                cb = cb_v[pl.ds((i * ACC + k) * L, L)]
                c = lax.bitcast_convert_type(cb, jnp.float32)
                o = jnp.where(cb > thr_v, c * inv_v, zero_fv)
                ar[pl.ds((i * ACC + k) * L, L)] = o
        plsc.parallel_loop(0, NCHUNK // ACC, unroll=2)(out_body)
        out_cps.append(pltpu.async_copy(ar, out_hbm.at[row],
                                        (so0, so1)[r]))
    for cp in out_cps:
        cp.wait()


def kernel(attention_weights, gradient_importance, attention_weight,
           gradient_weight):
    w = jax.nn.softmax(jnp.stack([attention_weight, gradient_weight]), axis=0)
    wa = jnp.full((L,), w[0], jnp.float32)
    wg = jnp.full((L,), w[1], jnp.float32)
    return _sparse_importance_sc(attention_weights, gradient_importance,
                                 wa, wg)

# --- scband reference (transcript-rebuilt; emitter-appended) ---
"""Pipeline reference for scband-sparse-importance-generator-20504173871798 (READ-ONLY COPY).

The authoritative reference and input builder live on the scoring server;
editing this copy changes nothing except your own understanding.
"""

import jax, jax.numpy as jnp
import numpy as np

TARGET_SPARSITY = 0.5

def setup_inputs(seed: int = 0) -> dict:
    key = jax.random.key(seed)
    k1, k2 = jax.random.split(key)
    attention_weights = jax.random.uniform(k1, (64, 8192), dtype=jnp.float32)
    gradient_importance = jax.random.uniform(k2, (64, 8192), dtype=jnp.float32)
    attention_weight = jnp.asarray(0.6, dtype=jnp.float32)
    gradient_weight = jnp.asarray(0.4, dtype=jnp.float32)
    return {
        "attention_weights": attention_weights,
        "gradient_importance": gradient_importance,
        "attention_weight": attention_weight,
        "gradient_weight": gradient_weight,
    }

def reference(attention_weights, gradient_importance, attention_weight, gradient_weight):
    # Normalize attention by per-row max
    attention = attention_weights / (jnp.max(attention_weights, axis=-1, keepdims=True) + 1e-08)
    # Normalize gradient importance by per-row max
    grad_imp = gradient_importance / (jnp.max(gradient_importance, axis=-1, keepdims=True) + 1e-08)
    # Softmax fusion of the two learned scalar weights
    weights = jax.nn.softmax(jnp.stack([attention_weight, gradient_weight]), axis=0)
    combined = weights[0] * attention + weights[1] * grad_imp
    batch_size, seq_len = combined.shape
    # Percentile-based adaptive thresholding via full sort
    sorted_vals = jnp.sort(combined, axis=-1)
    percentile_idx = int(TARGET_SPARSITY * seq_len)
    percentile_idx = min(percentile_idx, seq_len - 1)
    adaptive_threshold = sorted_vals[:, percentile_idx:percentile_idx + 1]
    sparse_importance = jnp.where(combined > adaptive_threshold, combined, jnp.zeros_like(combined))
    max_val = jnp.max(sparse_importance, axis=-1, keepdims=True)
    sparse_importance = sparse_importance / (max_val + 1e-08)
    return sparse_importance

if __name__ == "__main__":
    import jax
    _d = setup_inputs()
    print(jax.jit(kernel)(*tuple(_d.values())))

</pallas_src>

<mosaic_0001>
#map = affine_map<(d0, d1) -> (0, 0)>
#map1 = affine_map<(d0, d1) -> (0)>
module attributes {stable_mosaic.version = 14 : i64} {
  func.func @_sparse_importance_sc(%arg0: i32, %arg1: i32, %arg2: memref<64x8192xf32, #tpu.memory_space<hbm>>, %arg3: memref<64x8192xf32, #tpu.memory_space<hbm>>, %arg4: memref<16xf32, #tpu.memory_space<hbm>>, %arg5: memref<16xf32, #tpu.memory_space<hbm>>, %arg6: memref<64x8192xf32, #tpu.memory_space<hbm>>, %arg7: memref<8192xf32, #tpu.memory_space<vmem>>, %arg8: memref<8192xf32, #tpu.memory_space<vmem>>, %arg9: memref<8192xf32, #tpu.memory_space<vmem>>, %arg10: memref<8192xf32, #tpu.memory_space<vmem>>, %arg11: memref<8192xi32, #tpu.memory_space<vmem>>, %arg12: memref<1024xi32, #tpu.memory_space<vmem>>, %arg13: memref<1024xi32, #tpu.memory_space<vmem>>, %arg14: memref<16xf32, #tpu.memory_space<vmem>>, %arg15: memref<16xf32, #tpu.memory_space<vmem>>, %arg16: memref<!tpu.dma_semaphore, #tpu.memory_space<semaphore_mem>>, %arg17: memref<!tpu.dma_semaphore, #tpu.memory_space<semaphore_mem>>, %arg18: memref<!tpu.dma_semaphore, #tpu.memory_space<semaphore_mem>>, %arg19: memref<!tpu.dma_semaphore, #tpu.memory_space<semaphore_mem>>, %arg20: memref<!tpu.dma_semaphore, #tpu.memory_space<semaphore_mem>>, %arg21: memref<!tpu.dma_semaphore, #tpu.memory_space<semaphore_mem>>, %arg22: memref<!tpu.dma_semaphore, #tpu.memory_space<semaphore_mem>>) attributes {dimension_semantics = [#tpu.dimension_semantics<core_parallel>, #tpu.dimension_semantics<subcore_parallel>], iteration_bounds = array<i64: 2, 16>, scalar_prefetch = 0 : i64, scratch_operands = 16 : i64, tpu.core_type = #tpu.core_type<sc_vector_subcore>, window_params = [{transform_indices = #map}, {transform_indices = #map}, {transform_indices = #map1}, {transform_indices = #map1}, {transform_indices = #map}]} {
    %mul3A = arith.constant 2 : i32
    %mul3A_0 = arith.muli %arg1, %mul3A : i32
    %add3A = arith.addi %mul3A_0, %arg0 : i32
    %mul3A_1 = arith.constant 2 : i32
    %mul3A_2 = arith.muli %add3A, %mul3A_1 : i32
    %add3A_3 = arith.constant 0 : i32
    %add3A_4 = arith.addi %mul3A_2, %add3A_3 : i32
    %dma_start3A = arith.constant 0 : i32
    %dma_start3A_5 = tpu.memref_slice %arg2[%add3A_4, %dma_start3A] : memref<64x8192xf32, #tpu.memory_space<hbm>> -> memref<1x8192xf32, #tpu.memory_space<hbm>>
    %dma_start3A_6 = tpu.memref_squeeze %dma_start3A_5 : memref<1x8192xf32, #tpu.memory_space<hbm>> -> memref<8192xf32, #tpu.memory_space<hbm>>
    %dma_start3A_7 = arith.constant 0 : i32
    %dma_start3A_8 = tpu.memref_slice %arg2[%add3A_4, %dma_start3A_7] : memref<64x8192xf32, #tpu.memory_space<hbm>> -> memref<1x8192xf32, #tpu.memory_space<hbm>>
    %dma_start3A_9 = tpu.memref_squeeze %dma_start3A_8 : memref<1x8192xf32, #tpu.memory_space<hbm>> -> memref<8192xf32, #tpu.memory_space<hbm>>
    tpu.enqueue_dma source(%dma_start3A_9 : memref<8192xf32, #tpu.memory_space<hbm>>) target(%arg7 : memref<8192xf32, #tpu.memory_space<vmem>>) target_semaphore(%arg16 : memref<!tpu.dma_semaphore, #tpu.memory_space<semaphore_mem>>)
    %add3A_10 = arith.constant 0 : i32
    %add3A_11 = arith.addi %mul3A_2, %add3A_10 : i32
    %dma_start3A_12 = arith.constant 0 : i32
    %dma_start3A_13 = tpu.memref_slice %arg3[%add3A_11, %dma_start3A_12] : memref<64x8192xf32, #tpu.memory_space<hbm>> -> memref<1x8192xf32, #tpu.memory_space<hbm>>
    %dma_start3A_14 = tpu.memref_squeeze %dma_start3A_13 : memref<1x8192xf32, #tpu.memory_space<hbm>> -> memref<8192xf32, #tpu.memory_space<hbm>>
    %dma_start3A_15 = arith.constant 0 : i32
    %dma_start3A_16 = tpu.memref_slice %arg3[%add3A_11, %dma_start3A_15] : memref<64x8192xf32, #tpu.memory_space<hbm>> -> memref<1x8192xf32, #tpu.memory_space<hbm>>
    %dma_start3A_17 = tpu.memref_squeeze %dma_start3A_16 : memref<1x8192xf32, #tpu.memory_space<hbm>> -> memref<8192xf32, #tpu.memory_space<hbm>>
    tpu.enqueue_dma source(%dma_start3A_17 : memref<8192xf32, #tpu.memory_space<hbm>>) target(%arg9 : memref<8192xf32, #tpu.memory_space<vmem>>) target_semaphore(%arg17 : memref<!tpu.dma_semaphore, #tpu.memory_space<semaphore_mem>>)
    %add3A_18 = arith.constant 1 : i32
    %add3A_19 = arith.addi %mul3A_2, %add3A_18 : i32
    %dma_start3A_20 = arith.constant 0 : i32
    %dma_start3A_21 = tpu.memref_slice %arg2[%add3A_19, %dma_start3A_20] : memref<64x8192xf32, #tpu.memory_space<hbm>> -> memref<1x8192xf32, #tpu.memory_space<hbm>>
    %dma_start3A_22 = tpu.memref_squeeze %dma_start3A_21 : memref<1x8192xf32, #tpu.memory_space<hbm>> -> memref<8192xf32, #tpu.memory_space<hbm>>
    %dma_start3A_23 = arith.constant 0 : i32
    %dma_start3A_24 = tpu.memref_slice %arg2[%add3A_19, %dma_start3A_23] : memref<64x8192xf32, #tpu.memory_space<hbm>> -> memref<1x8192xf32, #tpu.memory_space<hbm>>
    %dma_start3A_25 = tpu.memref_squeeze %dma_start3A_24 : memref<1x8192xf32, #tpu.memory_space<hbm>> -> memref<8192xf32, #tpu.memory_space<hbm>>
    tpu.enqueue_dma source(%dma_start3A_25 : memref<8192xf32, #tpu.memory_space<hbm>>) target(%arg8 : memref<8192xf32, #tpu.memory_space<vmem>>) target_semaphore(%arg18 : memref<!tpu.dma_semaphore, #tpu.memory_space<semaphore_mem>>)
    %add3A_26 = arith.constant 1 : i32
    %add3A_27 = arith.addi %mul3A_2, %add3A_26 : i32
    %dma_start3A_28 = arith.constant 0 : i32
    %dma_start3A_29 = tpu.memref_slice %arg3[%add3A_27, %dma_start3A_28] : memref<64x8192xf32, #tpu.memory_space<hbm>> -> memref<1x8192xf32, #tpu.memory_space<hbm>>
    %dma_start3A_30 = tpu.memref_squeeze %dma_start3A_29 : memref<1x8192xf32, #tpu.memory_space<hbm>> -> memref<8192xf32, #tpu.memory_space<hbm>>
    %dma_start3A_31 = arith.constant 0 : i32
    %dma_start3A_32 = tpu.memref_slice %arg3[%add3A_27, %dma_start3A_31] : memref<64x8192xf32, #tpu.memory_space<hbm>> -> memref<1x8192xf32, #tpu.memory_space<hbm>>
    %dma_start3A_33 = tpu.memref_squeeze %dma_start3A_32 : memref<1x8192xf32, #tpu.memory_space<hbm>> -> memref<8192xf32, #tpu.memory_space<hbm>>
    tpu.enqueue_dma source(%dma_start3A_33 : memref<8192xf32, #tpu.memory_space<hbm>>) target(%arg10 : memref<8192xf32, #tpu.memory_space<vmem>>) target_semaphore(%arg19 : memref<!tpu.dma_semaphore, #tpu.memory_space<semaphore_mem>>)
    tpu.enqueue_dma source(%arg4 : memref<16xf32, #tpu.memory_space<hbm>>) target(%arg14 : memref<16xf32, #tpu.memory_space<vmem>>) target_semaphore(%arg22 : memref<!tpu.dma_semaphore, #tpu.memory_space<semaphore_mem>>)
    tpu.enqueue_dma source(%arg5 : memref<16xf32, #tpu.memory_space<hbm>>) target(%arg15 : memref<16xf32, #tpu.memory_space<vmem>>) target_semaphore(%arg22 : memref<!tpu.dma_semaphore, #tpu.memory_space<semaphore_mem>>)
    %broadcast_in_dim3A = arith.constant 0 : i32
    %broadcast_in_dim3A_34 = vector.broadcast %broadcast_in_dim3A : i32 to vector<16xi32>
    %broadcast_in_dim3A_35 = arith.constant 1 : i32
    %broadcast_in_dim3A_36 = vector.broadcast %broadcast_in_dim3A_35 : i32 to vector<16xi32>
    %broadcast_in_dim3A_37 = arith.constant 4097 : i32
    %broadcast_in_dim3A_38 = vector.broadcast %broadcast_in_dim3A_37 : i32 to vector<16xi32>
    %broadcast_in_dim3A_39 = arith.constant 1023 : i32
    %broadcast_in_dim3A_40 = vector.broadcast %broadcast_in_dim3A_39 : i32 to vector<16xi32>
    %broadcast_in_dim3A_41 = arith.constant 15 : i32
    %broadcast_in_dim3A_42 = vector.broadcast %broadcast_in_dim3A_41 : i32 to vector<16xi32>
    %broadcast_in_dim3A_43 = arith.constant 0.000000e+00 : f32
    %broadcast_in_dim3A_44 = vector.broadcast %broadcast_in_dim3A_43 : f32 to vector<16xf32>
    %iota3A = tpu.iota {dimensions = array<i32: 0>} : vector<16xi32>
    %add3A_45 = arith.constant 0 : i32
    %add3A_46 = arith.addi %mul3A_2, %add3A_45 : i32
    %dma_wait3A = arith.constant 0 : i32
    %dma_wait3A_47 = tpu.memref_slice %arg2[%add3A_4, %dma_wait3A] : memref<64x8192xf32, #tpu.memory_space<hbm>> -> memref<1x8192xf32, #tpu.memory_space<hbm>>
    %dma_wait3A_48 = tpu.memref_squeeze %dma_wait3A_47 : memref<1x8192xf32, #tpu.memory_space<hbm>> -> memref<8192xf32, #tpu.memory_space<hbm>>
    %dma_wait3A_49 = arith.constant 0 : i32
    %dma_wait3A_50 = tpu.memref_slice %arg2[%add3A_4, %dma_wait3A_49] : memref<64x8192xf32, #tpu.memory_space<hbm>> -> memref<1x8192xf32, #tpu.memory_space<hbm>>
    %dma_wait3A_51 = tpu.memref_squeeze %dma_wait3A_50 : memref<1x8192xf32, #tpu.memory_space<hbm>> -> memref<8192xf32, #tpu.memory_space<hbm>>
    tpu.wait_dma2 semaphore(%arg16 : memref<!tpu.dma_semaphore, #tpu.memory_space<semaphore_mem>>) src(%dma_wait3A_51 : memref<8192xf32, #tpu.memory_space<hbm>>) dst(%arg7 : memref<8192xf32, #tpu.memory_space<vmem>>)
    %dma_wait3A_52 = arith.constant 0 : i32
    %dma_wait3A_53 = tpu.memref_slice %arg3[%add3A_11, %dma_wait3A_52] : memref<64x8192xf32, #tpu.memory_space<hbm>> -> memref<1x8192xf32, #tpu.memory_space<hbm>>
    %dma_wait3A_54 = tpu.memref_squeeze %dma_wait3A_53 : memref<1x8192xf32, #tpu.memory_space<hbm>> -> memref<8192xf32, #tpu.memory_space<hbm>>
    %dma_wait3A_55 = arith.constant 0 : i32
    %dma_wait3A_56 = tpu.memref_slice %arg3[%add3A_11, %dma_wait3A_55] : memref<64x8192xf32, #tpu.memory_space<hbm>> -> memref<1x8192xf32, #tpu.memory_space<hbm>>
    %dma_wait3A_57 = tpu.memref_squeeze %dma_wait3A_56 : memref<1x8192xf32, #tpu.memory_space<hbm>> -> memref<8192xf32, #tpu.memory_space<hbm>>
    tpu.wait_dma2 semaphore(%arg17 : memref<!tpu.dma_semaphore, #tpu.memory_space<semaphore_mem>>) src(%dma_wait3A_57 : memref<8192xf32, #tpu.memory_space<hbm>>) dst(%arg9 : memref<8192xf32, #tpu.memory_space<vmem>>)
    %broadcast_in_dim3A_58 = arith.constant -1.000000e+00 : f32
    %broadcast_in_dim3A_59 = vector.broadcast %broadcast_in_dim3A_58 : f32 to vector<16xf32>
    %parallel_loop3A = arith.constant 0 : i32
    %parallel_loop3A_60 = arith.constant 128 : i32
    %parallel_loop3A_61 = arith.constant 1 : i32
    %parallel_loop3A_62:8 = scf.for %parallel_loop3A_2432 = %parallel_loop3A to %parallel_loop3A_60 step %parallel_loop3A_61 iter_args(%parallel_loop3A_2433 = %broadcast_in_dim3A_59, %parallel_loop3A_2434 = %broadcast_in_dim3A_59, %parallel_loop3A_2435 = %broadcast_in_dim3A_59, %parallel_loop3A_2436 = %broadcast_in_dim3A_59, %parallel_loop3A_2437 = %broadcast_in_dim3A_59, %parallel_loop3A_2438 = %broadcast_in_dim3A_59, %parallel_loop3A_2439 = %broadcast_in_dim3A_59, %parallel_loop3A_2440 = %broadcast_in_dim3A_59) -> (vector<16xf32>, vector<16xf32>, vector<16xf32>, vector<16xf32>, vector<16xf32>, vector<16xf32>, vector<16xf32>, vector<16xf32>)  : i32 {
      %parallel_loop3A_2441 = arith.constant 4 : i32
      %parallel_loop3A_2442 = arith.muli %parallel_loop3A_2432, %parallel_loop3A_2441 : i32
      %parallel_loop3A_2443 = arith.constant 0 : i32
      %parallel_loop3A_2444 = arith.addi %parallel_loop3A_2442, %parallel_loop3A_2443 : i32
      %parallel_loop3A_2445 = arith.constant 16 : i32
      %parallel_loop3A_2446 = arith.muli %parallel_loop3A_2444, %parallel_loop3A_2445 : i32
      %parallel_loop3A_2447 = arith.index_cast %parallel_loop3A_2446 : i32 to index
      %parallel_loop3A_2448 = tpu.vector_load %arg7[%parallel_loop3A_2447] {strides = array<i32>} : memref<8192xf32, #tpu.memory_space<vmem>>, vector<16xf32>,
      %parallel_loop3A_2449 = arith.constant 4 : i32
      %parallel_loop3A_2450 = arith.muli %parallel_loop3A_2432, %parallel_loop3A_2449 : i32
      %parallel_loop3A_2451 = arith.constant 0 : i32
      %parallel_loop3A_2452 = arith.addi %parallel_loop3A_2450, %parallel_loop3A_2451 : i32
      %parallel_loop3A_2453 = arith.constant 16 : i32
      %parallel_loop3A_2454 = arith.muli %parallel_loop3A_2452, %parallel_loop3A_2453 : i32
      %parallel_loop3A_2455 = arith.index_cast %parallel_loop3A_2454 : i32 to index
      %parallel_loop3A_2456 = tpu.vector_load %arg9[%parallel_loop3A_2455] {strides = array<i32>} : memref<8192xf32, #tpu.memory_space<vmem>>, vector<16xf32>,
      %parallel_loop3A_2457 = arith.maximumf %parallel_loop3A_2433, %parallel_loop3A_2448 : vector<16xf32>
      %parallel_loop3A_2458 = arith.maximumf %parallel_loop3A_2434, %parallel_loop3A_2456 : vector<16xf32>
      %parallel_loop3A_2459 = arith.constant 4 : i32
      %parallel_loop3A_2460 = arith.muli %parallel_loop3A_2432, %parallel_loop3A_2459 : i32
      %parallel_loop3A_2461 = arith.constant 1 : i32
      %parallel_loop3A_2462 = arith.addi %parallel_loop3A_2460, %parallel_loop3A_2461 : i32
      %parallel_loop3A_2463 = arith.constant 16 : i32
      %parallel_loop3A_2464 = arith.muli %parallel_loop3A_2462, %parallel_loop3A_2463 : i32
      %parallel_loop3A_2465 = arith.index_cast %parallel_loop3A_2464 : i32 to index
      %parallel_loop3A_2466 = tpu.vector_load %arg7[%parallel_loop3A_2465] {strides = array<i32>} : memref<8192xf32, #tpu.memory_space<vmem>>, vector<16xf32>,
      %parallel_loop3A_2467 = arith.constant 4 : i32
      %parallel_loop3A_2468 = arith.muli %parallel_loop3A_2432, %parallel_loop3A_2467 : i32
      %parallel_loop3A_2469 = arith.constant 1 : i32
      %parallel_loop3A_2470 = arith.addi %parallel_loop3A_2468, %parallel_loop3A_2469 : i32
      %parallel_loop3A_2471 = arith.constant 16 : i32
      %parallel_loop3A_2472 = arith.muli %parallel_loop3A_2470, %parallel_loop3A_2471 : i32
      %parallel_loop3A_2473 = arith.index_cast %parallel_loop3A_2472 : i32 to index
      %parallel_loop3A_2474 = tpu.vector_load %arg9[%parallel_loop3A_2473] {strides = array<i32>} : memref<8192xf32, #tpu.memory_space<vmem>>, vector<16xf32>,
      %parallel_loop3A_2475 = arith.maximumf %parallel_loop3A_2435, %parallel_loop3A_2466 : vector<16xf32>
      %parallel_loop3A_2476 = arith.maximumf %parallel_loop3A_2436, %parallel_loop3A_2474 : vector<16xf32>
      %parallel_loop3A_2477 = arith.constant 4 : i32
      %parallel_loop3A_2478 = arith.muli %parallel_loop3A_2432, %parallel_loop3A_2477 : i32
      %parallel_loop3A_2479 = arith.constant 2 : i32
      %parallel_loop3A_2480 = arith.addi %parallel_loop3A_2478, %parallel_loop3A_2479 : i32
      %parallel_loop3A_2481 = arith.constant 16 : i32
      %parallel_loop3A_2482 = arith.muli %parallel_loop3A_2480, %parallel_loop3A_2481 : i32
      %parallel_loop3A_2483 = arith.index_cast %parallel_loop3A_2482 : i32 to index
      %parallel_loop3A_2484 = tpu.vector_load %arg7[%parallel_loop3A_2483] {strides = array<i32>} : memref<8192xf32, #tpu.memory_space<vmem>>, vector<16xf32>,
      %parallel_loop3A_2485 = arith.constant 4 : i32
      %parallel_loop3A_2486 = arith.muli %parallel_loop3A_2432, %parallel_loop3A_2485 : i32
      %parallel_loop3A_2487 = arith.constant 2 : i32
      %parallel_loop3A_2488 = arith.addi %parallel_loop3A_2486, %parallel_loop3A_2487 : i32
      %parallel_loop3A_2489 = arith.constant 16 : i32
      %parallel_loop3A_2490 = arith.muli %parallel_loop3A_2488, %parallel_loop3A_2489 : i32
      %parallel_loop3A_2491 = arith.index_cast %parallel_loop3A_2490 : i32 to index
      %parallel_loop3A_2492 = tpu.vector_load %arg9[%parallel_loop3A_2491] {strides = array<i32>} : memref<8192xf32, #tpu.memory_space<vmem>>, vector<16xf32>,
      %parallel_loop3A_2493 = arith.maximumf %parallel_loop3A_2437, %parallel_loop3A_2484 : vector<16xf32>
      %parallel_loop3A_2494 = arith.maximumf %parallel_loop3A_2438, %parallel_loop3A_2492 : vector<16xf32>
      %parallel_loop3A_2495 = arith.constant 4 : i32
      %parallel_loop3A_2496 = arith.muli %parallel_loop3A_2432, %parallel_loop3A_2495 : i32
      %parallel_loop3A_2497 = arith.constant 3 : i32
      %parallel_loop3A_2498 = arith.addi %parallel_loop3A_2496, %parallel_loop3A_2497 : i32
      %parallel_loop3A_2499 = arith.constant 16 : i32
      %parallel_loop3A_2500 = arith.muli %parallel_loop3A_2498, %parallel_loop3A_2499 : i32
      %parallel_loop3A_2501 = arith.index_cast %parallel_loop3A_2500 : i32 to index
      %parallel_loop3A_2502 = tpu.vector_load %arg7[%parallel_loop3A_2501] {strides = array<i32>} : memref<8192xf32, #tpu.memory_space<vmem>>, vector<16xf32>,
      %parallel_loop3A_2503 = arith.constant 4 : i32
      %parallel_loop3A_2504 = arith.muli %parallel_loop3A_2432, %parallel_loop3A_2503 : i32
      %parallel_loop3A_2505 = arith.constant 3 : i32
      %parallel_loop3A_2506 = arith.addi %parallel_loop3A_2504, %parallel_loop3A_2505 : i32
      %parallel_loop3A_2507 = arith.constant 16 : i32
      %parallel_loop3A_2508 = arith.muli %parallel_loop3A_2506, %parallel_loop3A_2507 : i32
      %parallel_loop3A_2509 = arith.index_cast %parallel_loop3A_2508 : i32 to index
      %parallel_loop3A_2510 = tpu.vector_load %arg9[%parallel_loop3A_2509] {strides = array<i32>} : memref<8192xf32, #tpu.memory_space<vmem>>, vector<16xf32>,
      %parallel_loop3A_2511 = arith.maximumf %parallel_loop3A_2439, %parallel_loop3A_2502 : vector<16xf32>
      %parallel_loop3A_2512 = arith.maximumf %parallel_loop3A_2440, %parallel_loop3A_2510 : vector<16xf32>
      scf.yield %parallel_loop3A_2457, %parallel_loop3A_2458, %parallel_loop3A_2475, %parallel_loop3A_2476, %parallel_loop3A_2493, %parallel_loop3A_2494, %parallel_loop3A_2511, %parallel_loop3A_2512 : vector<16xf32>, vector<16xf32>, vector<16xf32>, vector<16xf32>, vector<16xf32>, vector<16xf32>, vector<16xf32>, vector<16xf32>
    } {sc.loop_unroll_factor = 2 : i64, sc.parallel_access}
    %max3A = arith.maximumf %parallel_loop3A_62#0, %parallel_loop3A_62#2 : vector<16xf32>
    %max3A_63 = arith.maximumf %parallel_loop3A_62#1, %parallel_loop3A_62#3 : vector<16xf32>
    %max3A_64 = arith.maximumf %max3A, %parallel_loop3A_62#4 : vector<16xf32>
    %max3A_65 = arith.maximumf %max3A_63, %parallel_loop3A_62#5 : vector<16xf32>
    %max3A_66 = arith.maximumf %max3A_64, %parallel_loop3A_62#6 : vector<16xf32>
    %max3A_67 = arith.maximumf %max3A_65, %parallel_loop3A_62#7 : vector<16xf32>
    %iota3A_68 = tpu.iota {dimensions = array<i32: 0>} : vector<16xi32>
    %xor3A = arith.constant 1 : i32
    %xor3A_69 = vector.broadcast %xor3A : i32 to vector<16xi32>
    %xor3A_70 = arith.xori %iota3A_68, %xor3A_69 : vector<16xi32>
    %lt3A = arith.constant 0 : i32
    %lt3A_71 = vector.broadcast %lt3A : i32 to vector<16xi32>
    %lt3A_72 = arith.cmpi slt, %xor3A_70, %lt3A_71 : vector<16xi32>
    %add3A_73 = arith.constant 16 : i32
    %add3A_74 = vector.broadcast %add3A_73 : i32 to vector<16xi32>
    %add3A_75 = arith.addi %xor3A_70, %add3A_74 : vector<16xi32>
    %select_n3A = arith.select %lt3A_72, %add3A_75, %xor3A_70 : vector<16xi1>, vector<16xi32>
    %broadcast_in_dim3A_76 = vector.shape_cast %select_n3A : vector<16xi32> to vector<16x1xi32>
    %gather3A = vector.shape_cast %broadcast_in_dim3A_76 : vector<16x1xi32> to vector<16xi32>
    %gather3A_77 = tpu.dynamic_gather %max3A_66[%gather3A] in [0] : vector<16xf32>, vector<16xi32> -> vector<16xf32>
    %max3A_78 = arith.maximumf %max3A_66, %gather3A_77 : vector<16xf32>
    %xor3A_79 = arith.constant 2 : i32
    %xor3A_80 = vector.broadcast %xor3A_79 : i32 to vector<16xi32>
    %xor3A_81 = arith.xori %iota3A_68, %xor3A_80 : vector<16xi32>
    %lt3A_82 = arith.constant 0 : i32
    %lt3A_83 = vector.broadcast %lt3A_82 : i32 to vector<16xi32>
    %lt3A_84 = arith.cmpi slt, %xor3A_81, %lt3A_83 : vector<16xi32>
    %add3A_85 = arith.constant 16 : i32
    %add3A_86 = vector.broadcast %add3A_85 : i32 to vector<16xi32>
    %add3A_87 = arith.addi %xor3A_81, %add3A_86 : vector<16xi32>
    %select_n3A_88 = arith.select %lt3A_84, %add3A_87, %xor3A_81 : vector<16xi1>, vector<16xi32>
    %broadcast_in_dim3A_89 = vector.shape_cast %select_n3A_88 : vector<16xi32> to vector<16x1xi32>
    %gather3A_90 = vector.shape_cast %broadcast_in_dim3A_89 : vector<16x1xi32> to vector<16xi32>
    %gather3A_91 = tpu.dynamic_gather %max3A_78[%gather3A_90] in [0] : vector<16xf32>, vector<16xi32> -> vector<16xf32>
    %max3A_92 = arith.maximumf %max3A_78, %gather3A_91 : vector<16xf32>
    %xor3A_93 = arith.constant 4 : i32
    %xor3A_94 = vector.broadcast %xor3A_93 : i32 to vector<16xi32>
    %xor3A_95 = arith.xori %iota3A_68, %xor3A_94 : vector<16xi32>
    %lt3A_96 = arith.constant 0 : i32
    %lt3A_97 = vector.broadcast %lt3A_96 : i32 to vector<16xi32>
    %lt3A_98 = arith.cmpi slt, %xor3A_95, %lt3A_97 : vector<16xi32>
    %add3A_99 = arith.constant 16 : i32
    %add3A_100 = vector.broadcast %add3A_99 : i32 to vector<16xi32>
    %add3A_101 = arith.addi %xor3A_95, %add3A_100 : vector<16xi32>
    %select_n3A_102 = arith.select %lt3A_98, %add3A_101, %xor3A_95 : vector<16xi1>, vector<16xi32>
    %broadcast_in_dim3A_103 = vector.shape_cast %select_n3A_102 : vector<16xi32> to vector<16x1xi32>
    %gather3A_104 = vector.shape_cast %broadcast_in_dim3A_103 : vector<16x1xi32> to vector<16xi32>
    %gather3A_105 = tpu.dynamic_gather %max3A_92[%gather3A_104] in [0] : vector<16xf32>, vector<16xi32> -> vector<16xf32>
    %max3A_106 = arith.maximumf %max3A_92, %gather3A_105 : vector<16xf32>
    %xor3A_107 = arith.constant 8 : i32
    %xor3A_108 = vector.broadcast %xor3A_107 : i32 to vector<16xi32>
    %xor3A_109 = arith.xori %iota3A_68, %xor3A_108 : vector<16xi32>
    %lt3A_110 = arith.constant 0 : i32
    %lt3A_111 = vector.broadcast %lt3A_110 : i32 to vector<16xi32>
    %lt3A_112 = arith.cmpi slt, %xor3A_109, %lt3A_111 : vector<16xi32>
    %add3A_113 = arith.constant 16 : i32
    %add3A_114 = vector.broadcast %add3A_113 : i32 to vector<16xi32>
    %add3A_115 = arith.addi %xor3A_109, %add3A_114 : vector<16xi32>
    %select_n3A_116 = arith.select %lt3A_112, %add3A_115, %xor3A_109 : vector<16xi1>, vector<16xi32>
    %broadcast_in_dim3A_117 = vector.shape_cast %select_n3A_116 : vector<16xi32> to vector<16x1xi32>
    %gather3A_118 = vector.shape_cast %broadcast_in_dim3A_117 : vector<16x1xi32> to vector<16xi32>
    %gather3A_119 = tpu.dynamic_gather %max3A_106[%gather3A_118] in [0] : vector<16xf32>, vector<16xi32> -> vector<16xf32>
    %max3A_120 = arith.maximumf %max3A_106, %gather3A_119 : vector<16xf32>
    %iota3A_121 = tpu.iota {dimensions = array<i32: 0>} : vector<16xi32>
    %xor3A_122 = arith.constant 1 : i32
    %xor3A_123 = vector.broadcast %xor3A_122 : i32 to vector<16xi32>
    %xor3A_124 = arith.xori %iota3A_121, %xor3A_123 : vector<16xi32>
    %lt3A_125 = arith.constant 0 : i32
    %lt3A_126 = vector.broadcast %lt3A_125 : i32 to vector<16xi32>
    %lt3A_127 = arith.cmpi slt, %xor3A_124, %lt3A_126 : vector<16xi32>
    %add3A_128 = arith.constant 16 : i32
    %add3A_129 = vector.broadcast %add3A_128 : i32 to vector<16xi32>
    %add3A_130 = arith.addi %xor3A_124, %add3A_129 : vector<16xi32>
    %select_n3A_131 = arith.select %lt3A_127, %add3A_130, %xor3A_124 : vector<16xi1>, vector<16xi32>
    %broadcast_in_dim3A_132 = vector.shape_cast %select_n3A_131 : vector<16xi32> to vector<16x1xi32>
    %gather3A_133 = vector.shape_cast %broadcast_in_dim3A_132 : vector<16x1xi32> to vector<16xi32>
    %gather3A_134 = tpu.dynamic_gather %max3A_67[%gather3A_133] in [0] : vector<16xf32>, vector<16xi32> -> vector<16xf32>
    %max3A_135 = arith.maximumf %max3A_67, %gather3A_134 : vector<16xf32>
    %xor3A_136 = arith.constant 2 : i32
    %xor3A_137 = vector.broadcast %xor3A_136 : i32 to vector<16xi32>
    %xor3A_138 = arith.xori %iota3A_121, %xor3A_137 : vector<16xi32>
    %lt3A_139 = arith.constant 0 : i32
    %lt3A_140 = vector.broadcast %lt3A_139 : i32 to vector<16xi32>
    %lt3A_141 = arith.cmpi slt, %xor3A_138, %lt3A_140 : vector<16xi32>
    %add3A_142 = arith.constant 16 : i32
    %add3A_143 = vector.broadcast %add3A_142 : i32 to vector<16xi32>
    %add3A_144 = arith.addi %xor3A_138, %add3A_143 : vector<16xi32>
    %select_n3A_145 = arith.select %lt3A_141, %add3A_144, %xor3A_138 : vector<16xi1>, vector<16xi32>
    %broadcast_in_dim3A_146 = vector.shape_cast %select_n3A_145 : vector<16xi32> to vector<16x1xi32>
    %gather3A_147 = vector.shape_cast %broadcast_in_dim3A_146 : vector<16x1xi32> to vector<16xi32>
    %gather3A_148 = tpu.dynamic_gather %max3A_135[%gather3A_147] in [0] : vector<16xf32>, vector<16xi32> -> vector<16xf32>
    %max3A_149 = arith.maximumf %max3A_135, %gather3A_148 : vector<16xf32>
    %xor3A_150 = arith.constant 4 : i32
    %xor3A_151 = vector.broadcast %xor3A_150 : i32 to vector<16xi32>
    %xor3A_152 = arith.xori %iota3A_121, %xor3A_151 : vector<16xi32>
    %lt3A_153 = arith.constant 0 : i32
    %lt3A_154 = vector.broadcast %lt3A_153 : i32 to vector<16xi32>
    %lt3A_155 = arith.cmpi slt, %xor3A_152, %lt3A_154 : vector<16xi32>
    %add3A_156 = arith.constant 16 : i32
    %add3A_157 = vector.broadcast %add3A_156 : i32 to vector<16xi32>
    %add3A_158 = arith.addi %xor3A_152, %add3A_157 : vector<16xi32>
    %select_n3A_159 = arith.select %lt3A_155, %add3A_158, %xor3A_152 : vector<16xi1>, vector<16xi32>
    %broadcast_in_dim3A_160 = vector.shape_cast %select_n3A_159 : vector<16xi32> to vector<16x1xi32>
    %gather3A_161 = vector.shape_cast %broadcast_in_dim3A_160 : vector<16x1xi32> to vector<16xi32>
    %gather3A_162 = tpu.dynamic_gather %max3A_149[%gather3A_161] in [0] : vector<16xf32>, vector<16xi32> -> vector<16xf32>
    %max3A_163 = arith.maximumf %max3A_149, %gather3A_162 : vector<16xf32>
    %xor3A_164 = arith.constant 8 : i32
    %xor3A_165 = vector.broadcast %xor3A_164 : i32 to vector<16xi32>
    %xor3A_166 = arith.xori %iota3A_121, %xor3A_165 : vector<16xi32>
    %lt3A_167 = arith.constant 0 : i32
    %lt3A_168 = vector.broadcast %lt3A_167 : i32 to vector<16xi32>
    %lt3A_169 = arith.cmpi slt, %xor3A_166, %lt3A_168 : vector<16xi32>
    %add3A_170 = arith.constant 16 : i32
    %add3A_171 = vector.broadcast %add3A_170 : i32 to vector<16xi32>
    %add3A_172 = arith.addi %xor3A_166, %add3A_171 : vector<16xi32>
    %select_n3A_173 = arith.select %lt3A_169, %add3A_172, %xor3A_166 : vector<16xi1>, vector<16xi32>
    %broadcast_in_dim3A_174 = vector.shape_cast %select_n3A_173 : vector<16xi32> to vector<16x1xi32>
    %gather3A_175 = vector.shape_cast %broadcast_in_dim3A_174 : vector<16x1xi32> to vector<16xi32>
    %gather3A_176 = tpu.dynamic_gather %max3A_163[%gather3A_175] in [0] : vector<16xf32>, vector<16xi32> -> vector<16xf32>
    %max3A_177 = arith.maximumf %max3A_163, %gather3A_176 : vector<16xf32>
    tpu.wait_dma2 semaphore(%arg22 : memref<!tpu.dma_semaphore, #tpu.memory_space<semaphore_mem>>) src(%arg4 : memref<16xf32, #tpu.memory_space<hbm>>) dst(%arg14 : memref<16xf32, #tpu.memory_space<vmem>>)
    tpu.wait_dma2 semaphore(%arg22 : memref<!tpu.dma_semaphore, #tpu.memory_space<semaphore_mem>>) src(%arg5 : memref<16xf32, #tpu.memory_space<hbm>>) dst(%arg15 : memref<16xf32, #tpu.memory_space<vmem>>)
    %get3A = arith.constant 0 : index
    %get3A_178 = tpu.vector_load %arg14[%get3A] {strides = array<i32>} : memref<16xf32, #tpu.memory_space<vmem>>, vector<16xf32>,
    %add3A_179 = arith.constant 9.99999993E-9 : f32
    %add3A_180 = vector.broadcast %add3A_179 : f32 to vector<16xf32>
    %add3A_181 = arith.addf %max3A_120, %add3A_180 : vector<16xf32>
    %div3A = arith.divf %get3A_178, %add3A_181 : vector<16xf32>
    %get3A_182 = arith.constant 0 : index
    %get3A_183 = tpu.vector_load %arg15[%get3A_182] {strides = array<i32>} : memref<16xf32, #tpu.memory_space<vmem>>, vector<16xf32>,
    %add3A_184 = arith.constant 9.99999993E-9 : f32
    %add3A_185 = vector.broadcast %add3A_184 : f32 to vector<16xf32>
    %add3A_186 = arith.addf %max3A_177, %add3A_185 : vector<16xf32>
    %div3A_187 = arith.divf %get3A_183, %add3A_186 : vector<16xf32>
    %parallel_loop3A_188 = arith.constant 0 : i32
    %parallel_loop3A_189 = arith.constant 64 : i32
    %parallel_loop3A_190 = arith.constant 1 : i32
    scf.for %parallel_loop3A_2432 = %parallel_loop3A_188 to %parallel_loop3A_189 step %parallel_loop3A_190  : i32 {
      %parallel_loop3A_2433 = arith.constant 16 : i32
      %parallel_loop3A_2434 = arith.muli %parallel_loop3A_2432, %parallel_loop3A_2433 : i32
      %parallel_loop3A_2435 = arith.index_cast %parallel_loop3A_2434 : i32 to index
      %parallel_loop3A_2436 = tpu.vector_load %arg12[%parallel_loop3A_2435] {strides = array<i32>} : memref<1024xi32, #tpu.memory_space<vmem>>, vector<16xi32>,
      tpu.vector_store %arg12[%parallel_loop3A_2435], %broadcast_in_dim3A_34 {strides = array<i32>} : memref<1024xi32, #tpu.memory_space<vmem>>, vector<16xi32>,
    } {sc.loop_unroll_factor = 4 : i64, sc.parallel_access}
    %parallel_loop3A_191 = arith.constant 0 : i32
    %parallel_loop3A_192 = arith.constant 128 : i32
    %parallel_loop3A_193 = arith.constant 1 : i32
    %parallel_loop3A_194:4 = scf.for %parallel_loop3A_2432 = %parallel_loop3A_191 to %parallel_loop3A_192 step %parallel_loop3A_193 iter_args(%parallel_loop3A_2433 = %broadcast_in_dim3A_34, %parallel_loop3A_2434 = %broadcast_in_dim3A_34, %parallel_loop3A_2435 = %broadcast_in_dim3A_34, %parallel_loop3A_2436 = %broadcast_in_dim3A_34) -> (vector<16xi32>, vector<16xi32>, vector<16xi32>, vector<16xi32>)  : i32 {
      %parallel_loop3A_2437 = arith.constant 4 : i32
      %parallel_loop3A_2438 = arith.muli %parallel_loop3A_2432, %parallel_loop3A_2437 : i32
      %parallel_loop3A_2439 = arith.constant 0 : i32
      %parallel_loop3A_2440 = arith.addi %parallel_loop3A_2438, %parallel_loop3A_2439 : i32
      %parallel_loop3A_2441 = arith.constant 16 : i32
      %parallel_loop3A_2442 = arith.muli %parallel_loop3A_2440, %parallel_loop3A_2441 : i32
      %parallel_loop3A_2443 = arith.index_cast %parallel_loop3A_2442 : i32 to index
      %parallel_loop3A_2444 = tpu.vector_load %arg7[%parallel_loop3A_2443] {strides = array<i32>} : memref<8192xf32, #tpu.memory_space<vmem>>, vector<16xf32>,
      %parallel_loop3A_2445 = arith.constant 4 : i32
      %parallel_loop3A_2446 = arith.muli %parallel_loop3A_2432, %parallel_loop3A_2445 : i32
      %parallel_loop3A_2447 = arith.constant 0 : i32
      %parallel_loop3A_2448 = arith.addi %parallel_loop3A_2446, %parallel_loop3A_2447 : i32
      %parallel_loop3A_2449 = arith.constant 16 : i32
      %parallel_loop3A_2450 = arith.muli %parallel_loop3A_2448, %parallel_loop3A_2449 : i32
      %parallel_loop3A_2451 = arith.index_cast %parallel_loop3A_2450 : i32 to index
      %parallel_loop3A_2452 = tpu.vector_load %arg9[%parallel_loop3A_2451] {strides = array<i32>} : memref<8192xf32, #tpu.memory_space<vmem>>, vector<16xf32>,
      %parallel_loop3A_2453 = arith.mulf %div3A, %parallel_loop3A_2444 : vector<16xf32>
      %parallel_loop3A_2454 = arith.mulf %div3A_187, %parallel_loop3A_2452 : vector<16xf32>
      %parallel_loop3A_2455 = arith.addf %parallel_loop3A_2453, %parallel_loop3A_2454 : vector<16xf32>
      %parallel_loop3A_2456 = tpu.bitcast %parallel_loop3A_2455 : vector<16xf32> -> vector<16xi32>
      %parallel_loop3A_2457 = arith.constant 4 : i32
      %parallel_loop3A_2458 = arith.muli %parallel_loop3A_2432, %parallel_loop3A_2457 : i32
      %parallel_loop3A_2459 = arith.constant 0 : i32
      %parallel_loop3A_2460 = arith.addi %parallel_loop3A_2458, %parallel_loop3A_2459 : i32
      %parallel_loop3A_2461 = arith.constant 16 : i32
      %parallel_loop3A_2462 = arith.muli %parallel_loop3A_2460, %parallel_loop3A_2461 : i32
      %parallel_loop3A_2463 = arith.index_cast %parallel_loop3A_2462 : i32 to index
      %parallel_loop3A_2464 = tpu.vector_load %arg11[%parallel_loop3A_2463] {strides = array<i32>} : memref<8192xi32, #tpu.memory_space<vmem>>, vector<16xi32>,
      tpu.vector_store %arg11[%parallel_loop3A_2463], %parallel_loop3A_2456 {strides = array<i32>} : memref<8192xi32, #tpu.memory_space<vmem>>, vector<16xi32>,
      %parallel_loop3A_2465 = arith.constant 20 : i32
      %parallel_loop3A_2466 = vector.broadcast %parallel_loop3A_2465 : i32 to vector<16xi32>
      %parallel_loop3A_2467 = arith.shrui %parallel_loop3A_2456, %parallel_loop3A_2466 : vector<16xi32>
      %parallel_loop3A_2468 = arith.minsi %parallel_loop3A_2467, %broadcast_in_dim3A_40 : vector<16xi32>
      tpu.vector_store_idx %arg12[%parallel_loop3A_2468], %broadcast_in_dim3A_36 {add = true} : memref<1024xi32, #tpu.memory_space<vmem>>[vector<16xi32>], vector<16xi32>,
      %parallel_loop3A_2469 = arith.maxsi %parallel_loop3A_2433, %parallel_loop3A_2456 : vector<16xi32>
      %parallel_loop3A_2470 = arith.constant 4 : i32
      %parallel_loop3A_2471 = arith.muli %parallel_loop3A_2432, %parallel_loop3A_2470 : i32
      %parallel_loop3A_2472 = arith.constant 1 : i32
      %parallel_loop3A_2473 = arith.addi %parallel_loop3A_2471, %parallel_loop3A_2472 : i32
      %parallel_loop3A_2474 = arith.constant 16 : i32
      %parallel_loop3A_2475 = arith.muli %parallel_loop3A_2473, %parallel_loop3A_2474 : i32
      %parallel_loop3A_2476 = arith.index_cast %parallel_loop3A_2475 : i32 to index
      %parallel_loop3A_2477 = tpu.vector_load %arg7[%parallel_loop3A_2476] {strides = array<i32>} : memref<8192xf32, #tpu.memory_space<vmem>>, vector<16xf32>,
      %parallel_loop3A_2478 = arith.constant 4 : i32
      %parallel_loop3A_2479 = arith.muli %parallel_loop3A_2432, %parallel_loop3A_2478 : i32
      %parallel_loop3A_2480 = arith.constant 1 : i32
      %parallel_loop3A_2481 = arith.addi %parallel_loop3A_2479, %parallel_loop3A_2480 : i32
      %parallel_loop3A_2482 = arith.constant 16 : i32
      %parallel_loop3A_2483 = arith.muli %parallel_loop3A_2481, %parallel_loop3A_2482 : i32
      %parallel_loop3A_2484 = arith.index_cast %parallel_loop3A_2483 : i32 to index
      %parallel_loop3A_2485 = tpu.vector_load %arg9[%parallel_loop3A_2484] {strides = array<i32>} : memref<8192xf32, #tpu.memory_space<vmem>>, vector<16xf32>,
      %parallel_loop3A_2486 = arith.mulf %div3A, %parallel_loop3A_2477 : vector<16xf32>
      %parallel_loop3A_2487 = arith.mulf %div3A_187, %parallel_loop3A_2485 : vector<16xf32>
      %parallel_loop3A_2488 = arith.addf %parallel_loop3A_2486, %parallel_loop3A_2487 : vector<16xf32>
      %parallel_loop3A_2489 = tpu.bitcast %parallel_loop3A_2488 : vector<16xf32> -> vector<16xi32>
      %parallel_loop3A_2490 = arith.constant 4 : i32
      %parallel_loop3A_2491 = arith.muli %parallel_loop3A_2432, %parallel_loop3A_2490 : i32
      %parallel_loop3A_2492 = arith.constant 1 : i32
      %parallel_loop3A_2493 = arith.addi %parallel_loop3A_2491, %parallel_loop3A_2492 : i32
      %parallel_loop3A_2494 = arith.constant 16 : i32
      %parallel_loop3A_2495 = arith.muli %parallel_loop3A_2493, %parallel_loop3A_2494 : i32
      %parallel_loop3A_2496 = arith.index_cast %parallel_loop3A_2495 : i32 to index
      %parallel_loop3A_2497 = tpu.vector_load %arg11[%parallel_loop3A_2496] {strides = array<i32>} : memref<8192xi32, #tpu.memory_space<vmem>>, vector<16xi32>,
      tpu.vector_store %arg11[%parallel_loop3A_2496], %parallel_loop3A_2489 {strides = array<i32>} : memref<8192xi32, #tpu.memory_space<vmem>>, vector<16xi32>,
      %parallel_loop3A_2498 = arith.constant 20 : i32
      %parallel_loop3A_2499 = vector.broadcast %parallel_loop3A_2498 : i32 to vector<16xi32>
      %parallel_loop3A_2500 = arith.shrui %parallel_loop3A_2489, %parallel_loop3A_2499 : vector<16xi32>
      %parallel_loop3A_2501 = arith.minsi %parallel_loop3A_2500, %broadcast_in_dim3A_40 : vector<16xi32>
      tpu.vector_store_idx %arg12[%parallel_loop3A_2501], %broadcast_in_dim3A_36 {add = true} : memref<1024xi32, #tpu.memory_space<vmem>>[vector<16xi32>], vector<16xi32>,
      %parallel_loop3A_2502 = arith.maxsi %parallel_loop3A_2434, %parallel_loop3A_2489 : vector<16xi32>
      %parallel_loop3A_2503 = arith.constant 4 : i32
      %parallel_loop3A_2504 = arith.muli %parallel_loop3A_2432, %parallel_loop3A_2503 : i32
      %parallel_loop3A_2505 = arith.constant 2 : i32
      %parallel_loop3A_2506 = arith.addi %parallel_loop3A_2504, %parallel_loop3A_2505 : i32
      %parallel_loop3A_2507 = arith.constant 16 : i32
      %parallel_loop3A_2508 = arith.muli %parallel_loop3A_2506, %parallel_loop3A_2507 : i32
      %parallel_loop3A_2509 = arith.index_cast %parallel_loop3A_2508 : i32 to index
      %parallel_loop3A_2510 = tpu.vector_load %arg7[%parallel_loop3A_2509] {strides = array<i32>} : memref<8192xf32, #tpu.memory_space<vmem>>, vector<16xf32>,
      %parallel_loop3A_2511 = arith.constant 4 : i32
      %parallel_loop3A_2512 = arith.muli %parallel_loop3A_2432, %parallel_loop3A_2511 : i32
      %parallel_loop3A_2513 = arith.constant 2 : i32
      %parallel_loop3A_2514 = arith.addi %parallel_loop3A_2512, %parallel_loop3A_2513 : i32
      %parallel_loop3A_2515 = arith.constant 16 : i32
      %parallel_loop3A_2516 = arith.muli %parallel_loop3A_2514, %parallel_loop3A_2515 : i32
      %parallel_loop3A_2517 = arith.index_cast %parallel_loop3A_2516 : i32 to index
      %parallel_loop3A_2518 = tpu.vector_load %arg9[%parallel_loop3A_2517] {strides = array<i32>} : memref<8192xf32, #tpu.memory_space<vmem>>, vector<16xf32>,
      %parallel_loop3A_2519 = arith.mulf %div3A, %parallel_loop3A_2510 : vector<16xf32>
      %parallel_loop3A_2520 = arith.mulf %div3A_187, %parallel_loop3A_2518 : vector<16xf32>
      %parallel_loop3A_2521 = arith.addf %parallel_loop3A_2519, %parallel_loop3A_2520 : vector<16xf32>
      %parallel_loop3A_2522 = tpu.bitcast %parallel_loop3A_2521 : vector<16xf32> -> vector<16xi32>
      %parallel_loop3A_2523 = arith.constant 4 : i32
      %parallel_loop3A_2524 = arith.muli %parallel_loop3A_2432, %parallel_loop3A_2523 : i32
      %parallel_loop3A_2525 = arith.constant 2 : i32
      %parallel_loop3A_2526 = arith.addi %parallel_loop3A_2524, %parallel_loop3A_2525 : i32
      %parallel_loop3A_2527 = arith.constant 16 : i32
      %parallel_loop3A_2528 = arith.muli %parallel_loop3A_2526, %parallel_loop3A_2527 : i32
      %parallel_loop3A_2529 = arith.index_cast %parallel_loop3A_2528 : i32 to index
      %parallel_loop3A_2530 = tpu.vector_load %arg11[%parallel_loop3A_2529] {strides = array<i32>} : memref<8192xi32, #tpu.memory_space<vmem>>, vector<16xi32>,
      tpu.vector_store %arg11[%parallel_loop3A_2529], %parallel_loop3A_2522 {strides = array<i32>} : memref<8192xi32, #tpu.memory_space<vmem>>, vector<16xi32>,
      %parallel_loop3A_2531 = arith.constant 20 : i32
      %parallel_loop3A_2532 = vector.broadcast %parallel_loop3A_2531 : i32 to vector<16xi32>
      %parallel_loop3A_2533 = arith.shrui %parallel_loop3A_2522, %parallel_loop3A_2532 : vector<16xi32>
      %parallel_loop3A_2534 = arith.minsi %parallel_loop3A_2533, %broadcast_in_dim3A_40 : vector<16xi32>
      tpu.vector_store_idx %arg12[%parallel_loop3A_2534], %broadcast_in_dim3A_36 {add = true} : memref<1024xi32, #tpu.memory_space<vmem>>[vector<16xi32>], vector<16xi32>,
      %parallel_loop3A_2535 = arith.maxsi %parallel_loop3A_2435, %parallel_loop3A_2522 : vector<16xi32>
      %parallel_loop3A_2536 = arith.constant 4 : i32
      %parallel_loop3A_2537 = arith.muli %parallel_loop3A_2432, %parallel_loop3A_2536 : i32
      %parallel_loop3A_2538 = arith.constant 3 : i32
      %parallel_loop3A_2539 = arith.addi %parallel_loop3A_2537, %parallel_loop3A_2538 : i32
      %parallel_loop3A_2540 = arith.constant 16 : i32
      %parallel_loop3A_2541 = arith.muli %parallel_loop3A_2539, %parallel_loop3A_2540 : i32
      %parallel_loop3A_2542 = arith.index_cast %parallel_loop3A_2541 : i32 to index
      %parallel_loop3A_2543 = tpu.vector_load %arg7[%parallel_loop3A_2542] {strides = array<i32>} : memref<8192xf32, #tpu.memory_space<vmem>>, vector<16xf32>,
      %parallel_loop3A_2544 = arith.constant 4 : i32
      %parallel_loop3A_2545 = arith.muli %parallel_loop3A_2432, %parallel_loop3A_2544 : i32
      %parallel_loop3A_2546 = arith.constant 3 : i32
      %parallel_loop3A_2547 = arith.addi %parallel_loop3A_2545, %parallel_loop3A_2546 : i32
      %parallel_loop3A_2548 = arith.constant 16 : i32
      %parallel_loop3A_2549 = arith.muli %parallel_loop3A_2547, %parallel_loop3A_2548 : i32
      %parallel_loop3A_2550 = arith.index_cast %parallel_loop3A_2549 : i32 to index
      %parallel_loop3A_2551 = tpu.vector_load %arg9[%parallel_loop3A_2550] {strides = array<i32>} : memref<8192xf32, #tpu.memory_space<vmem>>, vector<16xf32>,
      %parallel_loop3A_2552 = arith.mulf %div3A, %parallel_loop3A_2543 : vector<16xf32>
      %parallel_loop3A_2553 = arith.mulf %div3A_187, %parallel_loop3A_2551 : vector<16xf32>
      %parallel_loop3A_2554 = arith.addf %parallel_loop3A_2552, %parallel_loop3A_2553 : vector<16xf32>
      %parallel_loop3A_2555 = tpu.bitcast %parallel_loop3A_2554 : vector<16xf32> -> vector<16xi32>
      %parallel_loop3A_2556 = arith.constant 4 : i32
      %parallel_loop3A_2557 = arith.muli %parallel_loop3A_2432, %parallel_loop3A_2556 : i32
      %parallel_loop3A_2558 = arith.constant 3 : i32
      %parallel_loop3A_2559 = arith.addi %parallel_loop3A_2557, %parallel_loop3A_2558 : i32
      %parallel_loop3A_2560 = arith.constant 16 : i32
      %parallel_loop3A_2561 = arith.muli %parallel_loop3A_2559, %parallel_loop3A_2560 : i32
      %parallel_loop3A_2562 = arith.index_cast %parallel_loop3A_2561 : i32 to index
      %parallel_loop3A_2563 = tpu.vector_load %arg11[%parallel_loop3A_2562] {strides = array<i32>} : memref<8192xi32, #tpu.memory_space<vmem>>, vector<16xi32>,
      tpu.vector_store %arg11[%parallel_loop3A_2562], %parallel_loop3A_2555 {strides = array<i32>} : memref<8192xi32, #tpu.memory_space<vmem>>, vector<16xi32>,
      %parallel_loop3A_2564 = arith.constant 20 : i32
      %parallel_loop3A_2565 = vector.broadcast %parallel_loop3A_2564 : i32 to vector<16xi32>
      %parallel_loop3A_2566 = arith.shrui %parallel_loop3A_2555, %parallel_loop3A_2565 : vector<16xi32>
      %parallel_loop3A_2567 = arith.minsi %parallel_loop3A_2566, %broadcast_in_dim3A_40 : vector<16xi32>
      tpu.vector_store_idx %arg12[%parallel_loop3A_2567], %broadcast_in_dim3A_36 {add = true} : memref<1024xi32, #tpu.memory_space<vmem>>[vector<16xi32>], vector<16xi32>,
      %parallel_loop3A_2568 = arith.maxsi %parallel_loop3A_2436, %parallel_loop3A_2555 : vector<16xi32>
      scf.yield %parallel_loop3A_2469, %parallel_loop3A_2502, %parallel_loop3A_2535, %parallel_loop3A_2568 : vector<16xi32>, vector<16xi32>, vector<16xi32>, vector<16xi32>
    } {sc.loop_unroll_factor = 2 : i64, sc.parallel_access}
    %max3A_195 = arith.maxsi %parallel_loop3A_194#0, %parallel_loop3A_194#1 : vector<16xi32>
    %max3A_196 = arith.maxsi %max3A_195, %parallel_loop3A_194#2 : vector<16xi32>
    %max3A_197 = arith.maxsi %max3A_196, %parallel_loop3A_194#3 : vector<16xi32>
    %iota3A_198 = tpu.iota {dimensions = array<i32: 0>} : vector<16xi32>
    %xor3A_199 = arith.constant 1 : i32
    %xor3A_200 = vector.broadcast %xor3A_199 : i32 to vector<16xi32>
    %xor3A_201 = arith.xori %iota3A_198, %xor3A_200 : vector<16xi32>
    %lt3A_202 = arith.constant 0 : i32
    %lt3A_203 = vector.broadcast %lt3A_202 : i32 to vector<16xi32>
    %lt3A_204 = arith.cmpi slt, %xor3A_201, %lt3A_203 : vector<16xi32>
    %add3A_205 = arith.constant 16 : i32
    %add3A_206 = vector.broadcast %add3A_205 : i32 to vector<16xi32>
    %add3A_207 = arith.addi %xor3A_201, %add3A_206 : vector<16xi32>
    %select_n3A_208 = arith.select %lt3A_204, %add3A_207, %xor3A_201 : vector<16xi1>, vector<16xi32>
    %broadcast_in_dim3A_209 = vector.shape_cast %select_n3A_208 : vector<16xi32> to vector<16x1xi32>
    %gather3A_210 = vector.shape_cast %broadcast_in_dim3A_209 : vector<16x1xi32> to vector<16xi32>
    %gather3A_211 = tpu.dynamic_gather %max3A_197[%gather3A_210] in [0] : vector<16xi32>, vector<16xi32> -> vector<16xi32>
    %max3A_212 = arith.maxsi %max3A_197, %gather3A_211 : vector<16xi32>
    %xor3A_213 = arith.constant 2 : i32
    %xor3A_214 = vector.broadcast %xor3A_213 : i32 to vector<16xi32>
    %xor3A_215 = arith.xori %iota3A_198, %xor3A_214 : vector<16xi32>
    %lt3A_216 = arith.constant 0 : i32
    %lt3A_217 = vector.broadcast %lt3A_216 : i32 to vector<16xi32>
    %lt3A_218 = arith.cmpi slt, %xor3A_215, %lt3A_217 : vector<16xi32>
    %add3A_219 = arith.constant 16 : i32
    %add3A_220 = vector.broadcast %add3A_219 : i32 to vector<16xi32>
    %add3A_221 = arith.addi %xor3A_215, %add3A_220 : vector<16xi32>
    %select_n3A_222 = arith.select %lt3A_218, %add3A_221, %xor3A_215 : vector<16xi1>, vector<16xi32>
    %broadcast_in_dim3A_223 = vector.shape_cast %select_n3A_222 : vector<16xi32> to vector<16x1xi32>
    %gather3A_224 = vector.shape_cast %broadcast_in_dim3A_223 : vector<16x1xi32> to vector<16xi32>
    %gather3A_225 = tpu.dynamic_gather %max3A_212[%gather3A_224] in [0] : vector<16xi32>, vector<16xi32> -> vector<16xi32>
    %max3A_226 = arith.maxsi %max3A_212, %gather3A_225 : vector<16xi32>
    %xor3A_227 = arith.constant 4 : i32
    %xor3A_228 = vector.broadcast %xor3A_227 : i32 to vector<16xi32>
    %xor3A_229 = arith.xori %iota3A_198, %xor3A_228 : vector<16xi32>
    %lt3A_230 = arith.constant 0 : i32
    %lt3A_231 = vector.broadcast %lt3A_230 : i32 to vector<16xi32>
    %lt3A_232 = arith.cmpi slt, %xor3A_229, %lt3A_231 : vector<16xi32>
    %add3A_233 = arith.constant 16 : i32
    %add3A_234 = vector.broadcast %add3A_233 : i32 to vector<16xi32>
    %add3A_235 = arith.addi %xor3A_229, %add3A_234 : vector<16xi32>
    %select_n3A_236 = arith.select %lt3A_232, %add3A_235, %xor3A_229 : vector<16xi1>, vector<16xi32>
    %broadcast_in_dim3A_237 = vector.shape_cast %select_n3A_236 : vector<16xi32> to vector<16x1xi32>
    %gather3A_238 = vector.shape_cast %broadcast_in_dim3A_237 : vector<16x1xi32> to vector<16xi32>
    %gather3A_239 = tpu.dynamic_gather %max3A_226[%gather3A_238] in [0] : vector<16xi32>, vector<16xi32> -> vector<16xi32>
    %max3A_240 = arith.maxsi %max3A_226, %gather3A_239 : vector<16xi32>
    %xor3A_241 = arith.constant 8 : i32
    %xor3A_242 = vector.broadcast %xor3A_241 : i32 to vector<16xi32>
    %xor3A_243 = arith.xori %iota3A_198, %xor3A_242 : vector<16xi32>
    %lt3A_244 = arith.constant 0 : i32
    %lt3A_245 = vector.broadcast %lt3A_244 : i32 to vector<16xi32>
    %lt3A_246 = arith.cmpi slt, %xor3A_243, %lt3A_245 : vector<16xi32>
    %add3A_247 = arith.constant 16 : i32
    %add3A_248 = vector.broadcast %add3A_247 : i32 to vector<16xi32>
    %add3A_249 = arith.addi %xor3A_243, %add3A_248 : vector<16xi32>
    %select_n3A_250 = arith.select %lt3A_246, %add3A_249, %xor3A_243 : vector<16xi1>, vector<16xi32>
    %broadcast_in_dim3A_251 = vector.shape_cast %select_n3A_250 : vector<16xi32> to vector<16x1xi32>
    %gather3A_252 = vector.shape_cast %broadcast_in_dim3A_251 : vector<16x1xi32> to vector<16xi32>
    %gather3A_253 = tpu.dynamic_gather %max3A_240[%gather3A_252] in [0] : vector<16xi32>, vector<16xi32> -> vector<16xi32>
    %max3A_254 = arith.maxsi %max3A_240, %gather3A_253 : vector<16xi32>
    %parallel_loop3A_255 = arith.constant 0 : i32
    %parallel_loop3A_256 = arith.constant 64 : i32
    %parallel_loop3A_257 = arith.constant 1 : i32
    scf.for %parallel_loop3A_2432 = %parallel_loop3A_255 to %parallel_loop3A_256 step %parallel_loop3A_257  : i32 {
      %parallel_loop3A_2433 = arith.constant 16 : i32
      %parallel_loop3A_2434 = arith.muli %parallel_loop3A_2432, %parallel_loop3A_2433 : i32
      %parallel_loop3A_2435 = arith.index_cast %parallel_loop3A_2434 : i32 to index
      %parallel_loop3A_2436 = tpu.vector_load %arg12[%parallel_loop3A_2435] {strides = array<i32>} : memref<1024xi32, #tpu.memory_space<vmem>>, vector<16xi32>,
      %parallel_loop3A_2437 = arith.constant 16 : i32
      %parallel_loop3A_2438 = arith.muli %parallel_loop3A_2432, %parallel_loop3A_2437 : i32
      %parallel_loop3A_2439 = arith.index_cast %parallel_loop3A_2438 : i32 to index
      %parallel_loop3A_2440 = tpu.vector_load %arg12[%parallel_loop3A_2439] {strides = array<i32>} : memref<1024xi32, #tpu.memory_space<vmem>>, vector<16xi32>,
      tpu.vector_store %arg12[%parallel_loop3A_2439], %broadcast_in_dim3A_34 {strides = array<i32>} : memref<1024xi32, #tpu.memory_space<vmem>>, vector<16xi32>,
      %parallel_loop3A_2441 = arith.constant true
      %parallel_loop3A_2442 = vector.broadcast %parallel_loop3A_2441 : i1 to vector<16xi1>
      %parallel_loop3A_2443 = tpu.scan <sum>, %parallel_loop3A_2436 masked %parallel_loop3A_2442 : vector<16xi32>, vector<16xi1> -> vector<16xi32>
      %parallel_loop3A_2444 = arith.constant 16 : i32
      %parallel_loop3A_2445 = arith.muli %parallel_loop3A_2432, %parallel_loop3A_2444 : i32
      %parallel_loop3A_2446 = arith.index_cast %parallel_loop3A_2445 : i32 to index
      %parallel_loop3A_2447 = tpu.vector_load %arg13[%parallel_loop3A_2446] {strides = array<i32>} : memref<1024xi32, #tpu.memory_space<vmem>>, vector<16xi32>,
      tpu.vector_store %arg13[%parallel_loop3A_2446], %parallel_loop3A_2443 {strides = array<i32>} : memref<1024xi32, #tpu.memory_space<vmem>>, vector<16xi32>,
    } {sc.loop_unroll_factor = 2 : i64, sc.parallel_access}
    %broadcast_in_dim3A_258 = arith.constant -1 : i32
    %broadcast_in_dim3A_259 = vector.broadcast %broadcast_in_dim3A_258 : i32 to vector<16xi32>
    %broadcast_in_dim3A_260 = arith.constant 0 : i32
    %broadcast_in_dim3A_261 = vector.broadcast %broadcast_in_dim3A_260 : i32 to vector<16xi32>
    %add3A_262 = arith.addi %broadcast_in_dim3A_261, %iota3A : vector<16xi32>
    %mul3A_263 = arith.constant 16 : i32
    %mul3A_264 = vector.broadcast %mul3A_263 : i32 to vector<16xi32>
    %mul3A_265 = arith.muli %add3A_262, %mul3A_264 : vector<16xi32>
    %add3A_266 = arith.constant 15 : i32
    %add3A_267 = vector.broadcast %add3A_266 : i32 to vector<16xi32>
    %add3A_268 = arith.addi %mul3A_265, %add3A_267 : vector<16xi32>
    %gather3A_269 = tpu.vector_load_idx %arg13[%add3A_268] : memref<1024xi32, #tpu.memory_space<vmem>>[vector<16xi32>], vector<16xi32>,
    %broadcast_in_dim3A_270 = arith.constant true
    %broadcast_in_dim3A_271 = vector.broadcast %broadcast_in_dim3A_270 : i1 to vector<16xi1>
    %masked_cumsum3A = tpu.scan <sum>, %gather3A_269 masked %broadcast_in_dim3A_271 : vector<16xi32>, vector<16xi1> -> vector<16xi32>
    %add3A_272 = arith.addi %broadcast_in_dim3A_34, %masked_cumsum3A : vector<16xi32>
    %ge3A = arith.cmpi sge, %add3A_272, %broadcast_in_dim3A_38 : vector<16xi32>
    %all_reduce_population_count3A = tpu.all_reduce %ge3A {dim = 0 : i64, kind = #tpu.reduction_kind<sum>} : vector<16xi1> -> vector<16xi32>
    %all_reduce_ffs3A = tpu.all_reduce %ge3A {dim = 0 : i64, kind = #tpu.reduction_kind<find_first_set>} : vector<16xi1> -> vector<16xi32>
    %min3A = arith.minsi %all_reduce_ffs3A, %broadcast_in_dim3A_42 : vector<16xi32>
    %lt3A_273 = arith.constant 0 : i32
    %lt3A_274 = vector.broadcast %lt3A_273 : i32 to vector<16xi32>
    %lt3A_275 = arith.cmpi slt, %broadcast_in_dim3A_259, %lt3A_274 : vector<16xi32>
    %gt3A = arith.constant 0 : i32
    %gt3A_276 = vector.broadcast %gt3A : i32 to vector<16xi32>
    %gt3A_277 = arith.cmpi sgt, %all_reduce_population_count3A, %gt3A_276 : vector<16xi32>
    %select_n3A_278 = arith.select %gt3A_277, %broadcast_in_dim3A_36, %broadcast_in_dim3A_34 : vector<16xi1>, vector<16xi32>
    %select_n3A_279 = arith.select %lt3A_275, %select_n3A_278, %broadcast_in_dim3A_34 : vector<16xi1>, vector<16xi32>
    %broadcast_in_dim3A_280 = arith.constant 0 : i32
    %broadcast_in_dim3A_281 = vector.broadcast %broadcast_in_dim3A_280 : i32 to vector<16xi32>
    %gt3A_282 = arith.constant 0 : i32
    %gt3A_283 = vector.broadcast %gt3A_282 : i32 to vector<16xi32>
    %gt3A_284 = arith.cmpi sgt, %select_n3A_279, %gt3A_283 : vector<16xi32>
    %add3A_285 = arith.addi %broadcast_in_dim3A_281, %min3A : vector<16xi32>
    %select_n3A_286 = arith.select %gt3A_284, %add3A_285, %broadcast_in_dim3A_259 : vector<16xi1>, vector<16xi32>
    %lt3A_287 = arith.constant 0 : i32
    %lt3A_288 = vector.broadcast %lt3A_287 : i32 to vector<16xi32>
    %lt3A_289 = arith.cmpi slt, %min3A, %lt3A_288 : vector<16xi32>
    %add3A_290 = arith.constant 16 : i32
    %add3A_291 = vector.broadcast %add3A_290 : i32 to vector<16xi32>
    %add3A_292 = arith.addi %min3A, %add3A_291 : vector<16xi32>
    %select_n3A_293 = arith.select %lt3A_289, %add3A_292, %min3A : vector<16xi1>, vector<16xi32>
    %broadcast_in_dim3A_294 = vector.shape_cast %select_n3A_293 : vector<16xi32> to vector<16x1xi32>
    %gather3A_295 = vector.shape_cast %broadcast_in_dim3A_294 : vector<16x1xi32> to vector<16xi32>
    %gather3A_296 = tpu.dynamic_gather %add3A_272[%gather3A_295] in [0] : vector<16xi32>, vector<16xi32> -> vector<16xi32>
    %lt3A_297 = arith.constant 0 : i32
    %lt3A_298 = vector.broadcast %lt3A_297 : i32 to vector<16xi32>
    %lt3A_299 = arith.cmpi slt, %min3A, %lt3A_298 : vector<16xi32>
    %add3A_300 = arith.constant 16 : i32
    %add3A_301 = vector.broadcast %add3A_300 : i32 to vector<16xi32>
    %add3A_302 = arith.addi %min3A, %add3A_301 : vector<16xi32>
    %select_n3A_303 = arith.select %lt3A_299, %add3A_302, %min3A : vector<16xi1>, vector<16xi32>
    %broadcast_in_dim3A_304 = vector.shape_cast %select_n3A_303 : vector<16xi32> to vector<16x1xi32>
    %gather3A_305 = vector.shape_cast %broadcast_in_dim3A_304 : vector<16x1xi32> to vector<16xi32>
    %gather3A_306 = tpu.dynamic_gather %gather3A_269[%gather3A_305] in [0] : vector<16xi32>, vector<16xi32> -> vector<16xi32>
    %gt3A_307 = arith.constant 0 : i32
    %gt3A_308 = vector.broadcast %gt3A_307 : i32 to vector<16xi32>
    %gt3A_309 = arith.cmpi sgt, %select_n3A_279, %gt3A_308 : vector<16xi32>
    %sub3A = arith.subi %gather3A_296, %gather3A_306 : vector<16xi32>
    %select_n3A_310 = arith.select %gt3A_309, %sub3A, %broadcast_in_dim3A_34 : vector<16xi1>, vector<16xi32>
    %lt3A_311 = arith.constant 0 : i32
    %lt3A_312 = vector.broadcast %lt3A_311 : i32 to vector<16xi32>
    %lt3A_313 = arith.cmpi slt, %broadcast_in_dim3A_42, %lt3A_312 : vector<16xi32>
    %add3A_314 = arith.constant 16 : i32
    %add3A_315 = vector.broadcast %add3A_314 : i32 to vector<16xi32>
    %add3A_316 = arith.addi %broadcast_in_dim3A_42, %add3A_315 : vector<16xi32>
    %select_n3A_317 = arith.select %lt3A_313, %add3A_316, %broadcast_in_dim3A_42 : vector<16xi1>, vector<16xi32>
    %broadcast_in_dim3A_318 = vector.shape_cast %select_n3A_317 : vector<16xi32> to vector<16x1xi32>
    %gather3A_319 = vector.shape_cast %broadcast_in_dim3A_318 : vector<16x1xi32> to vector<16xi32>
    %gather3A_320 = tpu.dynamic_gather %add3A_272[%gather3A_319] in [0] : vector<16xi32>, vector<16xi32> -> vector<16xi32>
    %broadcast_in_dim3A_321 = arith.constant 16 : i32
    %broadcast_in_dim3A_322 = vector.broadcast %broadcast_in_dim3A_321 : i32 to vector<16xi32>
    %add3A_323 = arith.addi %broadcast_in_dim3A_322, %iota3A : vector<16xi32>
    %mul3A_324 = arith.constant 16 : i32
    %mul3A_325 = vector.broadcast %mul3A_324 : i32 to vector<16xi32>
    %mul3A_326 = arith.muli %add3A_323, %mul3A_325 : vector<16xi32>
    %add3A_327 = arith.constant 15 : i32
    %add3A_328 = vector.broadcast %add3A_327 : i32 to vector<16xi32>
    %add3A_329 = arith.addi %mul3A_326, %add3A_328 : vector<16xi32>
    %gather3A_330 = tpu.vector_load_idx %arg13[%add3A_329] : memref<1024xi32, #tpu.memory_space<vmem>>[vector<16xi32>], vector<16xi32>,
    %broadcast_in_dim3A_331 = arith.constant true
    %broadcast_in_dim3A_332 = vector.broadcast %broadcast_in_dim3A_331 : i1 to vector<16xi1>
    %masked_cumsum3A_333 = tpu.scan <sum>, %gather3A_330 masked %broadcast_in_dim3A_332 : vector<16xi32>, vector<16xi1> -> vector<16xi32>
    %add3A_334 = arith.addi %gather3A_320, %masked_cumsum3A_333 : vector<16xi32>
    %ge3A_335 = arith.cmpi sge, %add3A_334, %broadcast_in_dim3A_38 : vector<16xi32>
    %all_reduce_population_count3A_336 = tpu.all_reduce %ge3A_335 {dim = 0 : i64, kind = #tpu.reduction_kind<sum>} : vector<16xi1> -> vector<16xi32>
    %all_reduce_ffs3A_337 = tpu.all_reduce %ge3A_335 {dim = 0 : i64, kind = #tpu.reduction_kind<find_first_set>} : vector<16xi1> -> vector<16xi32>
    %min3A_338 = arith.minsi %all_reduce_ffs3A_337, %broadcast_in_dim3A_42 : vector<16xi32>
    %lt3A_339 = arith.constant 0 : i32
    %lt3A_340 = vector.broadcast %lt3A_339 : i32 to vector<16xi32>
    %lt3A_341 = arith.cmpi slt, %select_n3A_286, %lt3A_340 : vector<16xi32>
    %gt3A_342 = arith.constant 0 : i32
    %gt3A_343 = vector.broadcast %gt3A_342 : i32 to vector<16xi32>
    %gt3A_344 = arith.cmpi sgt, %all_reduce_population_count3A_336, %gt3A_343 : vector<16xi32>
    %select_n3A_345 = arith.select %gt3A_344, %broadcast_in_dim3A_36, %broadcast_in_dim3A_34 : vector<16xi1>, vector<16xi32>
    %select_n3A_346 = arith.select %lt3A_341, %select_n3A_345, %broadcast_in_dim3A_34 : vector<16xi1>, vector<16xi32>
    %broadcast_in_dim3A_347 = arith.constant 16 : i32
    %broadcast_in_dim3A_348 = vector.broadcast %broadcast_in_dim3A_347 : i32 to vector<16xi32>
    %gt3A_349 = arith.constant 0 : i32
    %gt3A_350 = vector.broadcast %gt3A_349 : i32 to vector<16xi32>
    %gt3A_351 = arith.cmpi sgt, %select_n3A_346, %gt3A_350 : vector<16xi32>
    %add3A_352 = arith.addi %broadcast_in_dim3A_348, %min3A_338 : vector<16xi32>
    %select_n3A_353 = arith.select %gt3A_351, %add3A_352, %select_n3A_286 : vector<16xi1>, vector<16xi32>
    %lt3A_354 = arith.constant 0 : i32
    %lt3A_355 = vector.broadcast %lt3A_354 : i32 to vector<16xi32>
    %lt3A_356 = arith.cmpi slt, %min3A_338, %lt3A_355 : vector<16xi32>
    %add3A_357 = arith.constant 16 : i32
    %add3A_358 = vector.broadcast %add3A_357 : i32 to vector<16xi32>
    %add3A_359 = arith.addi %min3A_338, %add3A_358 : vector<16xi32>
    %select_n3A_360 = arith.select %lt3A_356, %add3A_359, %min3A_338 : vector<16xi1>, vector<16xi32>
    %broadcast_in_dim3A_361 = vector.shape_cast %select_n3A_360 : vector<16xi32> to vector<16x1xi32>
    %gather3A_362 = vector.shape_cast %broadcast_in_dim3A_361 : vector<16x1xi32> to vector<16xi32>
    %gather3A_363 = tpu.dynamic_gather %add3A_334[%gather3A_362] in [0] : vector<16xi32>, vector<16xi32> -> vector<16xi32>
    %lt3A_364 = arith.constant 0 : i32
    %lt3A_365 = vector.broadcast %lt3A_364 : i32 to vector<16xi32>
    %lt3A_366 = arith.cmpi slt, %min3A_338, %lt3A_365 : vector<16xi32>
    %add3A_367 = arith.constant 16 : i32
    %add3A_368 = vector.broadcast %add3A_367 : i32 to vector<16xi32>
    %add3A_369 = arith.addi %min3A_338, %add3A_368 : vector<16xi32>
    %select_n3A_370 = arith.select %lt3A_366, %add3A_369, %min3A_338 : vector<16xi1>, vector<16xi32>
    %broadcast_in_dim3A_371 = vector.shape_cast %select_n3A_370 : vector<16xi32> to vector<16x1xi32>
    %gather3A_372 = vector.shape_cast %broadcast_in_dim3A_371 : vector<16x1xi32> to vector<16xi32>
    %gather3A_373 = tpu.dynamic_gather %gather3A_330[%gather3A_372] in [0] : vector<16xi32>, vector<16xi32> -> vector<16xi32>
    %gt3A_374 = arith.constant 0 : i32
    %gt3A_375 = vector.broadcast %gt3A_374 : i32 to vector<16xi32>
    %gt3A_376 = arith.cmpi sgt, %select_n3A_346, %gt3A_375 : vector<16xi32>
    %sub3A_377 = arith.subi %gather3A_363, %gather3A_373 : vector<16xi32>
    %select_n3A_378 = arith.select %gt3A_376, %sub3A_377, %select_n3A_310 : vector<16xi1>, vector<16xi32>
    %lt3A_379 = arith.constant 0 : i32
    %lt3A_380 = vector.broadcast %lt3A_379 : i32 to vector<16xi32>
    %lt3A_381 = arith.cmpi slt, %broadcast_in_dim3A_42, %lt3A_380 : vector<16xi32>
    %add3A_382 = arith.constant 16 : i32
    %add3A_383 = vector.broadcast %add3A_382 : i32 to vector<16xi32>
    %add3A_384 = arith.addi %broadcast_in_dim3A_42, %add3A_383 : vector<16xi32>
    %select_n3A_385 = arith.select %lt3A_381, %add3A_384, %broadcast_in_dim3A_42 : vector<16xi1>, vector<16xi32>
    %broadcast_in_dim3A_386 = vector.shape_cast %select_n3A_385 : vector<16xi32> to vector<16x1xi32>
    %gather3A_387 = vector.shape_cast %broadcast_in_dim3A_386 : vector<16x1xi32> to vector<16xi32>
    %gather3A_388 = tpu.dynamic_gather %add3A_334[%gather3A_387] in [0] : vector<16xi32>, vector<16xi32> -> vector<16xi32>
    %broadcast_in_dim3A_389 = arith.constant 32 : i32
    %broadcast_in_dim3A_390 = vector.broadcast %broadcast_in_dim3A_389 : i32 to vector<16xi32>
    %add3A_391 = arith.addi %broadcast_in_dim3A_390, %iota3A : vector<16xi32>
    %mul3A_392 = arith.constant 16 : i32
    %mul3A_393 = vector.broadcast %mul3A_392 : i32 to vector<16xi32>
    %mul3A_394 = arith.muli %add3A_391, %mul3A_393 : vector<16xi32>
    %add3A_395 = arith.constant 15 : i32
    %add3A_396 = vector.broadcast %add3A_395 : i32 to vector<16xi32>
    %add3A_397 = arith.addi %mul3A_394, %add3A_396 : vector<16xi32>
    %gather3A_398 = tpu.vector_load_idx %arg13[%add3A_397] : memref<1024xi32, #tpu.memory_space<vmem>>[vector<16xi32>], vector<16xi32>,
    %broadcast_in_dim3A_399 = arith.constant true
    %broadcast_in_dim3A_400 = vector.broadcast %broadcast_in_dim3A_399 : i1 to vector<16xi1>
    %masked_cumsum3A_401 = tpu.scan <sum>, %gather3A_398 masked %broadcast_in_dim3A_400 : vector<16xi32>, vector<16xi1> -> vector<16xi32>
    %add3A_402 = arith.addi %gather3A_388, %masked_cumsum3A_401 : vector<16xi32>
    %ge3A_403 = arith.cmpi sge, %add3A_402, %broadcast_in_dim3A_38 : vector<16xi32>
    %all_reduce_population_count3A_404 = tpu.all_reduce %ge3A_403 {dim = 0 : i64, kind = #tpu.reduction_kind<sum>} : vector<16xi1> -> vector<16xi32>
    %all_reduce_ffs3A_405 = tpu.all_reduce %ge3A_403 {dim = 0 : i64, kind = #tpu.reduction_kind<find_first_set>} : vector<16xi1> -> vector<16xi32>
    %min3A_406 = arith.minsi %all_reduce_ffs3A_405, %broadcast_in_dim3A_42 : vector<16xi32>
    %lt3A_407 = arith.constant 0 : i32
    %lt3A_408 = vector.broadcast %lt3A_407 : i32 to vector<16xi32>
    %lt3A_409 = arith.cmpi slt, %select_n3A_353, %lt3A_408 : vector<16xi32>
    %gt3A_410 = arith.constant 0 : i32
    %gt3A_411 = vector.broadcast %gt3A_410 : i32 to vector<16xi32>
    %gt3A_412 = arith.cmpi sgt, %all_reduce_population_count3A_404, %gt3A_411 : vector<16xi32>
    %select_n3A_413 = arith.select %gt3A_412, %broadcast_in_dim3A_36, %broadcast_in_dim3A_34 : vector<16xi1>, vector<16xi32>
    %select_n3A_414 = arith.select %lt3A_409, %select_n3A_413, %broadcast_in_dim3A_34 : vector<16xi1>, vector<16xi32>
    %broadcast_in_dim3A_415 = arith.constant 32 : i32
    %broadcast_in_dim3A_416 = vector.broadcast %broadcast_in_dim3A_415 : i32 to vector<16xi32>
    %gt3A_417 = arith.constant 0 : i32
    %gt3A_418 = vector.broadcast %gt3A_417 : i32 to vector<16xi32>
    %gt3A_419 = arith.cmpi sgt, %select_n3A_414, %gt3A_418 : vector<16xi32>
    %add3A_420 = arith.addi %broadcast_in_dim3A_416, %min3A_406 : vector<16xi32>
    %select_n3A_421 = arith.select %gt3A_419, %add3A_420, %select_n3A_353 : vector<16xi1>, vector<16xi32>
    %lt3A_422 = arith.constant 0 : i32
    %lt3A_423 = vector.broadcast %lt3A_422 : i32 to vector<16xi32>
    %lt3A_424 = arith.cmpi slt, %min3A_406, %lt3A_423 : vector<16xi32>
    %add3A_425 = arith.constant 16 : i32
    %add3A_426 = vector.broadcast %add3A_425 : i32 to vector<16xi32>
    %add3A_427 = arith.addi %min3A_406, %add3A_426 : vector<16xi32>
    %select_n3A_428 = arith.select %lt3A_424, %add3A_427, %min3A_406 : vector<16xi1>, vector<16xi32>
    %broadcast_in_dim3A_429 = vector.shape_cast %select_n3A_428 : vector<16xi32> to vector<16x1xi32>
    %gather3A_430 = vector.shape_cast %broadcast_in_dim3A_429 : vector<16x1xi32> to vector<16xi32>
    %gather3A_431 = tpu.dynamic_gather %add3A_402[%gather3A_430] in [0] : vector<16xi32>, vector<16xi32> -> vector<16xi32>
    %lt3A_432 = arith.constant 0 : i32
    %lt3A_433 = vector.broadcast %lt3A_432 : i32 to vector<16xi32>
    %lt3A_434 = arith.cmpi slt, %min3A_406, %lt3A_433 : vector<16xi32>
    %add3A_435 = arith.constant 16 : i32
    %add3A_436 = vector.broadcast %add3A_435 : i32 to vector<16xi32>
    %add3A_437 = arith.addi %min3A_406, %add3A_436 : vector<16xi32>
    %select_n3A_438 = arith.select %lt3A_434, %add3A_437, %min3A_406 : vector<16xi1>, vector<16xi32>
    %broadcast_in_dim3A_439 = vector.shape_cast %select_n3A_438 : vector<16xi32> to vector<16x1xi32>
    %gather3A_440 = vector.shape_cast %broadcast_in_dim3A_439 : vector<16x1xi32> to vector<16xi32>
    %gather3A_441 = tpu.dynamic_gather %gather3A_398[%gather3A_440] in [0] : vector<16xi32>, vector<16xi32> -> vector<16xi32>
    %gt3A_442 = arith.constant 0 : i32
    %gt3A_443 = vector.broadcast %gt3A_442 : i32 to vector<16xi32>
    %gt3A_444 = arith.cmpi sgt, %select_n3A_414, %gt3A_443 : vector<16xi32>
    %sub3A_445 = arith.subi %gather3A_431, %gather3A_441 : vector<16xi32>
    %select_n3A_446 = arith.select %gt3A_444, %sub3A_445, %select_n3A_378 : vector<16xi1>, vector<16xi32>
    %lt3A_447 = arith.constant 0 : i32
    %lt3A_448 = vector.broadcast %lt3A_447 : i32 to vector<16xi32>
    %lt3A_449 = arith.cmpi slt, %broadcast_in_dim3A_42, %lt3A_448 : vector<16xi32>
    %add3A_450 = arith.constant 16 : i32
    %add3A_451 = vector.broadcast %add3A_450 : i32 to vector<16xi32>
    %add3A_452 = arith.addi %broadcast_in_dim3A_42, %add3A_451 : vector<16xi32>
    %select_n3A_453 = arith.select %lt3A_449, %add3A_452, %broadcast_in_dim3A_42 : vector<16xi1>, vector<16xi32>
    %broadcast_in_dim3A_454 = vector.shape_cast %select_n3A_453 : vector<16xi32> to vector<16x1xi32>
    %gather3A_455 = vector.shape_cast %broadcast_in_dim3A_454 : vector<16x1xi32> to vector<16xi32>
    %gather3A_456 = tpu.dynamic_gather %add3A_402[%gather3A_455] in [0] : vector<16xi32>, vector<16xi32> -> vector<16xi32>
    %broadcast_in_dim3A_457 = arith.constant 48 : i32
    %broadcast_in_dim3A_458 = vector.broadcast %broadcast_in_dim3A_457 : i32 to vector<16xi32>
    %add3A_459 = arith.addi %broadcast_in_dim3A_458, %iota3A : vector<16xi32>
    %mul3A_460 = arith.constant 16 : i32
    %mul3A_461 = vector.broadcast %mul3A_460 : i32 to vector<16xi32>
    %mul3A_462 = arith.muli %add3A_459, %mul3A_461 : vector<16xi32>
    %add3A_463 = arith.constant 15 : i32
    %add3A_464 = vector.broadcast %add3A_463 : i32 to vector<16xi32>
    %add3A_465 = arith.addi %mul3A_462, %add3A_464 : vector<16xi32>
    %gather3A_466 = tpu.vector_load_idx %arg13[%add3A_465] : memref<1024xi32, #tpu.memory_space<vmem>>[vector<16xi32>], vector<16xi32>,
    %broadcast_in_dim3A_467 = arith.constant true
    %broadcast_in_dim3A_468 = vector.broadcast %broadcast_in_dim3A_467 : i1 to vector<16xi1>
    %masked_cumsum3A_469 = tpu.scan <sum>, %gather3A_466 masked %broadcast_in_dim3A_468 : vector<16xi32>, vector<16xi1> -> vector<16xi32>
    %add3A_470 = arith.addi %gather3A_456, %masked_cumsum3A_469 : vector<16xi32>
    %ge3A_471 = arith.cmpi sge, %add3A_470, %broadcast_in_dim3A_38 : vector<16xi32>
    %all_reduce_population_count3A_472 = tpu.all_reduce %ge3A_471 {dim = 0 : i64, kind = #tpu.reduction_kind<sum>} : vector<16xi1> -> vector<16xi32>
    %all_reduce_ffs3A_473 = tpu.all_reduce %ge3A_471 {dim = 0 : i64, kind = #tpu.reduction_kind<find_first_set>} : vector<16xi1> -> vector<16xi32>
    %min3A_474 = arith.minsi %all_reduce_ffs3A_473, %broadcast_in_dim3A_42 : vector<16xi32>
    %lt3A_475 = arith.constant 0 : i32
    %lt3A_476 = vector.broadcast %lt3A_475 : i32 to vector<16xi32>
    %lt3A_477 = arith.cmpi slt, %select_n3A_421, %lt3A_476 : vector<16xi32>
    %gt3A_478 = arith.constant 0 : i32
    %gt3A_479 = vector.broadcast %gt3A_478 : i32 to vector<16xi32>
    %gt3A_480 = arith.cmpi sgt, %all_reduce_population_count3A_472, %gt3A_479 : vector<16xi32>
    %select_n3A_481 = arith.select %gt3A_480, %broadcast_in_dim3A_36, %broadcast_in_dim3A_34 : vector<16xi1>, vector<16xi32>
    %select_n3A_482 = arith.select %lt3A_477, %select_n3A_481, %broadcast_in_dim3A_34 : vector<16xi1>, vector<16xi32>
    %broadcast_in_dim3A_483 = arith.constant 48 : i32
    %broadcast_in_dim3A_484 = vector.broadcast %broadcast_in_dim3A_483 : i32 to vector<16xi32>
    %gt3A_485 = arith.constant 0 : i32
    %gt3A_486 = vector.broadcast %gt3A_485 : i32 to vector<16xi32>
    %gt3A_487 = arith.cmpi sgt, %select_n3A_482, %gt3A_486 : vector<16xi32>
    %add3A_488 = arith.addi %broadcast_in_dim3A_484, %min3A_474 : vector<16xi32>
    %select_n3A_489 = arith.select %gt3A_487, %add3A_488, %select_n3A_421 : vector<16xi1>, vector<16xi32>
    %lt3A_490 = arith.constant 0 : i32
    %lt3A_491 = vector.broadcast %lt3A_490 : i32 to vector<16xi32>
    %lt3A_492 = arith.cmpi slt, %min3A_474, %lt3A_491 : vector<16xi32>
    %add3A_493 = arith.constant 16 : i32
    %add3A_494 = vector.broadcast %add3A_493 : i32 to vector<16xi32>
    %add3A_495 = arith.addi %min3A_474, %add3A_494 : vector<16xi32>
    %select_n3A_496 = arith.select %lt3A_492, %add3A_495, %min3A_474 : vector<16xi1>, vector<16xi32>
    %broadcast_in_dim3A_497 = vector.shape_cast %select_n3A_496 : vector<16xi32> to vector<16x1xi32>
    %gather3A_498 = vector.shape_cast %broadcast_in_dim3A_497 : vector<16x1xi32> to vector<16xi32>
    %gather3A_499 = tpu.dynamic_gather %add3A_470[%gather3A_498] in [0] : vector<16xi32>, vector<16xi32> -> vector<16xi32>
    %lt3A_500 = arith.constant 0 : i32
    %lt3A_501 = vector.broadcast %lt3A_500 : i32 to vector<16xi32>
    %lt3A_502 = arith.cmpi slt, %min3A_474, %lt3A_501 : vector<16xi32>
    %add3A_503 = arith.constant 16 : i32
    %add3A_504 = vector.broadcast %add3A_503 : i32 to vector<16xi32>
    %add3A_505 = arith.addi %min3A_474, %add3A_504 : vector<16xi32>
    %select_n3A_506 = arith.select %lt3A_502, %add3A_505, %min3A_474 : vector<16xi1>, vector<16xi32>
    %broadcast_in_dim3A_507 = vector.shape_cast %select_n3A_506 : vector<16xi32> to vector<16x1xi32>
    %gather3A_508 = vector.shape_cast %broadcast_in_dim3A_507 : vector<16x1xi32> to vector<16xi32>
    %gather3A_509 = tpu.dynamic_gather %gather3A_466[%gather3A_508] in [0] : vector<16xi32>, vector<16xi32> -> vector<16xi32>
    %gt3A_510 = arith.constant 0 : i32
    %gt3A_511 = vector.broadcast %gt3A_510 : i32 to vector<16xi32>
    %gt3A_512 = arith.cmpi sgt, %select_n3A_482, %gt3A_511 : vector<16xi32>
    %sub3A_513 = arith.subi %gather3A_499, %gather3A_509 : vector<16xi32>
    %select_n3A_514 = arith.select %gt3A_512, %sub3A_513, %select_n3A_446 : vector<16xi1>, vector<16xi32>
    %lt3A_515 = arith.constant 0 : i32
    %lt3A_516 = vector.broadcast %lt3A_515 : i32 to vector<16xi32>
    %lt3A_517 = arith.cmpi slt, %broadcast_in_dim3A_42, %lt3A_516 : vector<16xi32>
    %add3A_518 = arith.constant 16 : i32
    %add3A_519 = vector.broadcast %add3A_518 : i32 to vector<16xi32>
    %add3A_520 = arith.addi %broadcast_in_dim3A_42, %add3A_519 : vector<16xi32>
    %select_n3A_521 = arith.select %lt3A_517, %add3A_520, %broadcast_in_dim3A_42 : vector<16xi1>, vector<16xi32>
    %broadcast_in_dim3A_522 = vector.shape_cast %select_n3A_521 : vector<16xi32> to vector<16x1xi32>
    %gather3A_523 = vector.shape_cast %broadcast_in_dim3A_522 : vector<16x1xi32> to vector<16xi32>
    %gather3A_524 = tpu.dynamic_gather %add3A_470[%gather3A_523] in [0] : vector<16xi32>, vector<16xi32> -> vector<16xi32>
    %reduce_max3A = arith.constant true
    %reduce_max3A_525 = vector.broadcast %reduce_max3A : i1 to vector<16xi1>
    %reduce_max3A_526 = arith.constant -2147483648 : i32
    %reduce_max3A_527 = vector.broadcast %reduce_max3A_526 : i32 to vector<16xi32>
    %reduce_max3A_528 = arith.xori %select_n3A_489, %reduce_max3A_527 : vector<16xi32>
    %reduce_max3A_529 = tpu.scan <max>, %reduce_max3A_528 masked %reduce_max3A_525 : vector<16xi32>, vector<16xi1> -> vector<16xi32>
    %reduce_max3A_530 = arith.xori %reduce_max3A_529, %reduce_max3A_527 : vector<16xi32>
    %reduce_max3A_531 = vector.extract %reduce_max3A_530[15] : i32 from vector<16xi32>
    %mul3A_532 = arith.constant 16 : i32
    %mul3A_533 = arith.muli %reduce_max3A_531, %mul3A_532 : i32
    %get3A_534 = arith.index_cast %mul3A_533 : i32 to index
    %get3A_535 = tpu.vector_load %arg13[%get3A_534] {strides = array<i32>} : memref<1024xi32, #tpu.memory_space<vmem>>, vector<16xi32>,
    %add3A_536 = arith.addi %select_n3A_514, %get3A_535 : vector<16xi32>
    %ge3A_537 = arith.cmpi sge, %add3A_536, %broadcast_in_dim3A_38 : vector<16xi32>
    %all_reduce_ffs3A_538 = tpu.all_reduce %ge3A_537 {dim = 0 : i64, kind = #tpu.reduction_kind<find_first_set>} : vector<16xi1> -> vector<16xi32>
    %min3A_539 = arith.minsi %all_reduce_ffs3A_538, %broadcast_in_dim3A_42 : vector<16xi32>
    %mul3A_540 = arith.constant 16 : i32
    %mul3A_541 = vector.broadcast %mul3A_540 : i32 to vector<16xi32>
    %mul3A_542 = arith.muli %select_n3A_489, %mul3A_541 : vector<16xi32>
    %add3A_543 = arith.addi %mul3A_542, %min3A_539 : vector<16xi32>
    %sub3A_544 = arith.constant 1 : i32
    %sub3A_545 = vector.broadcast %sub3A_544 : i32 to vector<16xi32>
    %sub3A_546 = arith.subi %min3A_539, %sub3A_545 : vector<16xi32>
    %max3A_547 = arith.maxsi %sub3A_546, %broadcast_in_dim3A_34 : vector<16xi32>
    %gt3A_548 = arith.constant 0 : i32
    %gt3A_549 = vector.broadcast %gt3A_548 : i32 to vector<16xi32>
    %gt3A_550 = arith.cmpi sgt, %min3A_539, %gt3A_549 : vector<16xi32>
    %lt3A_551 = arith.constant 0 : i32
    %lt3A_552 = vector.broadcast %lt3A_551 : i32 to vector<16xi32>
    %lt3A_553 = arith.cmpi slt, %max3A_547, %lt3A_552 : vector<16xi32>
    %add3A_554 = arith.constant 16 : i32
    %add3A_555 = vector.broadcast %add3A_554 : i32 to vector<16xi32>
    %add3A_556 = arith.addi %max3A_547, %add3A_555 : vector<16xi32>
    %select_n3A_557 = arith.select %lt3A_553, %add3A_556, %max3A_547 : vector<16xi1>, vector<16xi32>
    %broadcast_in_dim3A_558 = vector.shape_cast %select_n3A_557 : vector<16xi32> to vector<16x1xi32>
    %gather3A_559 = vector.shape_cast %broadcast_in_dim3A_558 : vector<16x1xi32> to vector<16xi32>
    %gather3A_560 = tpu.dynamic_gather %get3A_535[%gather3A_559] in [0] : vector<16xi32>, vector<16xi32> -> vector<16xi32>
    %select_n3A_561 = arith.select %gt3A_550, %gather3A_560, %broadcast_in_dim3A_34 : vector<16xi1>, vector<16xi32>
    %add3A_562 = arith.addi %select_n3A_514, %select_n3A_561 : vector<16xi32>
    %sub3A_563 = arith.subi %broadcast_in_dim3A_38, %add3A_562 : vector<16xi32>
    %parallel_loop3A_564 = arith.constant 0 : i32
    %parallel_loop3A_565 = arith.constant 128 : i32
    %parallel_loop3A_566 = arith.constant 1 : i32
    scf.for %parallel_loop3A_2432 = %parallel_loop3A_564 to %parallel_loop3A_565 step %parallel_loop3A_566  : i32 {
      %parallel_loop3A_2433 = arith.constant 4 : i32
      %parallel_loop3A_2434 = arith.muli %parallel_loop3A_2432, %parallel_loop3A_2433 : i32
      %parallel_loop3A_2435 = arith.constant 0 : i32
      %parallel_loop3A_2436 = arith.addi %parallel_loop3A_2434, %parallel_loop3A_2435 : i32
      %parallel_loop3A_2437 = arith.constant 16 : i32
      %parallel_loop3A_2438 = arith.muli %parallel_loop3A_2436, %parallel_loop3A_2437 : i32
      %parallel_loop3A_2439 = arith.index_cast %parallel_loop3A_2438 : i32 to index
      %parallel_loop3A_2440 = tpu.vector_load %arg11[%parallel_loop3A_2439] {strides = array<i32>} : memref<8192xi32, #tpu.memory_space<vmem>>, vector<16xi32>,
      %parallel_loop3A_2441 = arith.constant 20 : i32
      %parallel_loop3A_2442 = vector.broadcast %parallel_loop3A_2441 : i32 to vector<16xi32>
      %parallel_loop3A_2443 = arith.shrui %parallel_loop3A_2440, %parallel_loop3A_2442 : vector<16xi32>
      %parallel_loop3A_2444 = arith.constant 10 : i32
      %parallel_loop3A_2445 = vector.broadcast %parallel_loop3A_2444 : i32 to vector<16xi32>
      %parallel_loop3A_2446 = arith.shrui %parallel_loop3A_2440, %parallel_loop3A_2445 : vector<16xi32>
      %parallel_loop3A_2447 = arith.andi %parallel_loop3A_2446, %broadcast_in_dim3A_40 : vector<16xi32>
      %parallel_loop3A_2448 = arith.cmpi eq, %parallel_loop3A_2443, %add3A_543 : vector<16xi32>
      tpu.vector_store_idx %arg12[%parallel_loop3A_2447], %broadcast_in_dim3A_36 masked %parallel_loop3A_2448 {add = true} : memref<1024xi32, #tpu.memory_space<vmem>>[vector<16xi32>], vector<16xi32>, vector<16xi1>
      %parallel_loop3A_2449 = arith.constant 4 : i32
      %parallel_loop3A_2450 = arith.muli %parallel_loop3A_2432, %parallel_loop3A_2449 : i32
      %parallel_loop3A_2451 = arith.constant 1 : i32
      %parallel_loop3A_2452 = arith.addi %parallel_loop3A_2450, %parallel_loop3A_2451 : i32
      %parallel_loop3A_2453 = arith.constant 16 : i32
      %parallel_loop3A_2454 = arith.muli %parallel_loop3A_2452, %parallel_loop3A_2453 : i32
      %parallel_loop3A_2455 = arith.index_cast %parallel_loop3A_2454 : i32 to index
      %parallel_loop3A_2456 = tpu.vector_load %arg11[%parallel_loop3A_2455] {strides = array<i32>} : memref<8192xi32, #tpu.memory_space<vmem>>, vector<16xi32>,
      %parallel_loop3A_2457 = arith.constant 20 : i32
      %parallel_loop3A_2458 = vector.broadcast %parallel_loop3A_2457 : i32 to vector<16xi32>
      %parallel_loop3A_2459 = arith.shrui %parallel_loop3A_2456, %parallel_loop3A_2458 : vector<16xi32>
      %parallel_loop3A_2460 = arith.constant 10 : i32
      %parallel_loop3A_2461 = vector.broadcast %parallel_loop3A_2460 : i32 to vector<16xi32>
      %parallel_loop3A_2462 = arith.shrui %parallel_loop3A_2456, %parallel_loop3A_2461 : vector<16xi32>
      %parallel_loop3A_2463 = arith.andi %parallel_loop3A_2462, %broadcast_in_dim3A_40 : vector<16xi32>
      %parallel_loop3A_2464 = arith.cmpi eq, %parallel_loop3A_2459, %add3A_543 : vector<16xi32>
      tpu.vector_store_idx %arg12[%parallel_loop3A_2463], %broadcast_in_dim3A_36 masked %parallel_loop3A_2464 {add = true} : memref<1024xi32, #tpu.memory_space<vmem>>[vector<16xi32>], vector<16xi32>, vector<16xi1>
      %parallel_loop3A_2465 = arith.constant 4 : i32
      %parallel_loop3A_2466 = arith.muli %parallel_loop3A_2432, %parallel_loop3A_2465 : i32
      %parallel_loop3A_2467 = arith.constant 2 : i32
      %parallel_loop3A_2468 = arith.addi %parallel_loop3A_2466, %parallel_loop3A_2467 : i32
      %parallel_loop3A_2469 = arith.constant 16 : i32
      %parallel_loop3A_2470 = arith.muli %parallel_loop3A_2468, %parallel_loop3A_2469 : i32
      %parallel_loop3A_2471 = arith.index_cast %parallel_loop3A_2470 : i32 to index
      %parallel_loop3A_2472 = tpu.vector_load %arg11[%parallel_loop3A_2471] {strides = array<i32>} : memref<8192xi32, #tpu.memory_space<vmem>>, vector<16xi32>,
      %parallel_loop3A_2473 = arith.constant 20 : i32
      %parallel_loop3A_2474 = vector.broadcast %parallel_loop3A_2473 : i32 to vector<16xi32>
      %parallel_loop3A_2475 = arith.shrui %parallel_loop3A_2472, %parallel_loop3A_2474 : vector<16xi32>
      %parallel_loop3A_2476 = arith.constant 10 : i32
      %parallel_loop3A_2477 = vector.broadcast %parallel_loop3A_2476 : i32 to vector<16xi32>
      %parallel_loop3A_2478 = arith.shrui %parallel_loop3A_2472, %parallel_loop3A_2477 : vector<16xi32>
      %parallel_loop3A_2479 = arith.andi %parallel_loop3A_2478, %broadcast_in_dim3A_40 : vector<16xi32>
      %parallel_loop3A_2480 = arith.cmpi eq, %parallel_loop3A_2475, %add3A_543 : vector<16xi32>
      tpu.vector_store_idx %arg12[%parallel_loop3A_2479], %broadcast_in_dim3A_36 masked %parallel_loop3A_2480 {add = true} : memref<1024xi32, #tpu.memory_space<vmem>>[vector<16xi32>], vector<16xi32>, vector<16xi1>
      %parallel_loop3A_2481 = arith.constant 4 : i32
      %parallel_loop3A_2482 = arith.muli %parallel_loop3A_2432, %parallel_loop3A_2481 : i32
      %parallel_loop3A_2483 = arith.constant 3 : i32
      %parallel_loop3A_2484 = arith.addi %parallel_loop3A_2482, %parallel_loop3A_2483 : i32
      %parallel_loop3A_2485 = arith.constant 16 : i32
      %parallel_loop3A_2486 = arith.muli %parallel_loop3A_2484, %parallel_loop3A_2485 : i32
      %parallel_loop3A_2487 = arith.index_cast %parallel_loop3A_2486 : i32 to index
      %parallel_loop3A_2488 = tpu.vector_load %arg11[%parallel_loop3A_2487] {strides = array<i32>} : memref<8192xi32, #tpu.memory_space<vmem>>, vector<16xi32>,
      %parallel_loop3A_2489 = arith.constant 20 : i32
      %parallel_loop3A_2490 = vector.broadcast %parallel_loop3A_2489 : i32 to vector<16xi32>
      %parallel_loop3A_2491 = arith.shrui %parallel_loop3A_2488, %parallel_loop3A_2490 : vector<16xi32>
      %parallel_loop3A_2492 = arith.constant 10 : i32
      %parallel_loop3A_2493 = vector.broadcast %parallel_loop3A_2492 : i32 to vector<16xi32>
      %parallel_loop3A_2494 = arith.shrui %parallel_loop3A_2488, %parallel_loop3A_2493 : vector<16xi32>
      %parallel_loop3A_2495 = arith.andi %parallel_loop3A_2494, %broadcast_in_dim3A_40 : vector<16xi32>
      %parallel_loop3A_2496 = arith.cmpi eq, %parallel_loop3A_2491, %add3A_543 : vector<16xi32>
      tpu.vector_store_idx %arg12[%parallel_loop3A_2495], %broadcast_in_dim3A_36 masked %parallel_loop3A_2496 {add = true} : memref<1024xi32, #tpu.memory_space<vmem>>[vector<16xi32>], vector<16xi32>, vector<16xi1>
    } {sc.loop_unroll_factor = 2 : i64, sc.parallel_access}
    %parallel_loop3A_567 = arith.constant 0 : i32
    %parallel_loop3A_568 = arith.constant 64 : i32
    %parallel_loop3A_569 = arith.constant 1 : i32
    scf.for %parallel_loop3A_2432 = %parallel_loop3A_567 to %parallel_loop3A_568 step %parallel_loop3A_569  : i32 {
      %parallel_loop3A_2433 = arith.constant 16 : i32
      %parallel_loop3A_2434 = arith.muli %parallel_loop3A_2432, %parallel_loop3A_2433 : i32
      %parallel_loop3A_2435 = arith.index_cast %parallel_loop3A_2434 : i32 to index
      %parallel_loop3A_2436 = tpu.vector_load %arg12[%parallel_loop3A_2435] {strides = array<i32>} : memref<1024xi32, #tpu.memory_space<vmem>>, vector<16xi32>,
      %parallel_loop3A_2437 = arith.constant 16 : i32
      %parallel_loop3A_2438 = arith.muli %parallel_loop3A_2432, %parallel_loop3A_2437 : i32
      %parallel_loop3A_2439 = arith.index_cast %parallel_loop3A_2438 : i32 to index
      %parallel_loop3A_2440 = tpu.vector_load %arg12[%parallel_loop3A_2439] {strides = array<i32>} : memref<1024xi32, #tpu.memory_space<vmem>>, vector<16xi32>,
      tpu.vector_store %arg12[%parallel_loop3A_2439], %broadcast_in_dim3A_34 {strides = array<i32>} : memref<1024xi32, #tpu.memory_space<vmem>>, vector<16xi32>,
      %parallel_loop3A_2441 = arith.constant true
      %parallel_loop3A_2442 = vector.broadcast %parallel_loop3A_2441 : i1 to vector<16xi1>
      %parallel_loop3A_2443 = tpu.scan <sum>, %parallel_loop3A_2436 masked %parallel_loop3A_2442 : vector<16xi32>, vector<16xi1> -> vector<16xi32>
      %parallel_loop3A_2444 = arith.constant 16 : i32
      %parallel_loop3A_2445 = arith.muli %parallel_loop3A_2432, %parallel_loop3A_2444 : i32
      %parallel_loop3A_2446 = arith.index_cast %parallel_loop3A_2445 : i32 to index
      %parallel_loop3A_2447 = tpu.vector_load %arg13[%parallel_loop3A_2446] {strides = array<i32>} : memref<1024xi32, #tpu.memory_space<vmem>>, vector<16xi32>,
      tpu.vector_store %arg13[%parallel_loop3A_2446], %parallel_loop3A_2443 {strides = array<i32>} : memref<1024xi32, #tpu.memory_space<vmem>>, vector<16xi32>,
    } {sc.loop_unroll_factor = 2 : i64, sc.parallel_access}
    %broadcast_in_dim3A_570 = arith.constant -1 : i32
    %broadcast_in_dim3A_571 = vector.broadcast %broadcast_in_dim3A_570 : i32 to vector<16xi32>
    %broadcast_in_dim3A_572 = arith.constant 0 : i32
    %broadcast_in_dim3A_573 = vector.broadcast %broadcast_in_dim3A_572 : i32 to vector<16xi32>
    %add3A_574 = arith.addi %broadcast_in_dim3A_573, %iota3A : vector<16xi32>
    %mul3A_575 = arith.constant 16 : i32
    %mul3A_576 = vector.broadcast %mul3A_575 : i32 to vector<16xi32>
    %mul3A_577 = arith.muli %add3A_574, %mul3A_576 : vector<16xi32>
    %add3A_578 = arith.constant 15 : i32
    %add3A_579 = vector.broadcast %add3A_578 : i32 to vector<16xi32>
    %add3A_580 = arith.addi %mul3A_577, %add3A_579 : vector<16xi32>
    %gather3A_581 = tpu.vector_load_idx %arg13[%add3A_580] : memref<1024xi32, #tpu.memory_space<vmem>>[vector<16xi32>], vector<16xi32>,
    %broadcast_in_dim3A_582 = arith.constant true
    %broadcast_in_dim3A_583 = vector.broadcast %broadcast_in_dim3A_582 : i1 to vector<16xi1>
    %masked_cumsum3A_584 = tpu.scan <sum>, %gather3A_581 masked %broadcast_in_dim3A_583 : vector<16xi32>, vector<16xi1> -> vector<16xi32>
    %add3A_585 = arith.addi %broadcast_in_dim3A_34, %masked_cumsum3A_584 : vector<16xi32>
    %ge3A_586 = arith.cmpi sge, %add3A_585, %sub3A_563 : vector<16xi32>
    %all_reduce_population_count3A_587 = tpu.all_reduce %ge3A_586 {dim = 0 : i64, kind = #tpu.reduction_kind<sum>} : vector<16xi1> -> vector<16xi32>
    %all_reduce_ffs3A_588 = tpu.all_reduce %ge3A_586 {dim = 0 : i64, kind = #tpu.reduction_kind<find_first_set>} : vector<16xi1> -> vector<16xi32>
    %min3A_589 = arith.minsi %all_reduce_ffs3A_588, %broadcast_in_dim3A_42 : vector<16xi32>
    %lt3A_590 = arith.constant 0 : i32
    %lt3A_591 = vector.broadcast %lt3A_590 : i32 to vector<16xi32>
    %lt3A_592 = arith.cmpi slt, %broadcast_in_dim3A_571, %lt3A_591 : vector<16xi32>
    %gt3A_593 = arith.constant 0 : i32
    %gt3A_594 = vector.broadcast %gt3A_593 : i32 to vector<16xi32>
    %gt3A_595 = arith.cmpi sgt, %all_reduce_population_count3A_587, %gt3A_594 : vector<16xi32>
    %select_n3A_596 = arith.select %gt3A_595, %broadcast_in_dim3A_36, %broadcast_in_dim3A_34 : vector<16xi1>, vector<16xi32>
    %select_n3A_597 = arith.select %lt3A_592, %select_n3A_596, %broadcast_in_dim3A_34 : vector<16xi1>, vector<16xi32>
    %broadcast_in_dim3A_598 = arith.constant 0 : i32
    %broadcast_in_dim3A_599 = vector.broadcast %broadcast_in_dim3A_598 : i32 to vector<16xi32>
    %gt3A_600 = arith.constant 0 : i32
    %gt3A_601 = vector.broadcast %gt3A_600 : i32 to vector<16xi32>
    %gt3A_602 = arith.cmpi sgt, %select_n3A_597, %gt3A_601 : vector<16xi32>
    %add3A_603 = arith.addi %broadcast_in_dim3A_599, %min3A_589 : vector<16xi32>
    %select_n3A_604 = arith.select %gt3A_602, %add3A_603, %broadcast_in_dim3A_571 : vector<16xi1>, vector<16xi32>
    %lt3A_605 = arith.constant 0 : i32
    %lt3A_606 = vector.broadcast %lt3A_605 : i32 to vector<16xi32>
    %lt3A_607 = arith.cmpi slt, %min3A_589, %lt3A_606 : vector<16xi32>
    %add3A_608 = arith.constant 16 : i32
    %add3A_609 = vector.broadcast %add3A_608 : i32 to vector<16xi32>
    %add3A_610 = arith.addi %min3A_589, %add3A_609 : vector<16xi32>
    %select_n3A_611 = arith.select %lt3A_607, %add3A_610, %min3A_589 : vector<16xi1>, vector<16xi32>
    %broadcast_in_dim3A_612 = vector.shape_cast %select_n3A_611 : vector<16xi32> to vector<16x1xi32>
    %gather3A_613 = vector.shape_cast %broadcast_in_dim3A_612 : vector<16x1xi32> to vector<16xi32>
    %gather3A_614 = tpu.dynamic_gather %add3A_585[%gather3A_613] in [0] : vector<16xi32>, vector<16xi32> -> vector<16xi32>
    %lt3A_615 = arith.constant 0 : i32
    %lt3A_616 = vector.broadcast %lt3A_615 : i32 to vector<16xi32>
    %lt3A_617 = arith.cmpi slt, %min3A_589, %lt3A_616 : vector<16xi32>
    %add3A_618 = arith.constant 16 : i32
    %add3A_619 = vector.broadcast %add3A_618 : i32 to vector<16xi32>
    %add3A_620 = arith.addi %min3A_589, %add3A_619 : vector<16xi32>
    %select_n3A_621 = arith.select %lt3A_617, %add3A_620, %min3A_589 : vector<16xi1>, vector<16xi32>
    %broadcast_in_dim3A_622 = vector.shape_cast %select_n3A_621 : vector<16xi32> to vector<16x1xi32>
    %gather3A_623 = vector.shape_cast %broadcast_in_dim3A_622 : vector<16x1xi32> to vector<16xi32>
    %gather3A_624 = tpu.dynamic_gather %gather3A_581[%gather3A_623] in [0] : vector<16xi32>, vector<16xi32> -> vector<16xi32>
    %gt3A_625 = arith.constant 0 : i32
    %gt3A_626 = vector.broadcast %gt3A_625 : i32 to vector<16xi32>
    %gt3A_627 = arith.cmpi sgt, %select_n3A_597, %gt3A_626 : vector<16xi32>
    %sub3A_628 = arith.subi %gather3A_614, %gather3A_624 : vector<16xi32>
    %select_n3A_629 = arith.select %gt3A_627, %sub3A_628, %broadcast_in_dim3A_34 : vector<16xi1>, vector<16xi32>
    %lt3A_630 = arith.constant 0 : i32
    %lt3A_631 = vector.broadcast %lt3A_630 : i32 to vector<16xi32>
    %lt3A_632 = arith.cmpi slt, %broadcast_in_dim3A_42, %lt3A_631 : vector<16xi32>
    %add3A_633 = arith.constant 16 : i32
    %add3A_634 = vector.broadcast %add3A_633 : i32 to vector<16xi32>
    %add3A_635 = arith.addi %broadcast_in_dim3A_42, %add3A_634 : vector<16xi32>
    %select_n3A_636 = arith.select %lt3A_632, %add3A_635, %broadcast_in_dim3A_42 : vector<16xi1>, vector<16xi32>
    %broadcast_in_dim3A_637 = vector.shape_cast %select_n3A_636 : vector<16xi32> to vector<16x1xi32>
    %gather3A_638 = vector.shape_cast %broadcast_in_dim3A_637 : vector<16x1xi32> to vector<16xi32>
    %gather3A_639 = tpu.dynamic_gather %add3A_585[%gather3A_638] in [0] : vector<16xi32>, vector<16xi32> -> vector<16xi32>
    %broadcast_in_dim3A_640 = arith.constant 16 : i32
    %broadcast_in_dim3A_641 = vector.broadcast %broadcast_in_dim3A_640 : i32 to vector<16xi32>
    %add3A_642 = arith.addi %broadcast_in_dim3A_641, %iota3A : vector<16xi32>
    %mul3A_643 = arith.constant 16 : i32
    %mul3A_644 = vector.broadcast %mul3A_643 : i32 to vector<16xi32>
    %mul3A_645 = arith.muli %add3A_642, %mul3A_644 : vector<16xi32>
    %add3A_646 = arith.constant 15 : i32
    %add3A_647 = vector.broadcast %add3A_646 : i32 to vector<16xi32>
    %add3A_648 = arith.addi %mul3A_645, %add3A_647 : vector<16xi32>
    %gather3A_649 = tpu.vector_load_idx %arg13[%add3A_648] : memref<1024xi32, #tpu.memory_space<vmem>>[vector<16xi32>], vector<16xi32>,
    %broadcast_in_dim3A_650 = arith.constant true
    %broadcast_in_dim3A_651 = vector.broadcast %broadcast_in_dim3A_650 : i1 to vector<16xi1>
    %masked_cumsum3A_652 = tpu.scan <sum>, %gather3A_649 masked %broadcast_in_dim3A_651 : vector<16xi32>, vector<16xi1> -> vector<16xi32>
    %add3A_653 = arith.addi %gather3A_639, %masked_cumsum3A_652 : vector<16xi32>
    %ge3A_654 = arith.cmpi sge, %add3A_653, %sub3A_563 : vector<16xi32>
    %all_reduce_population_count3A_655 = tpu.all_reduce %ge3A_654 {dim = 0 : i64, kind = #tpu.reduction_kind<sum>} : vector<16xi1> -> vector<16xi32>
    %all_reduce_ffs3A_656 = tpu.all_reduce %ge3A_654 {dim = 0 : i64, kind = #tpu.reduction_kind<find_first_set>} : vector<16xi1> -> vector<16xi32>
    %min3A_657 = arith.minsi %all_reduce_ffs3A_656, %broadcast_in_dim3A_42 : vector<16xi32>
    %lt3A_658 = arith.constant 0 : i32
    %lt3A_659 = vector.broadcast %lt3A_658 : i32 to vector<16xi32>
    %lt3A_660 = arith.cmpi slt, %select_n3A_604, %lt3A_659 : vector<16xi32>
    %gt3A_661 = arith.constant 0 : i32
    %gt3A_662 = vector.broadcast %gt3A_661 : i32 to vector<16xi32>
    %gt3A_663 = arith.cmpi sgt, %all_reduce_population_count3A_655, %gt3A_662 : vector<16xi32>
    %select_n3A_664 = arith.select %gt3A_663, %broadcast_in_dim3A_36, %broadcast_in_dim3A_34 : vector<16xi1>, vector<16xi32>
    %select_n3A_665 = arith.select %lt3A_660, %select_n3A_664, %broadcast_in_dim3A_34 : vector<16xi1>, vector<16xi32>
    %broadcast_in_dim3A_666 = arith.constant 16 : i32
    %broadcast_in_dim3A_667 = vector.broadcast %broadcast_in_dim3A_666 : i32 to vector<16xi32>
    %gt3A_668 = arith.constant 0 : i32
    %gt3A_669 = vector.broadcast %gt3A_668 : i32 to vector<16xi32>
    %gt3A_670 = arith.cmpi sgt, %select_n3A_665, %gt3A_669 : vector<16xi32>
    %add3A_671 = arith.addi %broadcast_in_dim3A_667, %min3A_657 : vector<16xi32>
    %select_n3A_672 = arith.select %gt3A_670, %add3A_671, %select_n3A_604 : vector<16xi1>, vector<16xi32>
    %lt3A_673 = arith.constant 0 : i32
    %lt3A_674 = vector.broadcast %lt3A_673 : i32 to vector<16xi32>
    %lt3A_675 = arith.cmpi slt, %min3A_657, %lt3A_674 : vector<16xi32>
    %add3A_676 = arith.constant 16 : i32
    %add3A_677 = vector.broadcast %add3A_676 : i32 to vector<16xi32>
    %add3A_678 = arith.addi %min3A_657, %add3A_677 : vector<16xi32>
    %select_n3A_679 = arith.select %lt3A_675, %add3A_678, %min3A_657 : vector<16xi1>, vector<16xi32>
    %broadcast_in_dim3A_680 = vector.shape_cast %select_n3A_679 : vector<16xi32> to vector<16x1xi32>
    %gather3A_681 = vector.shape_cast %broadcast_in_dim3A_680 : vector<16x1xi32> to vector<16xi32>
    %gather3A_682 = tpu.dynamic_gather %add3A_653[%gather3A_681] in [0] : vector<16xi32>, vector<16xi32> -> vector<16xi32>
    %lt3A_683 = arith.constant 0 : i32
    %lt3A_684 = vector.broadcast %lt3A_683 : i32 to vector<16xi32>
    %lt3A_685 = arith.cmpi slt, %min3A_657, %lt3A_684 : vector<16xi32>
    %add3A_686 = arith.constant 16 : i32
    %add3A_687 = vector.broadcast %add3A_686 : i32 to vector<16xi32>
    %add3A_688 = arith.addi %min3A_657, %add3A_687 : vector<16xi32>
    %select_n3A_689 = arith.select %lt3A_685, %add3A_688, %min3A_657 : vector<16xi1>, vector<16xi32>
    %broadcast_in_dim3A_690 = vector.shape_cast %select_n3A_689 : vector<16xi32> to vector<16x1xi32>
    %gather3A_691 = vector.shape_cast %broadcast_in_dim3A_690 : vector<16x1xi32> to vector<16xi32>
    %gather3A_692 = tpu.dynamic_gather %gather3A_649[%gather3A_691] in [0] : vector<16xi32>, vector<16xi32> -> vector<16xi32>
    %gt3A_693 = arith.constant 0 : i32
    %gt3A_694 = vector.broadcast %gt3A_693 : i32 to vector<16xi32>
    %gt3A_695 = arith.cmpi sgt, %select_n3A_665, %gt3A_694 : vector<16xi32>
    %sub3A_696 = arith.subi %gather3A_682, %gather3A_692 : vector<16xi32>
    %select_n3A_697 = arith.select %gt3A_695, %sub3A_696, %select_n3A_629 : vector<16xi1>, vector<16xi32>
    %lt3A_698 = arith.constant 0 : i32
    %lt3A_699 = vector.broadcast %lt3A_698 : i32 to vector<16xi32>
    %lt3A_700 = arith.cmpi slt, %broadcast_in_dim3A_42, %lt3A_699 : vector<16xi32>
    %add3A_701 = arith.constant 16 : i32
    %add3A_702 = vector.broadcast %add3A_701 : i32 to vector<16xi32>
    %add3A_703 = arith.addi %broadcast_in_dim3A_42, %add3A_702 : vector<16xi32>
    %select_n3A_704 = arith.select %lt3A_700, %add3A_703, %broadcast_in_dim3A_42 : vector<16xi1>, vector<16xi32>
    %broadcast_in_dim3A_705 = vector.shape_cast %select_n3A_704 : vector<16xi32> to vector<16x1xi32>
    %gather3A_706 = vector.shape_cast %broadcast_in_dim3A_705 : vector<16x1xi32> to vector<16xi32>
    %gather3A_707 = tpu.dynamic_gather %add3A_653[%gather3A_706] in [0] : vector<16xi32>, vector<16xi32> -> vector<16xi32>
    %broadcast_in_dim3A_708 = arith.constant 32 : i32
    %broadcast_in_dim3A_709 = vector.broadcast %broadcast_in_dim3A_708 : i32 to vector<16xi32>
    %add3A_710 = arith.addi %broadcast_in_dim3A_709, %iota3A : vector<16xi32>
    %mul3A_711 = arith.constant 16 : i32
    %mul3A_712 = vector.broadcast %mul3A_711 : i32 to vector<16xi32>
    %mul3A_713 = arith.muli %add3A_710, %mul3A_712 : vector<16xi32>
    %add3A_714 = arith.constant 15 : i32
    %add3A_715 = vector.broadcast %add3A_714 : i32 to vector<16xi32>
    %add3A_716 = arith.addi %mul3A_713, %add3A_715 : vector<16xi32>
    %gather3A_717 = tpu.vector_load_idx %arg13[%add3A_716] : memref<1024xi32, #tpu.memory_space<vmem>>[vector<16xi32>], vector<16xi32>,
    %broadcast_in_dim3A_718 = arith.constant true
    %broadcast_in_dim3A_719 = vector.broadcast %broadcast_in_dim3A_718 : i1 to vector<16xi1>
    %masked_cumsum3A_720 = tpu.scan <sum>, %gather3A_717 masked %broadcast_in_dim3A_719 : vector<16xi32>, vector<16xi1> -> vector<16xi32>
    %add3A_721 = arith.addi %gather3A_707, %masked_cumsum3A_720 : vector<16xi32>
    %ge3A_722 = arith.cmpi sge, %add3A_721, %sub3A_563 : vector<16xi32>
    %all_reduce_population_count3A_723 = tpu.all_reduce %ge3A_722 {dim = 0 : i64, kind = #tpu.reduction_kind<sum>} : vector<16xi1> -> vector<16xi32>
    %all_reduce_ffs3A_724 = tpu.all_reduce %ge3A_722 {dim = 0 : i64, kind = #tpu.reduction_kind<find_first_set>} : vector<16xi1> -> vector<16xi32>
    %min3A_725 = arith.minsi %all_reduce_ffs3A_724, %broadcast_in_dim3A_42 : vector<16xi32>
    %lt3A_726 = arith.constant 0 : i32
    %lt3A_727 = vector.broadcast %lt3A_726 : i32 to vector<16xi32>
    %lt3A_728 = arith.cmpi slt, %select_n3A_672, %lt3A_727 : vector<16xi32>
    %gt3A_729 = arith.constant 0 : i32
    %gt3A_730 = vector.broadcast %gt3A_729 : i32 to vector<16xi32>
    %gt3A_731 = arith.cmpi sgt, %all_reduce_population_count3A_723, %gt3A_730 : vector<16xi32>
    %select_n3A_732 = arith.select %gt3A_731, %broadcast_in_dim3A_36, %broadcast_in_dim3A_34 : vector<16xi1>, vector<16xi32>
    %select_n3A_733 = arith.select %lt3A_728, %select_n3A_732, %broadcast_in_dim3A_34 : vector<16xi1>, vector<16xi32>
    %broadcast_in_dim3A_734 = arith.constant 32 : i32
    %broadcast_in_dim3A_735 = vector.broadcast %broadcast_in_dim3A_734 : i32 to vector<16xi32>
    %gt3A_736 = arith.constant 0 : i32
    %gt3A_737 = vector.broadcast %gt3A_736 : i32 to vector<16xi32>
    %gt3A_738 = arith.cmpi sgt, %select_n3A_733, %gt3A_737 : vector<16xi32>
    %add3A_739 = arith.addi %broadcast_in_dim3A_735, %min3A_725 : vector<16xi32>
    %select_n3A_740 = arith.select %gt3A_738, %add3A_739, %select_n3A_672 : vector<16xi1>, vector<16xi32>
    %lt3A_741 = arith.constant 0 : i32
    %lt3A_742 = vector.broadcast %lt3A_741 : i32 to vector<16xi32>
    %lt3A_743 = arith.cmpi slt, %min3A_725, %lt3A_742 : vector<16xi32>
    %add3A_744 = arith.constant 16 : i32
    %add3A_745 = vector.broadcast %add3A_744 : i32 to vector<16xi32>
    %add3A_746 = arith.addi %min3A_725, %add3A_745 : vector<16xi32>
    %select_n3A_747 = arith.select %lt3A_743, %add3A_746, %min3A_725 : vector<16xi1>, vector<16xi32>
    %broadcast_in_dim3A_748 = vector.shape_cast %select_n3A_747 : vector<16xi32> to vector<16x1xi32>
    %gather3A_749 = vector.shape_cast %broadcast_in_dim3A_748 : vector<16x1xi32> to vector<16xi32>
    %gather3A_750 = tpu.dynamic_gather %add3A_721[%gather3A_749] in [0] : vector<16xi32>, vector<16xi32> -> vector<16xi32>
    %lt3A_751 = arith.constant 0 : i32
    %lt3A_752 = vector.broadcast %lt3A_751 : i32 to vector<16xi32>
    %lt3A_753 = arith.cmpi slt, %min3A_725, %lt3A_752 : vector<16xi32>
    %add3A_754 = arith.constant 16 : i32
    %add3A_755 = vector.broadcast %add3A_754 : i32 to vector<16xi32>
    %add3A_756 = arith.addi %min3A_725, %add3A_755 : vector<16xi32>
    %select_n3A_757 = arith.select %lt3A_753, %add3A_756, %min3A_725 : vector<16xi1>, vector<16xi32>
    %broadcast_in_dim3A_758 = vector.shape_cast %select_n3A_757 : vector<16xi32> to vector<16x1xi32>
    %gather3A_759 = vector.shape_cast %broadcast_in_dim3A_758 : vector<16x1xi32> to vector<16xi32>
    %gather3A_760 = tpu.dynamic_gather %gather3A_717[%gather3A_759] in [0] : vector<16xi32>, vector<16xi32> -> vector<16xi32>
    %gt3A_761 = arith.constant 0 : i32
    %gt3A_762 = vector.broadcast %gt3A_761 : i32 to vector<16xi32>
    %gt3A_763 = arith.cmpi sgt, %select_n3A_733, %gt3A_762 : vector<16xi32>
    %sub3A_764 = arith.subi %gather3A_750, %gather3A_760 : vector<16xi32>
    %select_n3A_765 = arith.select %gt3A_763, %sub3A_764, %select_n3A_697 : vector<16xi1>, vector<16xi32>
    %lt3A_766 = arith.constant 0 : i32
    %lt3A_767 = vector.broadcast %lt3A_766 : i32 to vector<16xi32>
    %lt3A_768 = arith.cmpi slt, %broadcast_in_dim3A_42, %lt3A_767 : vector<16xi32>
    %add3A_769 = arith.constant 16 : i32
    %add3A_770 = vector.broadcast %add3A_769 : i32 to vector<16xi32>
    %add3A_771 = arith.addi %broadcast_in_dim3A_42, %add3A_770 : vector<16xi32>
    %select_n3A_772 = arith.select %lt3A_768, %add3A_771, %broadcast_in_dim3A_42 : vector<16xi1>, vector<16xi32>
    %broadcast_in_dim3A_773 = vector.shape_cast %select_n3A_772 : vector<16xi32> to vector<16x1xi32>
    %gather3A_774 = vector.shape_cast %broadcast_in_dim3A_773 : vector<16x1xi32> to vector<16xi32>
    %gather3A_775 = tpu.dynamic_gather %add3A_721[%gather3A_774] in [0] : vector<16xi32>, vector<16xi32> -> vector<16xi32>
    %broadcast_in_dim3A_776 = arith.constant 48 : i32
    %broadcast_in_dim3A_777 = vector.broadcast %broadcast_in_dim3A_776 : i32 to vector<16xi32>
    %add3A_778 = arith.addi %broadcast_in_dim3A_777, %iota3A : vector<16xi32>
    %mul3A_779 = arith.constant 16 : i32
    %mul3A_780 = vector.broadcast %mul3A_779 : i32 to vector<16xi32>
    %mul3A_781 = arith.muli %add3A_778, %mul3A_780 : vector<16xi32>
    %add3A_782 = arith.constant 15 : i32
    %add3A_783 = vector.broadcast %add3A_782 : i32 to vector<16xi32>
    %add3A_784 = arith.addi %mul3A_781, %add3A_783 : vector<16xi32>
    %gather3A_785 = tpu.vector_load_idx %arg13[%add3A_784] : memref<1024xi32, #tpu.memory_space<vmem>>[vector<16xi32>], vector<16xi32>,
    %broadcast_in_dim3A_786 = arith.constant true
    %broadcast_in_dim3A_787 = vector.broadcast %broadcast_in_dim3A_786 : i1 to vector<16xi1>
    %masked_cumsum3A_788 = tpu.scan <sum>, %gather3A_785 masked %broadcast_in_dim3A_787 : vector<16xi32>, vector<16xi1> -> vector<16xi32>
    %add3A_789 = arith.addi %gather3A_775, %masked_cumsum3A_788 : vector<16xi32>
    %ge3A_790 = arith.cmpi sge, %add3A_789, %sub3A_563 : vector<16xi32>
    %all_reduce_population_count3A_791 = tpu.all_reduce %ge3A_790 {dim = 0 : i64, kind = #tpu.reduction_kind<sum>} : vector<16xi1> -> vector<16xi32>
    %all_reduce_ffs3A_792 = tpu.all_reduce %ge3A_790 {dim = 0 : i64, kind = #tpu.reduction_kind<find_first_set>} : vector<16xi1> -> vector<16xi32>
    %min3A_793 = arith.minsi %all_reduce_ffs3A_792, %broadcast_in_dim3A_42 : vector<16xi32>
    %lt3A_794 = arith.constant 0 : i32
    %lt3A_795 = vector.broadcast %lt3A_794 : i32 to vector<16xi32>
    %lt3A_796 = arith.cmpi slt, %select_n3A_740, %lt3A_795 : vector<16xi32>
    %gt3A_797 = arith.constant 0 : i32
    %gt3A_798 = vector.broadcast %gt3A_797 : i32 to vector<16xi32>
    %gt3A_799 = arith.cmpi sgt, %all_reduce_population_count3A_791, %gt3A_798 : vector<16xi32>
    %select_n3A_800 = arith.select %gt3A_799, %broadcast_in_dim3A_36, %broadcast_in_dim3A_34 : vector<16xi1>, vector<16xi32>
    %select_n3A_801 = arith.select %lt3A_796, %select_n3A_800, %broadcast_in_dim3A_34 : vector<16xi1>, vector<16xi32>
    %broadcast_in_dim3A_802 = arith.constant 48 : i32
    %broadcast_in_dim3A_803 = vector.broadcast %broadcast_in_dim3A_802 : i32 to vector<16xi32>
    %gt3A_804 = arith.constant 0 : i32
    %gt3A_805 = vector.broadcast %gt3A_804 : i32 to vector<16xi32>
    %gt3A_806 = arith.cmpi sgt, %select_n3A_801, %gt3A_805 : vector<16xi32>
    %add3A_807 = arith.addi %broadcast_in_dim3A_803, %min3A_793 : vector<16xi32>
    %select_n3A_808 = arith.select %gt3A_806, %add3A_807, %select_n3A_740 : vector<16xi1>, vector<16xi32>
    %lt3A_809 = arith.constant 0 : i32
    %lt3A_810 = vector.broadcast %lt3A_809 : i32 to vector<16xi32>
    %lt3A_811 = arith.cmpi slt, %min3A_793, %lt3A_810 : vector<16xi32>
    %add3A_812 = arith.constant 16 : i32
    %add3A_813 = vector.broadcast %add3A_812 : i32 to vector<16xi32>
    %add3A_814 = arith.addi %min3A_793, %add3A_813 : vector<16xi32>
    %select_n3A_815 = arith.select %lt3A_811, %add3A_814, %min3A_793 : vector<16xi1>, vector<16xi32>
    %broadcast_in_dim3A_816 = vector.shape_cast %select_n3A_815 : vector<16xi32> to vector<16x1xi32>
    %gather3A_817 = vector.shape_cast %broadcast_in_dim3A_816 : vector<16x1xi32> to vector<16xi32>
    %gather3A_818 = tpu.dynamic_gather %add3A_789[%gather3A_817] in [0] : vector<16xi32>, vector<16xi32> -> vector<16xi32>
    %lt3A_819 = arith.constant 0 : i32
    %lt3A_820 = vector.broadcast %lt3A_819 : i32 to vector<16xi32>
    %lt3A_821 = arith.cmpi slt, %min3A_793, %lt3A_820 : vector<16xi32>
    %add3A_822 = arith.constant 16 : i32
    %add3A_823 = vector.broadcast %add3A_822 : i32 to vector<16xi32>
    %add3A_824 = arith.addi %min3A_793, %add3A_823 : vector<16xi32>
    %select_n3A_825 = arith.select %lt3A_821, %add3A_824, %min3A_793 : vector<16xi1>, vector<16xi32>
    %broadcast_in_dim3A_826 = vector.shape_cast %select_n3A_825 : vector<16xi32> to vector<16x1xi32>
    %gather3A_827 = vector.shape_cast %broadcast_in_dim3A_826 : vector<16x1xi32> to vector<16xi32>
    %gather3A_828 = tpu.dynamic_gather %gather3A_785[%gather3A_827] in [0] : vector<16xi32>, vector<16xi32> -> vector<16xi32>
    %gt3A_829 = arith.constant 0 : i32
    %gt3A_830 = vector.broadcast %gt3A_829 : i32 to vector<16xi32>
    %gt3A_831 = arith.cmpi sgt, %select_n3A_801, %gt3A_830 : vector<16xi32>
    %sub3A_832 = arith.subi %gather3A_818, %gather3A_828 : vector<16xi32>
    %select_n3A_833 = arith.select %gt3A_831, %sub3A_832, %select_n3A_765 : vector<16xi1>, vector<16xi32>
    %lt3A_834 = arith.constant 0 : i32
    %lt3A_835 = vector.broadcast %lt3A_834 : i32 to vector<16xi32>
    %lt3A_836 = arith.cmpi slt, %broadcast_in_dim3A_42, %lt3A_835 : vector<16xi32>
    %add3A_837 = arith.constant 16 : i32
    %add3A_838 = vector.broadcast %add3A_837 : i32 to vector<16xi32>
    %add3A_839 = arith.addi %broadcast_in_dim3A_42, %add3A_838 : vector<16xi32>
    %select_n3A_840 = arith.select %lt3A_836, %add3A_839, %broadcast_in_dim3A_42 : vector<16xi1>, vector<16xi32>
    %broadcast_in_dim3A_841 = vector.shape_cast %select_n3A_840 : vector<16xi32> to vector<16x1xi32>
    %gather3A_842 = vector.shape_cast %broadcast_in_dim3A_841 : vector<16x1xi32> to vector<16xi32>
    %gather3A_843 = tpu.dynamic_gather %add3A_789[%gather3A_842] in [0] : vector<16xi32>, vector<16xi32> -> vector<16xi32>
    %reduce_max3A_844 = arith.constant true
    %reduce_max3A_845 = vector.broadcast %reduce_max3A_844 : i1 to vector<16xi1>
    %reduce_max3A_846 = arith.constant -2147483648 : i32
    %reduce_max3A_847 = vector.broadcast %reduce_max3A_846 : i32 to vector<16xi32>
    %reduce_max3A_848 = arith.xori %select_n3A_808, %reduce_max3A_847 : vector<16xi32>
    %reduce_max3A_849 = tpu.scan <max>, %reduce_max3A_848 masked %reduce_max3A_845 : vector<16xi32>, vector<16xi1> -> vector<16xi32>
    %reduce_max3A_850 = arith.xori %reduce_max3A_849, %reduce_max3A_847 : vector<16xi32>
    %reduce_max3A_851 = vector.extract %reduce_max3A_850[15] : i32 from vector<16xi32>
    %mul3A_852 = arith.constant 16 : i32
    %mul3A_853 = arith.muli %reduce_max3A_851, %mul3A_852 : i32
    %get3A_854 = arith.index_cast %mul3A_853 : i32 to index
    %get3A_855 = tpu.vector_load %arg13[%get3A_854] {strides = array<i32>} : memref<1024xi32, #tpu.memory_space<vmem>>, vector<16xi32>,
    %add3A_856 = arith.addi %select_n3A_833, %get3A_855 : vector<16xi32>
    %ge3A_857 = arith.cmpi sge, %add3A_856, %sub3A_563 : vector<16xi32>
    %all_reduce_ffs3A_858 = tpu.all_reduce %ge3A_857 {dim = 0 : i64, kind = #tpu.reduction_kind<find_first_set>} : vector<16xi1> -> vector<16xi32>
    %min3A_859 = arith.minsi %all_reduce_ffs3A_858, %broadcast_in_dim3A_42 : vector<16xi32>
    %mul3A_860 = arith.constant 16 : i32
    %mul3A_861 = vector.broadcast %mul3A_860 : i32 to vector<16xi32>
    %mul3A_862 = arith.muli %select_n3A_808, %mul3A_861 : vector<16xi32>
    %add3A_863 = arith.addi %mul3A_862, %min3A_859 : vector<16xi32>
    %sub3A_864 = arith.constant 1 : i32
    %sub3A_865 = vector.broadcast %sub3A_864 : i32 to vector<16xi32>
    %sub3A_866 = arith.subi %min3A_859, %sub3A_865 : vector<16xi32>
    %max3A_867 = arith.maxsi %sub3A_866, %broadcast_in_dim3A_34 : vector<16xi32>
    %gt3A_868 = arith.constant 0 : i32
    %gt3A_869 = vector.broadcast %gt3A_868 : i32 to vector<16xi32>
    %gt3A_870 = arith.cmpi sgt, %min3A_859, %gt3A_869 : vector<16xi32>
    %lt3A_871 = arith.constant 0 : i32
    %lt3A_872 = vector.broadcast %lt3A_871 : i32 to vector<16xi32>
    %lt3A_873 = arith.cmpi slt, %max3A_867, %lt3A_872 : vector<16xi32>
    %add3A_874 = arith.constant 16 : i32
    %add3A_875 = vector.broadcast %add3A_874 : i32 to vector<16xi32>
    %add3A_876 = arith.addi %max3A_867, %add3A_875 : vector<16xi32>
    %select_n3A_877 = arith.select %lt3A_873, %add3A_876, %max3A_867 : vector<16xi1>, vector<16xi32>
    %broadcast_in_dim3A_878 = vector.shape_cast %select_n3A_877 : vector<16xi32> to vector<16x1xi32>
    %gather3A_879 = vector.shape_cast %broadcast_in_dim3A_878 : vector<16x1xi32> to vector<16xi32>
    %gather3A_880 = tpu.dynamic_gather %get3A_855[%gather3A_879] in [0] : vector<16xi32>, vector<16xi32> -> vector<16xi32>
    %select_n3A_881 = arith.select %gt3A_870, %gather3A_880, %broadcast_in_dim3A_34 : vector<16xi1>, vector<16xi32>
    %add3A_882 = arith.addi %select_n3A_833, %select_n3A_881 : vector<16xi32>
    %sub3A_883 = arith.subi %sub3A_563, %add3A_882 : vector<16xi32>
    %shift_left3A = arith.constant 10 : i32
    %shift_left3A_884 = vector.broadcast %shift_left3A : i32 to vector<16xi32>
    %shift_left3A_885 = arith.shli %add3A_543, %shift_left3A_884 : vector<16xi32>
    %or3A = arith.ori %shift_left3A_885, %add3A_863 : vector<16xi32>
    %parallel_loop3A_886 = arith.constant 0 : i32
    %parallel_loop3A_887 = arith.constant 128 : i32
    %parallel_loop3A_888 = arith.constant 1 : i32
    scf.for %parallel_loop3A_2432 = %parallel_loop3A_886 to %parallel_loop3A_887 step %parallel_loop3A_888  : i32 {
      %parallel_loop3A_2433 = arith.constant 4 : i32
      %parallel_loop3A_2434 = arith.muli %parallel_loop3A_2432, %parallel_loop3A_2433 : i32
      %parallel_loop3A_2435 = arith.constant 0 : i32
      %parallel_loop3A_2436 = arith.addi %parallel_loop3A_2434, %parallel_loop3A_2435 : i32
      %parallel_loop3A_2437 = arith.constant 16 : i32
      %parallel_loop3A_2438 = arith.muli %parallel_loop3A_2436, %parallel_loop3A_2437 : i32
      %parallel_loop3A_2439 = arith.index_cast %parallel_loop3A_2438 : i32 to index
      %parallel_loop3A_2440 = tpu.vector_load %arg11[%parallel_loop3A_2439] {strides = array<i32>} : memref<8192xi32, #tpu.memory_space<vmem>>, vector<16xi32>,
      %parallel_loop3A_2441 = arith.constant 10 : i32
      %parallel_loop3A_2442 = vector.broadcast %parallel_loop3A_2441 : i32 to vector<16xi32>
      %parallel_loop3A_2443 = arith.shrui %parallel_loop3A_2440, %parallel_loop3A_2442 : vector<16xi32>
      %parallel_loop3A_2444 = arith.andi %parallel_loop3A_2440, %broadcast_in_dim3A_40 : vector<16xi32>
      %parallel_loop3A_2445 = arith.cmpi eq, %parallel_loop3A_2443, %or3A : vector<16xi32>
      tpu.vector_store_idx %arg12[%parallel_loop3A_2444], %broadcast_in_dim3A_36 masked %parallel_loop3A_2445 {add = true} : memref<1024xi32, #tpu.memory_space<vmem>>[vector<16xi32>], vector<16xi32>, vector<16xi1>
      %parallel_loop3A_2446 = arith.constant 4 : i32
      %parallel_loop3A_2447 = arith.muli %parallel_loop3A_2432, %parallel_loop3A_2446 : i32
      %parallel_loop3A_2448 = arith.constant 1 : i32
      %parallel_loop3A_2449 = arith.addi %parallel_loop3A_2447, %parallel_loop3A_2448 : i32
      %parallel_loop3A_2450 = arith.constant 16 : i32
      %parallel_loop3A_2451 = arith.muli %parallel_loop3A_2449, %parallel_loop3A_2450 : i32
      %parallel_loop3A_2452 = arith.index_cast %parallel_loop3A_2451 : i32 to index
      %parallel_loop3A_2453 = tpu.vector_load %arg11[%parallel_loop3A_2452] {strides = array<i32>} : memref<8192xi32, #tpu.memory_space<vmem>>, vector<16xi32>,
      %parallel_loop3A_2454 = arith.constant 10 : i32
      %parallel_loop3A_2455 = vector.broadcast %parallel_loop3A_2454 : i32 to vector<16xi32>
      %parallel_loop3A_2456 = arith.shrui %parallel_loop3A_2453, %parallel_loop3A_2455 : vector<16xi32>
      %parallel_loop3A_2457 = arith.andi %parallel_loop3A_2453, %broadcast_in_dim3A_40 : vector<16xi32>
      %parallel_loop3A_2458 = arith.cmpi eq, %parallel_loop3A_2456, %or3A : vector<16xi32>
      tpu.vector_store_idx %arg12[%parallel_loop3A_2457], %broadcast_in_dim3A_36 masked %parallel_loop3A_2458 {add = true} : memref<1024xi32, #tpu.memory_space<vmem>>[vector<16xi32>], vector<16xi32>, vector<16xi1>
      %parallel_loop3A_2459 = arith.constant 4 : i32
      %parallel_loop3A_2460 = arith.muli %parallel_loop3A_2432, %parallel_loop3A_2459 : i32
      %parallel_loop3A_2461 = arith.constant 2 : i32
      %parallel_loop3A_2462 = arith.addi %parallel_loop3A_2460, %parallel_loop3A_2461 : i32
      %parallel_loop3A_2463 = arith.constant 16 : i32
      %parallel_loop3A_2464 = arith.muli %parallel_loop3A_2462, %parallel_loop3A_2463 : i32
      %parallel_loop3A_2465 = arith.index_cast %parallel_loop3A_2464 : i32 to index
      %parallel_loop3A_2466 = tpu.vector_load %arg11[%parallel_loop3A_2465] {strides = array<i32>} : memref<8192xi32, #tpu.memory_space<vmem>>, vector<16xi32>,
      %parallel_loop3A_2467 = arith.constant 10 : i32
      %parallel_loop3A_2468 = vector.broadcast %parallel_loop3A_2467 : i32 to vector<16xi32>
      %parallel_loop3A_2469 = arith.shrui %parallel_loop3A_2466, %parallel_loop3A_2468 : vector<16xi32>
      %parallel_loop3A_2470 = arith.andi %parallel_loop3A_2466, %broadcast_in_dim3A_40 : vector<16xi32>
      %parallel_loop3A_2471 = arith.cmpi eq, %parallel_loop3A_2469, %or3A : vector<16xi32>
      tpu.vector_store_idx %arg12[%parallel_loop3A_2470], %broadcast_in_dim3A_36 masked %parallel_loop3A_2471 {add = true} : memref<1024xi32, #tpu.memory_space<vmem>>[vector<16xi32>], vector<16xi32>, vector<16xi1>
      %parallel_loop3A_2472 = arith.constant 4 : i32
      %parallel_loop3A_2473 = arith.muli %parallel_loop3A_2432, %parallel_loop3A_2472 : i32
      %parallel_loop3A_2474 = arith.constant 3 : i32
      %parallel_loop3A_2475 = arith.addi %parallel_loop3A_2473, %parallel_loop3A_2474 : i32
      %parallel_loop3A_2476 = arith.constant 16 : i32
      %parallel_loop3A_2477 = arith.muli %parallel_loop3A_2475, %parallel_loop3A_2476 : i32
      %parallel_loop3A_2478 = arith.index_cast %parallel_loop3A_2477 : i32 to index
      %parallel_loop3A_2479 = tpu.vector_load %arg11[%parallel_loop3A_2478] {strides = array<i32>} : memref<8192xi32, #tpu.memory_space<vmem>>, vector<16xi32>,
      %parallel_loop3A_2480 = arith.constant 10 : i32
      %parallel_loop3A_2481 = vector.broadcast %parallel_loop3A_2480 : i32 to vector<16xi32>
      %parallel_loop3A_2482 = arith.shrui %parallel_loop3A_2479, %parallel_loop3A_2481 : vector<16xi32>
      %parallel_loop3A_2483 = arith.andi %parallel_loop3A_2479, %broadcast_in_dim3A_40 : vector<16xi32>
      %parallel_loop3A_2484 = arith.cmpi eq, %parallel_loop3A_2482, %or3A : vector<16xi32>
      tpu.vector_store_idx %arg12[%parallel_loop3A_2483], %broadcast_in_dim3A_36 masked %parallel_loop3A_2484 {add = true} : memref<1024xi32, #tpu.memory_space<vmem>>[vector<16xi32>], vector<16xi32>, vector<16xi1>
    } {sc.loop_unroll_factor = 2 : i64, sc.parallel_access}
    %parallel_loop3A_889 = arith.constant 0 : i32
    %parallel_loop3A_890 = arith.constant 64 : i32
    %parallel_loop3A_891 = arith.constant 1 : i32
    scf.for %parallel_loop3A_2432 = %parallel_loop3A_889 to %parallel_loop3A_890 step %parallel_loop3A_891  : i32 {
      %parallel_loop3A_2433 = arith.constant 16 : i32
      %parallel_loop3A_2434 = arith.muli %parallel_loop3A_2432, %parallel_loop3A_2433 : i32
      %parallel_loop3A_2435 = arith.index_cast %parallel_loop3A_2434 : i32 to index
      %parallel_loop3A_2436 = tpu.vector_load %arg12[%parallel_loop3A_2435] {strides = array<i32>} : memref<1024xi32, #tpu.memory_space<vmem>>, vector<16xi32>,
      %parallel_loop3A_2437 = arith.constant 16 : i32
      %parallel_loop3A_2438 = arith.muli %parallel_loop3A_2432, %parallel_loop3A_2437 : i32
      %parallel_loop3A_2439 = arith.index_cast %parallel_loop3A_2438 : i32 to index
      %parallel_loop3A_2440 = tpu.vector_load %arg12[%parallel_loop3A_2439] {strides = array<i32>} : memref<1024xi32, #tpu.memory_space<vmem>>, vector<16xi32>,
      tpu.vector_store %arg12[%parallel_loop3A_2439], %broadcast_in_dim3A_34 {strides = array<i32>} : memref<1024xi32, #tpu.memory_space<vmem>>, vector<16xi32>,
      %parallel_loop3A_2441 = arith.constant true
      %parallel_loop3A_2442 = vector.broadcast %parallel_loop3A_2441 : i1 to vector<16xi1>
      %parallel_loop3A_2443 = tpu.scan <sum>, %parallel_loop3A_2436 masked %parallel_loop3A_2442 : vector<16xi32>, vector<16xi1> -> vector<16xi32>
      %parallel_loop3A_2444 = arith.constant 16 : i32
      %parallel_loop3A_2445 = arith.muli %parallel_loop3A_2432, %parallel_loop3A_2444 : i32
      %parallel_loop3A_2446 = arith.index_cast %parallel_loop3A_2445 : i32 to index
      %parallel_loop3A_2447 = tpu.vector_load %arg13[%parallel_loop3A_2446] {strides = array<i32>} : memref<1024xi32, #tpu.memory_space<vmem>>, vector<16xi32>,
      tpu.vector_store %arg13[%parallel_loop3A_2446], %parallel_loop3A_2443 {strides = array<i32>} : memref<1024xi32, #tpu.memory_space<vmem>>, vector<16xi32>,
    } {sc.loop_unroll_factor = 2 : i64, sc.parallel_access}
    %broadcast_in_dim3A_892 = arith.constant -1 : i32
    %broadcast_in_dim3A_893 = vector.broadcast %broadcast_in_dim3A_892 : i32 to vector<16xi32>
    %broadcast_in_dim3A_894 = arith.constant 0 : i32
    %broadcast_in_dim3A_895 = vector.broadcast %broadcast_in_dim3A_894 : i32 to vector<16xi32>
    %add3A_896 = arith.addi %broadcast_in_dim3A_895, %iota3A : vector<16xi32>
    %mul3A_897 = arith.constant 16 : i32
    %mul3A_898 = vector.broadcast %mul3A_897 : i32 to vector<16xi32>
    %mul3A_899 = arith.muli %add3A_896, %mul3A_898 : vector<16xi32>
    %add3A_900 = arith.constant 15 : i32
    %add3A_901 = vector.broadcast %add3A_900 : i32 to vector<16xi32>
    %add3A_902 = arith.addi %mul3A_899, %add3A_901 : vector<16xi32>
    %gather3A_903 = tpu.vector_load_idx %arg13[%add3A_902] : memref<1024xi32, #tpu.memory_space<vmem>>[vector<16xi32>], vector<16xi32>,
    %broadcast_in_dim3A_904 = arith.constant true
    %broadcast_in_dim3A_905 = vector.broadcast %broadcast_in_dim3A_904 : i1 to vector<16xi1>
    %masked_cumsum3A_906 = tpu.scan <sum>, %gather3A_903 masked %broadcast_in_dim3A_905 : vector<16xi32>, vector<16xi1> -> vector<16xi32>
    %add3A_907 = arith.addi %broadcast_in_dim3A_34, %masked_cumsum3A_906 : vector<16xi32>
    %ge3A_908 = arith.cmpi sge, %add3A_907, %sub3A_883 : vector<16xi32>
    %all_reduce_population_count3A_909 = tpu.all_reduce %ge3A_908 {dim = 0 : i64, kind = #tpu.reduction_kind<sum>} : vector<16xi1> -> vector<16xi32>
    %all_reduce_ffs3A_910 = tpu.all_reduce %ge3A_908 {dim = 0 : i64, kind = #tpu.reduction_kind<find_first_set>} : vector<16xi1> -> vector<16xi32>
    %min3A_911 = arith.minsi %all_reduce_ffs3A_910, %broadcast_in_dim3A_42 : vector<16xi32>
    %lt3A_912 = arith.constant 0 : i32
    %lt3A_913 = vector.broadcast %lt3A_912 : i32 to vector<16xi32>
    %lt3A_914 = arith.cmpi slt, %broadcast_in_dim3A_893, %lt3A_913 : vector<16xi32>
    %gt3A_915 = arith.constant 0 : i32
    %gt3A_916 = vector.broadcast %gt3A_915 : i32 to vector<16xi32>
    %gt3A_917 = arith.cmpi sgt, %all_reduce_population_count3A_909, %gt3A_916 : vector<16xi32>
    %select_n3A_918 = arith.select %gt3A_917, %broadcast_in_dim3A_36, %broadcast_in_dim3A_34 : vector<16xi1>, vector<16xi32>
    %select_n3A_919 = arith.select %lt3A_914, %select_n3A_918, %broadcast_in_dim3A_34 : vector<16xi1>, vector<16xi32>
    %broadcast_in_dim3A_920 = arith.constant 0 : i32
    %broadcast_in_dim3A_921 = vector.broadcast %broadcast_in_dim3A_920 : i32 to vector<16xi32>
    %gt3A_922 = arith.constant 0 : i32
    %gt3A_923 = vector.broadcast %gt3A_922 : i32 to vector<16xi32>
    %gt3A_924 = arith.cmpi sgt, %select_n3A_919, %gt3A_923 : vector<16xi32>
    %add3A_925 = arith.addi %broadcast_in_dim3A_921, %min3A_911 : vector<16xi32>
    %select_n3A_926 = arith.select %gt3A_924, %add3A_925, %broadcast_in_dim3A_893 : vector<16xi1>, vector<16xi32>
    %lt3A_927 = arith.constant 0 : i32
    %lt3A_928 = vector.broadcast %lt3A_927 : i32 to vector<16xi32>
    %lt3A_929 = arith.cmpi slt, %min3A_911, %lt3A_928 : vector<16xi32>
    %add3A_930 = arith.constant 16 : i32
    %add3A_931 = vector.broadcast %add3A_930 : i32 to vector<16xi32>
    %add3A_932 = arith.addi %min3A_911, %add3A_931 : vector<16xi32>
    %select_n3A_933 = arith.select %lt3A_929, %add3A_932, %min3A_911 : vector<16xi1>, vector<16xi32>
    %broadcast_in_dim3A_934 = vector.shape_cast %select_n3A_933 : vector<16xi32> to vector<16x1xi32>
    %gather3A_935 = vector.shape_cast %broadcast_in_dim3A_934 : vector<16x1xi32> to vector<16xi32>
    %gather3A_936 = tpu.dynamic_gather %add3A_907[%gather3A_935] in [0] : vector<16xi32>, vector<16xi32> -> vector<16xi32>
    %lt3A_937 = arith.constant 0 : i32
    %lt3A_938 = vector.broadcast %lt3A_937 : i32 to vector<16xi32>
    %lt3A_939 = arith.cmpi slt, %min3A_911, %lt3A_938 : vector<16xi32>
    %add3A_940 = arith.constant 16 : i32
    %add3A_941 = vector.broadcast %add3A_940 : i32 to vector<16xi32>
    %add3A_942 = arith.addi %min3A_911, %add3A_941 : vector<16xi32>
    %select_n3A_943 = arith.select %lt3A_939, %add3A_942, %min3A_911 : vector<16xi1>, vector<16xi32>
    %broadcast_in_dim3A_944 = vector.shape_cast %select_n3A_943 : vector<16xi32> to vector<16x1xi32>
    %gather3A_945 = vector.shape_cast %broadcast_in_dim3A_944 : vector<16x1xi32> to vector<16xi32>
    %gather3A_946 = tpu.dynamic_gather %gather3A_903[%gather3A_945] in [0] : vector<16xi32>, vector<16xi32> -> vector<16xi32>
    %gt3A_947 = arith.constant 0 : i32
    %gt3A_948 = vector.broadcast %gt3A_947 : i32 to vector<16xi32>
    %gt3A_949 = arith.cmpi sgt, %select_n3A_919, %gt3A_948 : vector<16xi32>
    %sub3A_950 = arith.subi %gather3A_936, %gather3A_946 : vector<16xi32>
    %select_n3A_951 = arith.select %gt3A_949, %sub3A_950, %broadcast_in_dim3A_34 : vector<16xi1>, vector<16xi32>
    %lt3A_952 = arith.constant 0 : i32
    %lt3A_953 = vector.broadcast %lt3A_952 : i32 to vector<16xi32>
    %lt3A_954 = arith.cmpi slt, %broadcast_in_dim3A_42, %lt3A_953 : vector<16xi32>
    %add3A_955 = arith.constant 16 : i32
    %add3A_956 = vector.broadcast %add3A_955 : i32 to vector<16xi32>
    %add3A_957 = arith.addi %broadcast_in_dim3A_42, %add3A_956 : vector<16xi32>
    %select_n3A_958 = arith.select %lt3A_954, %add3A_957, %broadcast_in_dim3A_42 : vector<16xi1>, vector<16xi32>
    %broadcast_in_dim3A_959 = vector.shape_cast %select_n3A_958 : vector<16xi32> to vector<16x1xi32>
    %gather3A_960 = vector.shape_cast %broadcast_in_dim3A_959 : vector<16x1xi32> to vector<16xi32>
    %gather3A_961 = tpu.dynamic_gather %add3A_907[%gather3A_960] in [0] : vector<16xi32>, vector<16xi32> -> vector<16xi32>
    %broadcast_in_dim3A_962 = arith.constant 16 : i32
    %broadcast_in_dim3A_963 = vector.broadcast %broadcast_in_dim3A_962 : i32 to vector<16xi32>
    %add3A_964 = arith.addi %broadcast_in_dim3A_963, %iota3A : vector<16xi32>
    %mul3A_965 = arith.constant 16 : i32
    %mul3A_966 = vector.broadcast %mul3A_965 : i32 to vector<16xi32>
    %mul3A_967 = arith.muli %add3A_964, %mul3A_966 : vector<16xi32>
    %add3A_968 = arith.constant 15 : i32
    %add3A_969 = vector.broadcast %add3A_968 : i32 to vector<16xi32>
    %add3A_970 = arith.addi %mul3A_967, %add3A_969 : vector<16xi32>
    %gather3A_971 = tpu.vector_load_idx %arg13[%add3A_970] : memref<1024xi32, #tpu.memory_space<vmem>>[vector<16xi32>], vector<16xi32>,
    %broadcast_in_dim3A_972 = arith.constant true
    %broadcast_in_dim3A_973 = vector.broadcast %broadcast_in_dim3A_972 : i1 to vector<16xi1>
    %masked_cumsum3A_974 = tpu.scan <sum>, %gather3A_971 masked %broadcast_in_dim3A_973 : vector<16xi32>, vector<16xi1> -> vector<16xi32>
    %add3A_975 = arith.addi %gather3A_961, %masked_cumsum3A_974 : vector<16xi32>
    %ge3A_976 = arith.cmpi sge, %add3A_975, %sub3A_883 : vector<16xi32>
    %all_reduce_population_count3A_977 = tpu.all_reduce %ge3A_976 {dim = 0 : i64, kind = #tpu.reduction_kind<sum>} : vector<16xi1> -> vector<16xi32>
    %all_reduce_ffs3A_978 = tpu.all_reduce %ge3A_976 {dim = 0 : i64, kind = #tpu.reduction_kind<find_first_set>} : vector<16xi1> -> vector<16xi32>
    %min3A_979 = arith.minsi %all_reduce_ffs3A_978, %broadcast_in_dim3A_42 : vector<16xi32>
    %lt3A_980 = arith.constant 0 : i32
    %lt3A_981 = vector.broadcast %lt3A_980 : i32 to vector<16xi32>
    %lt3A_982 = arith.cmpi slt, %select_n3A_926, %lt3A_981 : vector<16xi32>
    %gt3A_983 = arith.constant 0 : i32
    %gt3A_984 = vector.broadcast %gt3A_983 : i32 to vector<16xi32>
    %gt3A_985 = arith.cmpi sgt, %all_reduce_population_count3A_977, %gt3A_984 : vector<16xi32>
    %select_n3A_986 = arith.select %gt3A_985, %broadcast_in_dim3A_36, %broadcast_in_dim3A_34 : vector<16xi1>, vector<16xi32>
    %select_n3A_987 = arith.select %lt3A_982, %select_n3A_986, %broadcast_in_dim3A_34 : vector<16xi1>, vector<16xi32>
    %broadcast_in_dim3A_988 = arith.constant 16 : i32
    %broadcast_in_dim3A_989 = vector.broadcast %broadcast_in_dim3A_988 : i32 to vector<16xi32>
    %gt3A_990 = arith.constant 0 : i32
    %gt3A_991 = vector.broadcast %gt3A_990 : i32 to vector<16xi32>
    %gt3A_992 = arith.cmpi sgt, %select_n3A_987, %gt3A_991 : vector<16xi32>
    %add3A_993 = arith.addi %broadcast_in_dim3A_989, %min3A_979 : vector<16xi32>
    %select_n3A_994 = arith.select %gt3A_992, %add3A_993, %select_n3A_926 : vector<16xi1>, vector<16xi32>
    %lt3A_995 = arith.constant 0 : i32
    %lt3A_996 = vector.broadcast %lt3A_995 : i32 to vector<16xi32>
    %lt3A_997 = arith.cmpi slt, %min3A_979, %lt3A_996 : vector<16xi32>
    %add3A_998 = arith.constant 16 : i32
    %add3A_999 = vector.broadcast %add3A_998 : i32 to vector<16xi32>
    %add3A_1000 = arith.addi %min3A_979, %add3A_999 : vector<16xi32>
    %select_n3A_1001 = arith.select %lt3A_997, %add3A_1000, %min3A_979 : vector<16xi1>, vector<16xi32>
    %broadcast_in_dim3A_1002 = vector.shape_cast %select_n3A_1001 : vector<16xi32> to vector<16x1xi32>
    %gather3A_1003 = vector.shape_cast %broadcast_in_dim3A_1002 : vector<16x1xi32> to vector<16xi32>
    %gather3A_1004 = tpu.dynamic_gather %add3A_975[%gather3A_1003] in [0] : vector<16xi32>, vector<16xi32> -> vector<16xi32>
    %lt3A_1005 = arith.constant 0 : i32
    %lt3A_1006 = vector.broadcast %lt3A_1005 : i32 to vector<16xi32>
    %lt3A_1007 = arith.cmpi slt, %min3A_979, %lt3A_1006 : vector<16xi32>
    %add3A_1008 = arith.constant 16 : i32
    %add3A_1009 = vector.broadcast %add3A_1008 : i32 to vector<16xi32>
    %add3A_1010 = arith.addi %min3A_979, %add3A_1009 : vector<16xi32>
    %select_n3A_1011 = arith.select %lt3A_1007, %add3A_1010, %min3A_979 : vector<16xi1>, vector<16xi32>
    %broadcast_in_dim3A_1012 = vector.shape_cast %select_n3A_1011 : vector<16xi32> to vector<16x1xi32>
    %gather3A_1013 = vector.shape_cast %broadcast_in_dim3A_1012 : vector<16x1xi32> to vector<16xi32>
    %gather3A_1014 = tpu.dynamic_gather %gather3A_971[%gather3A_1013] in [0] : vector<16xi32>, vector<16xi32> -> vector<16xi32>
    %gt3A_1015 = arith.constant 0 : i32
    %gt3A_1016 = vector.broadcast %gt3A_1015 : i32 to vector<16xi32>
    %gt3A_1017 = arith.cmpi sgt, %select_n3A_987, %gt3A_1016 : vector<16xi32>
    %sub3A_1018 = arith.subi %gather3A_1004, %gather3A_1014 : vector<16xi32>
    %select_n3A_1019 = arith.select %gt3A_1017, %sub3A_1018, %select_n3A_951 : vector<16xi1>, vector<16xi32>
    %lt3A_1020 = arith.constant 0 : i32
    %lt3A_1021 = vector.broadcast %lt3A_1020 : i32 to vector<16xi32>
    %lt3A_1022 = arith.cmpi slt, %broadcast_in_dim3A_42, %lt3A_1021 : vector<16xi32>
    %add3A_1023 = arith.constant 16 : i32
    %add3A_1024 = vector.broadcast %add3A_1023 : i32 to vector<16xi32>
    %add3A_1025 = arith.addi %broadcast_in_dim3A_42, %add3A_1024 : vector<16xi32>
    %select_n3A_1026 = arith.select %lt3A_1022, %add3A_1025, %broadcast_in_dim3A_42 : vector<16xi1>, vector<16xi32>
    %broadcast_in_dim3A_1027 = vector.shape_cast %select_n3A_1026 : vector<16xi32> to vector<16x1xi32>
    %gather3A_1028 = vector.shape_cast %broadcast_in_dim3A_1027 : vector<16x1xi32> to vector<16xi32>
    %gather3A_1029 = tpu.dynamic_gather %add3A_975[%gather3A_1028] in [0] : vector<16xi32>, vector<16xi32> -> vector<16xi32>
    %broadcast_in_dim3A_1030 = arith.constant 32 : i32
    %broadcast_in_dim3A_1031 = vector.broadcast %broadcast_in_dim3A_1030 : i32 to vector<16xi32>
    %add3A_1032 = arith.addi %broadcast_in_dim3A_1031, %iota3A : vector<16xi32>
    %mul3A_1033 = arith.constant 16 : i32
    %mul3A_1034 = vector.broadcast %mul3A_1033 : i32 to vector<16xi32>
    %mul3A_1035 = arith.muli %add3A_1032, %mul3A_1034 : vector<16xi32>
    %add3A_1036 = arith.constant 15 : i32
    %add3A_1037 = vector.broadcast %add3A_1036 : i32 to vector<16xi32>
    %add3A_1038 = arith.addi %mul3A_1035, %add3A_1037 : vector<16xi32>
    %gather3A_1039 = tpu.vector_load_idx %arg13[%add3A_1038] : memref<1024xi32, #tpu.memory_space<vmem>>[vector<16xi32>], vector<16xi32>,
    %broadcast_in_dim3A_1040 = arith.constant true
    %broadcast_in_dim3A_1041 = vector.broadcast %broadcast_in_dim3A_1040 : i1 to vector<16xi1>
    %masked_cumsum3A_1042 = tpu.scan <sum>, %gather3A_1039 masked %broadcast_in_dim3A_1041 : vector<16xi32>, vector<16xi1> -> vector<16xi32>
    %add3A_1043 = arith.addi %gather3A_1029, %masked_cumsum3A_1042 : vector<16xi32>
    %ge3A_1044 = arith.cmpi sge, %add3A_1043, %sub3A_883 : vector<16xi32>
    %all_reduce_population_count3A_1045 = tpu.all_reduce %ge3A_1044 {dim = 0 : i64, kind = #tpu.reduction_kind<sum>} : vector<16xi1> -> vector<16xi32>
    %all_reduce_ffs3A_1046 = tpu.all_reduce %ge3A_1044 {dim = 0 : i64, kind = #tpu.reduction_kind<find_first_set>} : vector<16xi1> -> vector<16xi32>
    %min3A_1047 = arith.minsi %all_reduce_ffs3A_1046, %broadcast_in_dim3A_42 : vector<16xi32>
    %lt3A_1048 = arith.constant 0 : i32
    %lt3A_1049 = vector.broadcast %lt3A_1048 : i32 to vector<16xi32>
    %lt3A_1050 = arith.cmpi slt, %select_n3A_994, %lt3A_1049 : vector<16xi32>
    %gt3A_1051 = arith.constant 0 : i32
    %gt3A_1052 = vector.broadcast %gt3A_1051 : i32 to vector<16xi32>
    %gt3A_1053 = arith.cmpi sgt, %all_reduce_population_count3A_1045, %gt3A_1052 : vector<16xi32>
    %select_n3A_1054 = arith.select %gt3A_1053, %broadcast_in_dim3A_36, %broadcast_in_dim3A_34 : vector<16xi1>, vector<16xi32>
    %select_n3A_1055 = arith.select %lt3A_1050, %select_n3A_1054, %broadcast_in_dim3A_34 : vector<16xi1>, vector<16xi32>
    %broadcast_in_dim3A_1056 = arith.constant 32 : i32
    %broadcast_in_dim3A_1057 = vector.broadcast %broadcast_in_dim3A_1056 : i32 to vector<16xi32>
    %gt3A_1058 = arith.constant 0 : i32
    %gt3A_1059 = vector.broadcast %gt3A_1058 : i32 to vector<16xi32>
    %gt3A_1060 = arith.cmpi sgt, %select_n3A_1055, %gt3A_1059 : vector<16xi32>
    %add3A_1061 = arith.addi %broadcast_in_dim3A_1057, %min3A_1047 : vector<16xi32>
    %select_n3A_1062 = arith.select %gt3A_1060, %add3A_1061, %select_n3A_994 : vector<16xi1>, vector<16xi32>
    %lt3A_1063 = arith.constant 0 : i32
    %lt3A_1064 = vector.broadcast %lt3A_1063 : i32 to vector<16xi32>
    %lt3A_1065 = arith.cmpi slt, %min3A_1047, %lt3A_1064 : vector<16xi32>
    %add3A_1066 = arith.constant 16 : i32
    %add3A_1067 = vector.broadcast %add3A_1066 : i32 to vector<16xi32>
    %add3A_1068 = arith.addi %min3A_1047, %add3A_1067 : vector<16xi32>
    %select_n3A_1069 = arith.select %lt3A_1065, %add3A_1068, %min3A_1047 : vector<16xi1>, vector<16xi32>
    %broadcast_in_dim3A_1070 = vector.shape_cast %select_n3A_1069 : vector<16xi32> to vector<16x1xi32>
    %gather3A_1071 = vector.shape_cast %broadcast_in_dim3A_1070 : vector<16x1xi32> to vector<16xi32>
    %gather3A_1072 = tpu.dynamic_gather %add3A_1043[%gather3A_1071] in [0] : vector<16xi32>, vector<16xi32> -> vector<16xi32>
    %lt3A_1073 = arith.constant 0 : i32
    %lt3A_1074 = vector.broadcast %lt3A_1073 : i32 to vector<16xi32>
    %lt3A_1075 = arith.cmpi slt, %min3A_1047, %lt3A_1074 : vector<16xi32>
    %add3A_1076 = arith.constant 16 : i32
    %add3A_1077 = vector.broadcast %add3A_1076 : i32 to vector<16xi32>
    %add3A_1078 = arith.addi %min3A_1047, %add3A_1077 : vector<16xi32>
    %select_n3A_1079 = arith.select %lt3A_1075, %add3A_1078, %min3A_1047 : vector<16xi1>, vector<16xi32>
    %broadcast_in_dim3A_1080 = vector.shape_cast %select_n3A_1079 : vector<16xi32> to vector<16x1xi32>
    %gather3A_1081 = vector.shape_cast %broadcast_in_dim3A_1080 : vector<16x1xi32> to vector<16xi32>
    %gather3A_1082 = tpu.dynamic_gather %gather3A_1039[%gather3A_1081] in [0] : vector<16xi32>, vector<16xi32> -> vector<16xi32>
    %gt3A_1083 = arith.constant 0 : i32
    %gt3A_1084 = vector.broadcast %gt3A_1083 : i32 to vector<16xi32>
    %gt3A_1085 = arith.cmpi sgt, %select_n3A_1055, %gt3A_1084 : vector<16xi32>
    %sub3A_1086 = arith.subi %gather3A_1072, %gather3A_1082 : vector<16xi32>
    %select_n3A_1087 = arith.select %gt3A_1085, %sub3A_1086, %select_n3A_1019 : vector<16xi1>, vector<16xi32>
    %lt3A_1088 = arith.constant 0 : i32
    %lt3A_1089 = vector.broadcast %lt3A_1088 : i32 to vector<16xi32>
    %lt3A_1090 = arith.cmpi slt, %broadcast_in_dim3A_42, %lt3A_1089 : vector<16xi32>
    %add3A_1091 = arith.constant 16 : i32
    %add3A_1092 = vector.broadcast %add3A_1091 : i32 to vector<16xi32>
    %add3A_1093 = arith.addi %broadcast_in_dim3A_42, %add3A_1092 : vector<16xi32>
    %select_n3A_1094 = arith.select %lt3A_1090, %add3A_1093, %broadcast_in_dim3A_42 : vector<16xi1>, vector<16xi32>
    %broadcast_in_dim3A_1095 = vector.shape_cast %select_n3A_1094 : vector<16xi32> to vector<16x1xi32>
    %gather3A_1096 = vector.shape_cast %broadcast_in_dim3A_1095 : vector<16x1xi32> to vector<16xi32>
    %gather3A_1097 = tpu.dynamic_gather %add3A_1043[%gather3A_1096] in [0] : vector<16xi32>, vector<16xi32> -> vector<16xi32>
    %broadcast_in_dim3A_1098 = arith.constant 48 : i32
    %broadcast_in_dim3A_1099 = vector.broadcast %broadcast_in_dim3A_1098 : i32 to vector<16xi32>
    %add3A_1100 = arith.addi %broadcast_in_dim3A_1099, %iota3A : vector<16xi32>
    %mul3A_1101 = arith.constant 16 : i32
    %mul3A_1102 = vector.broadcast %mul3A_1101 : i32 to vector<16xi32>
    %mul3A_1103 = arith.muli %add3A_1100, %mul3A_1102 : vector<16xi32>
    %add3A_1104 = arith.constant 15 : i32
    %add3A_1105 = vector.broadcast %add3A_1104 : i32 to vector<16xi32>
    %add3A_1106 = arith.addi %mul3A_1103, %add3A_1105 : vector<16xi32>
    %gather3A_1107 = tpu.vector_load_idx %arg13[%add3A_1106] : memref<1024xi32, #tpu.memory_space<vmem>>[vector<16xi32>], vector<16xi32>,
    %broadcast_in_dim3A_1108 = arith.constant true
    %broadcast_in_dim3A_1109 = vector.broadcast %broadcast_in_dim3A_1108 : i1 to vector<16xi1>
    %masked_cumsum3A_1110 = tpu.scan <sum>, %gather3A_1107 masked %broadcast_in_dim3A_1109 : vector<16xi32>, vector<16xi1> -> vector<16xi32>
    %add3A_1111 = arith.addi %gather3A_1097, %masked_cumsum3A_1110 : vector<16xi32>
    %ge3A_1112 = arith.cmpi sge, %add3A_1111, %sub3A_883 : vector<16xi32>
    %all_reduce_population_count3A_1113 = tpu.all_reduce %ge3A_1112 {dim = 0 : i64, kind = #tpu.reduction_kind<sum>} : vector<16xi1> -> vector<16xi32>
    %all_reduce_ffs3A_1114 = tpu.all_reduce %ge3A_1112 {dim = 0 : i64, kind = #tpu.reduction_kind<find_first_set>} : vector<16xi1> -> vector<16xi32>
    %min3A_1115 = arith.minsi %all_reduce_ffs3A_1114, %broadcast_in_dim3A_42 : vector<16xi32>
    %lt3A_1116 = arith.constant 0 : i32
    %lt3A_1117 = vector.broadcast %lt3A_1116 : i32 to vector<16xi32>
    %lt3A_1118 = arith.cmpi slt, %select_n3A_1062, %lt3A_1117 : vector<16xi32>
    %gt3A_1119 = arith.constant 0 : i32
    %gt3A_1120 = vector.broadcast %gt3A_1119 : i32 to vector<16xi32>
    %gt3A_1121 = arith.cmpi sgt, %all_reduce_population_count3A_1113, %gt3A_1120 : vector<16xi32>
    %select_n3A_1122 = arith.select %gt3A_1121, %broadcast_in_dim3A_36, %broadcast_in_dim3A_34 : vector<16xi1>, vector<16xi32>
    %select_n3A_1123 = arith.select %lt3A_1118, %select_n3A_1122, %broadcast_in_dim3A_34 : vector<16xi1>, vector<16xi32>
    %broadcast_in_dim3A_1124 = arith.constant 48 : i32
    %broadcast_in_dim3A_1125 = vector.broadcast %broadcast_in_dim3A_1124 : i32 to vector<16xi32>
    %gt3A_1126 = arith.constant 0 : i32
    %gt3A_1127 = vector.broadcast %gt3A_1126 : i32 to vector<16xi32>
    %gt3A_1128 = arith.cmpi sgt, %select_n3A_1123, %gt3A_1127 : vector<16xi32>
    %add3A_1129 = arith.addi %broadcast_in_dim3A_1125, %min3A_1115 : vector<16xi32>
    %select_n3A_1130 = arith.select %gt3A_1128, %add3A_1129, %select_n3A_1062 : vector<16xi1>, vector<16xi32>
    %lt3A_1131 = arith.constant 0 : i32
    %lt3A_1132 = vector.broadcast %lt3A_1131 : i32 to vector<16xi32>
    %lt3A_1133 = arith.cmpi slt, %min3A_1115, %lt3A_1132 : vector<16xi32>
    %add3A_1134 = arith.constant 16 : i32
    %add3A_1135 = vector.broadcast %add3A_1134 : i32 to vector<16xi32>
    %add3A_1136 = arith.addi %min3A_1115, %add3A_1135 : vector<16xi32>
    %select_n3A_1137 = arith.select %lt3A_1133, %add3A_1136, %min3A_1115 : vector<16xi1>, vector<16xi32>
    %broadcast_in_dim3A_1138 = vector.shape_cast %select_n3A_1137 : vector<16xi32> to vector<16x1xi32>
    %gather3A_1139 = vector.shape_cast %broadcast_in_dim3A_1138 : vector<16x1xi32> to vector<16xi32>
    %gather3A_1140 = tpu.dynamic_gather %add3A_1111[%gather3A_1139] in [0] : vector<16xi32>, vector<16xi32> -> vector<16xi32>
    %lt3A_1141 = arith.constant 0 : i32
    %lt3A_1142 = vector.broadcast %lt3A_1141 : i32 to vector<16xi32>
    %lt3A_1143 = arith.cmpi slt, %min3A_1115, %lt3A_1142 : vector<16xi32>
    %add3A_1144 = arith.constant 16 : i32
    %add3A_1145 = vector.broadcast %add3A_1144 : i32 to vector<16xi32>
    %add3A_1146 = arith.addi %min3A_1115, %add3A_1145 : vector<16xi32>
    %select_n3A_1147 = arith.select %lt3A_1143, %add3A_1146, %min3A_1115 : vector<16xi1>, vector<16xi32>
    %broadcast_in_dim3A_1148 = vector.shape_cast %select_n3A_1147 : vector<16xi32> to vector<16x1xi32>
    %gather3A_1149 = vector.shape_cast %broadcast_in_dim3A_1148 : vector<16x1xi32> to vector<16xi32>
    %gather3A_1150 = tpu.dynamic_gather %gather3A_1107[%gather3A_1149] in [0] : vector<16xi32>, vector<16xi32> -> vector<16xi32>
    %gt3A_1151 = arith.constant 0 : i32
    %gt3A_1152 = vector.broadcast %gt3A_1151 : i32 to vector<16xi32>
    %gt3A_1153 = arith.cmpi sgt, %select_n3A_1123, %gt3A_1152 : vector<16xi32>
    %sub3A_1154 = arith.subi %gather3A_1140, %gather3A_1150 : vector<16xi32>
    %select_n3A_1155 = arith.select %gt3A_1153, %sub3A_1154, %select_n3A_1087 : vector<16xi1>, vector<16xi32>
    %lt3A_1156 = arith.constant 0 : i32
    %lt3A_1157 = vector.broadcast %lt3A_1156 : i32 to vector<16xi32>
    %lt3A_1158 = arith.cmpi slt, %broadcast_in_dim3A_42, %lt3A_1157 : vector<16xi32>
    %add3A_1159 = arith.constant 16 : i32
    %add3A_1160 = vector.broadcast %add3A_1159 : i32 to vector<16xi32>
    %add3A_1161 = arith.addi %broadcast_in_dim3A_42, %add3A_1160 : vector<16xi32>
    %select_n3A_1162 = arith.select %lt3A_1158, %add3A_1161, %broadcast_in_dim3A_42 : vector<16xi1>, vector<16xi32>
    %broadcast_in_dim3A_1163 = vector.shape_cast %select_n3A_1162 : vector<16xi32> to vector<16x1xi32>
    %gather3A_1164 = vector.shape_cast %broadcast_in_dim3A_1163 : vector<16x1xi32> to vector<16xi32>
    %gather3A_1165 = tpu.dynamic_gather %add3A_1111[%gather3A_1164] in [0] : vector<16xi32>, vector<16xi32> -> vector<16xi32>
    %reduce_max3A_1166 = arith.constant true
    %reduce_max3A_1167 = vector.broadcast %reduce_max3A_1166 : i1 to vector<16xi1>
    %reduce_max3A_1168 = arith.constant -2147483648 : i32
    %reduce_max3A_1169 = vector.broadcast %reduce_max3A_1168 : i32 to vector<16xi32>
    %reduce_max3A_1170 = arith.xori %select_n3A_1130, %reduce_max3A_1169 : vector<16xi32>
    %reduce_max3A_1171 = tpu.scan <max>, %reduce_max3A_1170 masked %reduce_max3A_1167 : vector<16xi32>, vector<16xi1> -> vector<16xi32>
    %reduce_max3A_1172 = arith.xori %reduce_max3A_1171, %reduce_max3A_1169 : vector<16xi32>
    %reduce_max3A_1173 = vector.extract %reduce_max3A_1172[15] : i32 from vector<16xi32>
    %mul3A_1174 = arith.constant 16 : i32
    %mul3A_1175 = arith.muli %reduce_max3A_1173, %mul3A_1174 : i32
    %get3A_1176 = arith.index_cast %mul3A_1175 : i32 to index
    %get3A_1177 = tpu.vector_load %arg13[%get3A_1176] {strides = array<i32>} : memref<1024xi32, #tpu.memory_space<vmem>>, vector<16xi32>,
    %add3A_1178 = arith.addi %select_n3A_1155, %get3A_1177 : vector<16xi32>
    %ge3A_1179 = arith.cmpi sge, %add3A_1178, %sub3A_883 : vector<16xi32>
    %all_reduce_ffs3A_1180 = tpu.all_reduce %ge3A_1179 {dim = 0 : i64, kind = #tpu.reduction_kind<find_first_set>} : vector<16xi1> -> vector<16xi32>
    %min3A_1181 = arith.minsi %all_reduce_ffs3A_1180, %broadcast_in_dim3A_42 : vector<16xi32>
    %mul3A_1182 = arith.constant 16 : i32
    %mul3A_1183 = vector.broadcast %mul3A_1182 : i32 to vector<16xi32>
    %mul3A_1184 = arith.muli %select_n3A_1130, %mul3A_1183 : vector<16xi32>
    %add3A_1185 = arith.addi %mul3A_1184, %min3A_1181 : vector<16xi32>
    %sub3A_1186 = arith.constant 1 : i32
    %sub3A_1187 = vector.broadcast %sub3A_1186 : i32 to vector<16xi32>
    %sub3A_1188 = arith.subi %min3A_1181, %sub3A_1187 : vector<16xi32>
    %max3A_1189 = arith.maxsi %sub3A_1188, %broadcast_in_dim3A_34 : vector<16xi32>
    %gt3A_1190 = arith.constant 0 : i32
    %gt3A_1191 = vector.broadcast %gt3A_1190 : i32 to vector<16xi32>
    %gt3A_1192 = arith.cmpi sgt, %min3A_1181, %gt3A_1191 : vector<16xi32>
    %lt3A_1193 = arith.constant 0 : i32
    %lt3A_1194 = vector.broadcast %lt3A_1193 : i32 to vector<16xi32>
    %lt3A_1195 = arith.cmpi slt, %max3A_1189, %lt3A_1194 : vector<16xi32>
    %add3A_1196 = arith.constant 16 : i32
    %add3A_1197 = vector.broadcast %add3A_1196 : i32 to vector<16xi32>
    %add3A_1198 = arith.addi %max3A_1189, %add3A_1197 : vector<16xi32>
    %select_n3A_1199 = arith.select %lt3A_1195, %add3A_1198, %max3A_1189 : vector<16xi1>, vector<16xi32>
    %broadcast_in_dim3A_1200 = vector.shape_cast %select_n3A_1199 : vector<16xi32> to vector<16x1xi32>
    %gather3A_1201 = vector.shape_cast %broadcast_in_dim3A_1200 : vector<16x1xi32> to vector<16xi32>
    %gather3A_1202 = tpu.dynamic_gather %get3A_1177[%gather3A_1201] in [0] : vector<16xi32>, vector<16xi32> -> vector<16xi32>
    %select_n3A_1203 = arith.select %gt3A_1192, %gather3A_1202, %broadcast_in_dim3A_34 : vector<16xi1>, vector<16xi32>
    %add3A_1204 = arith.addi %select_n3A_1155, %select_n3A_1203 : vector<16xi32>
    %shift_left3A_1205 = arith.constant 10 : i32
    %shift_left3A_1206 = vector.broadcast %shift_left3A_1205 : i32 to vector<16xi32>
    %shift_left3A_1207 = arith.shli %or3A, %shift_left3A_1206 : vector<16xi32>
    %or3A_1208 = arith.ori %shift_left3A_1207, %add3A_1185 : vector<16xi32>
    %bitcast_convert_type3A = tpu.bitcast %max3A_254 : vector<16xi32> -> vector<16xf32>
    %broadcast_in_dim3A_1209 = arith.constant 1.000000e+00 : f32
    %broadcast_in_dim3A_1210 = vector.broadcast %broadcast_in_dim3A_1209 : f32 to vector<16xf32>
    %add3A_1211 = arith.constant 9.99999993E-9 : f32
    %add3A_1212 = vector.broadcast %add3A_1211 : f32 to vector<16xf32>
    %add3A_1213 = arith.addf %bitcast_convert_type3A, %add3A_1212 : vector<16xf32>
    %div3A_1214 = arith.divf %broadcast_in_dim3A_1210, %add3A_1213 : vector<16xf32>
    %parallel_loop3A_1215 = arith.constant 0 : i32
    %parallel_loop3A_1216 = arith.constant 128 : i32
    %parallel_loop3A_1217 = arith.constant 1 : i32
    scf.for %parallel_loop3A_2432 = %parallel_loop3A_1215 to %parallel_loop3A_1216 step %parallel_loop3A_1217  : i32 {
      %parallel_loop3A_2433 = arith.constant 4 : i32
      %parallel_loop3A_2434 = arith.muli %parallel_loop3A_2432, %parallel_loop3A_2433 : i32
      %parallel_loop3A_2435 = arith.constant 0 : i32
      %parallel_loop3A_2436 = arith.addi %parallel_loop3A_2434, %parallel_loop3A_2435 : i32
      %parallel_loop3A_2437 = arith.constant 16 : i32
      %parallel_loop3A_2438 = arith.muli %parallel_loop3A_2436, %parallel_loop3A_2437 : i32
      %parallel_loop3A_2439 = arith.index_cast %parallel_loop3A_2438 : i32 to index
      %parallel_loop3A_2440 = tpu.vector_load %arg11[%parallel_loop3A_2439] {strides = array<i32>} : memref<8192xi32, #tpu.memory_space<vmem>>, vector<16xi32>,
      %parallel_loop3A_2441 = tpu.bitcast %parallel_loop3A_2440 : vector<16xi32> -> vector<16xf32>
      %parallel_loop3A_2442 = arith.cmpi sgt, %parallel_loop3A_2440, %or3A_1208 : vector<16xi32>
      %parallel_loop3A_2443 = arith.mulf %parallel_loop3A_2441, %div3A_1214 : vector<16xf32>
      %parallel_loop3A_2444 = arith.select %parallel_loop3A_2442, %parallel_loop3A_2443, %broadcast_in_dim3A_44 : vector<16xi1>, vector<16xf32>
      %parallel_loop3A_2445 = arith.constant 4 : i32
      %parallel_loop3A_2446 = arith.muli %parallel_loop3A_2432, %parallel_loop3A_2445 : i32
      %parallel_loop3A_2447 = arith.constant 0 : i32
      %parallel_loop3A_2448 = arith.addi %parallel_loop3A_2446, %parallel_loop3A_2447 : i32
      %parallel_loop3A_2449 = arith.constant 16 : i32
      %parallel_loop3A_2450 = arith.muli %parallel_loop3A_2448, %parallel_loop3A_2449 : i32
      %parallel_loop3A_2451 = arith.index_cast %parallel_loop3A_2450 : i32 to index
      %parallel_loop3A_2452 = tpu.vector_load %arg7[%parallel_loop3A_2451] {strides = array<i32>} : memref<8192xf32, #tpu.memory_space<vmem>>, vector<16xf32>,
      tpu.vector_store %arg7[%parallel_loop3A_2451], %parallel_loop3A_2444 {strides = array<i32>} : memref<8192xf32, #tpu.memory_space<vmem>>, vector<16xf32>,
      %parallel_loop3A_2453 = arith.constant 4 : i32
      %parallel_loop3A_2454 = arith.muli %parallel_loop3A_2432, %parallel_loop3A_2453 : i32
      %parallel_loop3A_2455 = arith.constant 1 : i32
      %parallel_loop3A_2456 = arith.addi %parallel_loop3A_2454, %parallel_loop3A_2455 : i32
      %parallel_loop3A_2457 = arith.constant 16 : i32
      %parallel_loop3A_2458 = arith.muli %parallel_loop3A_2456, %parallel_loop3A_2457 : i32
      %parallel_loop3A_2459 = arith.index_cast %parallel_loop3A_2458 : i32 to index
      %parallel_loop3A_2460 = tpu.vector_load %arg11[%parallel_loop3A_2459] {strides = array<i32>} : memref<8192xi32, #tpu.memory_space<vmem>>, vector<16xi32>,
      %parallel_loop3A_2461 = tpu.bitcast %parallel_loop3A_2460 : vector<16xi32> -> vector<16xf32>
      %parallel_loop3A_2462 = arith.cmpi sgt, %parallel_loop3A_2460, %or3A_1208 : vector<16xi32>
      %parallel_loop3A_2463 = arith.mulf %parallel_loop3A_2461, %div3A_1214 : vector<16xf32>
      %parallel_loop3A_2464 = arith.select %parallel_loop3A_2462, %parallel_loop3A_2463, %broadcast_in_dim3A_44 : vector<16xi1>, vector<16xf32>
      %parallel_loop3A_2465 = arith.constant 4 : i32
      %parallel_loop3A_2466 = arith.muli %parallel_loop3A_2432, %parallel_loop3A_2465 : i32
      %parallel_loop3A_2467 = arith.constant 1 : i32
      %parallel_loop3A_2468 = arith.addi %parallel_loop3A_2466, %parallel_loop3A_2467 : i32
      %parallel_loop3A_2469 = arith.constant 16 : i32
      %parallel_loop3A_2470 = arith.muli %parallel_loop3A_2468, %parallel_loop3A_2469 : i32
      %parallel_loop3A_2471 = arith.index_cast %parallel_loop3A_2470 : i32 to index
      %parallel_loop3A_2472 = tpu.vector_load %arg7[%parallel_loop3A_2471] {strides = array<i32>} : memref<8192xf32, #tpu.memory_space<vmem>>, vector<16xf32>,
      tpu.vector_store %arg7[%parallel_loop3A_2471], %parallel_loop3A_2464 {strides = array<i32>} : memref<8192xf32, #tpu.memory_space<vmem>>, vector<16xf32>,
      %parallel_loop3A_2473 = arith.constant 4 : i32
      %parallel_loop3A_2474 = arith.muli %parallel_loop3A_2432, %parallel_loop3A_2473 : i32
      %parallel_loop3A_2475 = arith.constant 2 : i32
      %parallel_loop3A_2476 = arith.addi %parallel_loop3A_2474, %parallel_loop3A_2475 : i32
      %parallel_loop3A_2477 = arith.constant 16 : i32
      %parallel_loop3A_2478 = arith.muli %parallel_loop3A_2476, %parallel_loop3A_2477 : i32
      %parallel_loop3A_2479 = arith.index_cast %parallel_loop3A_2478 : i32 to index
      %parallel_loop3A_2480 = tpu.vector_load %arg11[%parallel_loop3A_2479] {strides = array<i32>} : memref<8192xi32, #tpu.memory_space<vmem>>, vector<16xi32>,
      %parallel_loop3A_2481 = tpu.bitcast %parallel_loop3A_2480 : vector<16xi32> -> vector<16xf32>
      %parallel_loop3A_2482 = arith.cmpi sgt, %parallel_loop3A_2480, %or3A_1208 : vector<16xi32>
      %parallel_loop3A_2483 = arith.mulf %parallel_loop3A_2481, %div3A_1214 : vector<16xf32>
      %parallel_loop3A_2484 = arith.select %parallel_loop3A_2482, %parallel_loop3A_2483, %broadcast_in_dim3A_44 : vector<16xi1>, vector<16xf32>
      %parallel_loop3A_2485 = arith.constant 4 : i32
      %parallel_loop3A_2486 = arith.muli %parallel_loop3A_2432, %parallel_loop3A_2485 : i32
      %parallel_loop3A_2487 = arith.constant 2 : i32
      %parallel_loop3A_2488 = arith.addi %parallel_loop3A_2486, %parallel_loop3A_2487 : i32
      %parallel_loop3A_2489 = arith.constant 16 : i32
      %parallel_loop3A_2490 = arith.muli %parallel_loop3A_2488, %parallel_loop3A_2489 : i32
      %parallel_loop3A_2491 = arith.index_cast %parallel_loop3A_2490 : i32 to index
      %parallel_loop3A_2492 = tpu.vector_load %arg7[%parallel_loop3A_2491] {strides = array<i32>} : memref<8192xf32, #tpu.memory_space<vmem>>, vector<16xf32>,
      tpu.vector_store %arg7[%parallel_loop3A_2491], %parallel_loop3A_2484 {strides = array<i32>} : memref<8192xf32, #tpu.memory_space<vmem>>, vector<16xf32>,
      %parallel_loop3A_2493 = arith.constant 4 : i32
      %parallel_loop3A_2494 = arith.muli %parallel_loop3A_2432, %parallel_loop3A_2493 : i32
      %parallel_loop3A_2495 = arith.constant 3 : i32
      %parallel_loop3A_2496 = arith.addi %parallel_loop3A_2494, %parallel_loop3A_2495 : i32
      %parallel_loop3A_2497 = arith.constant 16 : i32
      %parallel_loop3A_2498 = arith.muli %parallel_loop3A_2496, %parallel_loop3A_2497 : i32
      %parallel_loop3A_2499 = arith.index_cast %parallel_loop3A_2498 : i32 to index
      %parallel_loop3A_2500 = tpu.vector_load %arg11[%parallel_loop3A_2499] {strides = array<i32>} : memref<8192xi32, #tpu.memory_space<vmem>>, vector<16xi32>,
      %parallel_loop3A_2501 = tpu.bitcast %parallel_loop3A_2500 : vector<16xi32> -> vector<16xf32>
      %parallel_loop3A_2502 = arith.cmpi sgt, %parallel_loop3A_2500, %or3A_1208 : vector<16xi32>
      %parallel_loop3A_2503 = arith.mulf %parallel_loop3A_2501, %div3A_1214 : vector<16xf32>
      %parallel_loop3A_2504 = arith.select %parallel_loop3A_2502, %parallel_loop3A_2503, %broadcast_in_dim3A_44 : vector<16xi1>, vector<16xf32>
      %parallel_loop3A_2505 = arith.constant 4 : i32
      %parallel_loop3A_2506 = arith.muli %parallel_loop3A_2432, %parallel_loop3A_2505 : i32
      %parallel_loop3A_2507 = arith.constant 3 : i32
      %parallel_loop3A_2508 = arith.addi %parallel_loop3A_2506, %parallel_loop3A_2507 : i32
      %parallel_loop3A_2509 = arith.constant 16 : i32
      %parallel_loop3A_2510 = arith.muli %parallel_loop3A_2508, %parallel_loop3A_2509 : i32
      %parallel_loop3A_2511 = arith.index_cast %parallel_loop3A_2510 : i32 to index
      %parallel_loop3A_2512 = tpu.vector_load %arg7[%parallel_loop3A_2511] {strides = array<i32>} : memref<8192xf32, #tpu.memory_space<vmem>>, vector<16xf32>,
      tpu.vector_store %arg7[%parallel_loop3A_2511], %parallel_loop3A_2504 {strides = array<i32>} : memref<8192xf32, #tpu.memory_space<vmem>>, vector<16xf32>,
    } {sc.loop_unroll_factor = 2 : i64, sc.parallel_access}
    %dma_start3A_1218 = arith.constant 0 : i32
    %dma_start3A_1219 = tpu.memref_slice %arg6[%add3A_46, %dma_start3A_1218] : memref<64x8192xf32, #tpu.memory_space<hbm>> -> memref<1x8192xf32, #tpu.memory_space<hbm>>
    %dma_start3A_1220 = tpu.memref_squeeze %dma_start3A_1219 : memref<1x8192xf32, #tpu.memory_space<hbm>> -> memref<8192xf32, #tpu.memory_space<hbm>>
    %dma_start3A_1221 = arith.constant 0 : i32
    %dma_start3A_1222 = tpu.memref_slice %arg6[%add3A_46, %dma_start3A_1221] : memref<64x8192xf32, #tpu.memory_space<hbm>> -> memref<1x8192xf32, #tpu.memory_space<hbm>>
    %dma_start3A_1223 = tpu.memref_squeeze %dma_start3A_1222 : memref<1x8192xf32, #tpu.memory_space<hbm>> -> memref<8192xf32, #tpu.memory_space<hbm>>
    tpu.enqueue_dma source(%arg7 : memref<8192xf32, #tpu.memory_space<vmem>>) target(%dma_start3A_1223 : memref<8192xf32, #tpu.memory_space<hbm>>) target_semaphore(%arg20 : memref<!tpu.dma_semaphore, #tpu.memory_space<semaphore_mem>>)
    %add3A_1224 = arith.constant 1 : i32
    %add3A_1225 = arith.addi %mul3A_2, %add3A_1224 : i32
    %dma_wait3A_1226 = arith.constant 0 : i32
    %dma_wait3A_1227 = tpu.memref_slice %arg2[%add3A_19, %dma_wait3A_1226] : memref<64x8192xf32, #tpu.memory_space<hbm>> -> memref<1x8192xf32, #tpu.memory_space<hbm>>
    %dma_wait3A_1228 = tpu.memref_squeeze %dma_wait3A_1227 : memref<1x8192xf32, #tpu.memory_space<hbm>> -> memref<8192xf32, #tpu.memory_space<hbm>>
    %dma_wait3A_1229 = arith.constant 0 : i32
    %dma_wait3A_1230 = tpu.memref_slice %arg2[%add3A_19, %dma_wait3A_1229] : memref<64x8192xf32, #tpu.memory_space<hbm>> -> memref<1x8192xf32, #tpu.memory_space<hbm>>
    %dma_wait3A_1231 = tpu.memref_squeeze %dma_wait3A_1230 : memref<1x8192xf32, #tpu.memory_space<hbm>> -> memref<8192xf32, #tpu.memory_space<hbm>>
    tpu.wait_dma2 semaphore(%arg18 : memref<!tpu.dma_semaphore, #tpu.memory_space<semaphore_mem>>) src(%dma_wait3A_1231 : memref<8192xf32, #tpu.memory_space<hbm>>) dst(%arg8 : memref<8192xf32, #tpu.memory_space<vmem>>)
    %dma_wait3A_1232 = arith.constant 0 : i32
    %dma_wait3A_1233 = tpu.memref_slice %arg3[%add3A_27, %dma_wait3A_1232] : memref<64x8192xf32, #tpu.memory_space<hbm>> -> memref<1x8192xf32, #tpu.memory_space<hbm>>
    %dma_wait3A_1234 = tpu.memref_squeeze %dma_wait3A_1233 : memref<1x8192xf32, #tpu.memory_space<hbm>> -> memref<8192xf32, #tpu.memory_space<hbm>>
    %dma_wait3A_1235 = arith.constant 0 : i32
    %dma_wait3A_1236 = tpu.memref_slice %arg3[%add3A_27, %dma_wait3A_1235] : memref<64x8192xf32, #tpu.memory_space<hbm>> -> memref<1x8192xf32, #tpu.memory_space<hbm>>
    %dma_wait3A_1237 = tpu.memref_squeeze %dma_wait3A_1236 : memref<1x8192xf32, #tpu.memory_space<hbm>> -> memref<8192xf32, #tpu.memory_space<hbm>>
    tpu.wait_dma2 semaphore(%arg19 : memref<!tpu.dma_semaphore, #tpu.memory_space<semaphore_mem>>) src(%dma_wait3A_1237 : memref<8192xf32, #tpu.memory_space<hbm>>) dst(%arg10 : memref<8192xf32, #tpu.memory_space<vmem>>)
    %broadcast_in_dim3A_1238 = arith.constant -1.000000e+00 : f32
    %broadcast_in_dim3A_1239 = vector.broadcast %broadcast_in_dim3A_1238 : f32 to vector<16xf32>
    %parallel_loop3A_1240 = arith.constant 0 : i32
    %parallel_loop3A_1241 = arith.constant 128 : i32
    %parallel_loop3A_1242 = arith.constant 1 : i32
    %parallel_loop3A_1243:8 = scf.for %parallel_loop3A_2432 = %parallel_loop3A_1240 to %parallel_loop3A_1241 step %parallel_loop3A_1242 iter_args(%parallel_loop3A_2433 = %broadcast_in_dim3A_1239, %parallel_loop3A_2434 = %broadcast_in_dim3A_1239, %parallel_loop3A_2435 = %broadcast_in_dim3A_1239, %parallel_loop3A_2436 = %broadcast_in_dim3A_1239, %parallel_loop3A_2437 = %broadcast_in_dim3A_1239, %parallel_loop3A_2438 = %broadcast_in_dim3A_1239, %parallel_loop3A_2439 = %broadcast_in_dim3A_1239, %parallel_loop3A_2440 = %broadcast_in_dim3A_1239) -> (vector<16xf32>, vector<16xf32>, vector<16xf32>, vector<16xf32>, vector<16xf32>, vector<16xf32>, vector<16xf32>, vector<16xf32>)  : i32 {
      %parallel_loop3A_2441 = arith.constant 4 : i32
      %parallel_loop3A_2442 = arith.muli %parallel_loop3A_2432, %parallel_loop3A_2441 : i32
      %parallel_loop3A_2443 = arith.constant 0 : i32
      %parallel_loop3A_2444 = arith.addi %parallel_loop3A_2442, %parallel_loop3A_2443 : i32
      %parallel_loop3A_2445 = arith.constant 16 : i32
      %parallel_loop3A_2446 = arith.muli %parallel_loop3A_2444, %parallel_loop3A_2445 : i32
      %parallel_loop3A_2447 = arith.index_cast %parallel_loop3A_2446 : i32 to index
      %parallel_loop3A_2448 = tpu.vector_load %arg8[%parallel_loop3A_2447] {strides = array<i32>} : memref<8192xf32, #tpu.memory_space<vmem>>, vector<16xf32>,
      %parallel_loop3A_2449 = arith.constant 4 : i32
      %parallel_loop3A_2450 = arith.muli %parallel_loop3A_2432, %parallel_loop3A_2449 : i32
      %parallel_loop3A_2451 = arith.constant 0 : i32
      %parallel_loop3A_2452 = arith.addi %parallel_loop3A_2450, %parallel_loop3A_2451 : i32
      %parallel_loop3A_2453 = arith.constant 16 : i32
      %parallel_loop3A_2454 = arith.muli %parallel_loop3A_2452, %parallel_loop3A_2453 : i32
      %parallel_loop3A_2455 = arith.index_cast %parallel_loop3A_2454 : i32 to index
      %parallel_loop3A_2456 = tpu.vector_load %arg10[%parallel_loop3A_2455] {strides = array<i32>} : memref<8192xf32, #tpu.memory_space<vmem>>, vector<16xf32>,
      %parallel_loop3A_2457 = arith.maximumf %parallel_loop3A_2433, %parallel_loop3A_2448 : vector<16xf32>
      %parallel_loop3A_2458 = arith.maximumf %parallel_loop3A_2434, %parallel_loop3A_2456 : vector<16xf32>
      %parallel_loop3A_2459 = arith.constant 4 : i32
      %parallel_loop3A_2460 = arith.muli %parallel_loop3A_2432, %parallel_loop3A_2459 : i32
      %parallel_loop3A_2461 = arith.constant 1 : i32
      %parallel_loop3A_2462 = arith.addi %parallel_loop3A_2460, %parallel_loop3A_2461 : i32
      %parallel_loop3A_2463 = arith.constant 16 : i32
      %parallel_loop3A_2464 = arith.muli %parallel_loop3A_2462, %parallel_loop3A_2463 : i32
      %parallel_loop3A_2465 = arith.index_cast %parallel_loop3A_2464 : i32 to index
      %parallel_loop3A_2466 = tpu.vector_load %arg8[%parallel_loop3A_2465] {strides = array<i32>} : memref<8192xf32, #tpu.memory_space<vmem>>, vector<16xf32>,
      %parallel_loop3A_2467 = arith.constant 4 : i32
      %parallel_loop3A_2468 = arith.muli %parallel_loop3A_2432, %parallel_loop3A_2467 : i32
      %parallel_loop3A_2469 = arith.constant 1 : i32
      %parallel_loop3A_2470 = arith.addi %parallel_loop3A_2468, %parallel_loop3A_2469 : i32
      %parallel_loop3A_2471 = arith.constant 16 : i32
      %parallel_loop3A_2472 = arith.muli %parallel_loop3A_2470, %parallel_loop3A_2471 : i32
      %parallel_loop3A_2473 = arith.index_cast %parallel_loop3A_2472 : i32 to index
      %parallel_loop3A_2474 = tpu.vector_load %arg10[%parallel_loop3A_2473] {strides = array<i32>} : memref<8192xf32, #tpu.memory_space<vmem>>, vector<16xf32>,
      %parallel_loop3A_2475 = arith.maximumf %parallel_loop3A_2435, %parallel_loop3A_2466 : vector<16xf32>
      %parallel_loop3A_2476 = arith.maximumf %parallel_loop3A_2436, %parallel_loop3A_2474 : vector<16xf32>
      %parallel_loop3A_2477 = arith.constant 4 : i32
      %parallel_loop3A_2478 = arith.muli %parallel_loop3A_2432, %parallel_loop3A_2477 : i32
      %parallel_loop3A_2479 = arith.constant 2 : i32
      %parallel_loop3A_2480 = arith.addi %parallel_loop3A_2478, %parallel_loop3A_2479 : i32
      %parallel_loop3A_2481 = arith.constant 16 : i32
      %parallel_loop3A_2482 = arith.muli %parallel_loop3A_2480, %parallel_loop3A_2481 : i32
      %parallel_loop3A_2483 = arith.index_cast %parallel_loop3A_2482 : i32 to index
      %parallel_loop3A_2484 = tpu.vector_load %arg8[%parallel_loop3A_2483] {strides = array<i32>} : memref<8192xf32, #tpu.memory_space<vmem>>, vector<16xf32>,
      %parallel_loop3A_2485 = arith.constant 4 : i32
      %parallel_loop3A_2486 = arith.muli %parallel_loop3A_2432, %parallel_loop3A_2485 : i32
      %parallel_loop3A_2487 = arith.constant 2 : i32
      %parallel_loop3A_2488 = arith.addi %parallel_loop3A_2486, %parallel_loop3A_2487 : i32
      %parallel_loop3A_2489 = arith.constant 16 : i32
      %parallel_loop3A_2490 = arith.muli %parallel_loop3A_2488, %parallel_loop3A_2489 : i32
      %parallel_loop3A_2491 = arith.index_cast %parallel_loop3A_2490 : i32 to index
      %parallel_loop3A_2492 = tpu.vector_load %arg10[%parallel_loop3A_2491] {strides = array<i32>} : memref<8192xf32, #tpu.memory_space<vmem>>, vector<16xf32>,
      %parallel_loop3A_2493 = arith.maximumf %parallel_loop3A_2437, %parallel_loop3A_2484 : vector<16xf32>
      %parallel_loop3A_2494 = arith.maximumf %parallel_loop3A_2438, %parallel_loop3A_2492 : vector<16xf32>
      %parallel_loop3A_2495 = arith.constant 4 : i32
      %parallel_loop3A_2496 = arith.muli %parallel_loop3A_2432, %parallel_loop3A_2495 : i32
      %parallel_loop3A_2497 = arith.constant 3 : i32
      %parallel_loop3A_2498 = arith.addi %parallel_loop3A_2496, %parallel_loop3A_2497 : i32
      %parallel_loop3A_2499 = arith.constant 16 : i32
      %parallel_loop3A_2500 = arith.muli %parallel_loop3A_2498, %parallel_loop3A_2499 : i32
      %parallel_loop3A_2501 = arith.index_cast %parallel_loop3A_2500 : i32 to index
      %parallel_loop3A_2502 = tpu.vector_load %arg8[%parallel_loop3A_2501] {strides = array<i32>} : memref<8192xf32, #tpu.memory_space<vmem>>, vector<16xf32>,
      %parallel_loop3A_2503 = arith.constant 4 : i32
      %parallel_loop3A_2504 = arith.muli %parallel_loop3A_2432, %parallel_loop3A_2503 : i32
      %parallel_loop3A_2505 = arith.constant 3 : i32
      %parallel_loop3A_2506 = arith.addi %parallel_loop3A_2504, %parallel_loop3A_2505 : i32
      %parallel_loop3A_2507 = arith.constant 16 : i32
      %parallel_loop3A_2508 = arith.muli %parallel_loop3A_2506, %parallel_loop3A_2507 : i32
      %parallel_loop3A_2509 = arith.index_cast %parallel_loop3A_2508 : i32 to index
      %parallel_loop3A_2510 = tpu.vector_load %arg10[%parallel_loop3A_2509] {strides = array<i32>} : memref<8192xf32, #tpu.memory_space<vmem>>, vector<16xf32>,
      %parallel_loop3A_2511 = arith.maximumf %parallel_loop3A_2439, %parallel_loop3A_2502 : vector<16xf32>
      %parallel_loop3A_2512 = arith.maximumf %parallel_loop3A_2440, %parallel_loop3A_2510 : vector<16xf32>
      scf.yield %parallel_loop3A_2457, %parallel_loop3A_2458, %parallel_loop3A_2475, %parallel_loop3A_2476, %parallel_loop3A_2493, %parallel_loop3A_2494, %parallel_loop3A_2511, %parallel_loop3A_2512 : vector<16xf32>, vector<16xf32>, vector<16xf32>, vector<16xf32>, vector<16xf32>, vector<16xf32>, vector<16xf32>, vector<16xf32>
    } {sc.loop_unroll_factor = 2 : i64, sc.parallel_access}
    %max3A_1244 = arith.maximumf %parallel_loop3A_1243#0, %parallel_loop3A_1243#2 : vector<16xf32>
    %max3A_1245 = arith.maximumf %parallel_loop3A_1243#1, %parallel_loop3A_1243#3 : vector<16xf32>
    %max3A_1246 = arith.maximumf %max3A_1244, %parallel_loop3A_1243#4 : vector<16xf32>
    %max3A_1247 = arith.maximumf %max3A_1245, %parallel_loop3A_1243#5 : vector<16xf32>
    %max3A_1248 = arith.maximumf %max3A_1246, %parallel_loop3A_1243#6 : vector<16xf32>
    %max3A_1249 = arith.maximumf %max3A_1247, %parallel_loop3A_1243#7 : vector<16xf32>
    %iota3A_1250 = tpu.iota {dimensions = array<i32: 0>} : vector<16xi32>
    %xor3A_1251 = arith.constant 1 : i32
    %xor3A_1252 = vector.broadcast %xor3A_1251 : i32 to vector<16xi32>
    %xor3A_1253 = arith.xori %iota3A_1250, %xor3A_1252 : vector<16xi32>
    %lt3A_1254 = arith.constant 0 : i32
    %lt3A_1255 = vector.broadcast %lt3A_1254 : i32 to vector<16xi32>
    %lt3A_1256 = arith.cmpi slt, %xor3A_1253, %lt3A_1255 : vector<16xi32>
    %add3A_1257 = arith.constant 16 : i32
    %add3A_1258 = vector.broadcast %add3A_1257 : i32 to vector<16xi32>
    %add3A_1259 = arith.addi %xor3A_1253, %add3A_1258 : vector<16xi32>
    %select_n3A_1260 = arith.select %lt3A_1256, %add3A_1259, %xor3A_1253 : vector<16xi1>, vector<16xi32>
    %broadcast_in_dim3A_1261 = vector.shape_cast %select_n3A_1260 : vector<16xi32> to vector<16x1xi32>
    %gather3A_1262 = vector.shape_cast %broadcast_in_dim3A_1261 : vector<16x1xi32> to vector<16xi32>
    %gather3A_1263 = tpu.dynamic_gather %max3A_1248[%gather3A_1262] in [0] : vector<16xf32>, vector<16xi32> -> vector<16xf32>
    %max3A_1264 = arith.maximumf %max3A_1248, %gather3A_1263 : vector<16xf32>
    %xor3A_1265 = arith.constant 2 : i32
    %xor3A_1266 = vector.broadcast %xor3A_1265 : i32 to vector<16xi32>
    %xor3A_1267 = arith.xori %iota3A_1250, %xor3A_1266 : vector<16xi32>
    %lt3A_1268 = arith.constant 0 : i32
    %lt3A_1269 = vector.broadcast %lt3A_1268 : i32 to vector<16xi32>
    %lt3A_1270 = arith.cmpi slt, %xor3A_1267, %lt3A_1269 : vector<16xi32>
    %add3A_1271 = arith.constant 16 : i32
    %add3A_1272 = vector.broadcast %add3A_1271 : i32 to vector<16xi32>
    %add3A_1273 = arith.addi %xor3A_1267, %add3A_1272 : vector<16xi32>
    %select_n3A_1274 = arith.select %lt3A_1270, %add3A_1273, %xor3A_1267 : vector<16xi1>, vector<16xi32>
    %broadcast_in_dim3A_1275 = vector.shape_cast %select_n3A_1274 : vector<16xi32> to vector<16x1xi32>
    %gather3A_1276 = vector.shape_cast %broadcast_in_dim3A_1275 : vector<16x1xi32> to vector<16xi32>
    %gather3A_1277 = tpu.dynamic_gather %max3A_1264[%gather3A_1276] in [0] : vector<16xf32>, vector<16xi32> -> vector<16xf32>
    %max3A_1278 = arith.maximumf %max3A_1264, %gather3A_1277 : vector<16xf32>
    %xor3A_1279 = arith.constant 4 : i32
    %xor3A_1280 = vector.broadcast %xor3A_1279 : i32 to vector<16xi32>
    %xor3A_1281 = arith.xori %iota3A_1250, %xor3A_1280 : vector<16xi32>
    %lt3A_1282 = arith.constant 0 : i32
    %lt3A_1283 = vector.broadcast %lt3A_1282 : i32 to vector<16xi32>
    %lt3A_1284 = arith.cmpi slt, %xor3A_1281, %lt3A_1283 : vector<16xi32>
    %add3A_1285 = arith.constant 16 : i32
    %add3A_1286 = vector.broadcast %add3A_1285 : i32 to vector<16xi32>
    %add3A_1287 = arith.addi %xor3A_1281, %add3A_1286 : vector<16xi32>
    %select_n3A_1288 = arith.select %lt3A_1284, %add3A_1287, %xor3A_1281 : vector<16xi1>, vector<16xi32>
    %broadcast_in_dim3A_1289 = vector.shape_cast %select_n3A_1288 : vector<16xi32> to vector<16x1xi32>
    %gather3A_1290 = vector.shape_cast %broadcast_in_dim3A_1289 : vector<16x1xi32> to vector<16xi32>
    %gather3A_1291 = tpu.dynamic_gather %max3A_1278[%gather3A_1290] in [0] : vector<16xf32>, vector<16xi32> -> vector<16xf32>
    %max3A_1292 = arith.maximumf %max3A_1278, %gather3A_1291 : vector<16xf32>
    %xor3A_1293 = arith.constant 8 : i32
    %xor3A_1294 = vector.broadcast %xor3A_1293 : i32 to vector<16xi32>
    %xor3A_1295 = arith.xori %iota3A_1250, %xor3A_1294 : vector<16xi32>
    %lt3A_1296 = arith.constant 0 : i32
    %lt3A_1297 = vector.broadcast %lt3A_1296 : i32 to vector<16xi32>
    %lt3A_1298 = arith.cmpi slt, %xor3A_1295, %lt3A_1297 : vector<16xi32>
    %add3A_1299 = arith.constant 16 : i32
    %add3A_1300 = vector.broadcast %add3A_1299 : i32 to vector<16xi32>
    %add3A_1301 = arith.addi %xor3A_1295, %add3A_1300 : vector<16xi32>
    %select_n3A_1302 = arith.select %lt3A_1298, %add3A_1301, %xor3A_1295 : vector<16xi1>, vector<16xi32>
    %broadcast_in_dim3A_1303 = vector.shape_cast %select_n3A_1302 : vector<16xi32> to vector<16x1xi32>
    %gather3A_1304 = vector.shape_cast %broadcast_in_dim3A_1303 : vector<16x1xi32> to vector<16xi32>
    %gather3A_1305 = tpu.dynamic_gather %max3A_1292[%gather3A_1304] in [0] : vector<16xf32>, vector<16xi32> -> vector<16xf32>
    %max3A_1306 = arith.maximumf %max3A_1292, %gather3A_1305 : vector<16xf32>
    %iota3A_1307 = tpu.iota {dimensions = array<i32: 0>} : vector<16xi32>
    %xor3A_1308 = arith.constant 1 : i32
    %xor3A_1309 = vector.broadcast %xor3A_1308 : i32 to vector<16xi32>
    %xor3A_1310 = arith.xori %iota3A_1307, %xor3A_1309 : vector<16xi32>
    %lt3A_1311 = arith.constant 0 : i32
    %lt3A_1312 = vector.broadcast %lt3A_1311 : i32 to vector<16xi32>
    %lt3A_1313 = arith.cmpi slt, %xor3A_1310, %lt3A_1312 : vector<16xi32>
    %add3A_1314 = arith.constant 16 : i32
    %add3A_1315 = vector.broadcast %add3A_1314 : i32 to vector<16xi32>
    %add3A_1316 = arith.addi %xor3A_1310, %add3A_1315 : vector<16xi32>
    %select_n3A_1317 = arith.select %lt3A_1313, %add3A_1316, %xor3A_1310 : vector<16xi1>, vector<16xi32>
    %broadcast_in_dim3A_1318 = vector.shape_cast %select_n3A_1317 : vector<16xi32> to vector<16x1xi32>
    %gather3A_1319 = vector.shape_cast %broadcast_in_dim3A_1318 : vector<16x1xi32> to vector<16xi32>
    %gather3A_1320 = tpu.dynamic_gather %max3A_1249[%gather3A_1319] in [0] : vector<16xf32>, vector<16xi32> -> vector<16xf32>
    %max3A_1321 = arith.maximumf %max3A_1249, %gather3A_1320 : vector<16xf32>
    %xor3A_1322 = arith.constant 2 : i32
    %xor3A_1323 = vector.broadcast %xor3A_1322 : i32 to vector<16xi32>
    %xor3A_1324 = arith.xori %iota3A_1307, %xor3A_1323 : vector<16xi32>
    %lt3A_1325 = arith.constant 0 : i32
    %lt3A_1326 = vector.broadcast %lt3A_1325 : i32 to vector<16xi32>
    %lt3A_1327 = arith.cmpi slt, %xor3A_1324, %lt3A_1326 : vector<16xi32>
    %add3A_1328 = arith.constant 16 : i32
    %add3A_1329 = vector.broadcast %add3A_1328 : i32 to vector<16xi32>
    %add3A_1330 = arith.addi %xor3A_1324, %add3A_1329 : vector<16xi32>
    %select_n3A_1331 = arith.select %lt3A_1327, %add3A_1330, %xor3A_1324 : vector<16xi1>, vector<16xi32>
    %broadcast_in_dim3A_1332 = vector.shape_cast %select_n3A_1331 : vector<16xi32> to vector<16x1xi32>
    %gather3A_1333 = vector.shape_cast %broadcast_in_dim3A_1332 : vector<16x1xi32> to vector<16xi32>
    %gather3A_1334 = tpu.dynamic_gather %max3A_1321[%gather3A_1333] in [0] : vector<16xf32>, vector<16xi32> -> vector<16xf32>
    %max3A_1335 = arith.maximumf %max3A_1321, %gather3A_1334 : vector<16xf32>
    %xor3A_1336 = arith.constant 4 : i32
    %xor3A_1337 = vector.broadcast %xor3A_1336 : i32 to vector<16xi32>
    %xor3A_1338 = arith.xori %iota3A_1307, %xor3A_1337 : vector<16xi32>
    %lt3A_1339 = arith.constant 0 : i32
    %lt3A_1340 = vector.broadcast %lt3A_1339 : i32 to vector<16xi32>
    %lt3A_1341 = arith.cmpi slt, %xor3A_1338, %lt3A_1340 : vector<16xi32>
    %add3A_1342 = arith.constant 16 : i32
    %add3A_1343 = vector.broadcast %add3A_1342 : i32 to vector<16xi32>
    %add3A_1344 = arith.addi %xor3A_1338, %add3A_1343 : vector<16xi32>
    %select_n3A_1345 = arith.select %lt3A_1341, %add3A_1344, %xor3A_1338 : vector<16xi1>, vector<16xi32>
    %broadcast_in_dim3A_1346 = vector.shape_cast %select_n3A_1345 : vector<16xi32> to vector<16x1xi32>
    %gather3A_1347 = vector.shape_cast %broadcast_in_dim3A_1346 : vector<16x1xi32> to vector<16xi32>
    %gather3A_1348 = tpu.dynamic_gather %max3A_1335[%gather3A_1347] in [0] : vector<16xf32>, vector<16xi32> -> vector<16xf32>
    %max3A_1349 = arith.maximumf %max3A_1335, %gather3A_1348 : vector<16xf32>
    %xor3A_1350 = arith.constant 8 : i32
    %xor3A_1351 = vector.broadcast %xor3A_1350 : i32 to vector<16xi32>
    %xor3A_1352 = arith.xori %iota3A_1307, %xor3A_1351 : vector<16xi32>
    %lt3A_1353 = arith.constant 0 : i32
    %lt3A_1354 = vector.broadcast %lt3A_1353 : i32 to vector<16xi32>
    %lt3A_1355 = arith.cmpi slt, %xor3A_1352, %lt3A_1354 : vector<16xi32>
    %add3A_1356 = arith.constant 16 : i32
    %add3A_1357 = vector.broadcast %add3A_1356 : i32 to vector<16xi32>
    %add3A_1358 = arith.addi %xor3A_1352, %add3A_1357 : vector<16xi32>
    %select_n3A_1359 = arith.select %lt3A_1355, %add3A_1358, %xor3A_1352 : vector<16xi1>, vector<16xi32>
    %broadcast_in_dim3A_1360 = vector.shape_cast %select_n3A_1359 : vector<16xi32> to vector<16x1xi32>
    %gather3A_1361 = vector.shape_cast %broadcast_in_dim3A_1360 : vector<16x1xi32> to vector<16xi32>
    %gather3A_1362 = tpu.dynamic_gather %max3A_1349[%gather3A_1361] in [0] : vector<16xf32>, vector<16xi32> -> vector<16xf32>
    %max3A_1363 = arith.maximumf %max3A_1349, %gather3A_1362 : vector<16xf32>
    %get3A_1364 = arith.constant 0 : index
    %get3A_1365 = tpu.vector_load %arg14[%get3A_1364] {strides = array<i32>} : memref<16xf32, #tpu.memory_space<vmem>>, vector<16xf32>,
    %add3A_1366 = arith.constant 9.99999993E-9 : f32
    %add3A_1367 = vector.broadcast %add3A_1366 : f32 to vector<16xf32>
    %add3A_1368 = arith.addf %max3A_1306, %add3A_1367 : vector<16xf32>
    %div3A_1369 = arith.divf %get3A_1365, %add3A_1368 : vector<16xf32>
    %get3A_1370 = arith.constant 0 : index
    %get3A_1371 = tpu.vector_load %arg15[%get3A_1370] {strides = array<i32>} : memref<16xf32, #tpu.memory_space<vmem>>, vector<16xf32>,
    %add3A_1372 = arith.constant 9.99999993E-9 : f32
    %add3A_1373 = vector.broadcast %add3A_1372 : f32 to vector<16xf32>
    %add3A_1374 = arith.addf %max3A_1363, %add3A_1373 : vector<16xf32>
    %div3A_1375 = arith.divf %get3A_1371, %add3A_1374 : vector<16xf32>
    %parallel_loop3A_1376 = arith.constant 0 : i32
    %parallel_loop3A_1377 = arith.constant 128 : i32
    %parallel_loop3A_1378 = arith.constant 1 : i32
    %parallel_loop3A_1379:4 = scf.for %parallel_loop3A_2432 = %parallel_loop3A_1376 to %parallel_loop3A_1377 step %parallel_loop3A_1378 iter_args(%parallel_loop3A_2433 = %broadcast_in_dim3A_34, %parallel_loop3A_2434 = %broadcast_in_dim3A_34, %parallel_loop3A_2435 = %broadcast_in_dim3A_34, %parallel_loop3A_2436 = %broadcast_in_dim3A_34) -> (vector<16xi32>, vector<16xi32>, vector<16xi32>, vector<16xi32>)  : i32 {
      %parallel_loop3A_2437 = arith.constant 4 : i32
      %parallel_loop3A_2438 = arith.muli %parallel_loop3A_2432, %parallel_loop3A_2437 : i32
      %parallel_loop3A_2439 = arith.constant 0 : i32
      %parallel_loop3A_2440 = arith.addi %parallel_loop3A_2438, %parallel_loop3A_2439 : i32
      %parallel_loop3A_2441 = arith.constant 16 : i32
      %parallel_loop3A_2442 = arith.muli %parallel_loop3A_2440, %parallel_loop3A_2441 : i32
      %parallel_loop3A_2443 = arith.index_cast %parallel_loop3A_2442 : i32 to index
      %parallel_loop3A_2444 = tpu.vector_load %arg8[%parallel_loop3A_2443] {strides = array<i32>} : memref<8192xf32, #tpu.memory_space<vmem>>, vector<16xf32>,
      %parallel_loop3A_2445 = arith.constant 4 : i32
      %parallel_loop3A_2446 = arith.muli %parallel_loop3A_2432, %parallel_loop3A_2445 : i32
      %parallel_loop3A_2447 = arith.constant 0 : i32
      %parallel_loop3A_2448 = arith.addi %parallel_loop3A_2446, %parallel_loop3A_2447 : i32
      %parallel_loop3A_2449 = arith.constant 16 : i32
      %parallel_loop3A_2450 = arith.muli %parallel_loop3A_2448, %parallel_loop3A_2449 : i32
      %parallel_loop3A_2451 = arith.index_cast %parallel_loop3A_2450 : i32 to index
      %parallel_loop3A_2452 = tpu.vector_load %arg10[%parallel_loop3A_2451] {strides = array<i32>} : memref<8192xf32, #tpu.memory_space<vmem>>, vector<16xf32>,
      %parallel_loop3A_2453 = arith.mulf %div3A_1369, %parallel_loop3A_2444 : vector<16xf32>
      %parallel_loop3A_2454 = arith.mulf %div3A_1375, %parallel_loop3A_2452 : vector<16xf32>
      %parallel_loop3A_2455 = arith.addf %parallel_loop3A_2453, %parallel_loop3A_2454 : vector<16xf32>
      %parallel_loop3A_2456 = tpu.bitcast %parallel_loop3A_2455 : vector<16xf32> -> vector<16xi32>
      %parallel_loop3A_2457 = arith.constant 4 : i32
      %parallel_loop3A_2458 = arith.muli %parallel_loop3A_2432, %parallel_loop3A_2457 : i32
      %parallel_loop3A_2459 = arith.constant 0 : i32
      %parallel_loop3A_2460 = arith.addi %parallel_loop3A_2458, %parallel_loop3A_2459 : i32
      %parallel_loop3A_2461 = arith.constant 16 : i32
      %parallel_loop3A_2462 = arith.muli %parallel_loop3A_2460, %parallel_loop3A_2461 : i32
      %parallel_loop3A_2463 = arith.index_cast %parallel_loop3A_2462 : i32 to index
      %parallel_loop3A_2464 = tpu.vector_load %arg11[%parallel_loop3A_2463] {strides = array<i32>} : memref<8192xi32, #tpu.memory_space<vmem>>, vector<16xi32>,
      tpu.vector_store %arg11[%parallel_loop3A_2463], %parallel_loop3A_2456 {strides = array<i32>} : memref<8192xi32, #tpu.memory_space<vmem>>, vector<16xi32>,
      %parallel_loop3A_2465 = arith.constant 20 : i32
      %parallel_loop3A_2466 = vector.broadcast %parallel_loop3A_2465 : i32 to vector<16xi32>
      %parallel_loop3A_2467 = arith.shrui %parallel_loop3A_2456, %parallel_loop3A_2466 : vector<16xi32>
      %parallel_loop3A_2468 = arith.minsi %parallel_loop3A_2467, %broadcast_in_dim3A_40 : vector<16xi32>
      tpu.vector_store_idx %arg12[%parallel_loop3A_2468], %broadcast_in_dim3A_36 {add = true} : memref<1024xi32, #tpu.memory_space<vmem>>[vector<16xi32>], vector<16xi32>,
      %parallel_loop3A_2469 = arith.maxsi %parallel_loop3A_2433, %parallel_loop3A_2456 : vector<16xi32>
      %parallel_loop3A_2470 = arith.constant 4 : i32
      %parallel_loop3A_2471 = arith.muli %parallel_loop3A_2432, %parallel_loop3A_2470 : i32
      %parallel_loop3A_2472 = arith.constant 1 : i32
      %parallel_loop3A_2473 = arith.addi %parallel_loop3A_2471, %parallel_loop3A_2472 : i32
      %parallel_loop3A_2474 = arith.constant 16 : i32
      %parallel_loop3A_2475 = arith.muli %parallel_loop3A_2473, %parallel_loop3A_2474 : i32
      %parallel_loop3A_2476 = arith.index_cast %parallel_loop3A_2475 : i32 to index
      %parallel_loop3A_2477 = tpu.vector_load %arg8[%parallel_loop3A_2476] {strides = array<i32>} : memref<8192xf32, #tpu.memory_space<vmem>>, vector<16xf32>,
      %parallel_loop3A_2478 = arith.constant 4 : i32
      %parallel_loop3A_2479 = arith.muli %parallel_loop3A_2432, %parallel_loop3A_2478 : i32
      %parallel_loop3A_2480 = arith.constant 1 : i32
      %parallel_loop3A_2481 = arith.addi %parallel_loop3A_2479, %parallel_loop3A_2480 : i32
      %parallel_loop3A_2482 = arith.constant 16 : i32
      %parallel_loop3A_2483 = arith.muli %parallel_loop3A_2481, %parallel_loop3A_2482 : i32
      %parallel_loop3A_2484 = arith.index_cast %parallel_loop3A_2483 : i32 to index
      %parallel_loop3A_2485 = tpu.vector_load %arg10[%parallel_loop3A_2484] {strides = array<i32>} : memref<8192xf32, #tpu.memory_space<vmem>>, vector<16xf32>,
      %parallel_loop3A_2486 = arith.mulf %div3A_1369, %parallel_loop3A_2477 : vector<16xf32>
      %parallel_loop3A_2487 = arith.mulf %div3A_1375, %parallel_loop3A_2485 : vector<16xf32>
      %parallel_loop3A_2488 = arith.addf %parallel_loop3A_2486, %parallel_loop3A_2487 : vector<16xf32>
      %parallel_loop3A_2489 = tpu.bitcast %parallel_loop3A_2488 : vector<16xf32> -> vector<16xi32>
      %parallel_loop3A_2490 = arith.constant 4 : i32
      %parallel_loop3A_2491 = arith.muli %parallel_loop3A_2432, %parallel_loop3A_2490 : i32
      %parallel_loop3A_2492 = arith.constant 1 : i32
      %parallel_loop3A_2493 = arith.addi %parallel_loop3A_2491, %parallel_loop3A_2492 : i32
      %parallel_loop3A_2494 = arith.constant 16 : i32
      %parallel_loop3A_2495 = arith.muli %parallel_loop3A_2493, %parallel_loop3A_2494 : i32
      %parallel_loop3A_2496 = arith.index_cast %parallel_loop3A_2495 : i32 to index
      %parallel_loop3A_2497 = tpu.vector_load %arg11[%parallel_loop3A_2496] {strides = array<i32>} : memref<8192xi32, #tpu.memory_space<vmem>>, vector<16xi32>,
      tpu.vector_store %arg11[%parallel_loop3A_2496], %parallel_loop3A_2489 {strides = array<i32>} : memref<8192xi32, #tpu.memory_space<vmem>>, vector<16xi32>,
      %parallel_loop3A_2498 = arith.constant 20 : i32
      %parallel_loop3A_2499 = vector.broadcast %parallel_loop3A_2498 : i32 to vector<16xi32>
      %parallel_loop3A_2500 = arith.shrui %parallel_loop3A_2489, %parallel_loop3A_2499 : vector<16xi32>
      %parallel_loop3A_2501 = arith.minsi %parallel_loop3A_2500, %broadcast_in_dim3A_40 : vector<16xi32>
      tpu.vector_store_idx %arg12[%parallel_loop3A_2501], %broadcast_in_dim3A_36 {add = true} : memref<1024xi32, #tpu.memory_space<vmem>>[vector<16xi32>], vector<16xi32>,
      %parallel_loop3A_2502 = arith.maxsi %parallel_loop3A_2434, %parallel_loop3A_2489 : vector<16xi32>
      %parallel_loop3A_2503 = arith.constant 4 : i32
      %parallel_loop3A_2504 = arith.muli %parallel_loop3A_2432, %parallel_loop3A_2503 : i32
      %parallel_loop3A_2505 = arith.constant 2 : i32
      %parallel_loop3A_2506 = arith.addi %parallel_loop3A_2504, %parallel_loop3A_2505 : i32
      %parallel_loop3A_2507 = arith.constant 16 : i32
      %parallel_loop3A_2508 = arith.muli %parallel_loop3A_2506, %parallel_loop3A_2507 : i32
      %parallel_loop3A_2509 = arith.index_cast %parallel_loop3A_2508 : i32 to index
      %parallel_loop3A_2510 = tpu.vector_load %arg8[%parallel_loop3A_2509] {strides = array<i32>} : memref<8192xf32, #tpu.memory_space<vmem>>, vector<16xf32>,
      %parallel_loop3A_2511 = arith.constant 4 : i32
      %parallel_loop3A_2512 = arith.muli %parallel_loop3A_2432, %parallel_loop3A_2511 : i32
      %parallel_loop3A_2513 = arith.constant 2 : i32
      %parallel_loop3A_2514 = arith.addi %parallel_loop3A_2512, %parallel_loop3A_2513 : i32
      %parallel_loop3A_2515 = arith.constant 16 : i32
      %parallel_loop3A_2516 = arith.muli %parallel_loop3A_2514, %parallel_loop3A_2515 : i32
      %parallel_loop3A_2517 = arith.index_cast %parallel_loop3A_2516 : i32 to index
      %parallel_loop3A_2518 = tpu.vector_load %arg10[%parallel_loop3A_2517] {strides = array<i32>} : memref<8192xf32, #tpu.memory_space<vmem>>, vector<16xf32>,
      %parallel_loop3A_2519 = arith.mulf %div3A_1369, %parallel_loop3A_2510 : vector<16xf32>
      %parallel_loop3A_2520 = arith.mulf %div3A_1375, %parallel_loop3A_2518 : vector<16xf32>
      %parallel_loop3A_2521 = arith.addf %parallel_loop3A_2519, %parallel_loop3A_2520 : vector<16xf32>
      %parallel_loop3A_2522 = tpu.bitcast %parallel_loop3A_2521 : vector<16xf32> -> vector<16xi32>
      %parallel_loop3A_2523 = arith.constant 4 : i32
      %parallel_loop3A_2524 = arith.muli %parallel_loop3A_2432, %parallel_loop3A_2523 : i32
      %parallel_loop3A_2525 = arith.constant 2 : i32
      %parallel_loop3A_2526 = arith.addi %parallel_loop3A_2524, %parallel_loop3A_2525 : i32
      %parallel_loop3A_2527 = arith.constant 16 : i32
      %parallel_loop3A_2528 = arith.muli %parallel_loop3A_2526, %parallel_loop3A_2527 : i32
      %parallel_loop3A_2529 = arith.index_cast %parallel_loop3A_2528 : i32 to index
      %parallel_loop3A_2530 = tpu.vector_load %arg11[%parallel_loop3A_2529] {strides = array<i32>} : memref<8192xi32, #tpu.memory_space<vmem>>, vector<16xi32>,
      tpu.vector_store %arg11[%parallel_loop3A_2529], %parallel_loop3A_2522 {strides = array<i32>} : memref<8192xi32, #tpu.memory_space<vmem>>, vector<16xi32>,
      %parallel_loop3A_2531 = arith.constant 20 : i32
      %parallel_loop3A_2532 = vector.broadcast %parallel_loop3A_2531 : i32 to vector<16xi32>
      %parallel_loop3A_2533 = arith.shrui %parallel_loop3A_2522, %parallel_loop3A_2532 : vector<16xi32>
      %parallel_loop3A_2534 = arith.minsi %parallel_loop3A_2533, %broadcast_in_dim3A_40 : vector<16xi32>
      tpu.vector_store_idx %arg12[%parallel_loop3A_2534], %broadcast_in_dim3A_36 {add = true} : memref<1024xi32, #tpu.memory_space<vmem>>[vector<16xi32>], vector<16xi32>,
      %parallel_loop3A_2535 = arith.maxsi %parallel_loop3A_2435, %parallel_loop3A_2522 : vector<16xi32>
      %parallel_loop3A_2536 = arith.constant 4 : i32
      %parallel_loop3A_2537 = arith.muli %parallel_loop3A_2432, %parallel_loop3A_2536 : i32
      %parallel_loop3A_2538 = arith.constant 3 : i32
      %parallel_loop3A_2539 = arith.addi %parallel_loop3A_2537, %parallel_loop3A_2538 : i32
      %parallel_loop3A_2540 = arith.constant 16 : i32
      %parallel_loop3A_2541 = arith.muli %parallel_loop3A_2539, %parallel_loop3A_2540 : i32
      %parallel_loop3A_2542 = arith.index_cast %parallel_loop3A_2541 : i32 to index
      %parallel_loop3A_2543 = tpu.vector_load %arg8[%parallel_loop3A_2542] {strides = array<i32>} : memref<8192xf32, #tpu.memory_space<vmem>>, vector<16xf32>,
      %parallel_loop3A_2544 = arith.constant 4 : i32
      %parallel_loop3A_2545 = arith.muli %parallel_loop3A_2432, %parallel_loop3A_2544 : i32
      %parallel_loop3A_2546 = arith.constant 3 : i32
      %parallel_loop3A_2547 = arith.addi %parallel_loop3A_2545, %parallel_loop3A_2546 : i32
      %parallel_loop3A_2548 = arith.constant 16 : i32
      %parallel_loop3A_2549 = arith.muli %parallel_loop3A_2547, %parallel_loop3A_2548 : i32
      %parallel_loop3A_2550 = arith.index_cast %parallel_loop3A_2549 : i32 to index
      %parallel_loop3A_2551 = tpu.vector_load %arg10[%parallel_loop3A_2550] {strides = array<i32>} : memref<8192xf32, #tpu.memory_space<vmem>>, vector<16xf32>,
      %parallel_loop3A_2552 = arith.mulf %div3A_1369, %parallel_loop3A_2543 : vector<16xf32>
      %parallel_loop3A_2553 = arith.mulf %div3A_1375, %parallel_loop3A_2551 : vector<16xf32>
      %parallel_loop3A_2554 = arith.addf %parallel_loop3A_2552, %parallel_loop3A_2553 : vector<16xf32>
      %parallel_loop3A_2555 = tpu.bitcast %parallel_loop3A_2554 : vector<16xf32> -> vector<16xi32>
      %parallel_loop3A_2556 = arith.constant 4 : i32
      %parallel_loop3A_2557 = arith.muli %parallel_loop3A_2432, %parallel_loop3A_2556 : i32
      %parallel_loop3A_2558 = arith.constant 3 : i32
      %parallel_loop3A_2559 = arith.addi %parallel_loop3A_2557, %parallel_loop3A_2558 : i32
      %parallel_loop3A_2560 = arith.constant 16 : i32
      %parallel_loop3A_2561 = arith.muli %parallel_loop3A_2559, %parallel_loop3A_2560 : i32
      %parallel_loop3A_2562 = arith.index_cast %parallel_loop3A_2561 : i32 to index
      %parallel_loop3A_2563 = tpu.vector_load %arg11[%parallel_loop3A_2562] {strides = array<i32>} : memref<8192xi32, #tpu.memory_space<vmem>>, vector<16xi32>,
      tpu.vector_store %arg11[%parallel_loop3A_2562], %parallel_loop3A_2555 {strides = array<i32>} : memref<8192xi32, #tpu.memory_space<vmem>>, vector<16xi32>,
      %parallel_loop3A_2564 = arith.constant 20 : i32
      %parallel_loop3A_2565 = vector.broadcast %parallel_loop3A_2564 : i32 to vector<16xi32>
      %parallel_loop3A_2566 = arith.shrui %parallel_loop3A_2555, %parallel_loop3A_2565 : vector<16xi32>
      %parallel_loop3A_2567 = arith.minsi %parallel_loop3A_2566, %broadcast_in_dim3A_40 : vector<16xi32>
      tpu.vector_store_idx %arg12[%parallel_loop3A_2567], %broadcast_in_dim3A_36 {add = true} : memref<1024xi32, #tpu.memory_space<vmem>>[vector<16xi32>], vector<16xi32>,
      %parallel_loop3A_2568 = arith.maxsi %parallel_loop3A_2436, %parallel_loop3A_2555 : vector<16xi32>
      scf.yield %parallel_loop3A_2469, %parallel_loop3A_2502, %parallel_loop3A_2535, %parallel_loop3A_2568 : vector<16xi32>, vector<16xi32>, vector<16xi32>, vector<16xi32>
    } {sc.loop_unroll_factor = 2 : i64, sc.parallel_access}
    %max3A_1380 = arith.maxsi %parallel_loop3A_1379#0, %parallel_loop3A_1379#1 : vector<16xi32>
    %max3A_1381 = arith.maxsi %max3A_1380, %parallel_loop3A_1379#2 : vector<16xi32>
    %max3A_1382 = arith.maxsi %max3A_1381, %parallel_loop3A_1379#3 : vector<16xi32>
    %iota3A_1383 = tpu.iota {dimensions = array<i32: 0>} : vector<16xi32>
    %xor3A_1384 = arith.constant 1 : i32
    %xor3A_1385 = vector.broadcast %xor3A_1384 : i32 to vector<16xi32>
    %xor3A_1386 = arith.xori %iota3A_1383, %xor3A_1385 : vector<16xi32>
    %lt3A_1387 = arith.constant 0 : i32
    %lt3A_1388 = vector.broadcast %lt3A_1387 : i32 to vector<16xi32>
    %lt3A_1389 = arith.cmpi slt, %xor3A_1386, %lt3A_1388 : vector<16xi32>
    %add3A_1390 = arith.constant 16 : i32
    %add3A_1391 = vector.broadcast %add3A_1390 : i32 to vector<16xi32>
    %add3A_1392 = arith.addi %xor3A_1386, %add3A_1391 : vector<16xi32>
    %select_n3A_1393 = arith.select %lt3A_1389, %add3A_1392, %xor3A_1386 : vector<16xi1>, vector<16xi32>
    %broadcast_in_dim3A_1394 = vector.shape_cast %select_n3A_1393 : vector<16xi32> to vector<16x1xi32>
    %gather3A_1395 = vector.shape_cast %broadcast_in_dim3A_1394 : vector<16x1xi32> to vector<16xi32>
    %gather3A_1396 = tpu.dynamic_gather %max3A_1382[%gather3A_1395] in [0] : vector<16xi32>, vector<16xi32> -> vector<16xi32>
    %max3A_1397 = arith.maxsi %max3A_1382, %gather3A_1396 : vector<16xi32>
    %xor3A_1398 = arith.constant 2 : i32
    %xor3A_1399 = vector.broadcast %xor3A_1398 : i32 to vector<16xi32>
    %xor3A_1400 = arith.xori %iota3A_1383, %xor3A_1399 : vector<16xi32>
    %lt3A_1401 = arith.constant 0 : i32
    %lt3A_1402 = vector.broadcast %lt3A_1401 : i32 to vector<16xi32>
    %lt3A_1403 = arith.cmpi slt, %xor3A_1400, %lt3A_1402 : vector<16xi32>
    %add3A_1404 = arith.constant 16 : i32
    %add3A_1405 = vector.broadcast %add3A_1404 : i32 to vector<16xi32>
    %add3A_1406 = arith.addi %xor3A_1400, %add3A_1405 : vector<16xi32>
    %select_n3A_1407 = arith.select %lt3A_1403, %add3A_1406, %xor3A_1400 : vector<16xi1>, vector<16xi32>
    %broadcast_in_dim3A_1408 = vector.shape_cast %select_n3A_1407 : vector<16xi32> to vector<16x1xi32>
    %gather3A_1409 = vector.shape_cast %broadcast_in_dim3A_1408 : vector<16x1xi32> to vector<16xi32>
    %gather3A_1410 = tpu.dynamic_gather %max3A_1397[%gather3A_1409] in [0] : vector<16xi32>, vector<16xi32> -> vector<16xi32>
    %max3A_1411 = arith.maxsi %max3A_1397, %gather3A_1410 : vector<16xi32>
    %xor3A_1412 = arith.constant 4 : i32
    %xor3A_1413 = vector.broadcast %xor3A_1412 : i32 to vector<16xi32>
    %xor3A_1414 = arith.xori %iota3A_1383, %xor3A_1413 : vector<16xi32>
    %lt3A_1415 = arith.constant 0 : i32
    %lt3A_1416 = vector.broadcast %lt3A_1415 : i32 to vector<16xi32>
    %lt3A_1417 = arith.cmpi slt, %xor3A_1414, %lt3A_1416 : vector<16xi32>
    %add3A_1418 = arith.constant 16 : i32
    %add3A_1419 = vector.broadcast %add3A_1418 : i32 to vector<16xi32>
    %add3A_1420 = arith.addi %xor3A_1414, %add3A_1419 : vector<16xi32>
    %select_n3A_1421 = arith.select %lt3A_1417, %add3A_1420, %xor3A_1414 : vector<16xi1>, vector<16xi32>
    %broadcast_in_dim3A_1422 = vector.shape_cast %select_n3A_1421 : vector<16xi32> to vector<16x1xi32>
    %gather3A_1423 = vector.shape_cast %broadcast_in_dim3A_1422 : vector<16x1xi32> to vector<16xi32>
    %gather3A_1424 = tpu.dynamic_gather %max3A_1411[%gather3A_1423] in [0] : vector<16xi32>, vector<16xi32> -> vector<16xi32>
    %max3A_1425 = arith.maxsi %max3A_1411, %gather3A_1424 : vector<16xi32>
    %xor3A_1426 = arith.constant 8 : i32
    %xor3A_1427 = vector.broadcast %xor3A_1426 : i32 to vector<16xi32>
    %xor3A_1428 = arith.xori %iota3A_1383, %xor3A_1427 : vector<16xi32>
    %lt3A_1429 = arith.constant 0 : i32
    %lt3A_1430 = vector.broadcast %lt3A_1429 : i32 to vector<16xi32>
    %lt3A_1431 = arith.cmpi slt, %xor3A_1428, %lt3A_1430 : vector<16xi32>
    %add3A_1432 = arith.constant 16 : i32
    %add3A_1433 = vector.broadcast %add3A_1432 : i32 to vector<16xi32>
    %add3A_1434 = arith.addi %xor3A_1428, %add3A_1433 : vector<16xi32>
    %select_n3A_1435 = arith.select %lt3A_1431, %add3A_1434, %xor3A_1428 : vector<16xi1>, vector<16xi32>
    %broadcast_in_dim3A_1436 = vector.shape_cast %select_n3A_1435 : vector<16xi32> to vector<16x1xi32>
    %gather3A_1437 = vector.shape_cast %broadcast_in_dim3A_1436 : vector<16x1xi32> to vector<16xi32>
    %gather3A_1438 = tpu.dynamic_gather %max3A_1425[%gather3A_1437] in [0] : vector<16xi32>, vector<16xi32> -> vector<16xi32>
    %max3A_1439 = arith.maxsi %max3A_1425, %gather3A_1438 : vector<16xi32>
    %parallel_loop3A_1440 = arith.constant 0 : i32
    %parallel_loop3A_1441 = arith.constant 64 : i32
    %parallel_loop3A_1442 = arith.constant 1 : i32
    scf.for %parallel_loop3A_2432 = %parallel_loop3A_1440 to %parallel_loop3A_1441 step %parallel_loop3A_1442  : i32 {
      %parallel_loop3A_2433 = arith.constant 16 : i32
      %parallel_loop3A_2434 = arith.muli %parallel_loop3A_2432, %parallel_loop3A_2433 : i32
      %parallel_loop3A_2435 = arith.index_cast %parallel_loop3A_2434 : i32 to index
      %parallel_loop3A_2436 = tpu.vector_load %arg12[%parallel_loop3A_2435] {strides = array<i32>} : memref<1024xi32, #tpu.memory_space<vmem>>, vector<16xi32>,
      %parallel_loop3A_2437 = arith.constant 16 : i32
      %parallel_loop3A_2438 = arith.muli %parallel_loop3A_2432, %parallel_loop3A_2437 : i32
      %parallel_loop3A_2439 = arith.index_cast %parallel_loop3A_2438 : i32 to index
      %parallel_loop3A_2440 = tpu.vector_load %arg12[%parallel_loop3A_2439] {strides = array<i32>} : memref<1024xi32, #tpu.memory_space<vmem>>, vector<16xi32>,
      tpu.vector_store %arg12[%parallel_loop3A_2439], %broadcast_in_dim3A_34 {strides = array<i32>} : memref<1024xi32, #tpu.memory_space<vmem>>, vector<16xi32>,
      %parallel_loop3A_2441 = arith.constant true
      %parallel_loop3A_2442 = vector.broadcast %parallel_loop3A_2441 : i1 to vector<16xi1>
      %parallel_loop3A_2443 = tpu.scan <sum>, %parallel_loop3A_2436 masked %parallel_loop3A_2442 : vector<16xi32>, vector<16xi1> -> vector<16xi32>
      %parallel_loop3A_2444 = arith.constant 16 : i32
      %parallel_loop3A_2445 = arith.muli %parallel_loop3A_2432, %parallel_loop3A_2444 : i32
      %parallel_loop3A_2446 = arith.index_cast %parallel_loop3A_2445 : i32 to index
      %parallel_loop3A_2447 = tpu.vector_load %arg13[%parallel_loop3A_2446] {strides = array<i32>} : memref<1024xi32, #tpu.memory_space<vmem>>, vector<16xi32>,
      tpu.vector_store %arg13[%parallel_loop3A_2446], %parallel_loop3A_2443 {strides = array<i32>} : memref<1024xi32, #tpu.memory_space<vmem>>, vector<16xi32>,
    } {sc.loop_unroll_factor = 2 : i64, sc.parallel_access}
    %broadcast_in_dim3A_1443 = arith.constant -1 : i32
    %broadcast_in_dim3A_1444 = vector.broadcast %broadcast_in_dim3A_1443 : i32 to vector<16xi32>
    %broadcast_in_dim3A_1445 = arith.constant 0 : i32
    %broadcast_in_dim3A_1446 = vector.broadcast %broadcast_in_dim3A_1445 : i32 to vector<16xi32>
    %add3A_1447 = arith.addi %broadcast_in_dim3A_1446, %iota3A : vector<16xi32>
    %mul3A_1448 = arith.constant 16 : i32
    %mul3A_1449 = vector.broadcast %mul3A_1448 : i32 to vector<16xi32>
    %mul3A_1450 = arith.muli %add3A_1447, %mul3A_1449 : vector<16xi32>
    %add3A_1451 = arith.constant 15 : i32
    %add3A_1452 = vector.broadcast %add3A_1451 : i32 to vector<16xi32>
    %add3A_1453 = arith.addi %mul3A_1450, %add3A_1452 : vector<16xi32>
    %gather3A_1454 = tpu.vector_load_idx %arg13[%add3A_1453] : memref<1024xi32, #tpu.memory_space<vmem>>[vector<16xi32>], vector<16xi32>,
    %broadcast_in_dim3A_1455 = arith.constant true
    %broadcast_in_dim3A_1456 = vector.broadcast %broadcast_in_dim3A_1455 : i1 to vector<16xi1>
    %masked_cumsum3A_1457 = tpu.scan <sum>, %gather3A_1454 masked %broadcast_in_dim3A_1456 : vector<16xi32>, vector<16xi1> -> vector<16xi32>
    %add3A_1458 = arith.addi %broadcast_in_dim3A_34, %masked_cumsum3A_1457 : vector<16xi32>
    %ge3A_1459 = arith.cmpi sge, %add3A_1458, %broadcast_in_dim3A_38 : vector<16xi32>
    %all_reduce_population_count3A_1460 = tpu.all_reduce %ge3A_1459 {dim = 0 : i64, kind = #tpu.reduction_kind<sum>} : vector<16xi1> -> vector<16xi32>
    %all_reduce_ffs3A_1461 = tpu.all_reduce %ge3A_1459 {dim = 0 : i64, kind = #tpu.reduction_kind<find_first_set>} : vector<16xi1> -> vector<16xi32>
    %min3A_1462 = arith.minsi %all_reduce_ffs3A_1461, %broadcast_in_dim3A_42 : vector<16xi32>
    %lt3A_1463 = arith.constant 0 : i32
    %lt3A_1464 = vector.broadcast %lt3A_1463 : i32 to vector<16xi32>
    %lt3A_1465 = arith.cmpi slt, %broadcast_in_dim3A_1444, %lt3A_1464 : vector<16xi32>
    %gt3A_1466 = arith.constant 0 : i32
    %gt3A_1467 = vector.broadcast %gt3A_1466 : i32 to vector<16xi32>
    %gt3A_1468 = arith.cmpi sgt, %all_reduce_population_count3A_1460, %gt3A_1467 : vector<16xi32>
    %select_n3A_1469 = arith.select %gt3A_1468, %broadcast_in_dim3A_36, %broadcast_in_dim3A_34 : vector<16xi1>, vector<16xi32>
    %select_n3A_1470 = arith.select %lt3A_1465, %select_n3A_1469, %broadcast_in_dim3A_34 : vector<16xi1>, vector<16xi32>
    %broadcast_in_dim3A_1471 = arith.constant 0 : i32
    %broadcast_in_dim3A_1472 = vector.broadcast %broadcast_in_dim3A_1471 : i32 to vector<16xi32>
    %gt3A_1473 = arith.constant 0 : i32
    %gt3A_1474 = vector.broadcast %gt3A_1473 : i32 to vector<16xi32>
    %gt3A_1475 = arith.cmpi sgt, %select_n3A_1470, %gt3A_1474 : vector<16xi32>
    %add3A_1476 = arith.addi %broadcast_in_dim3A_1472, %min3A_1462 : vector<16xi32>
    %select_n3A_1477 = arith.select %gt3A_1475, %add3A_1476, %broadcast_in_dim3A_1444 : vector<16xi1>, vector<16xi32>
    %lt3A_1478 = arith.constant 0 : i32
    %lt3A_1479 = vector.broadcast %lt3A_1478 : i32 to vector<16xi32>
    %lt3A_1480 = arith.cmpi slt, %min3A_1462, %lt3A_1479 : vector<16xi32>
    %add3A_1481 = arith.constant 16 : i32
    %add3A_1482 = vector.broadcast %add3A_1481 : i32 to vector<16xi32>
    %add3A_1483 = arith.addi %min3A_1462, %add3A_1482 : vector<16xi32>
    %select_n3A_1484 = arith.select %lt3A_1480, %add3A_1483, %min3A_1462 : vector<16xi1>, vector<16xi32>
    %broadcast_in_dim3A_1485 = vector.shape_cast %select_n3A_1484 : vector<16xi32> to vector<16x1xi32>
    %gather3A_1486 = vector.shape_cast %broadcast_in_dim3A_1485 : vector<16x1xi32> to vector<16xi32>
    %gather3A_1487 = tpu.dynamic_gather %add3A_1458[%gather3A_1486] in [0] : vector<16xi32>, vector<16xi32> -> vector<16xi32>
    %lt3A_1488 = arith.constant 0 : i32
    %lt3A_1489 = vector.broadcast %lt3A_1488 : i32 to vector<16xi32>
    %lt3A_1490 = arith.cmpi slt, %min3A_1462, %lt3A_1489 : vector<16xi32>
    %add3A_1491 = arith.constant 16 : i32
    %add3A_1492 = vector.broadcast %add3A_1491 : i32 to vector<16xi32>
    %add3A_1493 = arith.addi %min3A_1462, %add3A_1492 : vector<16xi32>
    %select_n3A_1494 = arith.select %lt3A_1490, %add3A_1493, %min3A_1462 : vector<16xi1>, vector<16xi32>
    %broadcast_in_dim3A_1495 = vector.shape_cast %select_n3A_1494 : vector<16xi32> to vector<16x1xi32>
    %gather3A_1496 = vector.shape_cast %broadcast_in_dim3A_1495 : vector<16x1xi32> to vector<16xi32>
    %gather3A_1497 = tpu.dynamic_gather %gather3A_1454[%gather3A_1496] in [0] : vector<16xi32>, vector<16xi32> -> vector<16xi32>
    %gt3A_1498 = arith.constant 0 : i32
    %gt3A_1499 = vector.broadcast %gt3A_1498 : i32 to vector<16xi32>
    %gt3A_1500 = arith.cmpi sgt, %select_n3A_1470, %gt3A_1499 : vector<16xi32>
    %sub3A_1501 = arith.subi %gather3A_1487, %gather3A_1497 : vector<16xi32>
    %select_n3A_1502 = arith.select %gt3A_1500, %sub3A_1501, %broadcast_in_dim3A_34 : vector<16xi1>, vector<16xi32>
    %lt3A_1503 = arith.constant 0 : i32
    %lt3A_1504 = vector.broadcast %lt3A_1503 : i32 to vector<16xi32>
    %lt3A_1505 = arith.cmpi slt, %broadcast_in_dim3A_42, %lt3A_1504 : vector<16xi32>
    %add3A_1506 = arith.constant 16 : i32
    %add3A_1507 = vector.broadcast %add3A_1506 : i32 to vector<16xi32>
    %add3A_1508 = arith.addi %broadcast_in_dim3A_42, %add3A_1507 : vector<16xi32>
    %select_n3A_1509 = arith.select %lt3A_1505, %add3A_1508, %broadcast_in_dim3A_42 : vector<16xi1>, vector<16xi32>
    %broadcast_in_dim3A_1510 = vector.shape_cast %select_n3A_1509 : vector<16xi32> to vector<16x1xi32>
    %gather3A_1511 = vector.shape_cast %broadcast_in_dim3A_1510 : vector<16x1xi32> to vector<16xi32>
    %gather3A_1512 = tpu.dynamic_gather %add3A_1458[%gather3A_1511] in [0] : vector<16xi32>, vector<16xi32> -> vector<16xi32>
    %broadcast_in_dim3A_1513 = arith.constant 16 : i32
    %broadcast_in_dim3A_1514 = vector.broadcast %broadcast_in_dim3A_1513 : i32 to vector<16xi32>
    %add3A_1515 = arith.addi %broadcast_in_dim3A_1514, %iota3A : vector<16xi32>
    %mul3A_1516 = arith.constant 16 : i32
    %mul3A_1517 = vector.broadcast %mul3A_1516 : i32 to vector<16xi32>
    %mul3A_1518 = arith.muli %add3A_1515, %mul3A_1517 : vector<16xi32>
    %add3A_1519 = arith.constant 15 : i32
    %add3A_1520 = vector.broadcast %add3A_1519 : i32 to vector<16xi32>
    %add3A_1521 = arith.addi %mul3A_1518, %add3A_1520 : vector<16xi32>
    %gather3A_1522 = tpu.vector_load_idx %arg13[%add3A_1521] : memref<1024xi32, #tpu.memory_space<vmem>>[vector<16xi32>], vector<16xi32>,
    %broadcast_in_dim3A_1523 = arith.constant true
    %broadcast_in_dim3A_1524 = vector.broadcast %broadcast_in_dim3A_1523 : i1 to vector<16xi1>
    %masked_cumsum3A_1525 = tpu.scan <sum>, %gather3A_1522 masked %broadcast_in_dim3A_1524 : vector<16xi32>, vector<16xi1> -> vector<16xi32>
    %add3A_1526 = arith.addi %gather3A_1512, %masked_cumsum3A_1525 : vector<16xi32>
    %ge3A_1527 = arith.cmpi sge, %add3A_1526, %broadcast_in_dim3A_38 : vector<16xi32>
    %all_reduce_population_count3A_1528 = tpu.all_reduce %ge3A_1527 {dim = 0 : i64, kind = #tpu.reduction_kind<sum>} : vector<16xi1> -> vector<16xi32>
    %all_reduce_ffs3A_1529 = tpu.all_reduce %ge3A_1527 {dim = 0 : i64, kind = #tpu.reduction_kind<find_first_set>} : vector<16xi1> -> vector<16xi32>
    %min3A_1530 = arith.minsi %all_reduce_ffs3A_1529, %broadcast_in_dim3A_42 : vector<16xi32>
    %lt3A_1531 = arith.constant 0 : i32
    %lt3A_1532 = vector.broadcast %lt3A_1531 : i32 to vector<16xi32>
    %lt3A_1533 = arith.cmpi slt, %select_n3A_1477, %lt3A_1532 : vector<16xi32>
    %gt3A_1534 = arith.constant 0 : i32
    %gt3A_1535 = vector.broadcast %gt3A_1534 : i32 to vector<16xi32>
    %gt3A_1536 = arith.cmpi sgt, %all_reduce_population_count3A_1528, %gt3A_1535 : vector<16xi32>
    %select_n3A_1537 = arith.select %gt3A_1536, %broadcast_in_dim3A_36, %broadcast_in_dim3A_34 : vector<16xi1>, vector<16xi32>
    %select_n3A_1538 = arith.select %lt3A_1533, %select_n3A_1537, %broadcast_in_dim3A_34 : vector<16xi1>, vector<16xi32>
    %broadcast_in_dim3A_1539 = arith.constant 16 : i32
    %broadcast_in_dim3A_1540 = vector.broadcast %broadcast_in_dim3A_1539 : i32 to vector<16xi32>
    %gt3A_1541 = arith.constant 0 : i32
    %gt3A_1542 = vector.broadcast %gt3A_1541 : i32 to vector<16xi32>
    %gt3A_1543 = arith.cmpi sgt, %select_n3A_1538, %gt3A_1542 : vector<16xi32>
    %add3A_1544 = arith.addi %broadcast_in_dim3A_1540, %min3A_1530 : vector<16xi32>
    %select_n3A_1545 = arith.select %gt3A_1543, %add3A_1544, %select_n3A_1477 : vector<16xi1>, vector<16xi32>
    %lt3A_1546 = arith.constant 0 : i32
    %lt3A_1547 = vector.broadcast %lt3A_1546 : i32 to vector<16xi32>
    %lt3A_1548 = arith.cmpi slt, %min3A_1530, %lt3A_1547 : vector<16xi32>
    %add3A_1549 = arith.constant 16 : i32
    %add3A_1550 = vector.broadcast %add3A_1549 : i32 to vector<16xi32>
    %add3A_1551 = arith.addi %min3A_1530, %add3A_1550 : vector<16xi32>
    %select_n3A_1552 = arith.select %lt3A_1548, %add3A_1551, %min3A_1530 : vector<16xi1>, vector<16xi32>
    %broadcast_in_dim3A_1553 = vector.shape_cast %select_n3A_1552 : vector<16xi32> to vector<16x1xi32>
    %gather3A_1554 = vector.shape_cast %broadcast_in_dim3A_1553 : vector<16x1xi32> to vector<16xi32>
    %gather3A_1555 = tpu.dynamic_gather %add3A_1526[%gather3A_1554] in [0] : vector<16xi32>, vector<16xi32> -> vector<16xi32>
    %lt3A_1556 = arith.constant 0 : i32
    %lt3A_1557 = vector.broadcast %lt3A_1556 : i32 to vector<16xi32>
    %lt3A_1558 = arith.cmpi slt, %min3A_1530, %lt3A_1557 : vector<16xi32>
    %add3A_1559 = arith.constant 16 : i32
    %add3A_1560 = vector.broadcast %add3A_1559 : i32 to vector<16xi32>
    %add3A_1561 = arith.addi %min3A_1530, %add3A_1560 : vector<16xi32>
    %select_n3A_1562 = arith.select %lt3A_1558, %add3A_1561, %min3A_1530 : vector<16xi1>, vector<16xi32>
    %broadcast_in_dim3A_1563 = vector.shape_cast %select_n3A_1562 : vector<16xi32> to vector<16x1xi32>
    %gather3A_1564 = vector.shape_cast %broadcast_in_dim3A_1563 : vector<16x1xi32> to vector<16xi32>
    %gather3A_1565 = tpu.dynamic_gather %gather3A_1522[%gather3A_1564] in [0] : vector<16xi32>, vector<16xi32> -> vector<16xi32>
    %gt3A_1566 = arith.constant 0 : i32
    %gt3A_1567 = vector.broadcast %gt3A_1566 : i32 to vector<16xi32>
    %gt3A_1568 = arith.cmpi sgt, %select_n3A_1538, %gt3A_1567 : vector<16xi32>
    %sub3A_1569 = arith.subi %gather3A_1555, %gather3A_1565 : vector<16xi32>
    %select_n3A_1570 = arith.select %gt3A_1568, %sub3A_1569, %select_n3A_1502 : vector<16xi1>, vector<16xi32>
    %lt3A_1571 = arith.constant 0 : i32
    %lt3A_1572 = vector.broadcast %lt3A_1571 : i32 to vector<16xi32>
    %lt3A_1573 = arith.cmpi slt, %broadcast_in_dim3A_42, %lt3A_1572 : vector<16xi32>
    %add3A_1574 = arith.constant 16 : i32
    %add3A_1575 = vector.broadcast %add3A_1574 : i32 to vector<16xi32>
    %add3A_1576 = arith.addi %broadcast_in_dim3A_42, %add3A_1575 : vector<16xi32>
    %select_n3A_1577 = arith.select %lt3A_1573, %add3A_1576, %broadcast_in_dim3A_42 : vector<16xi1>, vector<16xi32>
    %broadcast_in_dim3A_1578 = vector.shape_cast %select_n3A_1577 : vector<16xi32> to vector<16x1xi32>
    %gather3A_1579 = vector.shape_cast %broadcast_in_dim3A_1578 : vector<16x1xi32> to vector<16xi32>
    %gather3A_1580 = tpu.dynamic_gather %add3A_1526[%gather3A_1579] in [0] : vector<16xi32>, vector<16xi32> -> vector<16xi32>
    %broadcast_in_dim3A_1581 = arith.constant 32 : i32
    %broadcast_in_dim3A_1582 = vector.broadcast %broadcast_in_dim3A_1581 : i32 to vector<16xi32>
    %add3A_1583 = arith.addi %broadcast_in_dim3A_1582, %iota3A : vector<16xi32>
    %mul3A_1584 = arith.constant 16 : i32
    %mul3A_1585 = vector.broadcast %mul3A_1584 : i32 to vector<16xi32>
    %mul3A_1586 = arith.muli %add3A_1583, %mul3A_1585 : vector<16xi32>
    %add3A_1587 = arith.constant 15 : i32
    %add3A_1588 = vector.broadcast %add3A_1587 : i32 to vector<16xi32>
    %add3A_1589 = arith.addi %mul3A_1586, %add3A_1588 : vector<16xi32>
    %gather3A_1590 = tpu.vector_load_idx %arg13[%add3A_1589] : memref<1024xi32, #tpu.memory_space<vmem>>[vector<16xi32>], vector<16xi32>,
    %broadcast_in_dim3A_1591 = arith.constant true
    %broadcast_in_dim3A_1592 = vector.broadcast %broadcast_in_dim3A_1591 : i1 to vector<16xi1>
    %masked_cumsum3A_1593 = tpu.scan <sum>, %gather3A_1590 masked %broadcast_in_dim3A_1592 : vector<16xi32>, vector<16xi1> -> vector<16xi32>
    %add3A_1594 = arith.addi %gather3A_1580, %masked_cumsum3A_1593 : vector<16xi32>
    %ge3A_1595 = arith.cmpi sge, %add3A_1594, %broadcast_in_dim3A_38 : vector<16xi32>
    %all_reduce_population_count3A_1596 = tpu.all_reduce %ge3A_1595 {dim = 0 : i64, kind = #tpu.reduction_kind<sum>} : vector<16xi1> -> vector<16xi32>
    %all_reduce_ffs3A_1597 = tpu.all_reduce %ge3A_1595 {dim = 0 : i64, kind = #tpu.reduction_kind<find_first_set>} : vector<16xi1> -> vector<16xi32>
    %min3A_1598 = arith.minsi %all_reduce_ffs3A_1597, %broadcast_in_dim3A_42 : vector<16xi32>
    %lt3A_1599 = arith.constant 0 : i32
    %lt3A_1600 = vector.broadcast %lt3A_1599 : i32 to vector<16xi32>
    %lt3A_1601 = arith.cmpi slt, %select_n3A_1545, %lt3A_1600 : vector<16xi32>
    %gt3A_1602 = arith.constant 0 : i32
    %gt3A_1603 = vector.broadcast %gt3A_1602 : i32 to vector<16xi32>
    %gt3A_1604 = arith.cmpi sgt, %all_reduce_population_count3A_1596, %gt3A_1603 : vector<16xi32>
    %select_n3A_1605 = arith.select %gt3A_1604, %broadcast_in_dim3A_36, %broadcast_in_dim3A_34 : vector<16xi1>, vector<16xi32>
    %select_n3A_1606 = arith.select %lt3A_1601, %select_n3A_1605, %broadcast_in_dim3A_34 : vector<16xi1>, vector<16xi32>
    %broadcast_in_dim3A_1607 = arith.constant 32 : i32
    %broadcast_in_dim3A_1608 = vector.broadcast %broadcast_in_dim3A_1607 : i32 to vector<16xi32>
    %gt3A_1609 = arith.constant 0 : i32
    %gt3A_1610 = vector.broadcast %gt3A_1609 : i32 to vector<16xi32>
    %gt3A_1611 = arith.cmpi sgt, %select_n3A_1606, %gt3A_1610 : vector<16xi32>
    %add3A_1612 = arith.addi %broadcast_in_dim3A_1608, %min3A_1598 : vector<16xi32>
    %select_n3A_1613 = arith.select %gt3A_1611, %add3A_1612, %select_n3A_1545 : vector<16xi1>, vector<16xi32>
    %lt3A_1614 = arith.constant 0 : i32
    %lt3A_1615 = vector.broadcast %lt3A_1614 : i32 to vector<16xi32>
    %lt3A_1616 = arith.cmpi slt, %min3A_1598, %lt3A_1615 : vector<16xi32>
    %add3A_1617 = arith.constant 16 : i32
    %add3A_1618 = vector.broadcast %add3A_1617 : i32 to vector<16xi32>
    %add3A_1619 = arith.addi %min3A_1598, %add3A_1618 : vector<16xi32>
    %select_n3A_1620 = arith.select %lt3A_1616, %add3A_1619, %min3A_1598 : vector<16xi1>, vector<16xi32>
    %broadcast_in_dim3A_1621 = vector.shape_cast %select_n3A_1620 : vector<16xi32> to vector<16x1xi32>
    %gather3A_1622 = vector.shape_cast %broadcast_in_dim3A_1621 : vector<16x1xi32> to vector<16xi32>
    %gather3A_1623 = tpu.dynamic_gather %add3A_1594[%gather3A_1622] in [0] : vector<16xi32>, vector<16xi32> -> vector<16xi32>
    %lt3A_1624 = arith.constant 0 : i32
    %lt3A_1625 = vector.broadcast %lt3A_1624 : i32 to vector<16xi32>
    %lt3A_1626 = arith.cmpi slt, %min3A_1598, %lt3A_1625 : vector<16xi32>
    %add3A_1627 = arith.constant 16 : i32
    %add3A_1628 = vector.broadcast %add3A_1627 : i32 to vector<16xi32>
    %add3A_1629 = arith.addi %min3A_1598, %add3A_1628 : vector<16xi32>
    %select_n3A_1630 = arith.select %lt3A_1626, %add3A_1629, %min3A_1598 : vector<16xi1>, vector<16xi32>
    %broadcast_in_dim3A_1631 = vector.shape_cast %select_n3A_1630 : vector<16xi32> to vector<16x1xi32>
    %gather3A_1632 = vector.shape_cast %broadcast_in_dim3A_1631 : vector<16x1xi32> to vector<16xi32>
    %gather3A_1633 = tpu.dynamic_gather %gather3A_1590[%gather3A_1632] in [0] : vector<16xi32>, vector<16xi32> -> vector<16xi32>
    %gt3A_1634 = arith.constant 0 : i32
    %gt3A_1635 = vector.broadcast %gt3A_1634 : i32 to vector<16xi32>
    %gt3A_1636 = arith.cmpi sgt, %select_n3A_1606, %gt3A_1635 : vector<16xi32>
    %sub3A_1637 = arith.subi %gather3A_1623, %gather3A_1633 : vector<16xi32>
    %select_n3A_1638 = arith.select %gt3A_1636, %sub3A_1637, %select_n3A_1570 : vector<16xi1>, vector<16xi32>
    %lt3A_1639 = arith.constant 0 : i32
    %lt3A_1640 = vector.broadcast %lt3A_1639 : i32 to vector<16xi32>
    %lt3A_1641 = arith.cmpi slt, %broadcast_in_dim3A_42, %lt3A_1640 : vector<16xi32>
    %add3A_1642 = arith.constant 16 : i32
    %add3A_1643 = vector.broadcast %add3A_1642 : i32 to vector<16xi32>
    %add3A_1644 = arith.addi %broadcast_in_dim3A_42, %add3A_1643 : vector<16xi32>
    %select_n3A_1645 = arith.select %lt3A_1641, %add3A_1644, %broadcast_in_dim3A_42 : vector<16xi1>, vector<16xi32>
    %broadcast_in_dim3A_1646 = vector.shape_cast %select_n3A_1645 : vector<16xi32> to vector<16x1xi32>
    %gather3A_1647 = vector.shape_cast %broadcast_in_dim3A_1646 : vector<16x1xi32> to vector<16xi32>
    %gather3A_1648 = tpu.dynamic_gather %add3A_1594[%gather3A_1647] in [0] : vector<16xi32>, vector<16xi32> -> vector<16xi32>
    %broadcast_in_dim3A_1649 = arith.constant 48 : i32
    %broadcast_in_dim3A_1650 = vector.broadcast %broadcast_in_dim3A_1649 : i32 to vector<16xi32>
    %add3A_1651 = arith.addi %broadcast_in_dim3A_1650, %iota3A : vector<16xi32>
    %mul3A_1652 = arith.constant 16 : i32
    %mul3A_1653 = vector.broadcast %mul3A_1652 : i32 to vector<16xi32>
    %mul3A_1654 = arith.muli %add3A_1651, %mul3A_1653 : vector<16xi32>
    %add3A_1655 = arith.constant 15 : i32
    %add3A_1656 = vector.broadcast %add3A_1655 : i32 to vector<16xi32>
    %add3A_1657 = arith.addi %mul3A_1654, %add3A_1656 : vector<16xi32>
    %gather3A_1658 = tpu.vector_load_idx %arg13[%add3A_1657] : memref<1024xi32, #tpu.memory_space<vmem>>[vector<16xi32>], vector<16xi32>,
    %broadcast_in_dim3A_1659 = arith.constant true
    %broadcast_in_dim3A_1660 = vector.broadcast %broadcast_in_dim3A_1659 : i1 to vector<16xi1>
    %masked_cumsum3A_1661 = tpu.scan <sum>, %gather3A_1658 masked %broadcast_in_dim3A_1660 : vector<16xi32>, vector<16xi1> -> vector<16xi32>
    %add3A_1662 = arith.addi %gather3A_1648, %masked_cumsum3A_1661 : vector<16xi32>
    %ge3A_1663 = arith.cmpi sge, %add3A_1662, %broadcast_in_dim3A_38 : vector<16xi32>
    %all_reduce_population_count3A_1664 = tpu.all_reduce %ge3A_1663 {dim = 0 : i64, kind = #tpu.reduction_kind<sum>} : vector<16xi1> -> vector<16xi32>
    %all_reduce_ffs3A_1665 = tpu.all_reduce %ge3A_1663 {dim = 0 : i64, kind = #tpu.reduction_kind<find_first_set>} : vector<16xi1> -> vector<16xi32>
    %min3A_1666 = arith.minsi %all_reduce_ffs3A_1665, %broadcast_in_dim3A_42 : vector<16xi32>
    %lt3A_1667 = arith.constant 0 : i32
    %lt3A_1668 = vector.broadcast %lt3A_1667 : i32 to vector<16xi32>
    %lt3A_1669 = arith.cmpi slt, %select_n3A_1613, %lt3A_1668 : vector<16xi32>
    %gt3A_1670 = arith.constant 0 : i32
    %gt3A_1671 = vector.broadcast %gt3A_1670 : i32 to vector<16xi32>
    %gt3A_1672 = arith.cmpi sgt, %all_reduce_population_count3A_1664, %gt3A_1671 : vector<16xi32>
    %select_n3A_1673 = arith.select %gt3A_1672, %broadcast_in_dim3A_36, %broadcast_in_dim3A_34 : vector<16xi1>, vector<16xi32>
    %select_n3A_1674 = arith.select %lt3A_1669, %select_n3A_1673, %broadcast_in_dim3A_34 : vector<16xi1>, vector<16xi32>
    %broadcast_in_dim3A_1675 = arith.constant 48 : i32
    %broadcast_in_dim3A_1676 = vector.broadcast %broadcast_in_dim3A_1675 : i32 to vector<16xi32>
    %gt3A_1677 = arith.constant 0 : i32
    %gt3A_1678 = vector.broadcast %gt3A_1677 : i32 to vector<16xi32>
    %gt3A_1679 = arith.cmpi sgt, %select_n3A_1674, %gt3A_1678 : vector<16xi32>
    %add3A_1680 = arith.addi %broadcast_in_dim3A_1676, %min3A_1666 : vector<16xi32>
    %select_n3A_1681 = arith.select %gt3A_1679, %add3A_1680, %select_n3A_1613 : vector<16xi1>, vector<16xi32>
    %lt3A_1682 = arith.constant 0 : i32
    %lt3A_1683 = vector.broadcast %lt3A_1682 : i32 to vector<16xi32>
    %lt3A_1684 = arith.cmpi slt, %min3A_1666, %lt3A_1683 : vector<16xi32>
    %add3A_1685 = arith.constant 16 : i32
    %add3A_1686 = vector.broadcast %add3A_1685 : i32 to vector<16xi32>
    %add3A_1687 = arith.addi %min3A_1666, %add3A_1686 : vector<16xi32>
    %select_n3A_1688 = arith.select %lt3A_1684, %add3A_1687, %min3A_1666 : vector<16xi1>, vector<16xi32>
    %broadcast_in_dim3A_1689 = vector.shape_cast %select_n3A_1688 : vector<16xi32> to vector<16x1xi32>
    %gather3A_1690 = vector.shape_cast %broadcast_in_dim3A_1689 : vector<16x1xi32> to vector<16xi32>
    %gather3A_1691 = tpu.dynamic_gather %add3A_1662[%gather3A_1690] in [0] : vector<16xi32>, vector<16xi32> -> vector<16xi32>
    %lt3A_1692 = arith.constant 0 : i32
    %lt3A_1693 = vector.broadcast %lt3A_1692 : i32 to vector<16xi32>
    %lt3A_1694 = arith.cmpi slt, %min3A_1666, %lt3A_1693 : vector<16xi32>
    %add3A_1695 = arith.constant 16 : i32
    %add3A_1696 = vector.broadcast %add3A_1695 : i32 to vector<16xi32>
    %add3A_1697 = arith.addi %min3A_1666, %add3A_1696 : vector<16xi32>
    %select_n3A_1698 = arith.select %lt3A_1694, %add3A_1697, %min3A_1666 : vector<16xi1>, vector<16xi32>
    %broadcast_in_dim3A_1699 = vector.shape_cast %select_n3A_1698 : vector<16xi32> to vector<16x1xi32>
    %gather3A_1700 = vector.shape_cast %broadcast_in_dim3A_1699 : vector<16x1xi32> to vector<16xi32>
    %gather3A_1701 = tpu.dynamic_gather %gather3A_1658[%gather3A_1700] in [0] : vector<16xi32>, vector<16xi32> -> vector<16xi32>
    %gt3A_1702 = arith.constant 0 : i32
    %gt3A_1703 = vector.broadcast %gt3A_1702 : i32 to vector<16xi32>
    %gt3A_1704 = arith.cmpi sgt, %select_n3A_1674, %gt3A_1703 : vector<16xi32>
    %sub3A_1705 = arith.subi %gather3A_1691, %gather3A_1701 : vector<16xi32>
    %select_n3A_1706 = arith.select %gt3A_1704, %sub3A_1705, %select_n3A_1638 : vector<16xi1>, vector<16xi32>
    %lt3A_1707 = arith.constant 0 : i32
    %lt3A_1708 = vector.broadcast %lt3A_1707 : i32 to vector<16xi32>
    %lt3A_1709 = arith.cmpi slt, %broadcast_in_dim3A_42, %lt3A_1708 : vector<16xi32>
    %add3A_1710 = arith.constant 16 : i32
    %add3A_1711 = vector.broadcast %add3A_1710 : i32 to vector<16xi32>
    %add3A_1712 = arith.addi %broadcast_in_dim3A_42, %add3A_1711 : vector<16xi32>
    %select_n3A_1713 = arith.select %lt3A_1709, %add3A_1712, %broadcast_in_dim3A_42 : vector<16xi1>, vector<16xi32>
    %broadcast_in_dim3A_1714 = vector.shape_cast %select_n3A_1713 : vector<16xi32> to vector<16x1xi32>
    %gather3A_1715 = vector.shape_cast %broadcast_in_dim3A_1714 : vector<16x1xi32> to vector<16xi32>
    %gather3A_1716 = tpu.dynamic_gather %add3A_1662[%gather3A_1715] in [0] : vector<16xi32>, vector<16xi32> -> vector<16xi32>
    %reduce_max3A_1717 = arith.constant true
    %reduce_max3A_1718 = vector.broadcast %reduce_max3A_1717 : i1 to vector<16xi1>
    %reduce_max3A_1719 = arith.constant -2147483648 : i32
    %reduce_max3A_1720 = vector.broadcast %reduce_max3A_1719 : i32 to vector<16xi32>
    %reduce_max3A_1721 = arith.xori %select_n3A_1681, %reduce_max3A_1720 : vector<16xi32>
    %reduce_max3A_1722 = tpu.scan <max>, %reduce_max3A_1721 masked %reduce_max3A_1718 : vector<16xi32>, vector<16xi1> -> vector<16xi32>
    %reduce_max3A_1723 = arith.xori %reduce_max3A_1722, %reduce_max3A_1720 : vector<16xi32>
    %reduce_max3A_1724 = vector.extract %reduce_max3A_1723[15] : i32 from vector<16xi32>
    %mul3A_1725 = arith.constant 16 : i32
    %mul3A_1726 = arith.muli %reduce_max3A_1724, %mul3A_1725 : i32
    %get3A_1727 = arith.index_cast %mul3A_1726 : i32 to index
    %get3A_1728 = tpu.vector_load %arg13[%get3A_1727] {strides = array<i32>} : memref<1024xi32, #tpu.memory_space<vmem>>, vector<16xi32>,
    %add3A_1729 = arith.addi %select_n3A_1706, %get3A_1728 : vector<16xi32>
    %ge3A_1730 = arith.cmpi sge, %add3A_1729, %broadcast_in_dim3A_38 : vector<16xi32>
    %all_reduce_ffs3A_1731 = tpu.all_reduce %ge3A_1730 {dim = 0 : i64, kind = #tpu.reduction_kind<find_first_set>} : vector<16xi1> -> vector<16xi32>
    %min3A_1732 = arith.minsi %all_reduce_ffs3A_1731, %broadcast_in_dim3A_42 : vector<16xi32>
    %mul3A_1733 = arith.constant 16 : i32
    %mul3A_1734 = vector.broadcast %mul3A_1733 : i32 to vector<16xi32>
    %mul3A_1735 = arith.muli %select_n3A_1681, %mul3A_1734 : vector<16xi32>
    %add3A_1736 = arith.addi %mul3A_1735, %min3A_1732 : vector<16xi32>
    %sub3A_1737 = arith.constant 1 : i32
    %sub3A_1738 = vector.broadcast %sub3A_1737 : i32 to vector<16xi32>
    %sub3A_1739 = arith.subi %min3A_1732, %sub3A_1738 : vector<16xi32>
    %max3A_1740 = arith.maxsi %sub3A_1739, %broadcast_in_dim3A_34 : vector<16xi32>
    %gt3A_1741 = arith.constant 0 : i32
    %gt3A_1742 = vector.broadcast %gt3A_1741 : i32 to vector<16xi32>
    %gt3A_1743 = arith.cmpi sgt, %min3A_1732, %gt3A_1742 : vector<16xi32>
    %lt3A_1744 = arith.constant 0 : i32
    %lt3A_1745 = vector.broadcast %lt3A_1744 : i32 to vector<16xi32>
    %lt3A_1746 = arith.cmpi slt, %max3A_1740, %lt3A_1745 : vector<16xi32>
    %add3A_1747 = arith.constant 16 : i32
    %add3A_1748 = vector.broadcast %add3A_1747 : i32 to vector<16xi32>
    %add3A_1749 = arith.addi %max3A_1740, %add3A_1748 : vector<16xi32>
    %select_n3A_1750 = arith.select %lt3A_1746, %add3A_1749, %max3A_1740 : vector<16xi1>, vector<16xi32>
    %broadcast_in_dim3A_1751 = vector.shape_cast %select_n3A_1750 : vector<16xi32> to vector<16x1xi32>
    %gather3A_1752 = vector.shape_cast %broadcast_in_dim3A_1751 : vector<16x1xi32> to vector<16xi32>
    %gather3A_1753 = tpu.dynamic_gather %get3A_1728[%gather3A_1752] in [0] : vector<16xi32>, vector<16xi32> -> vector<16xi32>
    %select_n3A_1754 = arith.select %gt3A_1743, %gather3A_1753, %broadcast_in_dim3A_34 : vector<16xi1>, vector<16xi32>
    %add3A_1755 = arith.addi %select_n3A_1706, %select_n3A_1754 : vector<16xi32>
    %sub3A_1756 = arith.subi %broadcast_in_dim3A_38, %add3A_1755 : vector<16xi32>
    %parallel_loop3A_1757 = arith.constant 0 : i32
    %parallel_loop3A_1758 = arith.constant 128 : i32
    %parallel_loop3A_1759 = arith.constant 1 : i32
    scf.for %parallel_loop3A_2432 = %parallel_loop3A_1757 to %parallel_loop3A_1758 step %parallel_loop3A_1759  : i32 {
      %parallel_loop3A_2433 = arith.constant 4 : i32
      %parallel_loop3A_2434 = arith.muli %parallel_loop3A_2432, %parallel_loop3A_2433 : i32
      %parallel_loop3A_2435 = arith.constant 0 : i32
      %parallel_loop3A_2436 = arith.addi %parallel_loop3A_2434, %parallel_loop3A_2435 : i32
      %parallel_loop3A_2437 = arith.constant 16 : i32
      %parallel_loop3A_2438 = arith.muli %parallel_loop3A_2436, %parallel_loop3A_2437 : i32
      %parallel_loop3A_2439 = arith.index_cast %parallel_loop3A_2438 : i32 to index
      %parallel_loop3A_2440 = tpu.vector_load %arg11[%parallel_loop3A_2439] {strides = array<i32>} : memref<8192xi32, #tpu.memory_space<vmem>>, vector<16xi32>,
      %parallel_loop3A_2441 = arith.constant 20 : i32
      %parallel_loop3A_2442 = vector.broadcast %parallel_loop3A_2441 : i32 to vector<16xi32>
      %parallel_loop3A_2443 = arith.shrui %parallel_loop3A_2440, %parallel_loop3A_2442 : vector<16xi32>
      %parallel_loop3A_2444 = arith.constant 10 : i32
      %parallel_loop3A_2445 = vector.broadcast %parallel_loop3A_2444 : i32 to vector<16xi32>
      %parallel_loop3A_2446 = arith.shrui %parallel_loop3A_2440, %parallel_loop3A_2445 : vector<16xi32>
      %parallel_loop3A_2447 = arith.andi %parallel_loop3A_2446, %broadcast_in_dim3A_40 : vector<16xi32>
      %parallel_loop3A_2448 = arith.cmpi eq, %parallel_loop3A_2443, %add3A_1736 : vector<16xi32>
      tpu.vector_store_idx %arg12[%parallel_loop3A_2447], %broadcast_in_dim3A_36 masked %parallel_loop3A_2448 {add = true} : memref<1024xi32, #tpu.memory_space<vmem>>[vector<16xi32>], vector<16xi32>, vector<16xi1>
      %parallel_loop3A_2449 = arith.constant 4 : i32
      %parallel_loop3A_2450 = arith.muli %parallel_loop3A_2432, %parallel_loop3A_2449 : i32
      %parallel_loop3A_2451 = arith.constant 1 : i32
      %parallel_loop3A_2452 = arith.addi %parallel_loop3A_2450, %parallel_loop3A_2451 : i32
      %parallel_loop3A_2453 = arith.constant 16 : i32
      %parallel_loop3A_2454 = arith.muli %parallel_loop3A_2452, %parallel_loop3A_2453 : i32
      %parallel_loop3A_2455 = arith.index_cast %parallel_loop3A_2454 : i32 to index
      %parallel_loop3A_2456 = tpu.vector_load %arg11[%parallel_loop3A_2455] {strides = array<i32>} : memref<8192xi32, #tpu.memory_space<vmem>>, vector<16xi32>,
      %parallel_loop3A_2457 = arith.constant 20 : i32
      %parallel_loop3A_2458 = vector.broadcast %parallel_loop3A_2457 : i32 to vector<16xi32>
      %parallel_loop3A_2459 = arith.shrui %parallel_loop3A_2456, %parallel_loop3A_2458 : vector<16xi32>
      %parallel_loop3A_2460 = arith.constant 10 : i32
      %parallel_loop3A_2461 = vector.broadcast %parallel_loop3A_2460 : i32 to vector<16xi32>
      %parallel_loop3A_2462 = arith.shrui %parallel_loop3A_2456, %parallel_loop3A_2461 : vector<16xi32>
      %parallel_loop3A_2463 = arith.andi %parallel_loop3A_2462, %broadcast_in_dim3A_40 : vector<16xi32>
      %parallel_loop3A_2464 = arith.cmpi eq, %parallel_loop3A_2459, %add3A_1736 : vector<16xi32>
      tpu.vector_store_idx %arg12[%parallel_loop3A_2463], %broadcast_in_dim3A_36 masked %parallel_loop3A_2464 {add = true} : memref<1024xi32, #tpu.memory_space<vmem>>[vector<16xi32>], vector<16xi32>, vector<16xi1>
      %parallel_loop3A_2465 = arith.constant 4 : i32
      %parallel_loop3A_2466 = arith.muli %parallel_loop3A_2432, %parallel_loop3A_2465 : i32
      %parallel_loop3A_2467 = arith.constant 2 : i32
      %parallel_loop3A_2468 = arith.addi %parallel_loop3A_2466, %parallel_loop3A_2467 : i32
      %parallel_loop3A_2469 = arith.constant 16 : i32
      %parallel_loop3A_2470 = arith.muli %parallel_loop3A_2468, %parallel_loop3A_2469 : i32
      %parallel_loop3A_2471 = arith.index_cast %parallel_loop3A_2470 : i32 to index
      %parallel_loop3A_2472 = tpu.vector_load %arg11[%parallel_loop3A_2471] {strides = array<i32>} : memref<8192xi32, #tpu.memory_space<vmem>>, vector<16xi32>,
      %parallel_loop3A_2473 = arith.constant 20 : i32
      %parallel_loop3A_2474 = vector.broadcast %parallel_loop3A_2473 : i32 to vector<16xi32>
      %parallel_loop3A_2475 = arith.shrui %parallel_loop3A_2472, %parallel_loop3A_2474 : vector<16xi32>
      %parallel_loop3A_2476 = arith.constant 10 : i32
      %parallel_loop3A_2477 = vector.broadcast %parallel_loop3A_2476 : i32 to vector<16xi32>
      %parallel_loop3A_2478 = arith.shrui %parallel_loop3A_2472, %parallel_loop3A_2477 : vector<16xi32>
      %parallel_loop3A_2479 = arith.andi %parallel_loop3A_2478, %broadcast_in_dim3A_40 : vector<16xi32>
      %parallel_loop3A_2480 = arith.cmpi eq, %parallel_loop3A_2475, %add3A_1736 : vector<16xi32>
      tpu.vector_store_idx %arg12[%parallel_loop3A_2479], %broadcast_in_dim3A_36 masked %parallel_loop3A_2480 {add = true} : memref<1024xi32, #tpu.memory_space<vmem>>[vector<16xi32>], vector<16xi32>, vector<16xi1>
      %parallel_loop3A_2481 = arith.constant 4 : i32
      %parallel_loop3A_2482 = arith.muli %parallel_loop3A_2432, %parallel_loop3A_2481 : i32
      %parallel_loop3A_2483 = arith.constant 3 : i32
      %parallel_loop3A_2484 = arith.addi %parallel_loop3A_2482, %parallel_loop3A_2483 : i32
      %parallel_loop3A_2485 = arith.constant 16 : i32
      %parallel_loop3A_2486 = arith.muli %parallel_loop3A_2484, %parallel_loop3A_2485 : i32
      %parallel_loop3A_2487 = arith.index_cast %parallel_loop3A_2486 : i32 to index
      %parallel_loop3A_2488 = tpu.vector_load %arg11[%parallel_loop3A_2487] {strides = array<i32>} : memref<8192xi32, #tpu.memory_space<vmem>>, vector<16xi32>,
      %parallel_loop3A_2489 = arith.constant 20 : i32
      %parallel_loop3A_2490 = vector.broadcast %parallel_loop3A_2489 : i32 to vector<16xi32>
      %parallel_loop3A_2491 = arith.shrui %parallel_loop3A_2488, %parallel_loop3A_2490 : vector<16xi32>
      %parallel_loop3A_2492 = arith.constant 10 : i32
      %parallel_loop3A_2493 = vector.broadcast %parallel_loop3A_2492 : i32 to vector<16xi32>
      %parallel_loop3A_2494 = arith.shrui %parallel_loop3A_2488, %parallel_loop3A_2493 : vector<16xi32>
      %parallel_loop3A_2495 = arith.andi %parallel_loop3A_2494, %broadcast_in_dim3A_40 : vector<16xi32>
      %parallel_loop3A_2496 = arith.cmpi eq, %parallel_loop3A_2491, %add3A_1736 : vector<16xi32>
      tpu.vector_store_idx %arg12[%parallel_loop3A_2495], %broadcast_in_dim3A_36 masked %parallel_loop3A_2496 {add = true} : memref<1024xi32, #tpu.memory_space<vmem>>[vector<16xi32>], vector<16xi32>, vector<16xi1>
    } {sc.loop_unroll_factor = 2 : i64, sc.parallel_access}
    %parallel_loop3A_1760 = arith.constant 0 : i32
    %parallel_loop3A_1761 = arith.constant 64 : i32
    %parallel_loop3A_1762 = arith.constant 1 : i32
    scf.for %parallel_loop3A_2432 = %parallel_loop3A_1760 to %parallel_loop3A_1761 step %parallel_loop3A_1762  : i32 {
      %parallel_loop3A_2433 = arith.constant 16 : i32
      %parallel_loop3A_2434 = arith.muli %parallel_loop3A_2432, %parallel_loop3A_2433 : i32
      %parallel_loop3A_2435 = arith.index_cast %parallel_loop3A_2434 : i32 to index
      %parallel_loop3A_2436 = tpu.vector_load %arg12[%parallel_loop3A_2435] {strides = array<i32>} : memref<1024xi32, #tpu.memory_space<vmem>>, vector<16xi32>,
      %parallel_loop3A_2437 = arith.constant 16 : i32
      %parallel_loop3A_2438 = arith.muli %parallel_loop3A_2432, %parallel_loop3A_2437 : i32
      %parallel_loop3A_2439 = arith.index_cast %parallel_loop3A_2438 : i32 to index
      %parallel_loop3A_2440 = tpu.vector_load %arg12[%parallel_loop3A_2439] {strides = array<i32>} : memref<1024xi32, #tpu.memory_space<vmem>>, vector<16xi32>,
      tpu.vector_store %arg12[%parallel_loop3A_2439], %broadcast_in_dim3A_34 {strides = array<i32>} : memref<1024xi32, #tpu.memory_space<vmem>>, vector<16xi32>,
      %parallel_loop3A_2441 = arith.constant true
      %parallel_loop3A_2442 = vector.broadcast %parallel_loop3A_2441 : i1 to vector<16xi1>
      %parallel_loop3A_2443 = tpu.scan <sum>, %parallel_loop3A_2436 masked %parallel_loop3A_2442 : vector<16xi32>, vector<16xi1> -> vector<16xi32>
      %parallel_loop3A_2444 = arith.constant 16 : i32
      %parallel_loop3A_2445 = arith.muli %parallel_loop3A_2432, %parallel_loop3A_2444 : i32
      %parallel_loop3A_2446 = arith.index_cast %parallel_loop3A_2445 : i32 to index
      %parallel_loop3A_2447 = tpu.vector_load %arg13[%parallel_loop3A_2446] {strides = array<i32>} : memref<1024xi32, #tpu.memory_space<vmem>>, vector<16xi32>,
      tpu.vector_store %arg13[%parallel_loop3A_2446], %parallel_loop3A_2443 {strides = array<i32>} : memref<1024xi32, #tpu.memory_space<vmem>>, vector<16xi32>,
    } {sc.loop_unroll_factor = 2 : i64, sc.parallel_access}
    %broadcast_in_dim3A_1763 = arith.constant -1 : i32
    %broadcast_in_dim3A_1764 = vector.broadcast %broadcast_in_dim3A_1763 : i32 to vector<16xi32>
    %broadcast_in_dim3A_1765 = arith.constant 0 : i32
    %broadcast_in_dim3A_1766 = vector.broadcast %broadcast_in_dim3A_1765 : i32 to vector<16xi32>
    %add3A_1767 = arith.addi %broadcast_in_dim3A_1766, %iota3A : vector<16xi32>
    %mul3A_1768 = arith.constant 16 : i32
    %mul3A_1769 = vector.broadcast %mul3A_1768 : i32 to vector<16xi32>
    %mul3A_1770 = arith.muli %add3A_1767, %mul3A_1769 : vector<16xi32>
    %add3A_1771 = arith.constant 15 : i32
    %add3A_1772 = vector.broadcast %add3A_1771 : i32 to vector<16xi32>
    %add3A_1773 = arith.addi %mul3A_1770, %add3A_1772 : vector<16xi32>
    %gather3A_1774 = tpu.vector_load_idx %arg13[%add3A_1773] : memref<1024xi32, #tpu.memory_space<vmem>>[vector<16xi32>], vector<16xi32>,
    %broadcast_in_dim3A_1775 = arith.constant true
    %broadcast_in_dim3A_1776 = vector.broadcast %broadcast_in_dim3A_1775 : i1 to vector<16xi1>
    %masked_cumsum3A_1777 = tpu.scan <sum>, %gather3A_1774 masked %broadcast_in_dim3A_1776 : vector<16xi32>, vector<16xi1> -> vector<16xi32>
    %add3A_1778 = arith.addi %broadcast_in_dim3A_34, %masked_cumsum3A_1777 : vector<16xi32>
    %ge3A_1779 = arith.cmpi sge, %add3A_1778, %sub3A_1756 : vector<16xi32>
    %all_reduce_population_count3A_1780 = tpu.all_reduce %ge3A_1779 {dim = 0 : i64, kind = #tpu.reduction_kind<sum>} : vector<16xi1> -> vector<16xi32>
    %all_reduce_ffs3A_1781 = tpu.all_reduce %ge3A_1779 {dim = 0 : i64, kind = #tpu.reduction_kind<find_first_set>} : vector<16xi1> -> vector<16xi32>
    %min3A_1782 = arith.minsi %all_reduce_ffs3A_1781, %broadcast_in_dim3A_42 : vector<16xi32>
    %lt3A_1783 = arith.constant 0 : i32
    %lt3A_1784 = vector.broadcast %lt3A_1783 : i32 to vector<16xi32>
    %lt3A_1785 = arith.cmpi slt, %broadcast_in_dim3A_1764, %lt3A_1784 : vector<16xi32>
    %gt3A_1786 = arith.constant 0 : i32
    %gt3A_1787 = vector.broadcast %gt3A_1786 : i32 to vector<16xi32>
    %gt3A_1788 = arith.cmpi sgt, %all_reduce_population_count3A_1780, %gt3A_1787 : vector<16xi32>
    %select_n3A_1789 = arith.select %gt3A_1788, %broadcast_in_dim3A_36, %broadcast_in_dim3A_34 : vector<16xi1>, vector<16xi32>
    %select_n3A_1790 = arith.select %lt3A_1785, %select_n3A_1789, %broadcast_in_dim3A_34 : vector<16xi1>, vector<16xi32>
    %broadcast_in_dim3A_1791 = arith.constant 0 : i32
    %broadcast_in_dim3A_1792 = vector.broadcast %broadcast_in_dim3A_1791 : i32 to vector<16xi32>
    %gt3A_1793 = arith.constant 0 : i32
    %gt3A_1794 = vector.broadcast %gt3A_1793 : i32 to vector<16xi32>
    %gt3A_1795 = arith.cmpi sgt, %select_n3A_1790, %gt3A_1794 : vector<16xi32>
    %add3A_1796 = arith.addi %broadcast_in_dim3A_1792, %min3A_1782 : vector<16xi32>
    %select_n3A_1797 = arith.select %gt3A_1795, %add3A_1796, %broadcast_in_dim3A_1764 : vector<16xi1>, vector<16xi32>
    %lt3A_1798 = arith.constant 0 : i32
    %lt3A_1799 = vector.broadcast %lt3A_1798 : i32 to vector<16xi32>
    %lt3A_1800 = arith.cmpi slt, %min3A_1782, %lt3A_1799 : vector<16xi32>
    %add3A_1801 = arith.constant 16 : i32
    %add3A_1802 = vector.broadcast %add3A_1801 : i32 to vector<16xi32>
    %add3A_1803 = arith.addi %min3A_1782, %add3A_1802 : vector<16xi32>
    %select_n3A_1804 = arith.select %lt3A_1800, %add3A_1803, %min3A_1782 : vector<16xi1>, vector<16xi32>
    %broadcast_in_dim3A_1805 = vector.shape_cast %select_n3A_1804 : vector<16xi32> to vector<16x1xi32>
    %gather3A_1806 = vector.shape_cast %broadcast_in_dim3A_1805 : vector<16x1xi32> to vector<16xi32>
    %gather3A_1807 = tpu.dynamic_gather %add3A_1778[%gather3A_1806] in [0] : vector<16xi32>, vector<16xi32> -> vector<16xi32>
    %lt3A_1808 = arith.constant 0 : i32
    %lt3A_1809 = vector.broadcast %lt3A_1808 : i32 to vector<16xi32>
    %lt3A_1810 = arith.cmpi slt, %min3A_1782, %lt3A_1809 : vector<16xi32>
    %add3A_1811 = arith.constant 16 : i32
    %add3A_1812 = vector.broadcast %add3A_1811 : i32 to vector<16xi32>
    %add3A_1813 = arith.addi %min3A_1782, %add3A_1812 : vector<16xi32>
    %select_n3A_1814 = arith.select %lt3A_1810, %add3A_1813, %min3A_1782 : vector<16xi1>, vector<16xi32>
    %broadcast_in_dim3A_1815 = vector.shape_cast %select_n3A_1814 : vector<16xi32> to vector<16x1xi32>
    %gather3A_1816 = vector.shape_cast %broadcast_in_dim3A_1815 : vector<16x1xi32> to vector<16xi32>
    %gather3A_1817 = tpu.dynamic_gather %gather3A_1774[%gather3A_1816] in [0] : vector<16xi32>, vector<16xi32> -> vector<16xi32>
    %gt3A_1818 = arith.constant 0 : i32
    %gt3A_1819 = vector.broadcast %gt3A_1818 : i32 to vector<16xi32>
    %gt3A_1820 = arith.cmpi sgt, %select_n3A_1790, %gt3A_1819 : vector<16xi32>
    %sub3A_1821 = arith.subi %gather3A_1807, %gather3A_1817 : vector<16xi32>
    %select_n3A_1822 = arith.select %gt3A_1820, %sub3A_1821, %broadcast_in_dim3A_34 : vector<16xi1>, vector<16xi32>
    %lt3A_1823 = arith.constant 0 : i32
    %lt3A_1824 = vector.broadcast %lt3A_1823 : i32 to vector<16xi32>
    %lt3A_1825 = arith.cmpi slt, %broadcast_in_dim3A_42, %lt3A_1824 : vector<16xi32>
    %add3A_1826 = arith.constant 16 : i32
    %add3A_1827 = vector.broadcast %add3A_1826 : i32 to vector<16xi32>
    %add3A_1828 = arith.addi %broadcast_in_dim3A_42, %add3A_1827 : vector<16xi32>
    %select_n3A_1829 = arith.select %lt3A_1825, %add3A_1828, %broadcast_in_dim3A_42 : vector<16xi1>, vector<16xi32>
    %broadcast_in_dim3A_1830 = vector.shape_cast %select_n3A_1829 : vector<16xi32> to vector<16x1xi32>
    %gather3A_1831 = vector.shape_cast %broadcast_in_dim3A_1830 : vector<16x1xi32> to vector<16xi32>
    %gather3A_1832 = tpu.dynamic_gather %add3A_1778[%gather3A_1831] in [0] : vector<16xi32>, vector<16xi32> -> vector<16xi32>
    %broadcast_in_dim3A_1833 = arith.constant 16 : i32
    %broadcast_in_dim3A_1834 = vector.broadcast %broadcast_in_dim3A_1833 : i32 to vector<16xi32>
    %add3A_1835 = arith.addi %broadcast_in_dim3A_1834, %iota3A : vector<16xi32>
    %mul3A_1836 = arith.constant 16 : i32
    %mul3A_1837 = vector.broadcast %mul3A_1836 : i32 to vector<16xi32>
    %mul3A_1838 = arith.muli %add3A_1835, %mul3A_1837 : vector<16xi32>
    %add3A_1839 = arith.constant 15 : i32
    %add3A_1840 = vector.broadcast %add3A_1839 : i32 to vector<16xi32>
    %add3A_1841 = arith.addi %mul3A_1838, %add3A_1840 : vector<16xi32>
    %gather3A_1842 = tpu.vector_load_idx %arg13[%add3A_1841] : memref<1024xi32, #tpu.memory_space<vmem>>[vector<16xi32>], vector<16xi32>,
    %broadcast_in_dim3A_1843 = arith.constant true
    %broadcast_in_dim3A_1844 = vector.broadcast %broadcast_in_dim3A_1843 : i1 to vector<16xi1>
    %masked_cumsum3A_1845 = tpu.scan <sum>, %gather3A_1842 masked %broadcast_in_dim3A_1844 : vector<16xi32>, vector<16xi1> -> vector<16xi32>
    %add3A_1846 = arith.addi %gather3A_1832, %masked_cumsum3A_1845 : vector<16xi32>
    %ge3A_1847 = arith.cmpi sge, %add3A_1846, %sub3A_1756 : vector<16xi32>
    %all_reduce_population_count3A_1848 = tpu.all_reduce %ge3A_1847 {dim = 0 : i64, kind = #tpu.reduction_kind<sum>} : vector<16xi1> -> vector<16xi32>
    %all_reduce_ffs3A_1849 = tpu.all_reduce %ge3A_1847 {dim = 0 : i64, kind = #tpu.reduction_kind<find_first_set>} : vector<16xi1> -> vector<16xi32>
    %min3A_1850 = arith.minsi %all_reduce_ffs3A_1849, %broadcast_in_dim3A_42 : vector<16xi32>
    %lt3A_1851 = arith.constant 0 : i32
    %lt3A_1852 = vector.broadcast %lt3A_1851 : i32 to vector<16xi32>
    %lt3A_1853 = arith.cmpi slt, %select_n3A_1797, %lt3A_1852 : vector<16xi32>
    %gt3A_1854 = arith.constant 0 : i32
    %gt3A_1855 = vector.broadcast %gt3A_1854 : i32 to vector<16xi32>
    %gt3A_1856 = arith.cmpi sgt, %all_reduce_population_count3A_1848, %gt3A_1855 : vector<16xi32>
    %select_n3A_1857 = arith.select %gt3A_1856, %broadcast_in_dim3A_36, %broadcast_in_dim3A_34 : vector<16xi1>, vector<16xi32>
    %select_n3A_1858 = arith.select %lt3A_1853, %select_n3A_1857, %broadcast_in_dim3A_34 : vector<16xi1>, vector<16xi32>
    %broadcast_in_dim3A_1859 = arith.constant 16 : i32
    %broadcast_in_dim3A_1860 = vector.broadcast %broadcast_in_dim3A_1859 : i32 to vector<16xi32>
    %gt3A_1861 = arith.constant 0 : i32
    %gt3A_1862 = vector.broadcast %gt3A_1861 : i32 to vector<16xi32>
    %gt3A_1863 = arith.cmpi sgt, %select_n3A_1858, %gt3A_1862 : vector<16xi32>
    %add3A_1864 = arith.addi %broadcast_in_dim3A_1860, %min3A_1850 : vector<16xi32>
    %select_n3A_1865 = arith.select %gt3A_1863, %add3A_1864, %select_n3A_1797 : vector<16xi1>, vector<16xi32>
    %lt3A_1866 = arith.constant 0 : i32
    %lt3A_1867 = vector.broadcast %lt3A_1866 : i32 to vector<16xi32>
    %lt3A_1868 = arith.cmpi slt, %min3A_1850, %lt3A_1867 : vector<16xi32>
    %add3A_1869 = arith.constant 16 : i32
    %add3A_1870 = vector.broadcast %add3A_1869 : i32 to vector<16xi32>
    %add3A_1871 = arith.addi %min3A_1850, %add3A_1870 : vector<16xi32>
    %select_n3A_1872 = arith.select %lt3A_1868, %add3A_1871, %min3A_1850 : vector<16xi1>, vector<16xi32>
    %broadcast_in_dim3A_1873 = vector.shape_cast %select_n3A_1872 : vector<16xi32> to vector<16x1xi32>
    %gather3A_1874 = vector.shape_cast %broadcast_in_dim3A_1873 : vector<16x1xi32> to vector<16xi32>
    %gather3A_1875 = tpu.dynamic_gather %add3A_1846[%gather3A_1874] in [0] : vector<16xi32>, vector<16xi32> -> vector<16xi32>
    %lt3A_1876 = arith.constant 0 : i32
    %lt3A_1877 = vector.broadcast %lt3A_1876 : i32 to vector<16xi32>
    %lt3A_1878 = arith.cmpi slt, %min3A_1850, %lt3A_1877 : vector<16xi32>
    %add3A_1879 = arith.constant 16 : i32
    %add3A_1880 = vector.broadcast %add3A_1879 : i32 to vector<16xi32>
    %add3A_1881 = arith.addi %min3A_1850, %add3A_1880 : vector<16xi32>
    %select_n3A_1882 = arith.select %lt3A_1878, %add3A_1881, %min3A_1850 : vector<16xi1>, vector<16xi32>
    %broadcast_in_dim3A_1883 = vector.shape_cast %select_n3A_1882 : vector<16xi32> to vector<16x1xi32>
    %gather3A_1884 = vector.shape_cast %broadcast_in_dim3A_1883 : vector<16x1xi32> to vector<16xi32>
    %gather3A_1885 = tpu.dynamic_gather %gather3A_1842[%gather3A_1884] in [0] : vector<16xi32>, vector<16xi32> -> vector<16xi32>
    %gt3A_1886 = arith.constant 0 : i32
    %gt3A_1887 = vector.broadcast %gt3A_1886 : i32 to vector<16xi32>
    %gt3A_1888 = arith.cmpi sgt, %select_n3A_1858, %gt3A_1887 : vector<16xi32>
    %sub3A_1889 = arith.subi %gather3A_1875, %gather3A_1885 : vector<16xi32>
    %select_n3A_1890 = arith.select %gt3A_1888, %sub3A_1889, %select_n3A_1822 : vector<16xi1>, vector<16xi32>
    %lt3A_1891 = arith.constant 0 : i32
    %lt3A_1892 = vector.broadcast %lt3A_1891 : i32 to vector<16xi32>
    %lt3A_1893 = arith.cmpi slt, %broadcast_in_dim3A_42, %lt3A_1892 : vector<16xi32>
    %add3A_1894 = arith.constant 16 : i32
    %add3A_1895 = vector.broadcast %add3A_1894 : i32 to vector<16xi32>
    %add3A_1896 = arith.addi %broadcast_in_dim3A_42, %add3A_1895 : vector<16xi32>
    %select_n3A_1897 = arith.select %lt3A_1893, %add3A_1896, %broadcast_in_dim3A_42 : vector<16xi1>, vector<16xi32>
    %broadcast_in_dim3A_1898 = vector.shape_cast %select_n3A_1897 : vector<16xi32> to vector<16x1xi32>
    %gather3A_1899 = vector.shape_cast %broadcast_in_dim3A_1898 : vector<16x1xi32> to vector<16xi32>
    %gather3A_1900 = tpu.dynamic_gather %add3A_1846[%gather3A_1899] in [0] : vector<16xi32>, vector<16xi32> -> vector<16xi32>
    %broadcast_in_dim3A_1901 = arith.constant 32 : i32
    %broadcast_in_dim3A_1902 = vector.broadcast %broadcast_in_dim3A_1901 : i32 to vector<16xi32>
    %add3A_1903 = arith.addi %broadcast_in_dim3A_1902, %iota3A : vector<16xi32>
    %mul3A_1904 = arith.constant 16 : i32
    %mul3A_1905 = vector.broadcast %mul3A_1904 : i32 to vector<16xi32>
    %mul3A_1906 = arith.muli %add3A_1903, %mul3A_1905 : vector<16xi32>
    %add3A_1907 = arith.constant 15 : i32
    %add3A_1908 = vector.broadcast %add3A_1907 : i32 to vector<16xi32>
    %add3A_1909 = arith.addi %mul3A_1906, %add3A_1908 : vector<16xi32>
    %gather3A_1910 = tpu.vector_load_idx %arg13[%add3A_1909] : memref<1024xi32, #tpu.memory_space<vmem>>[vector<16xi32>], vector<16xi32>,
    %broadcast_in_dim3A_1911 = arith.constant true
    %broadcast_in_dim3A_1912 = vector.broadcast %broadcast_in_dim3A_1911 : i1 to vector<16xi1>
    %masked_cumsum3A_1913 = tpu.scan <sum>, %gather3A_1910 masked %broadcast_in_dim3A_1912 : vector<16xi32>, vector<16xi1> -> vector<16xi32>
    %add3A_1914 = arith.addi %gather3A_1900, %masked_cumsum3A_1913 : vector<16xi32>
    %ge3A_1915 = arith.cmpi sge, %add3A_1914, %sub3A_1756 : vector<16xi32>
    %all_reduce_population_count3A_1916 = tpu.all_reduce %ge3A_1915 {dim = 0 : i64, kind = #tpu.reduction_kind<sum>} : vector<16xi1> -> vector<16xi32>
    %all_reduce_ffs3A_1917 = tpu.all_reduce %ge3A_1915 {dim = 0 : i64, kind = #tpu.reduction_kind<find_first_set>} : vector<16xi1> -> vector<16xi32>
    %min3A_1918 = arith.minsi %all_reduce_ffs3A_1917, %broadcast_in_dim3A_42 : vector<16xi32>
    %lt3A_1919 = arith.constant 0 : i32
    %lt3A_1920 = vector.broadcast %lt3A_1919 : i32 to vector<16xi32>
    %lt3A_1921 = arith.cmpi slt, %select_n3A_1865, %lt3A_1920 : vector<16xi32>
    %gt3A_1922 = arith.constant 0 : i32
    %gt3A_1923 = vector.broadcast %gt3A_1922 : i32 to vector<16xi32>
    %gt3A_1924 = arith.cmpi sgt, %all_reduce_population_count3A_1916, %gt3A_1923 : vector<16xi32>
    %select_n3A_1925 = arith.select %gt3A_1924, %broadcast_in_dim3A_36, %broadcast_in_dim3A_34 : vector<16xi1>, vector<16xi32>
    %select_n3A_1926 = arith.select %lt3A_1921, %select_n3A_1925, %broadcast_in_dim3A_34 : vector<16xi1>, vector<16xi32>
    %broadcast_in_dim3A_1927 = arith.constant 32 : i32
    %broadcast_in_dim3A_1928 = vector.broadcast %broadcast_in_dim3A_1927 : i32 to vector<16xi32>
    %gt3A_1929 = arith.constant 0 : i32
    %gt3A_1930 = vector.broadcast %gt3A_1929 : i32 to vector<16xi32>
    %gt3A_1931 = arith.cmpi sgt, %select_n3A_1926, %gt3A_1930 : vector<16xi32>
    %add3A_1932 = arith.addi %broadcast_in_dim3A_1928, %min3A_1918 : vector<16xi32>
    %select_n3A_1933 = arith.select %gt3A_1931, %add3A_1932, %select_n3A_1865 : vector<16xi1>, vector<16xi32>
    %lt3A_1934 = arith.constant 0 : i32
    %lt3A_1935 = vector.broadcast %lt3A_1934 : i32 to vector<16xi32>
    %lt3A_1936 = arith.cmpi slt, %min3A_1918, %lt3A_1935 : vector<16xi32>
    %add3A_1937 = arith.constant 16 : i32
    %add3A_1938 = vector.broadcast %add3A_1937 : i32 to vector<16xi32>
    %add3A_1939 = arith.addi %min3A_1918, %add3A_1938 : vector<16xi32>
    %select_n3A_1940 = arith.select %lt3A_1936, %add3A_1939, %min3A_1918 : vector<16xi1>, vector<16xi32>
    %broadcast_in_dim3A_1941 = vector.shape_cast %select_n3A_1940 : vector<16xi32> to vector<16x1xi32>
    %gather3A_1942 = vector.shape_cast %broadcast_in_dim3A_1941 : vector<16x1xi32> to vector<16xi32>
    %gather3A_1943 = tpu.dynamic_gather %add3A_1914[%gather3A_1942] in [0] : vector<16xi32>, vector<16xi32> -> vector<16xi32>
    %lt3A_1944 = arith.constant 0 : i32
    %lt3A_1945 = vector.broadcast %lt3A_1944 : i32 to vector<16xi32>
    %lt3A_1946 = arith.cmpi slt, %min3A_1918, %lt3A_1945 : vector<16xi32>
    %add3A_1947 = arith.constant 16 : i32
    %add3A_1948 = vector.broadcast %add3A_1947 : i32 to vector<16xi32>
    %add3A_1949 = arith.addi %min3A_1918, %add3A_1948 : vector<16xi32>
    %select_n3A_1950 = arith.select %lt3A_1946, %add3A_1949, %min3A_1918 : vector<16xi1>, vector<16xi32>
    %broadcast_in_dim3A_1951 = vector.shape_cast %select_n3A_1950 : vector<16xi32> to vector<16x1xi32>
    %gather3A_1952 = vector.shape_cast %broadcast_in_dim3A_1951 : vector<16x1xi32> to vector<16xi32>
    %gather3A_1953 = tpu.dynamic_gather %gather3A_1910[%gather3A_1952] in [0] : vector<16xi32>, vector<16xi32> -> vector<16xi32>
    %gt3A_1954 = arith.constant 0 : i32
    %gt3A_1955 = vector.broadcast %gt3A_1954 : i32 to vector<16xi32>
    %gt3A_1956 = arith.cmpi sgt, %select_n3A_1926, %gt3A_1955 : vector<16xi32>
    %sub3A_1957 = arith.subi %gather3A_1943, %gather3A_1953 : vector<16xi32>
    %select_n3A_1958 = arith.select %gt3A_1956, %sub3A_1957, %select_n3A_1890 : vector<16xi1>, vector<16xi32>
    %lt3A_1959 = arith.constant 0 : i32
    %lt3A_1960 = vector.broadcast %lt3A_1959 : i32 to vector<16xi32>
    %lt3A_1961 = arith.cmpi slt, %broadcast_in_dim3A_42, %lt3A_1960 : vector<16xi32>
    %add3A_1962 = arith.constant 16 : i32
    %add3A_1963 = vector.broadcast %add3A_1962 : i32 to vector<16xi32>
    %add3A_1964 = arith.addi %broadcast_in_dim3A_42, %add3A_1963 : vector<16xi32>
    %select_n3A_1965 = arith.select %lt3A_1961, %add3A_1964, %broadcast_in_dim3A_42 : vector<16xi1>, vector<16xi32>
    %broadcast_in_dim3A_1966 = vector.shape_cast %select_n3A_1965 : vector<16xi32> to vector<16x1xi32>
    %gather3A_1967 = vector.shape_cast %broadcast_in_dim3A_1966 : vector<16x1xi32> to vector<16xi32>
    %gather3A_1968 = tpu.dynamic_gather %add3A_1914[%gather3A_1967] in [0] : vector<16xi32>, vector<16xi32> -> vector<16xi32>
    %broadcast_in_dim3A_1969 = arith.constant 48 : i32
    %broadcast_in_dim3A_1970 = vector.broadcast %broadcast_in_dim3A_1969 : i32 to vector<16xi32>
    %add3A_1971 = arith.addi %broadcast_in_dim3A_1970, %iota3A : vector<16xi32>
    %mul3A_1972 = arith.constant 16 : i32
    %mul3A_1973 = vector.broadcast %mul3A_1972 : i32 to vector<16xi32>
    %mul3A_1974 = arith.muli %add3A_1971, %mul3A_1973 : vector<16xi32>
    %add3A_1975 = arith.constant 15 : i32
    %add3A_1976 = vector.broadcast %add3A_1975 : i32 to vector<16xi32>
    %add3A_1977 = arith.addi %mul3A_1974, %add3A_1976 : vector<16xi32>
    %gather3A_1978 = tpu.vector_load_idx %arg13[%add3A_1977] : memref<1024xi32, #tpu.memory_space<vmem>>[vector<16xi32>], vector<16xi32>,
    %broadcast_in_dim3A_1979 = arith.constant true
    %broadcast_in_dim3A_1980 = vector.broadcast %broadcast_in_dim3A_1979 : i1 to vector<16xi1>
    %masked_cumsum3A_1981 = tpu.scan <sum>, %gather3A_1978 masked %broadcast_in_dim3A_1980 : vector<16xi32>, vector<16xi1> -> vector<16xi32>
    %add3A_1982 = arith.addi %gather3A_1968, %masked_cumsum3A_1981 : vector<16xi32>
    %ge3A_1983 = arith.cmpi sge, %add3A_1982, %sub3A_1756 : vector<16xi32>
    %all_reduce_population_count3A_1984 = tpu.all_reduce %ge3A_1983 {dim = 0 : i64, kind = #tpu.reduction_kind<sum>} : vector<16xi1> -> vector<16xi32>
    %all_reduce_ffs3A_1985 = tpu.all_reduce %ge3A_1983 {dim = 0 : i64, kind = #tpu.reduction_kind<find_first_set>} : vector<16xi1> -> vector<16xi32>
    %min3A_1986 = arith.minsi %all_reduce_ffs3A_1985, %broadcast_in_dim3A_42 : vector<16xi32>
    %lt3A_1987 = arith.constant 0 : i32
    %lt3A_1988 = vector.broadcast %lt3A_1987 : i32 to vector<16xi32>
    %lt3A_1989 = arith.cmpi slt, %select_n3A_1933, %lt3A_1988 : vector<16xi32>
    %gt3A_1990 = arith.constant 0 : i32
    %gt3A_1991 = vector.broadcast %gt3A_1990 : i32 to vector<16xi32>
    %gt3A_1992 = arith.cmpi sgt, %all_reduce_population_count3A_1984, %gt3A_1991 : vector<16xi32>
    %select_n3A_1993 = arith.select %gt3A_1992, %broadcast_in_dim3A_36, %broadcast_in_dim3A_34 : vector<16xi1>, vector<16xi32>
    %select_n3A_1994 = arith.select %lt3A_1989, %select_n3A_1993, %broadcast_in_dim3A_34 : vector<16xi1>, vector<16xi32>
    %broadcast_in_dim3A_1995 = arith.constant 48 : i32
    %broadcast_in_dim3A_1996 = vector.broadcast %broadcast_in_dim3A_1995 : i32 to vector<16xi32>
    %gt3A_1997 = arith.constant 0 : i32
    %gt3A_1998 = vector.broadcast %gt3A_1997 : i32 to vector<16xi32>
    %gt3A_1999 = arith.cmpi sgt, %select_n3A_1994, %gt3A_1998 : vector<16xi32>
    %add3A_2000 = arith.addi %broadcast_in_dim3A_1996, %min3A_1986 : vector<16xi32>
    %select_n3A_2001 = arith.select %gt3A_1999, %add3A_2000, %select_n3A_1933 : vector<16xi1>, vector<16xi32>
    %lt3A_2002 = arith.constant 0 : i32
    %lt3A_2003 = vector.broadcast %lt3A_2002 : i32 to vector<16xi32>
    %lt3A_2004 = arith.cmpi slt, %min3A_1986, %lt3A_2003 : vector<16xi32>
    %add3A_2005 = arith.constant 16 : i32
    %add3A_2006 = vector.broadcast %add3A_2005 : i32 to vector<16xi32>
    %add3A_2007 = arith.addi %min3A_1986, %add3A_2006 : vector<16xi32>
    %select_n3A_2008 = arith.select %lt3A_2004, %add3A_2007, %min3A_1986 : vector<16xi1>, vector<16xi32>
    %broadcast_in_dim3A_2009 = vector.shape_cast %select_n3A_2008 : vector<16xi32> to vector<16x1xi32>
    %gather3A_2010 = vector.shape_cast %broadcast_in_dim3A_2009 : vector<16x1xi32> to vector<16xi32>
    %gather3A_2011 = tpu.dynamic_gather %add3A_1982[%gather3A_2010] in [0] : vector<16xi32>, vector<16xi32> -> vector<16xi32>
    %lt3A_2012 = arith.constant 0 : i32
    %lt3A_2013 = vector.broadcast %lt3A_2012 : i32 to vector<16xi32>
    %lt3A_2014 = arith.cmpi slt, %min3A_1986, %lt3A_2013 : vector<16xi32>
    %add3A_2015 = arith.constant 16 : i32
    %add3A_2016 = vector.broadcast %add3A_2015 : i32 to vector<16xi32>
    %add3A_2017 = arith.addi %min3A_1986, %add3A_2016 : vector<16xi32>
    %select_n3A_2018 = arith.select %lt3A_2014, %add3A_2017, %min3A_1986 : vector<16xi1>, vector<16xi32>
    %broadcast_in_dim3A_2019 = vector.shape_cast %select_n3A_2018 : vector<16xi32> to vector<16x1xi32>
    %gather3A_2020 = vector.shape_cast %broadcast_in_dim3A_2019 : vector<16x1xi32> to vector<16xi32>
    %gather3A_2021 = tpu.dynamic_gather %gather3A_1978[%gather3A_2020] in [0] : vector<16xi32>, vector<16xi32> -> vector<16xi32>
    %gt3A_2022 = arith.constant 0 : i32
    %gt3A_2023 = vector.broadcast %gt3A_2022 : i32 to vector<16xi32>
    %gt3A_2024 = arith.cmpi sgt, %select_n3A_1994, %gt3A_2023 : vector<16xi32>
    %sub3A_2025 = arith.subi %gather3A_2011, %gather3A_2021 : vector<16xi32>
    %select_n3A_2026 = arith.select %gt3A_2024, %sub3A_2025, %select_n3A_1958 : vector<16xi1>, vector<16xi32>
    %lt3A_2027 = arith.constant 0 : i32
    %lt3A_2028 = vector.broadcast %lt3A_2027 : i32 to vector<16xi32>
    %lt3A_2029 = arith.cmpi slt, %broadcast_in_dim3A_42, %lt3A_2028 : vector<16xi32>
    %add3A_2030 = arith.constant 16 : i32
    %add3A_2031 = vector.broadcast %add3A_2030 : i32 to vector<16xi32>
    %add3A_2032 = arith.addi %broadcast_in_dim3A_42, %add3A_2031 : vector<16xi32>
    %select_n3A_2033 = arith.select %lt3A_2029, %add3A_2032, %broadcast_in_dim3A_42 : vector<16xi1>, vector<16xi32>
    %broadcast_in_dim3A_2034 = vector.shape_cast %select_n3A_2033 : vector<16xi32> to vector<16x1xi32>
    %gather3A_2035 = vector.shape_cast %broadcast_in_dim3A_2034 : vector<16x1xi32> to vector<16xi32>
    %gather3A_2036 = tpu.dynamic_gather %add3A_1982[%gather3A_2035] in [0] : vector<16xi32>, vector<16xi32> -> vector<16xi32>
    %reduce_max3A_2037 = arith.constant true
    %reduce_max3A_2038 = vector.broadcast %reduce_max3A_2037 : i1 to vector<16xi1>
    %reduce_max3A_2039 = arith.constant -2147483648 : i32
    %reduce_max3A_2040 = vector.broadcast %reduce_max3A_2039 : i32 to vector<16xi32>
    %reduce_max3A_2041 = arith.xori %select_n3A_2001, %reduce_max3A_2040 : vector<16xi32>
    %reduce_max3A_2042 = tpu.scan <max>, %reduce_max3A_2041 masked %reduce_max3A_2038 : vector<16xi32>, vector<16xi1> -> vector<16xi32>
    %reduce_max3A_2043 = arith.xori %reduce_max3A_2042, %reduce_max3A_2040 : vector<16xi32>
    %reduce_max3A_2044 = vector.extract %reduce_max3A_2043[15] : i32 from vector<16xi32>
    %mul3A_2045 = arith.constant 16 : i32
    %mul3A_2046 = arith.muli %reduce_max3A_2044, %mul3A_2045 : i32
    %get3A_2047 = arith.index_cast %mul3A_2046 : i32 to index
    %get3A_2048 = tpu.vector_load %arg13[%get3A_2047] {strides = array<i32>} : memref<1024xi32, #tpu.memory_space<vmem>>, vector<16xi32>,
    %add3A_2049 = arith.addi %select_n3A_2026, %get3A_2048 : vector<16xi32>
    %ge3A_2050 = arith.cmpi sge, %add3A_2049, %sub3A_1756 : vector<16xi32>
    %all_reduce_ffs3A_2051 = tpu.all_reduce %ge3A_2050 {dim = 0 : i64, kind = #tpu.reduction_kind<find_first_set>} : vector<16xi1> -> vector<16xi32>
    %min3A_2052 = arith.minsi %all_reduce_ffs3A_2051, %broadcast_in_dim3A_42 : vector<16xi32>
    %mul3A_2053 = arith.constant 16 : i32
    %mul3A_2054 = vector.broadcast %mul3A_2053 : i32 to vector<16xi32>
    %mul3A_2055 = arith.muli %select_n3A_2001, %mul3A_2054 : vector<16xi32>
    %add3A_2056 = arith.addi %mul3A_2055, %min3A_2052 : vector<16xi32>
    %sub3A_2057 = arith.constant 1 : i32
    %sub3A_2058 = vector.broadcast %sub3A_2057 : i32 to vector<16xi32>
    %sub3A_2059 = arith.subi %min3A_2052, %sub3A_2058 : vector<16xi32>
    %max3A_2060 = arith.maxsi %sub3A_2059, %broadcast_in_dim3A_34 : vector<16xi32>
    %gt3A_2061 = arith.constant 0 : i32
    %gt3A_2062 = vector.broadcast %gt3A_2061 : i32 to vector<16xi32>
    %gt3A_2063 = arith.cmpi sgt, %min3A_2052, %gt3A_2062 : vector<16xi32>
    %lt3A_2064 = arith.constant 0 : i32
    %lt3A_2065 = vector.broadcast %lt3A_2064 : i32 to vector<16xi32>
    %lt3A_2066 = arith.cmpi slt, %max3A_2060, %lt3A_2065 : vector<16xi32>
    %add3A_2067 = arith.constant 16 : i32
    %add3A_2068 = vector.broadcast %add3A_2067 : i32 to vector<16xi32>
    %add3A_2069 = arith.addi %max3A_2060, %add3A_2068 : vector<16xi32>
    %select_n3A_2070 = arith.select %lt3A_2066, %add3A_2069, %max3A_2060 : vector<16xi1>, vector<16xi32>
    %broadcast_in_dim3A_2071 = vector.shape_cast %select_n3A_2070 : vector<16xi32> to vector<16x1xi32>
    %gather3A_2072 = vector.shape_cast %broadcast_in_dim3A_2071 : vector<16x1xi32> to vector<16xi32>
    %gather3A_2073 = tpu.dynamic_gather %get3A_2048[%gather3A_2072] in [0] : vector<16xi32>, vector<16xi32> -> vector<16xi32>
    %select_n3A_2074 = arith.select %gt3A_2063, %gather3A_2073, %broadcast_in_dim3A_34 : vector<16xi1>, vector<16xi32>
    %add3A_2075 = arith.addi %select_n3A_2026, %select_n3A_2074 : vector<16xi32>
    %sub3A_2076 = arith.subi %sub3A_1756, %add3A_2075 : vector<16xi32>
    %shift_left3A_2077 = arith.constant 10 : i32
    %shift_left3A_2078 = vector.broadcast %shift_left3A_2077 : i32 to vector<16xi32>
    %shift_left3A_2079 = arith.shli %add3A_1736, %shift_left3A_2078 : vector<16xi32>
    %or3A_2080 = arith.ori %shift_left3A_2079, %add3A_2056 : vector<16xi32>
    %parallel_loop3A_2081 = arith.constant 0 : i32
    %parallel_loop3A_2082 = arith.constant 128 : i32
    %parallel_loop3A_2083 = arith.constant 1 : i32
    scf.for %parallel_loop3A_2432 = %parallel_loop3A_2081 to %parallel_loop3A_2082 step %parallel_loop3A_2083  : i32 {
      %parallel_loop3A_2433 = arith.constant 4 : i32
      %parallel_loop3A_2434 = arith.muli %parallel_loop3A_2432, %parallel_loop3A_2433 : i32
      %parallel_loop3A_2435 = arith.constant 0 : i32
      %parallel_loop3A_2436 = arith.addi %parallel_loop3A_2434, %parallel_loop3A_2435 : i32
      %parallel_loop3A_2437 = arith.constant 16 : i32
      %parallel_loop3A_2438 = arith.muli %parallel_loop3A_2436, %parallel_loop3A_2437 : i32
      %parallel_loop3A_2439 = arith.index_cast %parallel_loop3A_2438 : i32 to index
      %parallel_loop3A_2440 = tpu.vector_load %arg11[%parallel_loop3A_2439] {strides = array<i32>} : memref<8192xi32, #tpu.memory_space<vmem>>, vector<16xi32>,
      %parallel_loop3A_2441 = arith.constant 10 : i32
      %parallel_loop3A_2442 = vector.broadcast %parallel_loop3A_2441 : i32 to vector<16xi32>
      %parallel_loop3A_2443 = arith.shrui %parallel_loop3A_2440, %parallel_loop3A_2442 : vector<16xi32>
      %parallel_loop3A_2444 = arith.andi %parallel_loop3A_2440, %broadcast_in_dim3A_40 : vector<16xi32>
      %parallel_loop3A_2445 = arith.cmpi eq, %parallel_loop3A_2443, %or3A_2080 : vector<16xi32>
      tpu.vector_store_idx %arg12[%parallel_loop3A_2444], %broadcast_in_dim3A_36 masked %parallel_loop3A_2445 {add = true} : memref<1024xi32, #tpu.memory_space<vmem>>[vector<16xi32>], vector<16xi32>, vector<16xi1>
      %parallel_loop3A_2446 = arith.constant 4 : i32
      %parallel_loop3A_2447 = arith.muli %parallel_loop3A_2432, %parallel_loop3A_2446 : i32
      %parallel_loop3A_2448 = arith.constant 1 : i32
      %parallel_loop3A_2449 = arith.addi %parallel_loop3A_2447, %parallel_loop3A_2448 : i32
      %parallel_loop3A_2450 = arith.constant 16 : i32
      %parallel_loop3A_2451 = arith.muli %parallel_loop3A_2449, %parallel_loop3A_2450 : i32
      %parallel_loop3A_2452 = arith.index_cast %parallel_loop3A_2451 : i32 to index
      %parallel_loop3A_2453 = tpu.vector_load %arg11[%parallel_loop3A_2452] {strides = array<i32>} : memref<8192xi32, #tpu.memory_space<vmem>>, vector<16xi32>,
      %parallel_loop3A_2454 = arith.constant 10 : i32
      %parallel_loop3A_2455 = vector.broadcast %parallel_loop3A_2454 : i32 to vector<16xi32>
      %parallel_loop3A_2456 = arith.shrui %parallel_loop3A_2453, %parallel_loop3A_2455 : vector<16xi32>
      %parallel_loop3A_2457 = arith.andi %parallel_loop3A_2453, %broadcast_in_dim3A_40 : vector<16xi32>
      %parallel_loop3A_2458 = arith.cmpi eq, %parallel_loop3A_2456, %or3A_2080 : vector<16xi32>
      tpu.vector_store_idx %arg12[%parallel_loop3A_2457], %broadcast_in_dim3A_36 masked %parallel_loop3A_2458 {add = true} : memref<1024xi32, #tpu.memory_space<vmem>>[vector<16xi32>], vector<16xi32>, vector<16xi1>
      %parallel_loop3A_2459 = arith.constant 4 : i32
      %parallel_loop3A_2460 = arith.muli %parallel_loop3A_2432, %parallel_loop3A_2459 : i32
      %parallel_loop3A_2461 = arith.constant 2 : i32
      %parallel_loop3A_2462 = arith.addi %parallel_loop3A_2460, %parallel_loop3A_2461 : i32
      %parallel_loop3A_2463 = arith.constant 16 : i32
      %parallel_loop3A_2464 = arith.muli %parallel_loop3A_2462, %parallel_loop3A_2463 : i32
      %parallel_loop3A_2465 = arith.index_cast %parallel_loop3A_2464 : i32 to index
      %parallel_loop3A_2466 = tpu.vector_load %arg11[%parallel_loop3A_2465] {strides = array<i32>} : memref<8192xi32, #tpu.memory_space<vmem>>, vector<16xi32>,
      %parallel_loop3A_2467 = arith.constant 10 : i32
      %parallel_loop3A_2468 = vector.broadcast %parallel_loop3A_2467 : i32 to vector<16xi32>
      %parallel_loop3A_2469 = arith.shrui %parallel_loop3A_2466, %parallel_loop3A_2468 : vector<16xi32>
      %parallel_loop3A_2470 = arith.andi %parallel_loop3A_2466, %broadcast_in_dim3A_40 : vector<16xi32>
      %parallel_loop3A_2471 = arith.cmpi eq, %parallel_loop3A_2469, %or3A_2080 : vector<16xi32>
      tpu.vector_store_idx %arg12[%parallel_loop3A_2470], %broadcast_in_dim3A_36 masked %parallel_loop3A_2471 {add = true} : memref<1024xi32, #tpu.memory_space<vmem>>[vector<16xi32>], vector<16xi32>, vector<16xi1>
      %parallel_loop3A_2472 = arith.constant 4 : i32
      %parallel_loop3A_2473 = arith.muli %parallel_loop3A_2432, %parallel_loop3A_2472 : i32
      %parallel_loop3A_2474 = arith.constant 3 : i32
      %parallel_loop3A_2475 = arith.addi %parallel_loop3A_2473, %parallel_loop3A_2474 : i32
      %parallel_loop3A_2476 = arith.constant 16 : i32
      %parallel_loop3A_2477 = arith.muli %parallel_loop3A_2475, %parallel_loop3A_2476 : i32
      %parallel_loop3A_2478 = arith.index_cast %parallel_loop3A_2477 : i32 to index
      %parallel_loop3A_2479 = tpu.vector_load %arg11[%parallel_loop3A_2478] {strides = array<i32>} : memref<8192xi32, #tpu.memory_space<vmem>>, vector<16xi32>,
      %parallel_loop3A_2480 = arith.constant 10 : i32
      %parallel_loop3A_2481 = vector.broadcast %parallel_loop3A_2480 : i32 to vector<16xi32>
      %parallel_loop3A_2482 = arith.shrui %parallel_loop3A_2479, %parallel_loop3A_2481 : vector<16xi32>
      %parallel_loop3A_2483 = arith.andi %parallel_loop3A_2479, %broadcast_in_dim3A_40 : vector<16xi32>
      %parallel_loop3A_2484 = arith.cmpi eq, %parallel_loop3A_2482, %or3A_2080 : vector<16xi32>
      tpu.vector_store_idx %arg12[%parallel_loop3A_2483], %broadcast_in_dim3A_36 masked %parallel_loop3A_2484 {add = true} : memref<1024xi32, #tpu.memory_space<vmem>>[vector<16xi32>], vector<16xi32>, vector<16xi1>
    } {sc.loop_unroll_factor = 2 : i64, sc.parallel_access}
    %parallel_loop3A_2084 = arith.constant 0 : i32
    %parallel_loop3A_2085 = arith.constant 64 : i32
    %parallel_loop3A_2086 = arith.constant 1 : i32
    scf.for %parallel_loop3A_2432 = %parallel_loop3A_2084 to %parallel_loop3A_2085 step %parallel_loop3A_2086  : i32 {
      %parallel_loop3A_2433 = arith.constant 16 : i32
      %parallel_loop3A_2434 = arith.muli %parallel_loop3A_2432, %parallel_loop3A_2433 : i32
      %parallel_loop3A_2435 = arith.index_cast %parallel_loop3A_2434 : i32 to index
      %parallel_loop3A_2436 = tpu.vector_load %arg12[%parallel_loop3A_2435] {strides = array<i32>} : memref<1024xi32, #tpu.memory_space<vmem>>, vector<16xi32>,
      %parallel_loop3A_2437 = arith.constant 16 : i32
      %parallel_loop3A_2438 = arith.muli %parallel_loop3A_2432, %parallel_loop3A_2437 : i32
      %parallel_loop3A_2439 = arith.index_cast %parallel_loop3A_2438 : i32 to index
      %parallel_loop3A_2440 = tpu.vector_load %arg12[%parallel_loop3A_2439] {strides = array<i32>} : memref<1024xi32, #tpu.memory_space<vmem>>, vector<16xi32>,
      tpu.vector_store %arg12[%parallel_loop3A_2439], %broadcast_in_dim3A_34 {strides = array<i32>} : memref<1024xi32, #tpu.memory_space<vmem>>, vector<16xi32>,
      %parallel_loop3A_2441 = arith.constant true
      %parallel_loop3A_2442 = vector.broadcast %parallel_loop3A_2441 : i1 to vector<16xi1>
      %parallel_loop3A_2443 = tpu.scan <sum>, %parallel_loop3A_2436 masked %parallel_loop3A_2442 : vector<16xi32>, vector<16xi1> -> vector<16xi32>
      %parallel_loop3A_2444 = arith.constant 16 : i32
      %parallel_loop3A_2445 = arith.muli %parallel_loop3A_2432, %parallel_loop3A_2444 : i32
      %parallel_loop3A_2446 = arith.index_cast %parallel_loop3A_2445 : i32 to index
      %parallel_loop3A_2447 = tpu.vector_load %arg13[%parallel_loop3A_2446] {strides = array<i32>} : memref<1024xi32, #tpu.memory_space<vmem>>, vector<16xi32>,
      tpu.vector_store %arg13[%parallel_loop3A_2446], %parallel_loop3A_2443 {strides = array<i32>} : memref<1024xi32, #tpu.memory_space<vmem>>, vector<16xi32>,
    } {sc.loop_unroll_factor = 2 : i64, sc.parallel_access}
    %broadcast_in_dim3A_2087 = arith.constant -1 : i32
    %broadcast_in_dim3A_2088 = vector.broadcast %broadcast_in_dim3A_2087 : i32 to vector<16xi32>
    %broadcast_in_dim3A_2089 = arith.constant 0 : i32
    %broadcast_in_dim3A_2090 = vector.broadcast %broadcast_in_dim3A_2089 : i32 to vector<16xi32>
    %add3A_2091 = arith.addi %broadcast_in_dim3A_2090, %iota3A : vector<16xi32>
    %mul3A_2092 = arith.constant 16 : i32
    %mul3A_2093 = vector.broadcast %mul3A_2092 : i32 to vector<16xi32>
    %mul3A_2094 = arith.muli %add3A_2091, %mul3A_2093 : vector<16xi32>
    %add3A_2095 = arith.constant 15 : i32
    %add3A_2096 = vector.broadcast %add3A_2095 : i32 to vector<16xi32>
    %add3A_2097 = arith.addi %mul3A_2094, %add3A_2096 : vector<16xi32>
    %gather3A_2098 = tpu.vector_load_idx %arg13[%add3A_2097] : memref<1024xi32, #tpu.memory_space<vmem>>[vector<16xi32>], vector<16xi32>,
    %broadcast_in_dim3A_2099 = arith.constant true
    %broadcast_in_dim3A_2100 = vector.broadcast %broadcast_in_dim3A_2099 : i1 to vector<16xi1>
    %masked_cumsum3A_2101 = tpu.scan <sum>, %gather3A_2098 masked %broadcast_in_dim3A_2100 : vector<16xi32>, vector<16xi1> -> vector<16xi32>
    %add3A_2102 = arith.addi %broadcast_in_dim3A_34, %masked_cumsum3A_2101 : vector<16xi32>
    %ge3A_2103 = arith.cmpi sge, %add3A_2102, %sub3A_2076 : vector<16xi32>
    %all_reduce_population_count3A_2104 = tpu.all_reduce %ge3A_2103 {dim = 0 : i64, kind = #tpu.reduction_kind<sum>} : vector<16xi1> -> vector<16xi32>
    %all_reduce_ffs3A_2105 = tpu.all_reduce %ge3A_2103 {dim = 0 : i64, kind = #tpu.reduction_kind<find_first_set>} : vector<16xi1> -> vector<16xi32>
    %min3A_2106 = arith.minsi %all_reduce_ffs3A_2105, %broadcast_in_dim3A_42 : vector<16xi32>
    %lt3A_2107 = arith.constant 0 : i32
    %lt3A_2108 = vector.broadcast %lt3A_2107 : i32 to vector<16xi32>
    %lt3A_2109 = arith.cmpi slt, %broadcast_in_dim3A_2088, %lt3A_2108 : vector<16xi32>
    %gt3A_2110 = arith.constant 0 : i32
    %gt3A_2111 = vector.broadcast %gt3A_2110 : i32 to vector<16xi32>
    %gt3A_2112 = arith.cmpi sgt, %all_reduce_population_count3A_2104, %gt3A_2111 : vector<16xi32>
    %select_n3A_2113 = arith.select %gt3A_2112, %broadcast_in_dim3A_36, %broadcast_in_dim3A_34 : vector<16xi1>, vector<16xi32>
    %select_n3A_2114 = arith.select %lt3A_2109, %select_n3A_2113, %broadcast_in_dim3A_34 : vector<16xi1>, vector<16xi32>
    %broadcast_in_dim3A_2115 = arith.constant 0 : i32
    %broadcast_in_dim3A_2116 = vector.broadcast %broadcast_in_dim3A_2115 : i32 to vector<16xi32>
    %gt3A_2117 = arith.constant 0 : i32
    %gt3A_2118 = vector.broadcast %gt3A_2117 : i32 to vector<16xi32>
    %gt3A_2119 = arith.cmpi sgt, %select_n3A_2114, %gt3A_2118 : vector<16xi32>
    %add3A_2120 = arith.addi %broadcast_in_dim3A_2116, %min3A_2106 : vector<16xi32>
    %select_n3A_2121 = arith.select %gt3A_2119, %add3A_2120, %broadcast_in_dim3A_2088 : vector<16xi1>, vector<16xi32>
    %lt3A_2122 = arith.constant 0 : i32
    %lt3A_2123 = vector.broadcast %lt3A_2122 : i32 to vector<16xi32>
    %lt3A_2124 = arith.cmpi slt, %min3A_2106, %lt3A_2123 : vector<16xi32>
    %add3A_2125 = arith.constant 16 : i32
    %add3A_2126 = vector.broadcast %add3A_2125 : i32 to vector<16xi32>
    %add3A_2127 = arith.addi %min3A_2106, %add3A_2126 : vector<16xi32>
    %select_n3A_2128 = arith.select %lt3A_2124, %add3A_2127, %min3A_2106 : vector<16xi1>, vector<16xi32>
    %broadcast_in_dim3A_2129 = vector.shape_cast %select_n3A_2128 : vector<16xi32> to vector<16x1xi32>
    %gather3A_2130 = vector.shape_cast %broadcast_in_dim3A_2129 : vector<16x1xi32> to vector<16xi32>
    %gather3A_2131 = tpu.dynamic_gather %add3A_2102[%gather3A_2130] in [0] : vector<16xi32>, vector<16xi32> -> vector<16xi32>
    %lt3A_2132 = arith.constant 0 : i32
    %lt3A_2133 = vector.broadcast %lt3A_2132 : i32 to vector<16xi32>
    %lt3A_2134 = arith.cmpi slt, %min3A_2106, %lt3A_2133 : vector<16xi32>
    %add3A_2135 = arith.constant 16 : i32
    %add3A_2136 = vector.broadcast %add3A_2135 : i32 to vector<16xi32>
    %add3A_2137 = arith.addi %min3A_2106, %add3A_2136 : vector<16xi32>
    %select_n3A_2138 = arith.select %lt3A_2134, %add3A_2137, %min3A_2106 : vector<16xi1>, vector<16xi32>
    %broadcast_in_dim3A_2139 = vector.shape_cast %select_n3A_2138 : vector<16xi32> to vector<16x1xi32>
    %gather3A_2140 = vector.shape_cast %broadcast_in_dim3A_2139 : vector<16x1xi32> to vector<16xi32>
    %gather3A_2141 = tpu.dynamic_gather %gather3A_2098[%gather3A_2140] in [0] : vector<16xi32>, vector<16xi32> -> vector<16xi32>
    %gt3A_2142 = arith.constant 0 : i32
    %gt3A_2143 = vector.broadcast %gt3A_2142 : i32 to vector<16xi32>
    %gt3A_2144 = arith.cmpi sgt, %select_n3A_2114, %gt3A_2143 : vector<16xi32>
    %sub3A_2145 = arith.subi %gather3A_2131, %gather3A_2141 : vector<16xi32>
    %select_n3A_2146 = arith.select %gt3A_2144, %sub3A_2145, %broadcast_in_dim3A_34 : vector<16xi1>, vector<16xi32>
    %lt3A_2147 = arith.constant 0 : i32
    %lt3A_2148 = vector.broadcast %lt3A_2147 : i32 to vector<16xi32>
    %lt3A_2149 = arith.cmpi slt, %broadcast_in_dim3A_42, %lt3A_2148 : vector<16xi32>
    %add3A_2150 = arith.constant 16 : i32
    %add3A_2151 = vector.broadcast %add3A_2150 : i32 to vector<16xi32>
    %add3A_2152 = arith.addi %broadcast_in_dim3A_42, %add3A_2151 : vector<16xi32>
    %select_n3A_2153 = arith.select %lt3A_2149, %add3A_2152, %broadcast_in_dim3A_42 : vector<16xi1>, vector<16xi32>
    %broadcast_in_dim3A_2154 = vector.shape_cast %select_n3A_2153 : vector<16xi32> to vector<16x1xi32>
    %gather3A_2155 = vector.shape_cast %broadcast_in_dim3A_2154 : vector<16x1xi32> to vector<16xi32>
    %gather3A_2156 = tpu.dynamic_gather %add3A_2102[%gather3A_2155] in [0] : vector<16xi32>, vector<16xi32> -> vector<16xi32>
    %broadcast_in_dim3A_2157 = arith.constant 16 : i32
    %broadcast_in_dim3A_2158 = vector.broadcast %broadcast_in_dim3A_2157 : i32 to vector<16xi32>
    %add3A_2159 = arith.addi %broadcast_in_dim3A_2158, %iota3A : vector<16xi32>
    %mul3A_2160 = arith.constant 16 : i32
    %mul3A_2161 = vector.broadcast %mul3A_2160 : i32 to vector<16xi32>
    %mul3A_2162 = arith.muli %add3A_2159, %mul3A_2161 : vector<16xi32>
    %add3A_2163 = arith.constant 15 : i32
    %add3A_2164 = vector.broadcast %add3A_2163 : i32 to vector<16xi32>
    %add3A_2165 = arith.addi %mul3A_2162, %add3A_2164 : vector<16xi32>
    %gather3A_2166 = tpu.vector_load_idx %arg13[%add3A_2165] : memref<1024xi32, #tpu.memory_space<vmem>>[vector<16xi32>], vector<16xi32>,
    %broadcast_in_dim3A_2167 = arith.constant true
    %broadcast_in_dim3A_2168 = vector.broadcast %broadcast_in_dim3A_2167 : i1 to vector<16xi1>
    %masked_cumsum3A_2169 = tpu.scan <sum>, %gather3A_2166 masked %broadcast_in_dim3A_2168 : vector<16xi32>, vector<16xi1> -> vector<16xi32>
    %add3A_2170 = arith.addi %gather3A_2156, %masked_cumsum3A_2169 : vector<16xi32>
    %ge3A_2171 = arith.cmpi sge, %add3A_2170, %sub3A_2076 : vector<16xi32>
    %all_reduce_population_count3A_2172 = tpu.all_reduce %ge3A_2171 {dim = 0 : i64, kind = #tpu.reduction_kind<sum>} : vector<16xi1> -> vector<16xi32>
    %all_reduce_ffs3A_2173 = tpu.all_reduce %ge3A_2171 {dim = 0 : i64, kind = #tpu.reduction_kind<find_first_set>} : vector<16xi1> -> vector<16xi32>
    %min3A_2174 = arith.minsi %all_reduce_ffs3A_2173, %broadcast_in_dim3A_42 : vector<16xi32>
    %lt3A_2175 = arith.constant 0 : i32
    %lt3A_2176 = vector.broadcast %lt3A_2175 : i32 to vector<16xi32>
    %lt3A_2177 = arith.cmpi slt, %select_n3A_2121, %lt3A_2176 : vector<16xi32>
    %gt3A_2178 = arith.constant 0 : i32
    %gt3A_2179 = vector.broadcast %gt3A_2178 : i32 to vector<16xi32>
    %gt3A_2180 = arith.cmpi sgt, %all_reduce_population_count3A_2172, %gt3A_2179 : vector<16xi32>
    %select_n3A_2181 = arith.select %gt3A_2180, %broadcast_in_dim3A_36, %broadcast_in_dim3A_34 : vector<16xi1>, vector<16xi32>
    %select_n3A_2182 = arith.select %lt3A_2177, %select_n3A_2181, %broadcast_in_dim3A_34 : vector<16xi1>, vector<16xi32>
    %broadcast_in_dim3A_2183 = arith.constant 16 : i32
    %broadcast_in_dim3A_2184 = vector.broadcast %broadcast_in_dim3A_2183 : i32 to vector<16xi32>
    %gt3A_2185 = arith.constant 0 : i32
    %gt3A_2186 = vector.broadcast %gt3A_2185 : i32 to vector<16xi32>
    %gt3A_2187 = arith.cmpi sgt, %select_n3A_2182, %gt3A_2186 : vector<16xi32>
    %add3A_2188 = arith.addi %broadcast_in_dim3A_2184, %min3A_2174 : vector<16xi32>
    %select_n3A_2189 = arith.select %gt3A_2187, %add3A_2188, %select_n3A_2121 : vector<16xi1>, vector<16xi32>
    %lt3A_2190 = arith.constant 0 : i32
    %lt3A_2191 = vector.broadcast %lt3A_2190 : i32 to vector<16xi32>
    %lt3A_2192 = arith.cmpi slt, %min3A_2174, %lt3A_2191 : vector<16xi32>
    %add3A_2193 = arith.constant 16 : i32
    %add3A_2194 = vector.broadcast %add3A_2193 : i32 to vector<16xi32>
    %add3A_2195 = arith.addi %min3A_2174, %add3A_2194 : vector<16xi32>
    %select_n3A_2196 = arith.select %lt3A_2192, %add3A_2195, %min3A_2174 : vector<16xi1>, vector<16xi32>
    %broadcast_in_dim3A_2197 = vector.shape_cast %select_n3A_2196 : vector<16xi32> to vector<16x1xi32>
    %gather3A_2198 = vector.shape_cast %broadcast_in_dim3A_2197 : vector<16x1xi32> to vector<16xi32>
    %gather3A_2199 = tpu.dynamic_gather %add3A_2170[%gather3A_2198] in [0] : vector<16xi32>, vector<16xi32> -> vector<16xi32>
    %lt3A_2200 = arith.constant 0 : i32
    %lt3A_2201 = vector.broadcast %lt3A_2200 : i32 to vector<16xi32>
    %lt3A_2202 = arith.cmpi slt, %min3A_2174, %lt3A_2201 : vector<16xi32>
    %add3A_2203 = arith.constant 16 : i32
    %add3A_2204 = vector.broadcast %add3A_2203 : i32 to vector<16xi32>
    %add3A_2205 = arith.addi %min3A_2174, %add3A_2204 : vector<16xi32>
    %select_n3A_2206 = arith.select %lt3A_2202, %add3A_2205, %min3A_2174 : vector<16xi1>, vector<16xi32>
    %broadcast_in_dim3A_2207 = vector.shape_cast %select_n3A_2206 : vector<16xi32> to vector<16x1xi32>
    %gather3A_2208 = vector.shape_cast %broadcast_in_dim3A_2207 : vector<16x1xi32> to vector<16xi32>
    %gather3A_2209 = tpu.dynamic_gather %gather3A_2166[%gather3A_2208] in [0] : vector<16xi32>, vector<16xi32> -> vector<16xi32>
    %gt3A_2210 = arith.constant 0 : i32
    %gt3A_2211 = vector.broadcast %gt3A_2210 : i32 to vector<16xi32>
    %gt3A_2212 = arith.cmpi sgt, %select_n3A_2182, %gt3A_2211 : vector<16xi32>
    %sub3A_2213 = arith.subi %gather3A_2199, %gather3A_2209 : vector<16xi32>
    %select_n3A_2214 = arith.select %gt3A_2212, %sub3A_2213, %select_n3A_2146 : vector<16xi1>, vector<16xi32>
    %lt3A_2215 = arith.constant 0 : i32
    %lt3A_2216 = vector.broadcast %lt3A_2215 : i32 to vector<16xi32>
    %lt3A_2217 = arith.cmpi slt, %broadcast_in_dim3A_42, %lt3A_2216 : vector<16xi32>
    %add3A_2218 = arith.constant 16 : i32
    %add3A_2219 = vector.broadcast %add3A_2218 : i32 to vector<16xi32>
    %add3A_2220 = arith.addi %broadcast_in_dim3A_42, %add3A_2219 : vector<16xi32>
    %select_n3A_2221 = arith.select %lt3A_2217, %add3A_2220, %broadcast_in_dim3A_42 : vector<16xi1>, vector<16xi32>
    %broadcast_in_dim3A_2222 = vector.shape_cast %select_n3A_2221 : vector<16xi32> to vector<16x1xi32>
    %gather3A_2223 = vector.shape_cast %broadcast_in_dim3A_2222 : vector<16x1xi32> to vector<16xi32>
    %gather3A_2224 = tpu.dynamic_gather %add3A_2170[%gather3A_2223] in [0] : vector<16xi32>, vector<16xi32> -> vector<16xi32>
    %broadcast_in_dim3A_2225 = arith.constant 32 : i32
    %broadcast_in_dim3A_2226 = vector.broadcast %broadcast_in_dim3A_2225 : i32 to vector<16xi32>
    %add3A_2227 = arith.addi %broadcast_in_dim3A_2226, %iota3A : vector<16xi32>
    %mul3A_2228 = arith.constant 16 : i32
    %mul3A_2229 = vector.broadcast %mul3A_2228 : i32 to vector<16xi32>
    %mul3A_2230 = arith.muli %add3A_2227, %mul3A_2229 : vector<16xi32>
    %add3A_2231 = arith.constant 15 : i32
    %add3A_2232 = vector.broadcast %add3A_2231 : i32 to vector<16xi32>
    %add3A_2233 = arith.addi %mul3A_2230, %add3A_2232 : vector<16xi32>
    %gather3A_2234 = tpu.vector_load_idx %arg13[%add3A_2233] : memref<1024xi32, #tpu.memory_space<vmem>>[vector<16xi32>], vector<16xi32>,
    %broadcast_in_dim3A_2235 = arith.constant true
    %broadcast_in_dim3A_2236 = vector.broadcast %broadcast_in_dim3A_2235 : i1 to vector<16xi1>
    %masked_cumsum3A_2237 = tpu.scan <sum>, %gather3A_2234 masked %broadcast_in_dim3A_2236 : vector<16xi32>, vector<16xi1> -> vector<16xi32>
    %add3A_2238 = arith.addi %gather3A_2224, %masked_cumsum3A_2237 : vector<16xi32>
    %ge3A_2239 = arith.cmpi sge, %add3A_2238, %sub3A_2076 : vector<16xi32>
    %all_reduce_population_count3A_2240 = tpu.all_reduce %ge3A_2239 {dim = 0 : i64, kind = #tpu.reduction_kind<sum>} : vector<16xi1> -> vector<16xi32>
    %all_reduce_ffs3A_2241 = tpu.all_reduce %ge3A_2239 {dim = 0 : i64, kind = #tpu.reduction_kind<find_first_set>} : vector<16xi1> -> vector<16xi32>
    %min3A_2242 = arith.minsi %all_reduce_ffs3A_2241, %broadcast_in_dim3A_42 : vector<16xi32>
    %lt3A_2243 = arith.constant 0 : i32
    %lt3A_2244 = vector.broadcast %lt3A_2243 : i32 to vector<16xi32>
    %lt3A_2245 = arith.cmpi slt, %select_n3A_2189, %lt3A_2244 : vector<16xi32>
    %gt3A_2246 = arith.constant 0 : i32
    %gt3A_2247 = vector.broadcast %gt3A_2246 : i32 to vector<16xi32>
    %gt3A_2248 = arith.cmpi sgt, %all_reduce_population_count3A_2240, %gt3A_2247 : vector<16xi32>
    %select_n3A_2249 = arith.select %gt3A_2248, %broadcast_in_dim3A_36, %broadcast_in_dim3A_34 : vector<16xi1>, vector<16xi32>
    %select_n3A_2250 = arith.select %lt3A_2245, %select_n3A_2249, %broadcast_in_dim3A_34 : vector<16xi1>, vector<16xi32>
    %broadcast_in_dim3A_2251 = arith.constant 32 : i32
    %broadcast_in_dim3A_2252 = vector.broadcast %broadcast_in_dim3A_2251 : i32 to vector<16xi32>
    %gt3A_2253 = arith.constant 0 : i32
    %gt3A_2254 = vector.broadcast %gt3A_2253 : i32 to vector<16xi32>
    %gt3A_2255 = arith.cmpi sgt, %select_n3A_2250, %gt3A_2254 : vector<16xi32>
    %add3A_2256 = arith.addi %broadcast_in_dim3A_2252, %min3A_2242 : vector<16xi32>
    %select_n3A_2257 = arith.select %gt3A_2255, %add3A_2256, %select_n3A_2189 : vector<16xi1>, vector<16xi32>
    %lt3A_2258 = arith.constant 0 : i32
    %lt3A_2259 = vector.broadcast %lt3A_2258 : i32 to vector<16xi32>
    %lt3A_2260 = arith.cmpi slt, %min3A_2242, %lt3A_2259 : vector<16xi32>
    %add3A_2261 = arith.constant 16 : i32
    %add3A_2262 = vector.broadcast %add3A_2261 : i32 to vector<16xi32>
    %add3A_2263 = arith.addi %min3A_2242, %add3A_2262 : vector<16xi32>
    %select_n3A_2264 = arith.select %lt3A_2260, %add3A_2263, %min3A_2242 : vector<16xi1>, vector<16xi32>
    %broadcast_in_dim3A_2265 = vector.shape_cast %select_n3A_2264 : vector<16xi32> to vector<16x1xi32>
    %gather3A_2266 = vector.shape_cast %broadcast_in_dim3A_2265 : vector<16x1xi32> to vector<16xi32>
    %gather3A_2267 = tpu.dynamic_gather %add3A_2238[%gather3A_2266] in [0] : vector<16xi32>, vector<16xi32> -> vector<16xi32>
    %lt3A_2268 = arith.constant 0 : i32
    %lt3A_2269 = vector.broadcast %lt3A_2268 : i32 to vector<16xi32>
    %lt3A_2270 = arith.cmpi slt, %min3A_2242, %lt3A_2269 : vector<16xi32>
    %add3A_2271 = arith.constant 16 : i32
    %add3A_2272 = vector.broadcast %add3A_2271 : i32 to vector<16xi32>
    %add3A_2273 = arith.addi %min3A_2242, %add3A_2272 : vector<16xi32>
    %select_n3A_2274 = arith.select %lt3A_2270, %add3A_2273, %min3A_2242 : vector<16xi1>, vector<16xi32>
    %broadcast_in_dim3A_2275 = vector.shape_cast %select_n3A_2274 : vector<16xi32> to vector<16x1xi32>
    %gather3A_2276 = vector.shape_cast %broadcast_in_dim3A_2275 : vector<16x1xi32> to vector<16xi32>
    %gather3A_2277 = tpu.dynamic_gather %gather3A_2234[%gather3A_2276] in [0] : vector<16xi32>, vector<16xi32> -> vector<16xi32>
    %gt3A_2278 = arith.constant 0 : i32
    %gt3A_2279 = vector.broadcast %gt3A_2278 : i32 to vector<16xi32>
    %gt3A_2280 = arith.cmpi sgt, %select_n3A_2250, %gt3A_2279 : vector<16xi32>
    %sub3A_2281 = arith.subi %gather3A_2267, %gather3A_2277 : vector<16xi32>
    %select_n3A_2282 = arith.select %gt3A_2280, %sub3A_2281, %select_n3A_2214 : vector<16xi1>, vector<16xi32>
    %lt3A_2283 = arith.constant 0 : i32
    %lt3A_2284 = vector.broadcast %lt3A_2283 : i32 to vector<16xi32>
    %lt3A_2285 = arith.cmpi slt, %broadcast_in_dim3A_42, %lt3A_2284 : vector<16xi32>
    %add3A_2286 = arith.constant 16 : i32
    %add3A_2287 = vector.broadcast %add3A_2286 : i32 to vector<16xi32>
    %add3A_2288 = arith.addi %broadcast_in_dim3A_42, %add3A_2287 : vector<16xi32>
    %select_n3A_2289 = arith.select %lt3A_2285, %add3A_2288, %broadcast_in_dim3A_42 : vector<16xi1>, vector<16xi32>
    %broadcast_in_dim3A_2290 = vector.shape_cast %select_n3A_2289 : vector<16xi32> to vector<16x1xi32>
    %gather3A_2291 = vector.shape_cast %broadcast_in_dim3A_2290 : vector<16x1xi32> to vector<16xi32>
    %gather3A_2292 = tpu.dynamic_gather %add3A_2238[%gather3A_2291] in [0] : vector<16xi32>, vector<16xi32> -> vector<16xi32>
    %broadcast_in_dim3A_2293 = arith.constant 48 : i32
    %broadcast_in_dim3A_2294 = vector.broadcast %broadcast_in_dim3A_2293 : i32 to vector<16xi32>
    %add3A_2295 = arith.addi %broadcast_in_dim3A_2294, %iota3A : vector<16xi32>
    %mul3A_2296 = arith.constant 16 : i32
    %mul3A_2297 = vector.broadcast %mul3A_2296 : i32 to vector<16xi32>
    %mul3A_2298 = arith.muli %add3A_2295, %mul3A_2297 : vector<16xi32>
    %add3A_2299 = arith.constant 15 : i32
    %add3A_2300 = vector.broadcast %add3A_2299 : i32 to vector<16xi32>
    %add3A_2301 = arith.addi %mul3A_2298, %add3A_2300 : vector<16xi32>
    %gather3A_2302 = tpu.vector_load_idx %arg13[%add3A_2301] : memref<1024xi32, #tpu.memory_space<vmem>>[vector<16xi32>], vector<16xi32>,
    %broadcast_in_dim3A_2303 = arith.constant true
    %broadcast_in_dim3A_2304 = vector.broadcast %broadcast_in_dim3A_2303 : i1 to vector<16xi1>
    %masked_cumsum3A_2305 = tpu.scan <sum>, %gather3A_2302 masked %broadcast_in_dim3A_2304 : vector<16xi32>, vector<16xi1> -> vector<16xi32>
    %add3A_2306 = arith.addi %gather3A_2292, %masked_cumsum3A_2305 : vector<16xi32>
    %ge3A_2307 = arith.cmpi sge, %add3A_2306, %sub3A_2076 : vector<16xi32>
    %all_reduce_population_count3A_2308 = tpu.all_reduce %ge3A_2307 {dim = 0 : i64, kind = #tpu.reduction_kind<sum>} : vector<16xi1> -> vector<16xi32>
    %all_reduce_ffs3A_2309 = tpu.all_reduce %ge3A_2307 {dim = 0 : i64, kind = #tpu.reduction_kind<find_first_set>} : vector<16xi1> -> vector<16xi32>
    %min3A_2310 = arith.minsi %all_reduce_ffs3A_2309, %broadcast_in_dim3A_42 : vector<16xi32>
    %lt3A_2311 = arith.constant 0 : i32
    %lt3A_2312 = vector.broadcast %lt3A_2311 : i32 to vector<16xi32>
    %lt3A_2313 = arith.cmpi slt, %select_n3A_2257, %lt3A_2312 : vector<16xi32>
    %gt3A_2314 = arith.constant 0 : i32
    %gt3A_2315 = vector.broadcast %gt3A_2314 : i32 to vector<16xi32>
    %gt3A_2316 = arith.cmpi sgt, %all_reduce_population_count3A_2308, %gt3A_2315 : vector<16xi32>
    %select_n3A_2317 = arith.select %gt3A_2316, %broadcast_in_dim3A_36, %broadcast_in_dim3A_34 : vector<16xi1>, vector<16xi32>
    %select_n3A_2318 = arith.select %lt3A_2313, %select_n3A_2317, %broadcast_in_dim3A_34 : vector<16xi1>, vector<16xi32>
    %broadcast_in_dim3A_2319 = arith.constant 48 : i32
    %broadcast_in_dim3A_2320 = vector.broadcast %broadcast_in_dim3A_2319 : i32 to vector<16xi32>
    %gt3A_2321 = arith.constant 0 : i32
    %gt3A_2322 = vector.broadcast %gt3A_2321 : i32 to vector<16xi32>
    %gt3A_2323 = arith.cmpi sgt, %select_n3A_2318, %gt3A_2322 : vector<16xi32>
    %add3A_2324 = arith.addi %broadcast_in_dim3A_2320, %min3A_2310 : vector<16xi32>
    %select_n3A_2325 = arith.select %gt3A_2323, %add3A_2324, %select_n3A_2257 : vector<16xi1>, vector<16xi32>
    %lt3A_2326 = arith.constant 0 : i32
    %lt3A_2327 = vector.broadcast %lt3A_2326 : i32 to vector<16xi32>
    %lt3A_2328 = arith.cmpi slt, %min3A_2310, %lt3A_2327 : vector<16xi32>
    %add3A_2329 = arith.constant 16 : i32
    %add3A_2330 = vector.broadcast %add3A_2329 : i32 to vector<16xi32>
    %add3A_2331 = arith.addi %min3A_2310, %add3A_2330 : vector<16xi32>
    %select_n3A_2332 = arith.select %lt3A_2328, %add3A_2331, %min3A_2310 : vector<16xi1>, vector<16xi32>
    %broadcast_in_dim3A_2333 = vector.shape_cast %select_n3A_2332 : vector<16xi32> to vector<16x1xi32>
    %gather3A_2334 = vector.shape_cast %broadcast_in_dim3A_2333 : vector<16x1xi32> to vector<16xi32>
    %gather3A_2335 = tpu.dynamic_gather %add3A_2306[%gather3A_2334] in [0] : vector<16xi32>, vector<16xi32> -> vector<16xi32>
    %lt3A_2336 = arith.constant 0 : i32
    %lt3A_2337 = vector.broadcast %lt3A_2336 : i32 to vector<16xi32>
    %lt3A_2338 = arith.cmpi slt, %min3A_2310, %lt3A_2337 : vector<16xi32>
    %add3A_2339 = arith.constant 16 : i32
    %add3A_2340 = vector.broadcast %add3A_2339 : i32 to vector<16xi32>
    %add3A_2341 = arith.addi %min3A_2310, %add3A_2340 : vector<16xi32>
    %select_n3A_2342 = arith.select %lt3A_2338, %add3A_2341, %min3A_2310 : vector<16xi1>, vector<16xi32>
    %broadcast_in_dim3A_2343 = vector.shape_cast %select_n3A_2342 : vector<16xi32> to vector<16x1xi32>
    %gather3A_2344 = vector.shape_cast %broadcast_in_dim3A_2343 : vector<16x1xi32> to vector<16xi32>
    %gather3A_2345 = tpu.dynamic_gather %gather3A_2302[%gather3A_2344] in [0] : vector<16xi32>, vector<16xi32> -> vector<16xi32>
    %gt3A_2346 = arith.constant 0 : i32
    %gt3A_2347 = vector.broadcast %gt3A_2346 : i32 to vector<16xi32>
    %gt3A_2348 = arith.cmpi sgt, %select_n3A_2318, %gt3A_2347 : vector<16xi32>
    %sub3A_2349 = arith.subi %gather3A_2335, %gather3A_2345 : vector<16xi32>
    %select_n3A_2350 = arith.select %gt3A_2348, %sub3A_2349, %select_n3A_2282 : vector<16xi1>, vector<16xi32>
    %lt3A_2351 = arith.constant 0 : i32
    %lt3A_2352 = vector.broadcast %lt3A_2351 : i32 to vector<16xi32>
    %lt3A_2353 = arith.cmpi slt, %broadcast_in_dim3A_42, %lt3A_2352 : vector<16xi32>
    %add3A_2354 = arith.constant 16 : i32
    %add3A_2355 = vector.broadcast %add3A_2354 : i32 to vector<16xi32>
    %add3A_2356 = arith.addi %broadcast_in_dim3A_42, %add3A_2355 : vector<16xi32>
    %select_n3A_2357 = arith.select %lt3A_2353, %add3A_2356, %broadcast_in_dim3A_42 : vector<16xi1>, vector<16xi32>
    %broadcast_in_dim3A_2358 = vector.shape_cast %select_n3A_2357 : vector<16xi32> to vector<16x1xi32>
    %gather3A_2359 = vector.shape_cast %broadcast_in_dim3A_2358 : vector<16x1xi32> to vector<16xi32>
    %gather3A_2360 = tpu.dynamic_gather %add3A_2306[%gather3A_2359] in [0] : vector<16xi32>, vector<16xi32> -> vector<16xi32>
    %reduce_max3A_2361 = arith.constant true
    %reduce_max3A_2362 = vector.broadcast %reduce_max3A_2361 : i1 to vector<16xi1>
    %reduce_max3A_2363 = arith.constant -2147483648 : i32
    %reduce_max3A_2364 = vector.broadcast %reduce_max3A_2363 : i32 to vector<16xi32>
    %reduce_max3A_2365 = arith.xori %select_n3A_2325, %reduce_max3A_2364 : vector<16xi32>
    %reduce_max3A_2366 = tpu.scan <max>, %reduce_max3A_2365 masked %reduce_max3A_2362 : vector<16xi32>, vector<16xi1> -> vector<16xi32>
    %reduce_max3A_2367 = arith.xori %reduce_max3A_2366, %reduce_max3A_2364 : vector<16xi32>
    %reduce_max3A_2368 = vector.extract %reduce_max3A_2367[15] : i32 from vector<16xi32>
    %mul3A_2369 = arith.constant 16 : i32
    %mul3A_2370 = arith.muli %reduce_max3A_2368, %mul3A_2369 : i32
    %get3A_2371 = arith.index_cast %mul3A_2370 : i32 to index
    %get3A_2372 = tpu.vector_load %arg13[%get3A_2371] {strides = array<i32>} : memref<1024xi32, #tpu.memory_space<vmem>>, vector<16xi32>,
    %add3A_2373 = arith.addi %select_n3A_2350, %get3A_2372 : vector<16xi32>
    %ge3A_2374 = arith.cmpi sge, %add3A_2373, %sub3A_2076 : vector<16xi32>
    %all_reduce_ffs3A_2375 = tpu.all_reduce %ge3A_2374 {dim = 0 : i64, kind = #tpu.reduction_kind<find_first_set>} : vector<16xi1> -> vector<16xi32>
    %min3A_2376 = arith.minsi %all_reduce_ffs3A_2375, %broadcast_in_dim3A_42 : vector<16xi32>
    %mul3A_2377 = arith.constant 16 : i32
    %mul3A_2378 = vector.broadcast %mul3A_2377 : i32 to vector<16xi32>
    %mul3A_2379 = arith.muli %select_n3A_2325, %mul3A_2378 : vector<16xi32>
    %add3A_2380 = arith.addi %mul3A_2379, %min3A_2376 : vector<16xi32>
    %sub3A_2381 = arith.constant 1 : i32
    %sub3A_2382 = vector.broadcast %sub3A_2381 : i32 to vector<16xi32>
    %sub3A_2383 = arith.subi %min3A_2376, %sub3A_2382 : vector<16xi32>
    %max3A_2384 = arith.maxsi %sub3A_2383, %broadcast_in_dim3A_34 : vector<16xi32>
    %gt3A_2385 = arith.constant 0 : i32
    %gt3A_2386 = vector.broadcast %gt3A_2385 : i32 to vector<16xi32>
    %gt3A_2387 = arith.cmpi sgt, %min3A_2376, %gt3A_2386 : vector<16xi32>
    %lt3A_2388 = arith.constant 0 : i32
    %lt3A_2389 = vector.broadcast %lt3A_2388 : i32 to vector<16xi32>
    %lt3A_2390 = arith.cmpi slt, %max3A_2384, %lt3A_2389 : vector<16xi32>
    %add3A_2391 = arith.constant 16 : i32
    %add3A_2392 = vector.broadcast %add3A_2391 : i32 to vector<16xi32>
    %add3A_2393 = arith.addi %max3A_2384, %add3A_2392 : vector<16xi32>
    %select_n3A_2394 = arith.select %lt3A_2390, %add3A_2393, %max3A_2384 : vector<16xi1>, vector<16xi32>
    %broadcast_in_dim3A_2395 = vector.shape_cast %select_n3A_2394 : vector<16xi32> to vector<16x1xi32>
    %gather3A_2396 = vector.shape_cast %broadcast_in_dim3A_2395 : vector<16x1xi32> to vector<16xi32>
    %gather3A_2397 = tpu.dynamic_gather %get3A_2372[%gather3A_2396] in [0] : vector<16xi32>, vector<16xi32> -> vector<16xi32>
    %select_n3A_2398 = arith.select %gt3A_2387, %gather3A_2397, %broadcast_in_dim3A_34 : vector<16xi1>, vector<16xi32>
    %add3A_2399 = arith.addi %select_n3A_2350, %select_n3A_2398 : vector<16xi32>
    %shift_left3A_2400 = arith.constant 10 : i32
    %shift_left3A_2401 = vector.broadcast %shift_left3A_2400 : i32 to vector<16xi32>
    %shift_left3A_2402 = arith.shli %or3A_2080, %shift_left3A_2401 : vector<16xi32>
    %or3A_2403 = arith.ori %shift_left3A_2402, %add3A_2380 : vector<16xi32>
    %bitcast_convert_type3A_2404 = tpu.bitcast %max3A_1439 : vector<16xi32> -> vector<16xf32>
    %broadcast_in_dim3A_2405 = arith.constant 1.000000e+00 : f32
    %broadcast_in_dim3A_2406 = vector.broadcast %broadcast_in_dim3A_2405 : f32 to vector<16xf32>
    %add3A_2407 = arith.constant 9.99999993E-9 : f32
    %add3A_2408 = vector.broadcast %add3A_2407 : f32 to vector<16xf32>
    %add3A_2409 = arith.addf %bitcast_convert_type3A_2404, %add3A_2408 : vector<16xf32>
    %div3A_2410 = arith.divf %broadcast_in_dim3A_2406, %add3A_2409 : vector<16xf32>
    %parallel_loop3A_2411 = arith.constant 0 : i32
    %parallel_loop3A_2412 = arith.constant 128 : i32
    %parallel_loop3A_2413 = arith.constant 1 : i32
    scf.for %parallel_loop3A_2432 = %parallel_loop3A_2411 to %parallel_loop3A_2412 step %parallel_loop3A_2413  : i32 {
      %parallel_loop3A_2433 = arith.constant 4 : i32
      %parallel_loop3A_2434 = arith.muli %parallel_loop3A_2432, %parallel_loop3A_2433 : i32
      %parallel_loop3A_2435 = arith.constant 0 : i32
      %parallel_loop3A_2436 = arith.addi %parallel_loop3A_2434, %parallel_loop3A_2435 : i32
      %parallel_loop3A_2437 = arith.constant 16 : i32
      %parallel_loop3A_2438 = arith.muli %parallel_loop3A_2436, %parallel_loop3A_2437 : i32
      %parallel_loop3A_2439 = arith.index_cast %parallel_loop3A_2438 : i32 to index
      %parallel_loop3A_2440 = tpu.vector_load %arg11[%parallel_loop3A_2439] {strides = array<i32>} : memref<8192xi32, #tpu.memory_space<vmem>>, vector<16xi32>,
      %parallel_loop3A_2441 = tpu.bitcast %parallel_loop3A_2440 : vector<16xi32> -> vector<16xf32>
      %parallel_loop3A_2442 = arith.cmpi sgt, %parallel_loop3A_2440, %or3A_2403 : vector<16xi32>
      %parallel_loop3A_2443 = arith.mulf %parallel_loop3A_2441, %div3A_2410 : vector<16xf32>
      %parallel_loop3A_2444 = arith.select %parallel_loop3A_2442, %parallel_loop3A_2443, %broadcast_in_dim3A_44 : vector<16xi1>, vector<16xf32>
      %parallel_loop3A_2445 = arith.constant 4 : i32
      %parallel_loop3A_2446 = arith.muli %parallel_loop3A_2432, %parallel_loop3A_2445 : i32
      %parallel_loop3A_2447 = arith.constant 0 : i32
      %parallel_loop3A_2448 = arith.addi %parallel_loop3A_2446, %parallel_loop3A_2447 : i32
      %parallel_loop3A_2449 = arith.constant 16 : i32
      %parallel_loop3A_2450 = arith.muli %parallel_loop3A_2448, %parallel_loop3A_2449 : i32
      %parallel_loop3A_2451 = arith.index_cast %parallel_loop3A_2450 : i32 to index
      %parallel_loop3A_2452 = tpu.vector_load %arg8[%parallel_loop3A_2451] {strides = array<i32>} : memref<8192xf32, #tpu.memory_space<vmem>>, vector<16xf32>,
      tpu.vector_store %arg8[%parallel_loop3A_2451], %parallel_loop3A_2444 {strides = array<i32>} : memref<8192xf32, #tpu.memory_space<vmem>>, vector<16xf32>,
      %parallel_loop3A_2453 = arith.constant 4 : i32
      %parallel_loop3A_2454 = arith.muli %parallel_loop3A_2432, %parallel_loop3A_2453 : i32
      %parallel_loop3A_2455 = arith.constant 1 : i32
      %parallel_loop3A_2456 = arith.addi %parallel_loop3A_2454, %parallel_loop3A_2455 : i32
      %parallel_loop3A_2457 = arith.constant 16 : i32
      %parallel_loop3A_2458 = arith.muli %parallel_loop3A_2456, %parallel_loop3A_2457 : i32
      %parallel_loop3A_2459 = arith.index_cast %parallel_loop3A_2458 : i32 to index
      %parallel_loop3A_2460 = tpu.vector_load %arg11[%parallel_loop3A_2459] {strides = array<i32>} : memref<8192xi32, #tpu.memory_space<vmem>>, vector<16xi32>,
      %parallel_loop3A_2461 = tpu.bitcast %parallel_loop3A_2460 : vector<16xi32> -> vector<16xf32>
      %parallel_loop3A_2462 = arith.cmpi sgt, %parallel_loop3A_2460, %or3A_2403 : vector<16xi32>
      %parallel_loop3A_2463 = arith.mulf %parallel_loop3A_2461, %div3A_2410 : vector<16xf32>
      %parallel_loop3A_2464 = arith.select %parallel_loop3A_2462, %parallel_loop3A_2463, %broadcast_in_dim3A_44 : vector<16xi1>, vector<16xf32>
      %parallel_loop3A_2465 = arith.constant 4 : i32
      %parallel_loop3A_2466 = arith.muli %parallel_loop3A_2432, %parallel_loop3A_2465 : i32
      %parallel_loop3A_2467 = arith.constant 1 : i32
      %parallel_loop3A_2468 = arith.addi %parallel_loop3A_2466, %parallel_loop3A_2467 : i32
      %parallel_loop3A_2469 = arith.constant 16 : i32
      %parallel_loop3A_2470 = arith.muli %parallel_loop3A_2468, %parallel_loop3A_2469 : i32
      %parallel_loop3A_2471 = arith.index_cast %parallel_loop3A_2470 : i32 to index
      %parallel_loop3A_2472 = tpu.vector_load %arg8[%parallel_loop3A_2471] {strides = array<i32>} : memref<8192xf32, #tpu.memory_space<vmem>>, vector<16xf32>,
      tpu.vector_store %arg8[%parallel_loop3A_2471], %parallel_loop3A_2464 {strides = array<i32>} : memref<8192xf32, #tpu.memory_space<vmem>>, vector<16xf32>,
      %parallel_loop3A_2473 = arith.constant 4 : i32
      %parallel_loop3A_2474 = arith.muli %parallel_loop3A_2432, %parallel_loop3A_2473 : i32
      %parallel_loop3A_2475 = arith.constant 2 : i32
      %parallel_loop3A_2476 = arith.addi %parallel_loop3A_2474, %parallel_loop3A_2475 : i32
      %parallel_loop3A_2477 = arith.constant 16 : i32
      %parallel_loop3A_2478 = arith.muli %parallel_loop3A_2476, %parallel_loop3A_2477 : i32
      %parallel_loop3A_2479 = arith.index_cast %parallel_loop3A_2478 : i32 to index
      %parallel_loop3A_2480 = tpu.vector_load %arg11[%parallel_loop3A_2479] {strides = array<i32>} : memref<8192xi32, #tpu.memory_space<vmem>>, vector<16xi32>,
      %parallel_loop3A_2481 = tpu.bitcast %parallel_loop3A_2480 : vector<16xi32> -> vector<16xf32>
      %parallel_loop3A_2482 = arith.cmpi sgt, %parallel_loop3A_2480, %or3A_2403 : vector<16xi32>
      %parallel_loop3A_2483 = arith.mulf %parallel_loop3A_2481, %div3A_2410 : vector<16xf32>
      %parallel_loop3A_2484 = arith.select %parallel_loop3A_2482, %parallel_loop3A_2483, %broadcast_in_dim3A_44 : vector<16xi1>, vector<16xf32>
      %parallel_loop3A_2485 = arith.constant 4 : i32
      %parallel_loop3A_2486 = arith.muli %parallel_loop3A_2432, %parallel_loop3A_2485 : i32
      %parallel_loop3A_2487 = arith.constant 2 : i32
      %parallel_loop3A_2488 = arith.addi %parallel_loop3A_2486, %parallel_loop3A_2487 : i32
      %parallel_loop3A_2489 = arith.constant 16 : i32
      %parallel_loop3A_2490 = arith.muli %parallel_loop3A_2488, %parallel_loop3A_2489 : i32
      %parallel_loop3A_2491 = arith.index_cast %parallel_loop3A_2490 : i32 to index
      %parallel_loop3A_2492 = tpu.vector_load %arg8[%parallel_loop3A_2491] {strides = array<i32>} : memref<8192xf32, #tpu.memory_space<vmem>>, vector<16xf32>,
      tpu.vector_store %arg8[%parallel_loop3A_2491], %parallel_loop3A_2484 {strides = array<i32>} : memref<8192xf32, #tpu.memory_space<vmem>>, vector<16xf32>,
      %parallel_loop3A_2493 = arith.constant 4 : i32
      %parallel_loop3A_2494 = arith.muli %parallel_loop3A_2432, %parallel_loop3A_2493 : i32
      %parallel_loop3A_2495 = arith.constant 3 : i32
      %parallel_loop3A_2496 = arith.addi %parallel_loop3A_2494, %parallel_loop3A_2495 : i32
      %parallel_loop3A_2497 = arith.constant 16 : i32
      %parallel_loop3A_2498 = arith.muli %parallel_loop3A_2496, %parallel_loop3A_2497 : i32
      %parallel_loop3A_2499 = arith.index_cast %parallel_loop3A_2498 : i32 to index
      %parallel_loop3A_2500 = tpu.vector_load %arg11[%parallel_loop3A_2499] {strides = array<i32>} : memref<8192xi32, #tpu.memory_space<vmem>>, vector<16xi32>,
      %parallel_loop3A_2501 = tpu.bitcast %parallel_loop3A_2500 : vector<16xi32> -> vector<16xf32>
      %parallel_loop3A_2502 = arith.cmpi sgt, %parallel_loop3A_2500, %or3A_2403 : vector<16xi32>
      %parallel_loop3A_2503 = arith.mulf %parallel_loop3A_2501, %div3A_2410 : vector<16xf32>
      %parallel_loop3A_2504 = arith.select %parallel_loop3A_2502, %parallel_loop3A_2503, %broadcast_in_dim3A_44 : vector<16xi1>, vector<16xf32>
      %parallel_loop3A_2505 = arith.constant 4 : i32
      %parallel_loop3A_2506 = arith.muli %parallel_loop3A_2432, %parallel_loop3A_2505 : i32
      %parallel_loop3A_2507 = arith.constant 3 : i32
      %parallel_loop3A_2508 = arith.addi %parallel_loop3A_2506, %parallel_loop3A_2507 : i32
      %parallel_loop3A_2509 = arith.constant 16 : i32
      %parallel_loop3A_2510 = arith.muli %parallel_loop3A_2508, %parallel_loop3A_2509 : i32
      %parallel_loop3A_2511 = arith.index_cast %parallel_loop3A_2510 : i32 to index
      %parallel_loop3A_2512 = tpu.vector_load %arg8[%parallel_loop3A_2511] {strides = array<i32>} : memref<8192xf32, #tpu.memory_space<vmem>>, vector<16xf32>,
      tpu.vector_store %arg8[%parallel_loop3A_2511], %parallel_loop3A_2504 {strides = array<i32>} : memref<8192xf32, #tpu.memory_space<vmem>>, vector<16xf32>,
    } {sc.loop_unroll_factor = 2 : i64, sc.parallel_access}
    %dma_start3A_2414 = arith.constant 0 : i32
    %dma_start3A_2415 = tpu.memref_slice %arg6[%add3A_1225, %dma_start3A_2414] : memref<64x8192xf32, #tpu.memory_space<hbm>> -> memref<1x8192xf32, #tpu.memory_space<hbm>>
    %dma_start3A_2416 = tpu.memref_squeeze %dma_start3A_2415 : memref<1x8192xf32, #tpu.memory_space<hbm>> -> memref<8192xf32, #tpu.memory_space<hbm>>
    %dma_start3A_2417 = arith.constant 0 : i32
    %dma_start3A_2418 = tpu.memref_slice %arg6[%add3A_1225, %dma_start3A_2417] : memref<64x8192xf32, #tpu.memory_space<hbm>> -> memref<1x8192xf32, #tpu.memory_space<hbm>>
    %dma_start3A_2419 = tpu.memref_squeeze %dma_start3A_2418 : memref<1x8192xf32, #tpu.memory_space<hbm>> -> memref<8192xf32, #tpu.memory_space<hbm>>
    tpu.enqueue_dma source(%arg8 : memref<8192xf32, #tpu.memory_space<vmem>>) target(%dma_start3A_2419 : memref<8192xf32, #tpu.memory_space<hbm>>) target_semaphore(%arg21 : memref<!tpu.dma_semaphore, #tpu.memory_space<semaphore_mem>>)
    %dma_wait3A_2420 = arith.constant 0 : i32
    %dma_wait3A_2421 = tpu.memref_slice %arg6[%add3A_46, %dma_wait3A_2420] : memref<64x8192xf32, #tpu.memory_space<hbm>> -> memref<1x8192xf32, #tpu.memory_space<hbm>>
    %dma_wait3A_2422 = tpu.memref_squeeze %dma_wait3A_2421 : memref<1x8192xf32, #tpu.memory_space<hbm>> -> memref<8192xf32, #tpu.memory_space<hbm>>
    %dma_wait3A_2423 = arith.constant 0 : i32
    %dma_wait3A_2424 = tpu.memref_slice %arg6[%add3A_46, %dma_wait3A_2423] : memref<64x8192xf32, #tpu.memory_space<hbm>> -> memref<1x8192xf32, #tpu.memory_space<hbm>>
    %dma_wait3A_2425 = tpu.memref_squeeze %dma_wait3A_2424 : memref<1x8192xf32, #tpu.memory_space<hbm>> -> memref<8192xf32, #tpu.memory_space<hbm>>
    tpu.wait_dma2 semaphore(%arg20 : memref<!tpu.dma_semaphore, #tpu.memory_space<semaphore_mem>>) src(%arg7 : memref<8192xf32, #tpu.memory_space<vmem>>) dst(%dma_wait3A_2425 : memref<8192xf32, #tpu.memory_space<hbm>>)
    %dma_wait3A_2426 = arith.constant 0 : i32
    %dma_wait3A_2427 = tpu.memref_slice %arg6[%add3A_1225, %dma_wait3A_2426] : memref<64x8192xf32, #tpu.memory_space<hbm>> -> memref<1x8192xf32, #tpu.memory_space<hbm>>
    %dma_wait3A_2428 = tpu.memref_squeeze %dma_wait3A_2427 : memref<1x8192xf32, #tpu.memory_space<hbm>> -> memref<8192xf32, #tpu.memory_space<hbm>>
    %dma_wait3A_2429 = arith.constant 0 : i32
    %dma_wait3A_2430 = tpu.memref_slice %arg6[%add3A_1225, %dma_wait3A_2429] : memref<64x8192xf32, #tpu.memory_space<hbm>> -> memref<1x8192xf32, #tpu.memory_space<hbm>>
    %dma_wait3A_2431 = tpu.memref_squeeze %dma_wait3A_2430 : memref<1x8192xf32, #tpu.memory_space<hbm>> -> memref<8192xf32, #tpu.memory_space<hbm>>
    tpu.wait_dma2 semaphore(%arg21 : memref<!tpu.dma_semaphore, #tpu.memory_space<semaphore_mem>>) src(%arg8 : memref<8192xf32, #tpu.memory_space<vmem>>) dst(%dma_wait3A_2431 : memref<8192xf32, #tpu.memory_space<hbm>>)
    return
  }
}

</mosaic_0001>

<sc_bundles>
// kernel: kernel.3.cloned.1.call-start
scs
__scs_entry_jumppad:
0x0: {  	(pc) =	sbr.rel $0x88, $3  }
0x1: {  	(tag) =	ssettag $0x0;
	lr =	simm.s32 $0x1  }
0x2: {  	[smem:$0x3F9D] =	sst lr;
	_ =	strace $0xD0000000  }
0x3: {  	_ = 	snop  }
0x4: {  	_ = 	snop  }
0x5: {  	_ = 	snop  }
0x6: {  	_ = 	snop  }
0x7: {  	_ = 	snop  }
__scs_overlays_trampoline_lowered:
0x8: {  	[smem:$0x3FAC] =	sst s0  }
0x9: {  	[smem:$0x3FAD] =	sst s1  }
0xa: {  	[smem:$0x3FAE] =	sst s2  }
0xb: {  	[smem:$0x3FAF] =	sst s3  }
0xc: {  	[smem:$0x3FB0] =	sst s4  }
0xd: {  	[smem:$0x3FB1] =	sst s5  }
0xe: {  	[smem:$0x3FB2] =	sst s6  }
0xf: {  	[smem:$0x3FB3] =	sst s7  }
0x10: {  	[smem:$0x3FB4] =	sst s8  }
0x11: {  	[smem:$0x3FB5] =	sst s9;
	s0 =	simm.s32 @!p0 $0x0  }
0x12: {  	s1 =	sld [smem:$0x3F9B];
	s0 =	simm.s32 @p0 $0x1  }
0x13: {  	[smem:$0x3FB6] =	sst s0;
	s0 =	simm.s32 @!p1 $0x0  }
0x14: {  	s2 =	sld [smem:$0x3F9A];
	s0 =	simm.s32 @p1 $0x1  }
0x15: {  	[smem:$0x3FB7] =	sst s0;
	s0 =	simm.s32 @!p2 $0x0  }
0x16: {  	s3 =	sld [smem:$0x3FDB];
	s0 =	simm.s32 @p2 $0x1  }
0x17: {  	s4 =	simm.s32 $0x1BF5;
	[smem:$0x3FB9] =	sst s0  }
0x18: {  	s0 =	sld [smem:$0x3F9C];
	_ =	swait.ge [sflag:s4], $0x0  }
0x19: {  	s7 =	sld [smem:$0x3F9D]  }
0x1a: {  	s8 =	sadd.s32 $0xFFFFE003, lr  }
0x1b: {  	s9 =	sadd.s32 $0xFFFFFEF7, lr;
	s5 =	simm.s32 $0xFFFFFFFF;
	p2 =	slt.u32 s8, $0xFFFFF086  }
0x1c: {  	p1 =	slt.u32 s9, $0xF7A;
	s5 =	simm.s32 @!p2 $0x0  }
0x1d: {  	s5 =	simm.s32 @p1 $0x1;
	p0 =	seq.s32 s7, s2  }
0x1e: {  	s7 =	smul.u32 @!p0 $0xF7A, s2;
	p2 =	seq.s32 @!p0 s5, $0x0  }
0x1f: {  	s9 =	smul.u32 $0xF7A, s1;
	s8 =	simm.s32 @!p0 $0x1BF5;
	p2 =	por !p2, p0  }
0x20: {  	[sflag:s8] =	ssyncset.s32 @!p0 $0xFFFFF086;
	s6 =	sadd.s32 @!p0 s3, s7;
	s7 =	simm.s32 @!p0 $0x108  }
0x21: {  	s3 =	sadd.s32 s3, s9;
	s6 =	sadd.s32 @!p0 $0x88, s6;
	s7 =	simm.s32 @p2 $0x1082  }
0x22: {  	[simem:s7], [sflag:s8] =	dma.local @!p0 [hbm:s6], $0xF7A  }
0x23: {  	s9 =	sor.u32 $0xD0000000, s2;
	s6 =	simm.s32 $0x108;
	_ =	swait.ge @!p0 [sflag:s8], $0x0  }
0x24: {  	s3 =	sadd.s32 $0x88, s3;
	s6 =	simm.s32 @!p1 $0x1082;
	[sflag:s4] =	ssyncset.s32 $0xFFFFF086  }
0x25: {  	[simem:s6], [sflag:s4] =	dma.local [hbm:s3], $0xF7A  }
0x26: {  	[smem:$0x3F9D] =	sst s1;
	(tag) =	ssettag s2;
	_ =	strace s9  }
0x27: {  	s1 =	sld [smem:$0x3FAD]  }
0x28: {  	s2 =	sld [smem:$0x3FAE]  }
0x29: {  	s4 =	sld [smem:$0x3FB0]  }
0x2a: {  	p0 =	seq.s32 s5, $0x0;
	s5 =	sld [smem:$0x3FB1]  }
0x2b: {  	s6 =	sld [smem:$0x3FB2]  }
0x2c: {  	s7 =	sld [smem:$0x3FB3]  }
0x2d: {  	s3 =	simm.s32 $0x108;
	s8 =	sld [smem:$0x3FB4]  }
0x2e: {  	s3 =	simm.s32 @!p0 $0x1082;
	s9 =	sld [smem:$0x3FB5]  }
0x2f: {  	lr =	sadd.s32 s0, s3;
	s0 =	sld [smem:$0x3FAC]  }
0x30: {  	s3 =	sld [smem:$0x3FAF]  }
0x31: {  	[smem:$0x3FB8] =	sst s10  }
0x32: {  	s10 =	sld [smem:$0x3FB6];
	_ =	sdelay $0x3  }
0x33: {  	p0 =	seq.s32 s10, $0x1;
	s10 =	sld [smem:$0x3FB8];
	_ =	sdelay $0x3  }
0x34: {  	[smem:$0x3FB8] =	sst s10  }
0x35: {  	s10 =	sld [smem:$0x3FB7];
	_ =	sdelay $0x3  }
0x36: {  	p1 =	seq.s32 s10, $0x1;
	s10 =	sld [smem:$0x3FB8];
	_ =	sdelay $0x3  }
0x37: {  	[smem:$0x3FB8] =	sst s10  }
0x38: {  	s10 =	sld [smem:$0x3FB9]  }
0x39: {  	_ = 	snop;
	(pc) =	sbr.ind lr, $3  }
0x3a: {  	_ = 	snop  }
0x3b: {  	_ = 	snop  }
0x3c: {  	p2 =	seq.s32 s10, $0x1;
	s10 =	sld [smem:$0x3FB8]  }
0x3d: {  	_ =	shalt  }
0x3e: {  	_ =	shalt  }
0x3f: {  	_ =	shalt  }
0x40: {  	_ =	shalt  }
0x41: {  	_ =	shalt  }
0x42: {  	_ =	shalt  }
0x43: {  	_ =	shalt  }
0x44: {  	_ =	shalt  }
0x45: {  	_ =	shalt  }
0x46: {  	_ =	shalt  }
0x47: {  	_ =	shalt  }
0x48: {  	_ =	shalt  }
0x49: {  	_ =	shalt  }
0x4a: {  	_ =	shalt  }
0x4b: {  	_ =	shalt  }
0x4c: {  	_ =	shalt  }
0x4d: {  	_ =	shalt  }
0x4e: {  	_ =	shalt  }
0x4f: {  	_ =	shalt  }
0x50: {  	_ =	shalt  }
0x51: {  	_ =	shalt  }
0x52: {  	_ =	shalt  }
0x53: {  	_ =	shalt  }
0x54: {  	_ =	shalt  }
0x55: {  	_ =	shalt  }
0x56: {  	_ =	shalt  }
0x57: {  	_ =	shalt  }
0x58: {  	_ =	shalt  }
0x59: {  	_ =	shalt  }
0x5a: {  	_ =	shalt  }
0x5b: {  	_ =	shalt  }
0x5c: {  	_ =	shalt  }
0x5d: {  	_ =	shalt  }
0x5e: {  	_ =	shalt  }
0x5f: {  	_ =	shalt  }
0x60: {  	_ =	shalt  }
0x61: {  	_ =	shalt  }
0x62: {  	_ =	shalt  }
0x63: {  	_ =	shalt  }
0x64: {  	_ =	shalt  }
0x65: {  	_ =	shalt  }
0x66: {  	_ =	shalt  }
0x67: {  	_ =	shalt  }
0x68: {  	_ =	shalt  }
0x69: {  	_ =	shalt  }
0x6a: {  	_ =	shalt  }
0x6b: {  	_ =	shalt  }
0x6c: {  	_ =	shalt  }
0x6d: {  	_ =	shalt  }
0x6e: {  	_ =	shalt  }
0x6f: {  	_ =	shalt  }
0x70: {  	_ =	shalt  }
0x71: {  	_ =	shalt  }
0x72: {  	_ =	shalt  }
0x73: {  	_ =	shalt  }
0x74: {  	_ =	shalt  }
0x75: {  	_ =	shalt  }
0x76: {  	_ =	shalt  }
0x77: {  	_ =	shalt  }
0x78: {  	_ =	shalt  }
0x79: {  	_ =	shalt  }
0x7a: {  	_ =	shalt  }
0x7b: {  	_ =	shalt  }
0x7c: {  	_ =	shalt  }
0x7d: {  	_ =	shalt  }
0x7e: {  	_ =	shalt  }
0x7f: {  	_ =	shalt  }
0x80: {  	_ =	shalt  }
0x81: {  	_ =	shalt  }
0x82: {  	_ =	shalt  }
0x83: {  	_ =	shalt  }
0x84: {  	_ =	shalt  }
0x85: {  	_ =	shalt  }
0x86: {  	_ =	shalt  }
0x87: {  	_ =	shalt  }
.Lfunc_end0:
.L_simem_size_0:
called_computation_lowered:
.L_overlay_start_0:
0x88: {  	s2 =	sld [smem:$0x3FD9]  }
0x89: {  	s3 =	sld [smem:$0x3FFE];
	_ =	sdelay $0x1  }
0x8a: {  	s1 =	srdreg.scid  }
0x8b: {  	s0 =	sand.u32 $0x1, s1  }
0x8c: {  	s17 =	sshll.u32 s0, $0xA;
	s2 =	sadd.s32 s3, s2  }
0x8d: {  	s2 =	sadd.s32 s2, s17  }
0x8e: {  	[smem:$0x3FC4] =	sst s2  }
0x8f: {  	_ = 	snop  }
0x90: {  	s2 =	sld [smem:$0x3FC9]  }
0x91: {  	s18 =	sld [smem:$0x3FC8]  }
0x92: {  	s4 =	sld [smem:$0x3FD0];
	(tm) =	ssettm $0x1  }
0x93: {  	s5 =	sld [smem:$0x3FFB];
	_ =	sdelay $0x3  }
0x94: {  	_ =	strace s5  }
0x95: {  	s5 =	sld [smem:$0x3FFC];
	_ =	sdelay $0x3  }
0x96: {  	_ =	strace s5  }
0x97: {  	s5 =	sld [smem:$0x3FFD];
	_ =	sdelay $0x3  }
0x98: {  	_ =	strace s5  }
0x99: {  	_ =	strace $0x8FFFFFFF  }
0x9a: {  	s19 =	sld [smem:$0x3FDB];
	_ =	sdelay $0x1  }
0x9b: {  	s6 =	simm.s32 $_scs_section_size  }
0x9c: {  	s7 =	simm.s32 $_size__tile_overlayer_lowered;
	s8 =	simm.s32 $_tile_overlayer_lowered  }
0x9d: {  	s22 =	simm.s32 $0x1BFF;
	s21 =	sshll.u32 s8, $0x1;
	s5 =	sadd.s32 s6, s19  }
0x9e: {  	s9 =	simm.s32 $0x0;
	s20 =	sshll.u32 s7, $0x1;
	s7 =	sadd.s32 s21, s5  }
0x9f: {  	[timem:s9], [sflag:s22] =	dma.local [hbm:s7], s20  }
0xa0: {  	_ =	swait.ge [sflag:s22], s20  }
0xa1: {  	s6 =	ssub.s32 $0x0, s20;
	[sflag:s22] =	ssyncset.done $0x0  }
0xa2: {  	[sflag:s22] =	ssyncadd.s32 s6;
	_ =	sdelay $0x1  }
0xa3: {  	s23 =	simm.s32 $0x1B8B  }
0xa4: {  	_ =	swait.ge [sflag:s23], $0x1  }
0xa5: {  	[sflag:s23] =	ssyncset.done $0x0  }
0xa6: {  	s25 =	simm.s32 $0x1B8E;
	s24 =	sld [smem:$0x3FFE];
	[sflag:s23] =	ssyncadd.s32 $0xFFFFFFFF  }
0xa7: {  	s26 =	simm.s32 $execute0_lowered;
	[smem:$0x3FD2] =	sst s25  }
0xa8: {  	s7 =	sshll.u32 s26, $0x1;
	_ =	strace $0x80000046;
	[dreg:$0x1] =	wrdreg $0xFFFFFFFF  }
0xa9: {  	s28 =	simm.s32 $_size_execute0_lowered;
	s5 =	sadd.s32 s5, s7;
	[dreg:$0x0] =	wrdreg $0x0  }
0xaa: {  	s7 =	sshll.u32 s28, $0x1;
	[dreg:$0x2] =	wrdreg s5  }
0xab: {  	[dreg:$0x3] =	wrdreg s7  }
0xac: {  	[dreg:$0x4] =	wrdreg $0xC0  }
0xad: {  	_ =	task [dreg:s9], $0x5FFFF  }
0xae: {  	[dreg:$0x1] =	wrdreg $0xFFFFFFFF  }
0xaf: {  	[dreg:$0x0] =	wrdreg $0x60  }
0xb0: {  	[dreg:$0x2] =	wrdreg s2  }
0xb1: {  	[dreg:$0x3] =	wrdreg s18  }
0xb2: {  	[dreg:$0x4] =	wrdreg s24  }
0xb3: {  	[dreg:$0x5] =	wrdreg s4  }
0xb4: {  	[dreg:$0x6] =	wrdreg $0x9  }
0xb5: {  	_ =	task.clear_ibuf [dreg:s9], $0x7FFFF;
	_ =	strace $0x90000046  }
0xb6: {  	s29 =	simm.s32 $0x9;
	_ =	strace $0x80000048  }
0xb7: {  	_ =	swait.ge [sflag:s29], $0x1  }
0xb8: {  	[sflag:s29] =	ssyncadd.s32 $0xFFFFFFFF  }
0xb9: {  	_ =	strace $0x90000048  }
0xba: {  	_ =	sfence  }
0xbb: {  	s30 =	sld [smem:$0x0];
	_ =	sdelay $0x2  }
0xbc: {  	s31 =	sshll.u32 s1, $0xD;
	s1 =	sshrl.u32 s1, $0x2  }
0xbd: {  	s3 =	sand.u32 $0x4000, s31;
	s1 =	sadd.s32 s1, s30  }
0xbe: {  	s0 =	sor.u32 s3, s0;
	s1 =	sshll.u32 s1, $0x11  }
0xbf: {  	s0 =	sor.u32 s1, s0  }
0xc0: {  	s0 =	sadd.s32 $0x8F2B, s0  }
0xc1: {  	[sflag:s0] =	ssyncadd.remote.s32 $0x1  }
0xc2: {  	_ =	sfence.sel $0xFFFF  }
0xc3: {  	[dreg:$0x0] =	wrdreg $0xFFFFFFFF;
	(pc) =	sbr.abs _section_cstart, $3  }
0xc4: {  	[dreg:$0x1] =	wrdreg $0xFFFFFFFF  }
0xc5: {  	_ =	task.clear_ibuf [dreg:s9], $0x2FFFF;
	_ =	strace $0x9FFFFFFF  }
0xc6: {  	(tm) =	ssettm $0x7FFFFFFF  }
0xc7: {  	_ =	shalt  }
tec
execute0_lowered:
.L_overlay_start_1:
0x0: {  	(tag) =	ssettag $0x1  }
0x1: {  	s0 =	rddreg [dreg:$0x0]  }
0x2: {  	s2 =	rddreg [dreg:$0x1]  }
0x3: {  	s3 =	rddreg [dreg:$0x2]  }
0x4: {  	s4 =	rddreg [dreg:$0x3];
	v0 =	vimm.s32 $0xEFCDAB89;
	v1 =	vimm.s32 $0x67452301  }
0x5: {  	s1 =	simm.s32 $0x0;
	s5 =	srdreg.scid;
	s8 =	stileid.u32;
	v0 =	vunpack.c.l.s4.s8 v0;
	v1 =	vunpack.c.l.s4.s8 v1  }
0x6: {  	s12 =	simm.s32 $0x80;
	s13 =	simm.s32 $0x400;
	s19 =	simm.s32 $0x1  }
0x7: {  	v2 =	vimm.s32 $0xDCFE98BA;
	s20 =	simm.s32 $0x2;
	s21 =	simm.s32 $0x7;
	s28 =	simm.s32 $0x6;
	v0 =	vunpack.c.0.s8.s32 v0;
	v1 =	vunpack.c.0.s8.s32 v1  }
0x8: {  	v3 =	vimm.s32 $0xBA98FEDC;
	v4 =	vimm.s32 $0x32107654;
	s29 =	simm.s32 $0x0;
	[smem:$0x7FF] =	sst s1;
	s5 =	sand.u32 $0x1, s5  }
0x9: {  	s6 =	sshll.u32 s8, $0x6;
	s8 =	sshll.u32 s8, $0xC;
	s22 =	sadd.s32 $0x800, s3;
	v3 =	vunpack.c.l.s4.s8 v3;
	v0 =	vcombine.low v1, v0;
	v1 =	vimm.s32 $0x54761032  }
0xa: {  	v5 =	vimm.s32 $0xFEDCBA98;
	s3 =	sadd.s32 $0x600, s3;
	v4 =	vunpack.c.l.s4.s8 v4;
	_ =	strace $0x80000047;
	s7 =	sshll.u32 s5, $0x5;
	v1 =	vunpack.c.l.s4.s8 v1  }
0xb: {  	v2 =	vunpack.c.l.s4.s8 v2;
	v5 =	vunpack.c.l.s4.s8 v5;
	s6 =	sand.u32 $0x40, s6;
	s5 =	ssub.s32 $0x2, s5;
	[dreg:$0x5] =	wrdreg s22;
	v3 =	vunpack.c.0.s8.s32 v3  }
0xc: {  	s8 =	sand.u32 $0xE000, s8;
	[dreg:$0x6] =	wrdreg s3;
	s3 =	simm.s32 $0x2000;
	v4 =	vunpack.c.0.s8.s32 v4;
	v6 =	vunpack.c.0.s8.s32 v1;
	v1 =	vimm.s32 $0x76543210  }
0xd: {  	s22 =	simm.s32 $0xA000;
	s6 =	sor.u32 s7, s6;
	v2 =	vunpack.c.0.s8.s32 v2;
	s23 =	sshrl.u32 s5, $0x1;
	v7 =	vunpack.c.l.s4.s8 v1  }
0xe: {  	v10 =	vimm.s32 $0xF;
	v5 =	vunpack.c.0.s8.s32 v5;
	s6 =	sor.u32 s8, s6;
	s24 =	ssub.s32 s5, s23;
	s23 =	simm.s32 $0xA400;
	v3 =	vcombine.low v4, v3  }
0xf: {  	s25 =	sor.u32 $0x10, s6;
	s26 =	sadd.s32 s0, s6;
	s30 =	sadd.s32 s2, s6;
	v2 =	vcombine.low v6, v2;
	v6 =	vunpack.c.0.s8.s32 v7;
	v7 =	vlaneseq.u32  }
0x10: {  	s9 =	sadd.s32 s4, s6;
	s11 =	smax.u32 s24, $0x1;
	v8 =	vand.u32 $0xF, v5;
	[dreg:$0x7] =	wrdreg s26;
	v5 =	vand.u32 $0xF, v3;
	v13 =	vmul.u32 $0x10, v7  }
0x11: {  	s24 =	simm.s32 $0x3;
	[dreg:$0x8] =	wrdreg s30;
	s0 =	sadd.s32 s0, s25;
	v1 =	vand.u32 $0xF, v0;
	v4 =	vand.u32 $0xF, v2;
	v7 =	vimm.s32 $0x0  }
0x12: {  	s31 =	sadd.s32 s2, s25;
	s10 =	sadd.s32 s4, s25;
	[dreg:$0x9] =	wrdreg s0;
	v6 =	vcombine.low v8, v6;
	v8 =	vimm.s32 $0x1;
	v9 =	vor.u32 $0xF, v13  }
0x13: {  	s25 =	simm.s32 $0x4;
	s26 =	simm.s32 $0x5;
	[dreg:$0xa] =	wrdreg s31;
	v11 =	vor.u32 $0x10F, v13;
	v12 =	vor.u32 $0x20F, v13;
	v13 =	vor.u32 $0x30F, v13  }
.LBB2_1:
0x14: {  	s0 =	rddreg [dreg:$0x7]  }
0x15: {  	[tilespmem:s1], [sflag:$0x1] =	stream.strided.gather [hbm4b:s0+s12], $0x2000, s13, s12, $0x38;
	[tilespmem:$0xA900] =	vst v63  }
0x16: {  	s7 =	rddreg [dreg:$0x8];
	s2 =	simm.s32 $0x4000  }
0x17: {  	[tilespmem:s2], [sflag:$0x2] =	stream.strided.gather [hbm4b:s7+s12], $0x2000, s13, s12, $0x38;
	[tilespmem:$0xA900] =	vst v63  }
0x18: {  	s8 =	rddreg [dreg:$0x9]  }
0x19: {  	[tilespmem:s3], [sflag:$0x3] =	stream.strided.gather [hbm4b:s8+s12], $0x2000, s13, s12, $0x38;
	[tilespmem:$0xA900] =	vst v63  }
0x1a: {  	s14 =	rddreg [dreg:$0xa];
	s15 =	simm.s32 $0x6000  }
0x1b: {  	[tilespmem:s15], [sflag:$0x4] =	stream.strided.gather [hbm4b:s14+s12], $0x2000, s13, s12, $0x38;
	[tilespmem:$0xA900] =	vst v63  }
0x1c: {  	s16 =	rddreg [dreg:$0x5];
	s17 =	simm.s32 $0xA800  }
0x1d: {  	[tilespmem:s17], [sflag:$0x7] =	stream.linear.gather [hbm4b:s16+s1], $0x80, $0x38;
	[tilespmem:$0xA900] =	vst v63  }
0x1e: {  	s18 =	rddreg [dreg:$0x6];
	s30 =	simm.s32 $0xA880  }
0x1f: {  	[tilespmem:s30], [sflag:$0x7] =	stream.linear.gather [hbm4b:s18+s1], $0x80, $0x38;
	[tilespmem:$0xA900] =	vst v63  }
0x20: {  	_ =	swait.ge [sflag:s19], $0x2000  }
0x21: {  	[sflag:s19] =	ssyncset.done $0x0  }
0x22: {  	[sflag:s19] =	ssyncadd.s32 $0xFFFFE000  }
0x23: {  	_ =	swait.ge [sflag:s20], $0x2000  }
0x24: {  	[sflag:s20] =	ssyncset.done $0x0  }
0x25: {  	s31 =	simm.s32 $0x4040;
	[sflag:s20] =	ssyncadd.s32 $0xFFFFE000  }
0x26: {  	v15 =	vld [tilespmem:s31+$0x0]  }
0x27: {  	v19 =	vld [tilespmem:s31+$0x10]  }
0x28: {  	v16 =	vld [tilespmem:s31+$0x20]  }
0x29: {  	v14 =	vld [tilespmem:s31+$0x30]  }
0x2a: {  	v22 =	vld [tilespmem:s31+$0xFFFFFFC0]  }
0x2b: {  	v21 =	vld [tilespmem:s31+$0xFFFFFFD0]  }
0x2c: {  	v17 =	vld [tilespmem:s31+$0xFFFFFFE0]  }
0x2d: {  	s0 =	simm.s32 $0x40;
	v18 =	vld [tilespmem:s31+$0xFFFFFFF0]  }
0x2e: {  	v23 =	vld [tilespmem:s0+$0xFFFFFFC0]  }
0x2f: {  	v31 =	vld [tilespmem:s0+$0x0]  }
0x30: {  	v27 =	vld [tilespmem:s0+$0x10]  }
0x31: {  	v32 =	vld [tilespmem:s0+$0xFFFFFFD0]  }
0x32: {  	v33 =	vld [tilespmem:s0+$0xFFFFFFE0]  }
0x33: {  	v20 =	vimm.f32 $-1.000000000e+00;
	v24 =	vimm.f32 $-1.000000000e+00;
	v29 =	vld [tilespmem:s0+$0x20]  }
0x34: {  	v25 =	vimm.f32 $-1.000000000e+00;
	v26 =	vimm.f32 $-1.000000000e+00;
	v28 =	vld [tilespmem:s0+$0xFFFFFFF0];
	v34 =	vmax.f32 v20, v23  }
0x35: {  	s2 =	simm.s32 $0x0;
	s3 =	simm.s32 $0x40C0;
	v30 =	vld [tilespmem:s0+$0x30];
	v35 =	vmax.f32 v20, v22;
	v22 =	vimm.f32 $-1.000000000e+00;
	v23 =	vimm.f32 $-1.000000000e+00  }
.LBB2_2:
0x36: {  	v34 =	vmax.f32 v34, v31;
	v35 =	vmax.f32 v35, v15;
	v15 =	vld [tilespmem:s3+$0x0]  }
0x37: {  	v20 =	vmax.f32 v20, v32;
	v21 =	vmax.f32 v22, v21;
	v31 =	vld [tilespmem:s3+$0x10];
	v23 =	vmax.f32 v23, v33  }
0x38: {  	v20 =	vmax.f32 v20, v27;
	v22 =	vmax.f32 v21, v19;
	v32 =	vld [tilespmem:s3+$0x20];
	v23 =	vmax.f32 v23, v29  }
0x39: {  	v17 =	vmax.f32 v24, v17;
	v18 =	vmax.f32 v26, v18;
	v27 =	vld [tilespmem:s3+$0x30];
	v19 =	vmax.f32 v25, v28  }
0x3a: {  	v24 =	vmax.f32 v17, v16;
	v26 =	vmax.f32 v18, v14;
	v36 =	vld [tilespmem:s3+$0xFFFFFFC0];
	v25 =	vmax.f32 v19, v30  }
0x3b: {  	v21 =	vld [tilespmem:s3+$0xFFFFFFD0]  }
0x3c: {  	v17 =	vld [tilespmem:s3+$0xFFFFFFE0];
	v19 =	vmov v31  }
0x3d: {  	s0 =	sadd.s32 $0x80, s0;
	v18 =	vld [tilespmem:s3+$0xFFFFFFF0];
	v16 =	vmov v32  }
0x3e: {  	v31 =	vld [tilespmem:s0+$0x0];
	v14 =	vmov v27  }
0x3f: {  	s2 =	sadd.s32 $0x2, s2;
	v27 =	vld [tilespmem:s0+$0x10]  }
0x40: {  	p0 =	slt.u32 s2, $0x7E;
	v30 =	vld [tilespmem:s0+$0xFFFFFFC0]  }
.Ltmp0:
0x41: {  	v32 =	vld [tilespmem:s0+$0xFFFFFFD0];
	(pc) =	sbr.rel @p0 .LBB2_2-.Ltmp0, $4  }
0x42: {  	v33 =	vld [tilespmem:s0+$0xFFFFFFE0]  }
0x43: {  	v29 =	vld [tilespmem:s0+$0x20]  }
0x44: {  	v28 =	vld [tilespmem:s0+$0xFFFFFFF0]  }
0x45: {  	s3 =	sadd.s32 $0x80, s3;
	v35 =	vmax.f32 v35, v36;
	v34 =	vmax.f32 v34, v30;
	v30 =	vld [tilespmem:s0+$0x30]  }
0x46: {  	v31 =	vmax.f32 v34, v31;
	v15 =	vmax.f32 v35, v15;
	v20 =	vmax.f32 v20, v32  }
0x47: {  	v21 =	vmax.f32 v22, v21;
	v17 =	vmax.f32 v24, v17;
	v18 =	vmax.f32 v26, v18  }
0x48: {  	v61 =	vmax.f32 v23, v33;
	v20 =	vmax.f32 v20, v27;
	v19 =	vmax.f32 v21, v19  }
0x49: {  	v16 =	vmax.f32 v17, v16;
	v14 =	vmax.f32 v18, v14;
	v62 =	vmax.f32 v61, v29  }
0x4a: {  	v20 =	vmax.f32 v31, v20;
	v15 =	vmax.f32 v15, v19;
	v63 =	vmax.f32 v25, v28  }
0x4b: {  	v18 =	vmax.f32 v20, v62;
	v15 =	vmax.f32 v15, v16;
	v17 =	vmax.f32 v63, v30  }
0x4c: {  	v14 =	vmax.f32 v15, v14;
	v16 =	vmax.f32 v18, v17  }
0x4d: {  	_ =	swait.ge [sflag:s21], $0x80;
	v17 =	vperm.xlane v14, v1;
	v15 =	vperm.xlane v16, v1  }
0x4e: {  	[sflag:s21] =	ssyncset.done $0x0  }
0x4f: {  	[sflag:s21] =	ssyncadd.s32 $0xFFFFFF80;
	v14 =	vmax.f32 v14, v17;
	v15 =	vmax.f32 v16, v15  }
0x50: {  	_ =	swait.ge [sflag:s21], $0x80;
	v17 =	vperm.xlane v14, v4;
	v16 =	vperm.xlane v15, v4  }
0x51: {  	[sflag:s21] =	ssyncset.done $0x0  }
0x52: {  	[sflag:s21] =	ssyncadd.s32 $0xFFFFFF80;
	v17 =	vmax.f32 v14, v17;
	v16 =	vmax.f32 v15, v16  }
0x53: {  	s0 =	simm.s32 $0xA020;
	v14 =	vld [tilespmem:$0xA800];
	v19 =	vperm.xlane v17, v5;
	v18 =	vperm.xlane v16, v5  }
0x54: {  	v15 =	vld [tilespmem:$0xA880];
	[tilespmem:s0+$0xFFFFFFE0] =	vst v7  }
0x55: {  	[tilespmem:s0+$0x10] =	vst v7;
	v17 =	vmax.f32 v17, v19;
	v16 =	vmax.f32 v16, v18  }
0x56: {  	s2 =	simm.s32 $0x0;
	[tilespmem:s0+$0x0] =	vst v7;
	v19 =	vperm.xlane v17, v6;
	v18 =	vperm.xlane v16, v6  }
.LBB2_4:
0x57: {  	s2 =	sadd.s32 $0x4, s2  }
0x58: {  	[tilespmem:s0+$0xFFFFFFF0] =	vst v7;
	s0 =	sadd.s32 $0x40, s0;
	p0 =	slt.u32 s2, $0x3C  }
.Ltmp1:
0x59: {  	[tilespmem:s0+$0xFFFFFFE0] =	vst v7;
	(pc) =	sbr.rel @p0 .LBB2_4-.Ltmp1, $3  }
0x5a: {  	_ =	sdelay $0x1  }
0x5b: {  	[tilespmem:s0+$0x10] =	vst v7  }
0x5c: {  	[tilespmem:s0+$0x0] =	vst v7  }
0x5d: {  	v16 =	vmax.f32 v16, v18  }
0x5e: {  	v17 =	vmax.f32 v17, v19;
	v16 =	vadd.f32 $9.999999930e-09, v16  }
0x5f: {  	v17 =	vadd.f32 $9.999999930e-09, v17  }
0x60: {  	(erf) = vrcp.f32 v16  }
0x61: {  	(erf) = vrcp.f32 v17;
	_ =	sdelay $0x4  }
0x62: {  	[tilespmem:s0+$0xFFFFFFF0] =	vst v7;
	s6 =	simm.s32 $0x4040  }
0x63: {  	s4 =	simm.s32 $0x40;
	v16 =	vld [tilespmem:s6+$0xFFFFFFC0]  }
0x64: {  	v17 =	vld [tilespmem:s4+$0xFFFFFFC0]  }
0x65: {  	v18 =	vpop (erf)  }
0x66: {  	v19 =	vpop (erf)  }
0x67: {  	v14 =	vmul.f32 v14, v18;
	v15 =	vmul.f32 v15, v19  }
0x68: {  	v18 =	vld [tilespmem:s6+$0x0]  }
0x69: {  	v19 =	vld [tilespmem:s4+$0x0];
	v17 =	vmul.f32 v17, v14;
	v16 =	vmul.f32 v16, v15;
	_ =	sdelay $0x1  }
0x6a: {  	v17 =	vadd.f32 v16, v17  }
0x6b: {  	s18 =	simm.s32 $0x40C0  }
0x6c: {  	s15 =	simm.s32 $0xC0;
	v20 =	vld [tilespmem:s18+$0x0];
	v16 =	vshrl.u32 v17, $0x14  }
0x6d: {  	v21 =	vld [tilespmem:s15+$0x0];
	v18 =	vmul.f32 v18, v15;
	v19 =	vmul.f32 v19, v14;
	v16 =	vmin.u32 v16, $0x3FF  }
0x6e: {  	v22 =	vld [tilespmem:s15+$0xFFFFFFC0]  }
0x6f: {  	v18 =	vadd.f32 v18, v19;
	v19 =	vld [tilespmem:s18+$0xFFFFFFC0]  }
0x70: {  	s5 =	simm.s32 $0x8040  }
0x71: {  	[tilespmem:s5+$0xFFFFFFC0] =	vst v17;
	v23 =	vshrl.u32 v18, $0x14  }
0x72: {  	v23 =	vmin.u32 v23, $0x3FF;
	[tilespmem:v16+s22+$0x0] =	vst.idx.add.s32.msk $0xffff, v8  }
0x73: {  	v21 =	vmul.f32 v21, v14;
	v20 =	vmul.f32 v20, v15;
	v16 =	vld [tilespmem:s6+$0xFFFFFFD0]  }
0x74: {  	s2 =	simm.s32 $0x140;
	v22 =	vmul.f32 v22, v14;
	v19 =	vmul.f32 v19, v15;
	v24 =	vld [tilespmem:s4+$0xFFFFFFD0]  }
0x75: {  	s0 =	simm.s32 $0x4140;
	v26 =	vld [tilespmem:s2+$0x0];
	v20 =	vadd.f32 v20, v21  }
0x76: {  	v28 =	vld [tilespmem:s0+$0xFFFFFFC0];
	[tilespmem:s5+$0x0] =	vst v18;
	v19 =	vadd.f32 v19, v22  }
0x77: {  	v22 =	vshrl.u32 v20, $0x14;
	[tilespmem:v23+s22+$0x0] =	vst.idx.add.s32.msk $0xffff, v8  }
0x78: {  	v22 =	vmin.u32 v22, $0x3FF;
	v21 =	vld [tilespmem:s6+$0x10];
	v25 =	vshrl.u32 v19, $0x14  }
0x79: {  	s14 =	simm.s32 $0x41C0;
	v23 =	vld [tilespmem:s4+$0x10];
	v25 =	vmin.u32 v25, $0x3FF;
	v16 =	vmul.f32 v16, v15;
	v24 =	vmul.f32 v24, v14  }
0x7a: {  	s30 =	simm.s32 $0x80C0;
	s3 =	simm.s32 $0x4240;
	v36 =	vld [tilespmem:s14+$0xFFFFFFC0]  }
0x7b: {  	v58 =	vld [tilespmem:s3+$0x0];
	[tilespmem:s30+$0x0] =	vst v20;
	v24 =	vadd.f32 v16, v24  }
0x7c: {  	[tilespmem:s30+$0xFFFFFFC0] =	vst v19;
	v16 =	vld [tilespmem:s0+$0x0]  }
0x7d: {  	[tilespmem:v22+s22+$0x0] =	vst.idx.add.s32.msk $0xffff, v8;
	v27 =	vshrl.u32 v24, $0x14  }
0x7e: {  	v21 =	vmul.f32 v21, v15;
	v23 =	vmul.f32 v23, v14;
	[tilespmem:v25+s22+$0x0] =	vst.idx.add.s32.msk $0xffff, v8;
	v22 =	vmin.u32 v27, $0x3FF  }
0x7f: {  	v25 =	vld [tilespmem:s2+$0xFFFFFFC0]  }
0x80: {  	v31 =	vld [tilespmem:s18+$0x10];
	v21 =	vadd.f32 v21, v23  }
0x81: {  	v26 =	vmul.f32 v26, v14;
	v23 =	vld [tilespmem:s15+$0xFFFFFFD0];
	v16 =	vmul.f32 v16, v15  }
0x82: {  	[tilespmem:s5+$0xFFFFFFD0] =	vst v24;
	v27 =	vld [tilespmem:s18+$0xFFFFFFD0];
	v29 =	vshrl.u32 v21, $0x14  }
0x83: {  	v26 =	vadd.f32 v16, v26;
	v16 =	vimm.s32 $0x0;
	[tilespmem:v22+s22+$0x0] =	vst.idx.add.s32.msk $0xffff, v8;
	v22 =	vmin.u32 v29, $0x3FF  }
0x84: {  	v28 =	vmul.f32 v28, v15;
	v25 =	vmul.f32 v25, v14;
	vm0 =	vgt.s32 v16, v17;
	v29 =	vld [tilespmem:s4+$0xFFFFFFE0]  }
0x85: {  	v30 =	vld [tilespmem:s6+$0xFFFFFFE0];
	v17 =	vsel vm0, v16, v17  }
0x86: {  	s16 =	simm.s32 $0x1C0;
	v25 =	vadd.f32 v28, v25;
	v28 =	vld [tilespmem:s15+$0x10];
	v32 =	vshrl.u32 v26, $0x14;
	vm0 =	vgt.s32 v17, v18  }
0x87: {  	[tilespmem:s5+$0x10] =	vst v21;
	v32 =	vmin.u32 v32, $0x3FF;
	v17 =	vsel vm0, v17, v18;
	v18 =	vld [tilespmem:s16+$0x0]  }
0x88: {  	v27 =	vmul.f32 v27, v15;
	[tilespmem:v22+s22+$0x0] =	vst.idx.add.s32.msk $0xffff, v8;
	v22 =	vmul.f32 v23, v14;
	v23 =	vshrl.u32 v25, $0x14  }
0x89: {  	vm1 =	vgt.s32 v16, v24;
	vm0 =	vgt.s32 v17, v19;
	v33 =	vld [tilespmem:s4+$0x20];
	v23 =	vmin.u32 v23, $0x3FF  }
0x8a: {  	s31 =	simm.s32 $0x8140;
	v31 =	vmul.f32 v31, v15;
	v24 =	vsel vm1, v16, v24;
	v17 =	vsel vm0, v17, v19;
	v34 =	vld [tilespmem:s6+$0x20]  }
0x8b: {  	[tilespmem:s31+$0x0] =	vst v26;
	v28 =	vmul.f32 v28, v14;
	vm0 =	vgt.s32 v17, v20;
	v22 =	vadd.f32 v27, v22;
	v27 =	vld [tilespmem:s14+$0x0]  }
0x8c: {  	v19 =	vmul.f32 v30, v15;
	[tilespmem:v32+s22+$0x0] =	vst.idx.add.s32.msk $0xffff, v8;
	v17 =	vsel vm0, v17, v20  }
0x8d: {  	[tilespmem:s31+$0xFFFFFFC0] =	vst v25;
	v28 =	vadd.f32 v31, v28;
	vm0 =	vgt.s32 v17, v25;
	v56 =	vld [tilespmem:s0+$0x10];
	v35 =	vshrl.u32 v22, $0x14  }
0x8e: {  	v17 =	vsel vm0, v17, v25;
	v53 =	vmin.u32 v35, $0x3FF;
	[tilespmem:v23+s22+$0x0] =	vst.idx.add.s32.msk $0xffff, v8;
	v23 =	vmul.f32 v29, v14  }
0x8f: {  	vm0 =	vgt.s32 v17, v26;
	v29 =	vld [tilespmem:s16+$0xFFFFFFC0];
	v54 =	vmul.f32 v34, v15;
	v33 =	vmul.f32 v33, v14  }
0x90: {  	v17 =	vsel vm0, v17, v26;
	v26 =	vld [tilespmem:s2+$0x10];
	v19 =	vadd.f32 v19, v23;
	v23 =	vshrl.u32 v28, $0x14  }
0x91: {  	vm1 =	vgt.s32 v24, v21;
	v30 =	vld [tilespmem:s2+$0xFFFFFFD0];
	v23 =	vmin.u32 v23, $0x3FF  }
0x92: {  	v21 =	vsel vm1, v24, v21;
	[tilespmem:s30+$0xFFFFFFD0] =	vst v22;
	v20 =	vld [tilespmem:s0+$0xFFFFFFD0];
	v24 =	vadd.f32 v54, v33  }
0x93: {  	v18 =	vmul.f32 v18, v14;
	vm1 =	vgt.s32 v21, v22;
	[tilespmem:v53+s22+$0x0] =	vst.idx.add.s32.msk $0xffff, v8;
	v31 =	vshrl.u32 v19, $0x14  }
0x94: {  	v27 =	vmul.f32 v27, v15;
	v33 =	vshrl.u32 v24, $0x14;
	v55 =	vld [tilespmem:s15+$0xFFFFFFE0];
	v25 =	vmin.u32 v31, $0x3FF  }
0x95: {  	[tilespmem:s30+$0x10] =	vst v28;
	v21 =	vsel vm1, v21, v22;
	v31 =	vld [tilespmem:s18+$0xFFFFFFE0];
	v33 =	vmin.u32 v33, $0x3FF  }
0x96: {  	vm1 =	vgt.s32 v21, v28;
	v18 =	vadd.f32 v27, v18;
	[tilespmem:v23+s22+$0x0] =	vst.idx.add.s32.msk $0xffff, v8  }
0x97: {  	v21 =	vsel vm1, v21, v28;
	[tilespmem:s5+$0xFFFFFFE0] =	vst v19;
	v28 =	vmul.f32 v30, v14;
	v57 =	vld [tilespmem:s15+$0x20]  }
0x98: {  	[tilespmem:s5+$0x20] =	vst v24;
	v27 =	vshrl.u32 v18, $0x14;
	v23 =	vmul.f32 v29, v14;
	v29 =	vmul.f32 v36, v15;
	v30 =	vld [tilespmem:s18+$0x20]  }
0x99: {  	vm6 =	vgt.s32 v16, v19;
	v20 =	vmul.f32 v20, v15;
	v27 =	vmin.u32 v27, $0x3FF;
	[tilespmem:v25+s22+$0x0] =	vst.idx.add.s32.msk $0xffff, v8  }
0x9a: {  	v19 =	vsel vm6, v16, v19;
	v22 =	vadd.f32 v29, v23;
	[tilespmem:v33+s22+$0x0] =	vst.idx.add.s32.msk $0xffff, v8  }
0x9b: {  	vm0 =	vgt.s32 v19, v24;
	v20 =	vadd.f32 v20, v28;
	v23 =	vld [tilespmem:s4+$0xFFFFFFF0]  }
0x9c: {  	s17 =	simm.s32 $0x81C0;
	v28 =	vmul.f32 v31, v15;
	v31 =	vmul.f32 v55, v14;
	v25 =	vld [tilespmem:s6+$0xFFFFFFF0];
	v29 =	vshrl.u32 v22, $0x14  }
0x9d: {  	[tilespmem:s17+$0x0] =	vst v18;
	v19 =	vsel vm0, v19, v24;
	v24 =	vld [tilespmem:s4+$0x30];
	v29 =	vmin.u32 v29, $0x3FF  }
0x9e: {  	v60 =	vshrl.u32 v20, $0x14;
	[tilespmem:v27+s22+$0x0] =	vst.idx.add.s32.msk $0xffff, v8;
	vm7 =	vgt.s32 v17, v22;
	v31 =	vadd.f32 v28, v31  }
0x9f: {  	vm1 =	vgt.s32 v21, v20;
	v28 =	vld [tilespmem:s3+$0xFFFFFFC0];
	[tilespmem:s17+$0xFFFFFFC0] =	vst v22;
	v17 =	vsel vm7, v17, v22;
	v22 =	vmin.u32 v60, $0x3FF  }
0xa0: {  	s4 =	simm.s32 $0x240;
	v59 =	vld [tilespmem:s6+$0x30];
	v27 =	vmul.f32 v58, v15;
	vm0 =	vgt.s32 v17, v18;
	vm8 =	vgt.s32 v19, v31  }
0xa1: {  	v37 =	vsel vm0, v17, v18;
	v17 =	vld [tilespmem:s4+$0x0];
	v23 =	vmul.f32 v23, v14;
	v25 =	vmul.f32 v25, v15  }
0xa2: {  	v18 =	vsel vm1, v21, v20;
	v21 =	vmul.f32 v56, v15;
	[tilespmem:v29+s22+$0x0] =	vst.idx.add.s32.msk $0xffff, v8  }
0xa3: {  	[tilespmem:s31+$0xFFFFFFD0] =	vst v20;
	v19 =	vsel vm8, v19, v31;
	v38 =	vadd.f32 v25, v23;
	v23 =	vmul.f32 v26, v14;
	v26 =	vld [tilespmem:s4+$0xFFFFFFC0]  }
0xa4: {  	v24 =	vmul.f32 v24, v14;
	v28 =	vmul.f32 v28, v15;
	v25 =	vshrl.u32 v31, $0x14;
	[tilespmem:v22+s22+$0x0] =	vst.idx.add.s32.msk $0xffff, v8  }
0xa5: {  	v61 =	vmin.u32 v25, $0x3FF;
	v25 =	vld [tilespmem:s14+$0xFFFFFFD0];
	v29 =	vshrl.u32 v38, $0x14;
	v32 =	vadd.f32 v21, v23  }
0xa6: {  	v62 =	vld [tilespmem:s0+$0xFFFFFFE0];
	v21 =	vmul.f32 v59, v15;
	vm9 =	vgt.s32 v16, v38;
	v23 =	vmul.f32 v30, v15  }
0xa7: {  	v30 =	vld [tilespmem:s16+$0xFFFFFFD0];
	v17 =	vmul.f32 v17, v14;
	v16 =	vsel vm9, v16, v38;
	v20 =	vshrl.u32 v32, $0x14  }
0xa8: {  	v34 =	vadd.f32 v21, v24;
	v24 =	vmul.f32 v57, v14;
	vm10 =	vgt.s32 v18, v32  }
0xa9: {  	v21 =	vld [tilespmem:s2+$0xFFFFFFE0];
	v27 =	vadd.f32 v27, v17;
	v20 =	vmin.u32 v20, $0x3FF;
	v26 =	vmul.f32 v26, v14  }
0xaa: {  	[tilespmem:s30+$0xFFFFFFE0] =	vst v31;
	v18 =	vsel vm10, v18, v32;
	v22 =	vshrl.u32 v34, $0x14;
	v39 =	vadd.f32 v23, v24;
	v23 =	vld [tilespmem:s14+$0x10]  }
0xab: {  	[tilespmem:s31+$0x10] =	vst v32;
	vm11 =	vgt.s32 v16, v34;
	v24 =	vld [tilespmem:s16+$0x10];
	v25 =	vmul.f32 v25, v15;
	v32 =	vmul.f32 v62, v15  }
0xac: {  	[tilespmem:v61+s22+$0x0] =	vst.idx.add.s32.msk $0xffff, v8;
	v22 =	vmin.u32 v22, $0x3FF;
	v26 =	vadd.f32 v28, v26;
	v40 =	vmul.f32 v30, v14  }
0xad: {  	[tilespmem:s5+$0x30] =	vst v34;
	v17 =	vsel vm11, v16, v34;
	v34 =	vmin.u32 v29, $0x3FF;
	v29 =	vld [tilespmem:s15+$0xFFFFFFF0];
	v63 =	vshrl.u32 v39, $0x14  }
0xae: {  	v28 =	vshrl.u32 v27, $0x14;
	v31 =	vld [tilespmem:s18+$0xFFFFFFF0];
	vm12 =	vgt.s32 v19, v39;
	v35 =	vmin.u32 v63, $0x3FF  }
0xaf: {  	v16 =	vshrl.u32 v26, $0x14;
	vm13 =	vgt.s32 v37, v26;
	v25 =	vadd.f32 v25, v40;
	[tilespmem:v20+s22+$0x0] =	vst.idx.add.s32.msk $0xffff, v8  }
0xb0: {  	[tilespmem:s5+$0xFFFFFFF0] =	vst v38;
	v19 =	vsel vm12, v19, v39;
	v30 =	vmin.u32 v16, $0x3FF;
	v16 =	vsel vm13, v37, v26;
	v20 =	vld [tilespmem:s2+$0x20]  }
0xb1: {  	s7 =	simm.s32 $0x2C0;
	v28 =	vmin.u32 v28, $0x3FF;
	vm14 =	vgt.s32 v16, v27;
	vm15 =	vgt.s32 v18, v25;
	[tilespmem:v22+s22+$0x0] =	vst.idx.add.s32.msk $0xffff, v8  }
0xb2: {  	s8 =	simm.s32 $0x42C0;
	s6 =	simm.s32 $0x8;
	s5 =	simm.s32 $0x8240;
	[tilespmem:s30+$0x20] =	vst v39;
	v33 =	vshrl.u32 v25, $0x14;
	v22 =	vld [tilespmem:s0+$0x20];
	v16 =	vsel vm14, v16, v27;
	v18 =	vsel vm15, v18, v25  }
.LBB2_6:
0xb3: {  	s6 =	sadd.s32 $0x2, s6;
	v21 =	vmul.f32 v21, v14;
	[tilespmem:v35+s22+$0x0] =	vst.idx.add.s32.msk $0xffff, v8  }
0xb4: {  	p0 =	slt.u32 s6, $0x7E;
	[tilespmem:v34+s22+$0x0] =	vst.idx.add.s32.msk $0xffff, v8  }
0xb5: {  	[tilespmem:s5+$0x0] =	vst v27;
	v21 =	vadd.f32 v32, v21;
	v27 =	vld [tilespmem:s15+$0x30];
	s15 =	smov.u32 s2;
	s2 =	smov.u32 s16;
	s16 =	smov.u32 s4  }
0xb6: {  	s4 =	smov.u32 s7;
	v32 =	vld [tilespmem:s8+$0x0]  }
0xb7: {  	v29 =	vmul.f32 v29, v14;
	[tilespmem:s31+$0xFFFFFFE0] =	vst v21;
	v34 =	vshrl.u32 v21, $0x14;
	v31 =	vmul.f32 v31, v15;
	v35 =	vld [tilespmem:s18+$0x30];
	s18 =	smov.u32 s0;
	s0 =	smov.u32 s14;
	s14 =	smov.u32 s3  }
0xb8: {  	v23 =	vmul.f32 v23, v15;
	vm0 =	vgt.s32 v19, v21;
	s3 =	smov.u32 s8;
	v36 =	vld [tilespmem:s7+$0x0]  }
0xb9: {  	v37 =	vld [tilespmem:s8+$0xFFFFFFC0];
	[tilespmem:s5+$0xFFFFFFC0] =	vst v26;
	v26 =	vadd.f32 v31, v29  }
0xba: {  	v24 =	vmul.f32 v24, v14;
	[tilespmem:v28+s22+$0x0] =	vst.idx.add.s32.msk $0xffff, v8;
	v28 =	vmin.u32 v33, $0x3FF  }
0xbb: {  	v27 =	vmul.f32 v27, v14;
	[tilespmem:v30+s22+$0x0] =	vst.idx.add.s32.msk $0xffff, v8;
	v29 =	vshrl.u32 v26, $0x14;
	vm1 =	vgt.s32 v17, v26  }
0xbc: {  	v22 =	vmul.f32 v22, v15;
	v24 =	vadd.f32 v23, v24;
	v30 =	vld [tilespmem:s7+$0xFFFFFFC0];
	[tilespmem:s30+$0xFFFFFFF0] =	vst v26;
	v23 =	vmul.f32 v35, v15  }
0xbd: {  	v20 =	vmul.f32 v20, v14;
	v19 =	vsel vm0, v19, v21;
	v33 =	vmin.u32 v34, $0x3FF;
	v31 =	vld [tilespmem:s16+$0xFFFFFFD0]  }
0xbe: {  	v21 =	vshrl.u32 v24, $0x14;
	vm0 =	vgt.s32 v18, v24;
	v34 =	vld [tilespmem:s14+$0xFFFFFFD0];
	[tilespmem:s17+$0xFFFFFFD0] =	vst v25;
	v25 =	vadd.f32 v23, v27  }
0xbf: {  	v17 =	vsel vm1, v17, v26;
	v23 =	vmul.f32 v32, v15;
	[tilespmem:v28+s22+$0x0] =	vst.idx.add.s32.msk $0xffff, v8;
	v28 =	vmin.u32 v21, $0x3FF  }
0xc0: {  	v22 =	vadd.f32 v22, v20;
	v26 =	vmul.f32 v36, v14;
	v21 =	vld [tilespmem:s2+$0xFFFFFFE0];
	[tilespmem:s30+$0x30] =	vst v25;
	v20 =	vshrl.u32 v25, $0x14;
	s30 =	smov.u32 s31;
	s31 =	smov.u32 s17;
	s17 =	smov.u32 s5  }
0xc1: {  	v32 =	vmul.f32 v37, v15;
	v30 =	vmul.f32 v30, v14;
	v36 =	vld [tilespmem:s0+$0xFFFFFFE0];
	v37 =	vmin.u32 v20, $0x3FF  }
0xc2: {  	v18 =	vsel vm0, v18, v24;
	v27 =	vadd.f32 v23, v26;
	vm0 =	vgt.s32 v17, v25;
	v23 =	vld [tilespmem:s14+$0x10];
	[tilespmem:s31+$0x10] =	vst v24  }
0xc3: {  	v26 =	vadd.f32 v32, v30;
	v32 =	vmul.f32 v34, v15;
	v24 =	vld [tilespmem:s16+$0x10];
	[tilespmem:s30+$0x20] =	vst v22;
	v34 =	vshrl.u32 v22, $0x14  }
0xc4: {  	v17 =	vsel vm0, v17, v25;
	v20 =	vshrl.u32 v27, $0x14;
	v31 =	vmul.f32 v31, v14;
	[tilespmem:v28+s22+$0x0] =	vst.idx.add.s32.msk $0xffff, v8  }
0xc5: {  	vm0 =	vgt.s32 v19, v22;
	v28 =	vmin.u32 v20, $0x3FF;
	v25 =	vshrl.u32 v26, $0x14;
	v20 =	vld [tilespmem:s2+$0x20]  }
.Ltmp2:
0xc6: {  	v19 =	vsel vm0, v19, v22;
	v35 =	vmin.u32 v34, $0x3FF;
	v30 =	vmin.u32 v25, $0x3FF;
	[tilespmem:v37+s22+$0x0] =	vst.idx.add.s32.msk $0xffff, v8;
	(pc) =	sbr.rel @p0 .LBB2_6-.Ltmp2, $4  }
0xc7: {  	v34 =	vmin.u32 v29, $0x3FF;
	vm0 =	vgt.s32 v16, v26;
	v25 =	vadd.f32 v32, v31;
	v22 =	vld [tilespmem:s0+$0x20]  }
0xc8: {  	s5 =	sadd.s32 $0x80, s5;
	v16 =	vsel vm0, v16, v26;
	v32 =	vmul.f32 v36, v15;
	[tilespmem:v33+s22+$0x0] =	vst.idx.add.s32.msk $0xffff, v8  }
0xc9: {  	vm0 =	vgt.s32 v16, v27;
	v33 =	vshrl.u32 v25, $0x14;
	vm1 =	vgt.s32 v18, v25;
	v29 =	vld [tilespmem:s15+$0xFFFFFFF0]  }
0xca: {  	s8 =	sadd.s32 $0x80, s8;
	s7 =	sadd.s32 $0x80, s7;
	v16 =	vsel vm0, v16, v27;
	v18 =	vsel vm1, v18, v25;
	v31 =	vld [tilespmem:s18+$0xFFFFFFF0]  }
0xcb: {  	_ =	sdelay $0x1  }
0xcc: {  	[tilespmem:s5+$0xFFFFFFC0] =	vst v26  }
0xcd: {  	[tilespmem:s5+$0x0] =	vst v27  }
0xce: {  	[tilespmem:v30+s22+$0x0] =	vst.idx.add.s32.msk $0xffff, v8  }
0xcf: {  	[tilespmem:v28+s22+$0x0] =	vst.idx.add.s32.msk $0xffff, v8  }
0xd0: {  	v26 =	vld [tilespmem:s4+$0xFFFFFFD0]  }
0xd1: {  	v58 =	vld [tilespmem:s3+$0xFFFFFFD0]  }
0xd2: {  	v59 =	vld [tilespmem:s3+$0x10]  }
0xd3: {  	v63 =	vld [tilespmem:s4+$0x10]  }
0xd4: {  	v23 =	vmul.f32 v23, v15;
	v24 =	vmul.f32 v24, v14  }
0xd5: {  	v60 =	vmin.u32 v33, $0x3FF  }
0xd6: {  	v23 =	vadd.f32 v23, v24  }
0xd7: {  	[tilespmem:v35+s22+$0x0] =	vst.idx.add.s32.msk $0xffff, v8;
	v27 =	vmul.f32 v58, v15;
	v26 =	vmul.f32 v26, v14  }
0xd8: {  	[tilespmem:v34+s22+$0x0] =	vst.idx.add.s32.msk $0xffff, v8;
	v40 =	vshrl.u32 v23, $0x14;
	v24 =	vmul.f32 v59, v15;
	v43 =	vmul.f32 v63, v14  }
0xd9: {  	[tilespmem:s17+$0xFFFFFFD0] =	vst v25;
	v35 =	vld [tilespmem:s15+$0x30];
	v41 =	vmin.u32 v40, $0x3FF;
	v26 =	vadd.f32 v27, v26  }
0xda: {  	[tilespmem:v60+s22+$0x0] =	vst.idx.add.s32.msk $0xffff, v8;
	v24 =	vadd.f32 v24, v43  }
0xdb: {  	v28 =	vld [tilespmem:s16+$0xFFFFFFE0];
	v44 =	vshrl.u32 v26, $0x14  }
0xdc: {  	v45 =	vld [tilespmem:s14+$0xFFFFFFE0];
	v47 =	vshrl.u32 v24, $0x14;
	v34 =	vmin.u32 v44, $0x3FF  }
0xdd: {  	v36 =	vld [tilespmem:s18+$0x30];
	[tilespmem:s17+$0x10] =	vst v23;
	v48 =	vmin.u32 v47, $0x3FF  }
0xde: {  	v21 =	vmul.f32 v21, v14;
	[tilespmem:v41+s22+$0x0] =	vst.idx.add.s32.msk $0xffff, v8  }
0xdf: {  	v46 =	vld [tilespmem:s16+$0x20];
	[tilespmem:s5+$0xFFFFFFD0] =	vst v26  }
0xe0: {  	v21 =	vadd.f32 v32, v21;
	v61 =	vmul.f32 v35, v14;
	v49 =	vld [tilespmem:s14+$0x20];
	[tilespmem:s5+$0x10] =	vst v24  }
0xe1: {  	v35 =	vmul.f32 v45, v15;
	v28 =	vmul.f32 v28, v14;
	[tilespmem:v34+s22+$0x0] =	vst.idx.add.s32.msk $0xffff, v8  }
0xe2: {  	v20 =	vmul.f32 v20, v14;
	v22 =	vmul.f32 v22, v15;
	v50 =	vshrl.u32 v21, $0x14;
	[tilespmem:v48+s22+$0x0] =	vst.idx.add.s32.msk $0xffff, v8  }
0xe3: {  	v51 =	vmin.u32 v50, $0x3FF;
	v55 =	vadd.f32 v35, v28;
	v52 =	vld [tilespmem:s4+$0xFFFFFFE0]  }
0xe4: {  	v20 =	vadd.f32 v22, v20;
	v29 =	vmul.f32 v29, v14;
	v54 =	vld [tilespmem:s3+$0xFFFFFFE0]  }
0xe5: {  	v31 =	vmul.f32 v31, v15;
	vm0 =	vgt.s32 v19, v21;
	v59 =	vshrl.u32 v55, $0x14;
	v57 =	vld [tilespmem:s4+$0x20]  }
0xe6: {  	v53 =	vshrl.u32 v20, $0x14;
	v62 =	vmul.f32 v36, v15;
	v22 =	vmin.u32 v59, $0x3FF;
	v58 =	vld [tilespmem:s3+$0x20]  }
0xe7: {  	[tilespmem:s31+$0xFFFFFFE0] =	vst v21;
	v56 =	vmul.f32 v49, v15;
	v27 =	vmul.f32 v46, v14;
	v34 =	vmin.u32 v53, $0x3FF  }
0xe8: {  	vm15 =	vgt.s32 v18, v23;
	v29 =	vadd.f32 v31, v29;
	[tilespmem:v51+s22+$0x0] =	vst.idx.add.s32.msk $0xffff, v8  }
0xe9: {  	[tilespmem:s31+$0x20] =	vst v20;
	v19 =	vsel vm0, v19, v21;
	v30 =	vadd.f32 v62, v61;
	v60 =	vld [tilespmem:s2+$0xFFFFFFF0];
	v27 =	vadd.f32 v56, v27  }
0xea: {  	vm1 =	vgt.s32 v17, v29;
	v61 =	vld [tilespmem:s0+$0xFFFFFFF0];
	[tilespmem:s17+$0xFFFFFFE0] =	vst v55;
	v36 =	vmul.f32 v54, v15;
	v33 =	vmul.f32 v52, v14  }
0xeb: {  	v62 =	vshrl.u32 v27, $0x14;
	[tilespmem:v22+s22+$0x0] =	vst.idx.add.s32.msk $0xffff, v8;
	v35 =	vmul.f32 v58, v15;
	v32 =	vmul.f32 v57, v14  }
0xec: {  	v42 =	vshrl.u32 v30, $0x14;
	[tilespmem:v34+s22+$0x0] =	vst.idx.add.s32.msk $0xffff, v8;
	v34 =	vmin.u32 v62, $0x3FF;
	v33 =	vadd.f32 v36, v33  }
0xed: {  	v17 =	vsel vm1, v17, v29;
	v25 =	vmin.u32 v42, $0x3FF;
	v42 =	vld [tilespmem:s16+$0xFFFFFFF0];
	v32 =	vadd.f32 v35, v32  }
0xee: {  	v18 =	vsel vm15, v18, v23;
	vm1 =	vgt.s32 v17, v30;
	v43 =	vld [tilespmem:s14+$0xFFFFFFF0];
	v41 =	vshrl.u32 v33, $0x14  }
0xef: {  	[tilespmem:s30+$0x30] =	vst v30;
	vm5 =	vgt.s32 v18, v26;
	v63 =	vld [tilespmem:s2+$0x30];
	v44 =	vshrl.u32 v32, $0x14;
	v22 =	vmin.u32 v41, $0x3FF  }
0xf0: {  	v17 =	vsel vm1, v17, v30;
	v18 =	vsel vm5, v18, v26;
	[tilespmem:s17+$0x20] =	vst v27;
	v40 =	vld [tilespmem:s0+$0x30];
	v30 =	vmin.u32 v44, $0x3FF  }
0xf1: {  	vm4 =	vgt.s32 v19, v20;
	vm8 =	vgt.s32 v18, v24;
	[tilespmem:v34+s22+$0x0] =	vst.idx.add.s32.msk $0xffff, v8  }
0xf2: {  	v19 =	vsel vm4, v19, v20;
	v18 =	vsel vm8, v18, v24;
	[tilespmem:s5+$0xFFFFFFE0] =	vst v33;
	v46 =	vld [tilespmem:s16+$0x30]  }
0xf3: {  	vm6 =	vgt.s32 v19, v55;
	vm15 =	vgt.s32 v16, v18;
	[tilespmem:s5+$0x20] =	vst v32;
	v48 =	vld [tilespmem:s14+$0x30]  }
0xf4: {  	v47 =	vshrl.u32 v29, $0x14;
	v28 =	vmul.f32 v60, v14;
	v31 =	vmul.f32 v61, v15;
	[tilespmem:v22+s22+$0x0] =	vst.idx.add.s32.msk $0xffff, v8  }
0xf5: {  	v20 =	vmin.u32 v47, $0x3FF;
	v52 =	vmul.f32 v42, v14;
	v23 =	vmul.f32 v43, v15;
	[tilespmem:v30+s22+$0x0] =	vst.idx.add.s32.msk $0xffff, v8  }
0xf6: {  	v28 =	vadd.f32 v31, v28;
	v45 =	vmul.f32 v63, v14;
	v21 =	vmul.f32 v40, v15;
	v50 =	vld [tilespmem:s4+$0xFFFFFFF0]  }
0xf7: {  	v19 =	vsel vm6, v19, v55;
	v16 =	vsel vm15, v16, v18;
	v56 =	vadd.f32 v23, v52;
	v30 =	vld [tilespmem:s4+$0x30]  }
0xf8: {  	v49 =	vshrl.u32 v28, $0x14;
	vm7 =	vgt.s32 v17, v28;
	v21 =	vadd.f32 v21, v45;
	v53 =	vld [tilespmem:s3+$0x30]  }
0xf9: {  	vm9 =	vgt.s32 v19, v27;
	v17 =	vsel vm7, v17, v28;
	v24 =	vshrl.u32 v56, $0x14;
	v55 =	vld [tilespmem:s3+$0xFFFFFFF0]  }
0xfa: {  	[tilespmem:s30+$0xFFFFFFF0] =	vst v29;
	v51 =	vshrl.u32 v21, $0x14;
	v54 =	vmul.f32 v46, v14;
	v31 =	vmul.f32 v48, v15  }
0xfb: {  	[tilespmem:v25+s22+$0x0] =	vst.idx.add.s32.msk $0xffff, v8;
	vm0 =	vgt.s32 v17, v21;
	v61 =	vmin.u32 v24, $0x3FF;
	v25 =	vmin.u32 v51, $0x3FF  }
0xfc: {  	[tilespmem:v20+s22+$0x0] =	vst.idx.add.s32.msk $0xffff, v8;
	v22 =	vmin.u32 v49, $0x3FF;
	v17 =	vsel vm0, v17, v21;
	v57 =	vadd.f32 v31, v54  }
0xfd: {  	[tilespmem:s31+$0xFFFFFFF0] =	vst v28;
	vm11 =	vgt.s32 v17, v56;
	v59 =	vmul.f32 v30, v14;
	v60 =	vmul.f32 v53, v15  }
0xfe: {  	[tilespmem:s17+$0xFFFFFFF0] =	vst v56;
	v58 =	vshrl.u32 v57, $0x14;
	v14 =	vmul.f32 v50, v14;
	v15 =	vmul.f32 v55, v15  }
0xff: {  	[tilespmem:s31+$0x30] =	vst v21;
	v17 =	vsel vm11, v17, v56;
	v21 =	vmin.u32 v58, $0x3FF;
	v62 =	vadd.f32 v60, v59  }
0x100: {  	v19 =	vsel vm9, v19, v27;
	vm12 =	vgt.s32 v17, v57;
	[tilespmem:s17+$0x30] =	vst v57;
	v14 =	vadd.f32 v15, v14  }
0x101: {  	vm10 =	vgt.s32 v19, v33;
	[tilespmem:v61+s22+$0x0] =	vst.idx.add.s32.msk $0xffff, v8;
	v15 =	vsel vm12, v17, v57;
	v17 =	vshrl.u32 v62, $0x14  }
0x102: {  	v19 =	vsel vm10, v19, v33;
	[tilespmem:v25+s22+$0x0] =	vst.idx.add.s32.msk $0xffff, v8;
	v63 =	vshrl.u32 v14, $0x14;
	v17 =	vmin.u32 v17, $0x3FF  }
0x103: {  	vm13 =	vgt.s32 v19, v32;
	[tilespmem:v22+s22+$0x0] =	vst.idx.add.s32.msk $0xffff, v8;
	vm14 =	vgt.s32 v15, v14;
	v20 =	vmin.u32 v63, $0x3FF  }
0x104: {  	v19 =	vsel vm13, v19, v32;
	[tilespmem:v21+s22+$0x0] =	vst.idx.add.s32.msk $0xffff, v8;
	v15 =	vsel vm14, v15, v14  }
0x105: {  	vm1 =	vgt.s32 v16, v19;
	[tilespmem:s5+$0xFFFFFFF0] =	vst v14;
	vm0 =	vgt.s32 v15, v62  }
0x106: {  	[tilespmem:s5+$0x30] =	vst v62;
	v14 =	vsel vm0, v15, v62;
	v15 =	vsel vm1, v16, v19  }
0x107: {  	vm0 =	vgt.s32 v15, v14;
	[tilespmem:v17+s22+$0x0] =	vst.idx.add.s32.msk $0xffff, v8  }
0x108: {  	s31 =	simm.s32 $0xA010;
	v14 =	vsel vm0, v15, v14;
	[tilespmem:v20+s22+$0x0] =	vst.idx.add.s32.msk $0xffff, v8  }
0x109: {  	v15 =	vperm.xlane v14, v0;
	v16 =	vld [tilespmem:s31+$0xFFFFFFF0]  }
0x10a: {  	v17 =	vld [tilespmem:s31+$0x0]  }
0x10b: {  	vm0 =	vgt.s32 v14, v15  }
0x10c: {  	v14 =	vsel vm0, v14, v15  }
0x10d: {  	v15 =	vperm.xlane v14, v2  }
0x10e: {  	s0 =	simm.s32 $0xA030;
	(xrf0) =	vadd.scan.msk.s32 $0xffff, v16  }
0x10f: {  	vm0 =	vgt.s32 v14, v15;
	v16 =	vld [tilespmem:s0+$0xFFFFFFF0];
	(xrf0) =	vadd.scan.msk.s32 $0xffff, v17  }
0x110: {  	v14 =	vsel vm0, v14, v15;
	v17 =	vld [tilespmem:s0+$0x0]  }
0x111: {  	v15 =	vperm.xlane v14, v3;
	_ =	sdelay $0x1  }
0x112: {  	[tilespmem:s31+$0xFFFFFFF0] =	vst v7;
	vm0 =	vgt.s32 v14, v15  }
0x113: {  	s2 =	simm.s32 $0xA050;
	s3 =	simm.s32 $0xA410;
	[tilespmem:s31+$0x0] =	vst v7;
	v14 =	vsel vm0, v14, v15;
	(xrf0) =	vadd.scan.msk.s32 $0xffff, v16;
	v18, _, _ =	vpop (xrf0)  }
0x114: {  	s4 =	simm.s32 $0x4;
	v16 =	vld [tilespmem:s2+$0xFFFFFFF0];
	v15 =	vperm.xlane v14, v6;
	(xrf0) =	vadd.scan.msk.s32 $0xffff, v17;
	[tilespmem:s3+$0xFFFFFFF0] =	vst v18;
	v17, _, _ =	vpop (xrf0)  }
.LBB2_8:
0x115: {  	s4 =	sadd.s32 $0x2, s4  }
0x116: {  	v18 =	vld [tilespmem:s2+$0x0];
	[tilespmem:s3+$0x0] =	vst v17;
	s3 =	sadd.s32 $0x20, s3;
	p0 =	slt.u32 s4, $0x3E  }
.Ltmp3:
0x117: {  	(pc) =	sbr.rel @p0 .LBB2_8-.Ltmp3, $4  }
0x118: {  	_ = 	snop  }
0x119: {  	[tilespmem:s0+$0xFFFFFFF0] =	vst v7  }
0x11a: {  	(xrf0) =	vadd.scan.msk.s32 $0xffff, v16;
	[tilespmem:s0+$0x0] =	vst v7;
	v17, _, _ =	vpop (xrf0);
	s0 =	smov.u32 s2;
	s2 =	sadd.s32 $0x20, s2  }
0x11b: {  	v16 =	vld [tilespmem:s2+$0xFFFFFFF0];
	(xrf0) =	vadd.scan.msk.s32 $0xffff, v18;
	[tilespmem:s3+$0xFFFFFFF0] =	vst v17;
	v17, _, _ =	vpop (xrf0)  }
0x11c: {  	v18 =	vld [tilespmem:s2+$0x0];
	_ =	sdelay $0x3  }
0x11d: {  	[tilespmem:s3+$0x0] =	vst v17;
	(xrf0) =	vadd.scan.msk.s32 $0xffff, v16  }
0x11e: {  	[tilespmem:s0+$0xFFFFFFF0] =	vst v7;
	(xrf0) =	vadd.scan.msk.s32 $0xffff, v18  }
0x11f: {  	[tilespmem:s0+$0x0] =	vst v7  }
0x120: {  	[tilespmem:s2+$0xFFFFFFF0] =	vst v7  }
0x121: {  	s17 =	sadd.s32 $0x20, s3;
	[tilespmem:s2+$0x0] =	vst v7;
	v16, _, _ =	vpop (xrf0)  }
0x122: {  	[tilespmem:s17+$0xFFFFFFF0] =	vst v16;
	v16, _, _ =	vpop (xrf0)  }
0x123: {  	s18 =	sadd.s32 $0x20, s17;
	[tilespmem:s17+$0x0] =	vst v16;
	v16, _, _ =	vpop (xrf0)  }
0x124: {  	[tilespmem:s18+$0xFFFFFFF0] =	vst v16;
	v16, _, _ =	vpop (xrf0)  }
0x125: {  	[tilespmem:s18+$0x0] =	vst v16  }
0x126: {  	v16 =	vld.idx.msk [tilespmem:v9+s23+$0x0], $0xffff;
	_ =	sdelay $0x2  }
0x127: {  	v17 =	vld.idx.msk [tilespmem:v11+s23+$0x0], $0xffff;
	_ =	sdelay $0x1  }
0x128: {  	(xrf0) =	vadd.scan.msk.s32 $0xffff, v16;
	_ =	sdelay $0x1  }
0x129: {  	v18 =	vld.idx.msk [tilespmem:v12+s23+$0x0], $0xffff  }
0x12a: {  	(xrf0) =	vadd.scan.msk.s32 $0xffff, v17;
	_ =	sdelay $0x2  }
0x12b: {  	v20 =	vld.idx.msk [tilespmem:v13+s23+$0x0], $0xffff;
	v19, _, _ =	vpop (xrf0)  }
0x12c: {  	(xrf0) =	vadd.scan.msk.s32 $0xffff, v18;
	vm0 =	vgt.s32 v19, $0x1000  }
0x12d: {  	v22 =	vperm.xlane v19, v10;
	v21 =	vmctz.xlane vm0  }
0x12e: {  	v23, _, _ =	vpop (xrf0)  }
0x12f: {  	v24 =	vmpcnt.ones.xlane vm0;
	v22 =	vadd.s32 v22, v23;
	vm0 =	vlt.s32 v21, $0xF  }
0x130: {  	(xrf0) =	vadd.scan.msk.s32 $0xffff, v20;
	v23 =	vnsel vm0, $0xF, v21;
	vm0 =	vgt.s32 v22, $0x1000  }
0x131: {  	vm1 =	vgt.s32 v24, $0x0;
	v25 =	vperm.xlane v22, v10;
	v24 =	vmctz.xlane vm0  }
0x132: {  	v27, _, _ =	vpop (xrf0);
	v28 =	vmpcnt.ones.xlane vm0  }
0x133: {  	v26 =	vnsel vm1, $0xFFFFFFFF, v23;
	v25 =	vadd.s32 v25, v27;
	vm0 =	vlt.s32 v24, $0xF  }
0x134: {  	vm2 =	vgt.s32 v25, $0x1000;
	vm3 =	vgt.s32 v28, $0x0;
	v29 =	vperm.xlane v25, v10  }
0x135: {  	v27 =	vnsel vm0, $0xF, v24;
	vm0 =	vlt.s32 v26, $0x0;
	v57 =	vmctz.xlane vm2  }
0x136: {  	v31, _, _ =	vpop (xrf0);
	v32 =	vmpcnt.ones.xlane vm2;
	vm0 =	vmand vm0, vm3  }
0x137: {  	v30 =	vadd.s32 $0x10, v27;
	v29 =	vadd.s32 v29, v31;
	vm2 =	vlt.s32 v57, $0xF  }
0x138: {  	v26 =	vsel vm0, v30, v26;
	vm3 =	vgt.s32 v29, $0x1000;
	vm4 =	vgt.s32 v32, $0x0  }
0x139: {  	v58 =	vnsel vm2, $0xF, v57;
	vm2 =	vlt.s32 v26, $0x0;
	v59 =	vmctz.xlane vm3  }
0x13a: {  	v34 =	vmpcnt.ones.xlane vm3;
	vm2 =	vmand vm2, vm4;
	v33 =	vadd.s32 $0x20, v58  }
0x13b: {  	v26 =	vsel vm2, v33, v26;
	vm3 =	vlt.s32 v59, $0xF  }
0x13c: {  	vm13 =	vgt.s32 v34, $0x0;
	v60 =	vnsel vm3, $0xF, v59;
	vm3 =	vlt.s32 v26, $0x0  }
0x13d: {  	vm3 =	vmand vm3, vm13;
	v61 =	vadd.s32 $0x30, v60  }
0x13e: {  	v26 =	vsel vm3, v61, v26  }
0x13f: {  	v34 =	vxor.u32 $0x80000000, v26  }
0x140: {  	(xrf0) =	vmax.scan.msk.u32 $0xffff, v34;
	_ =	sdelay $0x5  }
0x141: {  	v34, _, _ =	vpop (xrf0)  }
0x142: {  	(v2sf) =	vpush v34, $0xF;
	_ =	sdelay $0x8  }
0x143: {  	v21 =	vshrl.u32 v21, $0x1B  }
0x144: {  	v21 =	vand.u32 $0x10, v21  }
0x145: {  	v21 =	vadd.s32 v23, v21  }
0x146: {  	v19 =	vperm.xlane v19, v21;
	v16 =	vperm.xlane v16, v21;
	_ =	sdelay $0x1  }
0x147: {  	vm14 =	vlt.s32 v24, $0x0;
	v16 =	vsub.s32 v19, v16  }
0x148: {  	v19 =	vsel vm14, v30, v27;
	v16 =	vnsel vm1, $0x0, v16;
	v21 =	vshrl.u32 v57, $0x1B;
	s30 =	spop (v2sf)  }
0x149: {  	v22 =	vperm.xlane v22, v19;
	v21 =	vand.u32 $0x10, v21;
	v23 =	vshrl.u32 v59, $0x1B;
	s0 =	sshll.u32 s30, $0x6  }
0x14a: {  	v17 =	vperm.xlane v17, v19;
	v19 =	vadd.s32 v58, v21;
	v21 =	vand.u32 $0x10, v23;
	s0 =	sshra.s32 s0, $0x2  }
0x14b: {  	v18 =	vperm.xlane v18, v19;
	v23 =	vperm.xlane v25, v19;
	v21 =	vadd.s32 v60, v21;
	v19 =	vld [tilespmem:s0+$0xA400]  }
0x14c: {  	v17 =	vsub.s32 v22, v17;
	v22 =	vperm.xlane v29, v21;
	v20 =	vperm.xlane v20, v21  }
0x14d: {  	v16 =	vsel vm0, v17, v16;
	v17 =	vsub.s32 v23, v18  }
0x14e: {  	v16 =	vsel vm2, v17, v16;
	v17 =	vsub.s32 v22, v20  }
0x14f: {  	v17 =	vsel vm3, v17, v16  }
0x150: {  	s31 =	simm.s32 $0x8040;
	v16 =	vadd.s32 v19, v17  }
0x151: {  	v20 =	vld [tilespmem:s31+$0x0];
	vm0 =	vgt.s32 v16, $0x1000  }
0x152: {  	v18 =	vmctz.xlane vm0;
	_ =	sdelay $0x1  }
0x153: {  	vm0 =	vlt.s32 v18, $0xF  }
0x154: {  	v16 =	vshll.u32 v26, $0x4;
	v21 =	vnsel vm0, $0xF, v18  }
0x155: {  	v22 =	vshrl.u32 v20, $0x14;
	v16 =	vadd.s32 v16, v21  }
0x156: {  	v20 =	vshrl.u32 v20, $0xA;
	vm0 =	veq.s32 v22, v16  }
0x157: {  	v20 =	vand.u32 $0x3FF, v20;
	_ =	sdelay $0x1  }
0x158: {  	v22 =	vld [tilespmem:s31+$0xFFFFFFC0];
	_ =	sdelay $0x2  }
0x159: {  	[tilespmem:v20+s22+$0x0] =	vst.idx.add.s32.msk vm0, v8  }
0x15a: {  	v20 =	vld [tilespmem:s31+$0x10]  }
0x15b: {  	v23 =	vshrl.u32 v22, $0x14  }
0x15c: {  	s0 =	simm.s32 $0x80C0;
	v22 =	vshrl.u32 v22, $0xA;
	vm0 =	veq.s32 v23, v16  }
0x15d: {  	v23 =	vld [tilespmem:s0+$0x0];
	v22 =	vand.u32 $0x3FF, v22;
	_ =	sdelay $0x1  }
0x15e: {  	v24 =	vshrl.u32 v20, $0x14  }
0x15f: {  	v20 =	vshrl.u32 v20, $0xA;
	vm1 =	veq.s32 v24, v16  }
0x160: {  	v20 =	vand.u32 $0x3FF, v20  }
0x161: {  	[tilespmem:v22+s22+$0x0] =	vst.idx.add.s32.msk vm0, v8;
	v24 =	vshrl.u32 v23, $0x14  }
0x162: {  	v22 =	vshrl.u32 v23, $0xA;
	v23 =	vld [tilespmem:s31+$0xFFFFFFD0];
	vm0 =	veq.s32 v24, v16  }
0x163: {  	v22 =	vand.u32 $0x3FF, v22;
	v24 =	vld [tilespmem:s0+$0xFFFFFFC0];
	_ =	sdelay $0x1  }
0x164: {  	[tilespmem:v20+s22+$0x0] =	vst.idx.add.s32.msk vm1, v8  }
0x165: {  	v20 =	vld [tilespmem:s31+$0x20]  }
0x166: {  	v25 =	vshrl.u32 v23, $0x14  }
0x167: {  	[tilespmem:v22+s22+$0x0] =	vst.idx.add.s32.msk vm0, v8;
	v22 =	vshrl.u32 v23, $0xA;
	vm0 =	veq.s32 v25, v16;
	v23 =	vshrl.u32 v24, $0x14  }
0x168: {  	v24 =	vshrl.u32 v24, $0xA;
	v25 =	vld [tilespmem:s0+$0x10];
	v22 =	vand.u32 $0x3FF, v22;
	vm1 =	veq.s32 v23, v16  }
0x169: {  	s2 =	simm.s32 $0x8140;
	v23 =	vand.u32 $0x3FF, v24  }
0x16a: {  	v26 =	vld [tilespmem:s2+$0x0];
	v24 =	vshrl.u32 v20, $0x14  }
0x16b: {  	v20 =	vshrl.u32 v20, $0xA;
	vm2 =	veq.s32 v24, v16  }
0x16c: {  	v20 =	vand.u32 $0x3FF, v20;
	v24 =	vld [tilespmem:s2+$0xFFFFFFC0]  }
0x16d: {  	v27 =	vshrl.u32 v25, $0x14;
	[tilespmem:v22+s22+$0x0] =	vst.idx.add.s32.msk vm0, v8  }
0x16e: {  	v22 =	vshrl.u32 v25, $0xA;
	vm0 =	veq.s32 v27, v16;
	[tilespmem:v23+s22+$0x0] =	vst.idx.add.s32.msk vm1, v8  }
0x16f: {  	v22 =	vand.u32 $0x3FF, v22;
	v23 =	vshrl.u32 v26, $0x14;
	v25 =	vld [tilespmem:s0+$0xFFFFFFD0]  }
0x170: {  	v26 =	vshrl.u32 v26, $0xA;
	vm1 =	veq.s32 v23, v16  }
0x171: {  	[tilespmem:v20+s22+$0x0] =	vst.idx.add.s32.msk vm2, v8;
	v20 =	vand.u32 $0x3FF, v26  }
0x172: {  	v23 =	vshrl.u32 v24, $0x14;
	v26 =	vld [tilespmem:s31+$0x30]  }
0x173: {  	v27 =	vld [tilespmem:s31+$0xFFFFFFE0];
	v24 =	vshrl.u32 v24, $0xA;
	vm2 =	veq.s32 v23, v16  }
0x174: {  	v23 =	vand.u32 $0x3FF, v24;
	[tilespmem:v22+s22+$0x0] =	vst.idx.add.s32.msk vm0, v8;
	v22 =	vshrl.u32 v25, $0x14  }
0x175: {  	v25 =	vshrl.u32 v25, $0xA;
	v24 =	vld [tilespmem:s0+$0x20];
	vm0 =	veq.s32 v22, v16  }
0x176: {  	[tilespmem:v20+s22+$0x0] =	vst.idx.add.s32.msk vm1, v8;
	v20 =	vand.u32 $0x3FF, v25  }
0x177: {  	s4 =	simm.s32 $0x81C0;
	v22 =	vshrl.u32 v26, $0x14;
	v25 =	vld [tilespmem:s2+$0x10]  }
0x178: {  	v62 =	vld [tilespmem:s4+$0x0];
	v26 =	vshrl.u32 v26, $0xA;
	vm1 =	veq.s32 v22, v16;
	v22 =	vshrl.u32 v27, $0x14  }
0x179: {  	[tilespmem:v23+s22+$0x0] =	vst.idx.add.s32.msk vm2, v8;
	v23 =	vand.u32 $0x3FF, v26;
	v26 =	vshrl.u32 v27, $0xA;
	vm2 =	veq.s32 v22, v16  }
0x17a: {  	v27 =	vshrl.u32 v24, $0x14;
	v22 =	vld [tilespmem:s2+$0xFFFFFFD0];
	v26 =	vand.u32 $0x3FF, v26  }
0x17b: {  	[tilespmem:v20+s22+$0x0] =	vst.idx.add.s32.msk vm0, v8;
	v20 =	vshrl.u32 v24, $0xA;
	vm0 =	veq.s32 v27, v16  }
0x17c: {  	v27 =	vld [tilespmem:s4+$0xFFFFFFC0];
	v24 =	vshrl.u32 v25, $0x14;
	v20 =	vand.u32 $0x3FF, v20  }
0x17d: {  	vm3 =	veq.s32 v24, v16;
	v24 =	vld [tilespmem:s0+$0xFFFFFFE0]  }
0x17e: {  	v25 =	vshrl.u32 v25, $0xA;
	[tilespmem:v23+s22+$0x0] =	vst.idx.add.s32.msk vm1, v8  }
0x17f: {  	v23 =	vand.u32 $0x3FF, v25;
	v25 =	vshrl.u32 v22, $0x14;
	[tilespmem:v26+s22+$0x0] =	vst.idx.add.s32.msk vm2, v8  }
0x180: {  	v22 =	vshrl.u32 v22, $0xA;
	v26 =	vshrl.u32 v62, $0x14;
	vm1 =	veq.s32 v25, v16;
	v25 =	vld [tilespmem:s31+$0xFFFFFFF0]  }
0x181: {  	v28 =	vshrl.u32 v62, $0xA;
	v22 =	vand.u32 $0x3FF, v22;
	vm2 =	veq.s32 v26, v16;
	[tilespmem:v20+s22+$0x0] =	vst.idx.add.s32.msk vm0, v8  }
0x182: {  	v21 =	vadd.s32 $0xFFFFFFFF, v21;
	v26 =	vand.u32 $0x3FF, v28;
	v20 =	vshrl.u32 v27, $0x14;
	v63 =	vld [tilespmem:s0+$0x30]  }
0x183: {  	v27 =	vshrl.u32 v27, $0xA;
	vm0 =	vgt.s32 v21, $0x0;
	vm15 =	veq.s32 v20, v16  }
0x184: {  	v27 =	vand.u32 $0x3FF, v27;
	v20 =	vnsel vm0, $0x0, v21;
	[tilespmem:v23+s22+$0x0] =	vst.idx.add.s32.msk vm3, v8  }
0x185: {  	v19 =	vperm.xlane v19, v20;
	v20 =	vshrl.u32 v24, $0x14;
	v23 =	vld [tilespmem:s2+$0x20]  }
0x186: {  	[tilespmem:v22+s22+$0x0] =	vst.idx.add.s32.msk vm1, v8;
	vm1 =	veq.s32 v20, v16;
	v20 =	vshrl.u32 v25, $0x14;
	v22 =	vshrl.u32 v25, $0xA  }
0x187: {  	[tilespmem:v26+s22+$0x0] =	vst.idx.add.s32.msk vm2, v8;
	vm0 =	veq.s32 v20, v16;
	v20 =	vand.u32 $0x3FF, v22;
	v22 =	vshrl.u32 v63, $0x14  }
0x188: {  	v21 =	vshrl.u32 v24, $0xA;
	v24 =	vld [tilespmem:s4+$0x10];
	v25 =	vshrl.u32 v63, $0xA;
	vm2 =	veq.s32 v22, v16  }
0x189: {  	[tilespmem:v27+s22+$0x0] =	vst.idx.add.s32.msk vm15, v8;
	v22 =	vand.u32 $0x3FF, v25  }
0x18a: {  	s3 =	simm.s32 $0x4;
	s5 =	simm.s32 $0x6;
	s6 =	simm.s32 $0x8240;
	v21 =	vand.u32 $0x3FF, v21;
	v25 =	vld [tilespmem:s4+$0xFFFFFFD0];
	v26 =	vshrl.u32 v23, $0x14  }
.LBB2_10:
0x18b: {  	v27 =	vld [tilespmem:s6+$0x0];
	s5 =	sadd.s32 $0x2, s5;
	v23 =	vshrl.u32 v23, $0xA;
	vm3 =	veq.s32 v26, v16  }
0x18c: {  	v26 =	vld [tilespmem:s6+$0xFFFFFFC0];
	p0 =	slt.u32 s5, $0x7E;
	v23 =	vand.u32 $0x3FF, v23  }
0x18d: {  	v28 =	vshrl.u32 v24, $0x14;
	v29 =	vld [tilespmem:s2+$0xFFFFFFE0]  }
0x18e: {  	v24 =	vshrl.u32 v24, $0xA;
	vm4 =	veq.s32 v28, v16;
	[tilespmem:v22+s22+$0x0] =	vst.idx.add.s32.msk vm2, v8  }
0x18f: {  	v24 =	vand.u32 $0x3FF, v24;
	v22 =	vshrl.u32 v25, $0x14;
	v25 =	vshrl.u32 v25, $0xA;
	[tilespmem:v21+s22+$0x0] =	vst.idx.add.s32.msk vm1, v8  }
0x190: {  	v21 =	vshrl.u32 v27, $0x14;
	vm2 =	veq.s32 v22, v16;
	v22 =	vand.u32 $0x3FF, v25;
	v25 =	vld [tilespmem:s0+$0xFFFFFFF0];
	s0 =	smov.u32 s2;
	s2 =	smov.u32 s4;
	s4 =	smov.u32 s6  }
0x191: {  	v27 =	vshrl.u32 v27, $0xA;
	v28 =	vshrl.u32 v26, $0x14;
	vm5 =	veq.s32 v21, v16;
	[tilespmem:v23+s22+$0x0] =	vst.idx.add.s32.msk vm3, v8  }
0x192: {  	v21 =	vshrl.u32 v26, $0xA;
	v26 =	vand.u32 $0x3FF, v27;
	vm3 =	veq.s32 v28, v16;
	v27 =	vld [tilespmem:s0+$0x30]  }
0x193: {  	v28 =	vand.u32 $0x3FF, v21;
	v21 =	vshrl.u32 v29, $0x14;
	v23 =	vshrl.u32 v29, $0xA;
	[tilespmem:v20+s22+$0x0] =	vst.idx.add.s32.msk vm0, v8  }
0x194: {  	vm1 =	veq.s32 v21, v16;
	v21 =	vand.u32 $0x3FF, v23;
	[tilespmem:v24+s22+$0x0] =	vst.idx.add.s32.msk vm4, v8  }
0x195: {  	v23 =	vld [tilespmem:s2+$0x20];
	v20 =	vshrl.u32 v25, $0x14;
	v24 =	vshrl.u32 v25, $0xA  }
.Ltmp4:
0x196: {  	[tilespmem:v22+s22+$0x0] =	vst.idx.add.s32.msk vm2, v8;
	vm0 =	veq.s32 v20, v16;
	v20 =	vand.u32 $0x3FF, v24;
	(pc) =	sbr.rel @p0 .LBB2_10-.Ltmp4, $4  }
0x197: {  	[tilespmem:v26+s22+$0x0] =	vst.idx.add.s32.msk vm5, v8;
	v22 =	vshrl.u32 v27, $0x14  }
0x198: {  	v25 =	vshrl.u32 v27, $0xA;
	v24 =	vld [tilespmem:s6+$0x10];
	vm2 =	veq.s32 v22, v16  }
0x199: {  	v22 =	vand.u32 $0x3FF, v25;
	[tilespmem:v28+s22+$0x0] =	vst.idx.add.s32.msk vm3, v8  }
0x19a: {  	s6 =	sadd.s32 $0x80, s6;
	v25 =	vld [tilespmem:s4+$0xFFFFFFD0];
	v26 =	vshrl.u32 v23, $0x14  }
0x19b: {  	_ =	sdelay $0x1  }
0x19c: {  	v27 =	vshrl.u32 v24, $0x14  }
0x19d: {  	v52 =	vshrl.u32 v24, $0xA;
	vm3 =	veq.s32 v27, v16  }
0x19e: {  	v24 =	vand.u32 $0x3FF, v52;
	v53 =	vshrl.u32 v25, $0x14  }
0x19f: {  	v54 =	vshrl.u32 v25, $0xA;
	vm4 =	veq.s32 v53, v16  }
0x1a0: {  	v25 =	vand.u32 $0x3FF, v54;
	_ =	sdelay $0x1  }
0x1a1: {  	v55 =	vld [tilespmem:s2+$0xFFFFFFE0]  }
0x1a2: {  	[tilespmem:v24+s22+$0x0] =	vst.idx.add.s32.msk vm3, v8  }
0x1a3: {  	v24 =	vld [tilespmem:s4+$0x20]  }
0x1a4: {  	[tilespmem:v25+s22+$0x0] =	vst.idx.add.s32.msk vm4, v8  }
0x1a5: {  	v23 =	vshrl.u32 v23, $0xA;
	vm8 =	veq.s32 v26, v16;
	v25 =	vld [tilespmem:s4+$0xFFFFFFE0]  }
0x1a6: {  	v23 =	vand.u32 $0x3FF, v23;
	v56 =	vshrl.u32 v55, $0x14  }
0x1a7: {  	v27 =	vshrl.u32 v55, $0xA;
	vm9 =	veq.s32 v56, v16  }
0x1a8: {  	v27 =	vand.u32 $0x3FF, v27;
	v57 =	vshrl.u32 v24, $0x14  }
0x1a9: {  	[tilespmem:v21+s22+$0x0] =	vst.idx.add.s32.msk vm1, v8;
	v24 =	vshrl.u32 v24, $0xA;
	vm5 =	veq.s32 v57, v16  }
0x1aa: {  	v58 =	vld [tilespmem:s0+$0xFFFFFFF0];
	v21 =	vand.u32 $0x3FF, v24;
	v59 =	vshrl.u32 v25, $0x14  }
0x1ab: {  	[tilespmem:v23+s22+$0x0] =	vst.idx.add.s32.msk vm8, v8;
	v23 =	vshrl.u32 v25, $0xA;
	vm10 =	veq.s32 v59, v16  }
0x1ac: {  	v60 =	vld [tilespmem:s2+$0x30];
	v23 =	vand.u32 $0x3FF, v23  }
0x1ad: {  	[tilespmem:v27+s22+$0x0] =	vst.idx.add.s32.msk vm9, v8  }
0x1ae: {  	v61 =	vld [tilespmem:s2+$0xFFFFFFF0]  }
0x1af: {  	[tilespmem:v21+s22+$0x0] =	vst.idx.add.s32.msk vm5, v8  }
0x1b0: {  	v21 =	vld [tilespmem:s4+$0x30]  }
0x1b1: {  	[tilespmem:v23+s22+$0x0] =	vst.idx.add.s32.msk vm10, v8  }
0x1b2: {  	v24 =	vshrl.u32 v58, $0xA;
	v62 =	vld [tilespmem:s4+$0xFFFFFFF0]  }
0x1b3: {  	v25 =	vshrl.u32 v60, $0xA;
	v24 =	vand.u32 $0x3FF, v24;
	v23 =	vshrl.u32 v58, $0x14  }
0x1b4: {  	v25 =	vand.u32 $0x3FF, v25;
	vm11 =	veq.s32 v23, v16;
	v23 =	vshrl.u32 v60, $0x14  }
0x1b5: {  	v26 =	vshrl.u32 v61, $0xA;
	vm12 =	veq.s32 v23, v16;
	v23 =	vshrl.u32 v21, $0x14  }
0x1b6: {  	v21 =	vshrl.u32 v21, $0xA;
	vm13 =	veq.s32 v23, v16;
	v23 =	vshrl.u32 v61, $0x14  }
0x1b7: {  	v21 =	vand.u32 $0x3FF, v21;
	vm14 =	veq.s32 v23, v16;
	v23 =	vshrl.u32 v62, $0x14  }
0x1b8: {  	[tilespmem:v22+s22+$0x0] =	vst.idx.add.s32.msk vm2, v8;
	v22 =	vand.u32 $0x3FF, v26;
	v63 =	vshrl.u32 v62, $0xA;
	vm15 =	veq.s32 v23, v16  }
0x1b9: {  	[tilespmem:v20+s22+$0x0] =	vst.idx.add.s32.msk vm0, v8;
	v20 =	vand.u32 $0x3FF, v63  }
0x1ba: {  	[tilespmem:v24+s22+$0x0] =	vst.idx.add.s32.msk vm11, v8  }
0x1bb: {  	[tilespmem:v25+s22+$0x0] =	vst.idx.add.s32.msk vm12, v8  }
0x1bc: {  	[tilespmem:v21+s22+$0x0] =	vst.idx.add.s32.msk vm13, v8  }
0x1bd: {  	[tilespmem:v22+s22+$0x0] =	vst.idx.add.s32.msk vm14, v8  }
0x1be: {  	s5 =	simm.s32 $0xA010;
	[tilespmem:v20+s22+$0x0] =	vst.idx.add.s32.msk vm15, v8  }
0x1bf: {  	v20 =	vld [tilespmem:s5+$0xFFFFFFF0]  }
0x1c0: {  	v21 =	vld [tilespmem:s5+$0x0];
	_ =	sdelay $0x3  }
0x1c1: {  	s2 =	simm.s32 $0xA030;
	(xrf0) =	vadd.scan.msk.s32 $0xffff, v20  }
0x1c2: {  	v20 =	vld [tilespmem:s2+$0xFFFFFFF0];
	(xrf0) =	vadd.scan.msk.s32 $0xffff, v21  }
0x1c3: {  	v21 =	vld [tilespmem:s2+$0x0];
	_ =	sdelay $0x2  }
0x1c4: {  	[tilespmem:s5+$0xFFFFFFF0] =	vst v7  }
0x1c5: {  	s0 =	simm.s32 $0xA050;
	s4 =	simm.s32 $0xA410;
	[tilespmem:s5+$0x0] =	vst v7;
	(xrf0) =	vadd.scan.msk.s32 $0xffff, v20;
	v22, _, _ =	vpop (xrf0)  }
0x1c6: {  	v20 =	vld [tilespmem:s0+$0xFFFFFFF0];
	(xrf0) =	vadd.scan.msk.s32 $0xffff, v21;
	[tilespmem:s4+$0xFFFFFFF0] =	vst v22;
	v21, _, _ =	vpop (xrf0)  }
.LBB2_12:
0x1c7: {  	s3 =	sadd.s32 $0x2, s3  }
0x1c8: {  	v22 =	vld [tilespmem:s0+$0x0];
	[tilespmem:s4+$0x0] =	vst v21;
	s4 =	sadd.s32 $0x20, s4;
	p0 =	slt.u32 s3, $0x3E  }
.Ltmp5:
0x1c9: {  	(pc) =	sbr.rel @p0 .LBB2_12-.Ltmp5, $4  }
0x1ca: {  	_ = 	snop  }
0x1cb: {  	[tilespmem:s2+$0xFFFFFFF0] =	vst v7  }
0x1cc: {  	(xrf0) =	vadd.scan.msk.s32 $0xffff, v20;
	[tilespmem:s2+$0x0] =	vst v7;
	v21, _, _ =	vpop (xrf0);
	s2 =	smov.u32 s0;
	s0 =	sadd.s32 $0x20, s0  }
0x1cd: {  	v20 =	vld [tilespmem:s0+$0xFFFFFFF0];
	(xrf0) =	vadd.scan.msk.s32 $0xffff, v22;
	[tilespmem:s4+$0xFFFFFFF0] =	vst v21;
	v21, _, _ =	vpop (xrf0)  }
0x1ce: {  	v22 =	vld [tilespmem:s0+$0x0];
	_ =	sdelay $0x3  }
0x1cf: {  	[tilespmem:s4+$0x0] =	vst v21;
	(xrf0) =	vadd.scan.msk.s32 $0xffff, v20  }
0x1d0: {  	[tilespmem:s2+$0xFFFFFFF0] =	vst v7;
	(xrf0) =	vadd.scan.msk.s32 $0xffff, v22  }
0x1d1: {  	[tilespmem:s2+$0x0] =	vst v7  }
0x1d2: {  	[tilespmem:s0+$0xFFFFFFF0] =	vst v7  }
0x1d3: {  	s3 =	sadd.s32 $0x20, s4;
	[tilespmem:s0+$0x0] =	vst v7;
	v20, _, _ =	vpop (xrf0)  }
0x1d4: {  	[tilespmem:s3+$0xFFFFFFF0] =	vst v20;
	v20, _, _ =	vpop (xrf0)  }
0x1d5: {  	s18 =	sadd.s32 $0x20, s3;
	[tilespmem:s3+$0x0] =	vst v20;
	v20, _, _ =	vpop (xrf0)  }
0x1d6: {  	[tilespmem:s18+$0xFFFFFFF0] =	vst v20;
	v20, _, _ =	vpop (xrf0)  }
0x1d7: {  	[tilespmem:s18+$0x0] =	vst v20  }
0x1d8: {  	v20 =	vld.idx.msk [tilespmem:v9+s23+$0x0], $0xffff;
	_ =	sdelay $0x1  }
0x1d9: {  	v21 =	vld.idx.msk [tilespmem:v11+s23+$0x0], $0xffff;
	_ =	sdelay $0x2  }
0x1da: {  	(xrf0) =	vadd.scan.msk.s32 $0xffff, v20  }
0x1db: {  	v22 =	vld.idx.msk [tilespmem:v12+s23+$0x0], $0xffff  }
0x1dc: {  	vm0 =	vgt.s32 v18, $0x0;
	(xrf0) =	vadd.scan.msk.s32 $0xffff, v21  }
0x1dd: {  	v18 =	vnsel vm0, $0x0, v19;
	_ =	sdelay $0x1  }
0x1de: {  	v17 =	vadd.s32 v18, v17;
	v19 =	vld.idx.msk [tilespmem:v13+s23+$0x0], $0xffff  }
0x1df: {  	v17 =	vsub.s32 $0x1001, v17;
	v18, _, _ =	vpop (xrf0);
	(xrf0) =	vadd.scan.msk.s32 $0xffff, v22  }
0x1e0: {  	vm0 =	vge.s32 v18, v17;
	v24 =	vperm.xlane v18, v10  }
0x1e1: {  	v25, _, _ =	vpop (xrf0);
	v23 =	vmctz.xlane vm0  }
0x1e2: {  	v26 =	vmpcnt.ones.xlane vm0;
	v24 =	vadd.s32 v24, v25  }
0x1e3: {  	(xrf0) =	vadd.scan.msk.s32 $0xffff, v19;
	vm0 =	vlt.s32 v23, $0xF;
	vm1 =	vge.s32 v24, v17;
	v27 =	vperm.xlane v24, v10  }
0x1e4: {  	v25 =	vnsel vm0, $0xF, v23;
	vm0 =	vgt.s32 v26, $0x0;
	v26 =	vmctz.xlane vm1  }
0x1e5: {  	v30 =	vmpcnt.ones.xlane vm1;
	v29, _, _ =	vpop (xrf0)  }
0x1e6: {  	v28 =	vnsel vm0, $0xFFFFFFFF, v25;
	vm1 =	vlt.s32 v26, $0xF;
	v27 =	vadd.s32 v27, v29  }
0x1e7: {  	vm3 =	vgt.s32 v30, $0x0;
	v29 =	vnsel vm1, $0xF, v26;
	vm2 =	vge.s32 v27, v17  }
0x1e8: {  	vm1 =	vlt.s32 v28, $0x0;
	v31 =	vperm.xlane v27, v10;
	v58 =	vmctz.xlane vm2  }
0x1e9: {  	v33, _, _ =	vpop (xrf0);
	vm1 =	vmand vm1, vm3;
	v32 =	vadd.s32 $0x10, v29;
	v34 =	vmpcnt.ones.xlane vm2  }
0x1ea: {  	v31 =	vadd.s32 v31, v33;
	v28 =	vsel vm1, v32, v28  }
0x1eb: {  	vm2 =	vlt.s32 v58, $0xF;
	vm3 =	vge.s32 v31, v17;
	vm4 =	vgt.s32 v34, $0x0  }
0x1ec: {  	v59 =	vnsel vm2, $0xF, v58;
	vm2 =	vlt.s32 v28, $0x0;
	v60 =	vmctz.xlane vm3  }
0x1ed: {  	v36 =	vmpcnt.ones.xlane vm3;
	vm2 =	vmand vm2, vm4;
	v35 =	vadd.s32 $0x20, v59  }
0x1ee: {  	v28 =	vsel vm2, v35, v28;
	vm3 =	vlt.s32 v60, $0xF  }
0x1ef: {  	vm13 =	vgt.s32 v36, $0x0;
	v61 =	vnsel vm3, $0xF, v60;
	vm3 =	vlt.s32 v28, $0x0  }
0x1f0: {  	vm3 =	vmand vm3, vm13;
	v62 =	vadd.s32 $0x30, v61  }
0x1f1: {  	v28 =	vsel vm3, v62, v28  }
0x1f2: {  	v36 =	vxor.u32 $0x80000000, v28  }
0x1f3: {  	(xrf0) =	vmax.scan.msk.u32 $0xffff, v36;
	_ =	sdelay $0x5  }
0x1f4: {  	v36, _, _ =	vpop (xrf0)  }
0x1f5: {  	(v2sf) =	vpush v36, $0xF;
	_ =	sdelay $0x9  }
0x1f6: {  	v23 =	vshrl.u32 v23, $0x1B  }
0x1f7: {  	v23 =	vand.u32 $0x10, v23  }
0x1f8: {  	v23 =	vadd.s32 v25, v23  }
0x1f9: {  	vm14 =	vlt.s32 v26, $0x0;
	v18 =	vperm.xlane v18, v23;
	v20 =	vperm.xlane v20, v23  }
0x1fa: {  	v23 =	vsel vm14, v32, v29  }
0x1fb: {  	v18 =	vsub.s32 v18, v20;
	v20 =	vperm.xlane v24, v23;
	v24 =	vshrl.u32 v58, $0x1B;
	s30 =	spop (v2sf)  }
0x1fc: {  	v21 =	vperm.xlane v21, v23;
	v23 =	vand.u32 $0x10, v24;
	v24 =	vshrl.u32 v60, $0x1B;
	s0 =	sshll.u32 s30, $0x6  }
0x1fd: {  	v18 =	vnsel vm0, $0x0, v18;
	v23 =	vadd.s32 v59, v23;
	v24 =	vand.u32 $0x10, v24;
	s0 =	sshra.s32 s0, $0x2  }
0x1fe: {  	v25 =	vperm.xlane v27, v23;
	v22 =	vperm.xlane v22, v23;
	v23 =	vadd.s32 v61, v24;
	v26 =	vld [tilespmem:s0+$0xA400]  }
0x1ff: {  	v20 =	vsub.s32 v20, v21;
	v21 =	vperm.xlane v31, v23;
	v19 =	vperm.xlane v19, v23  }
0x200: {  	v18 =	vsel vm1, v20, v18;
	v20 =	vsub.s32 v25, v22  }
0x201: {  	v18 =	vsel vm2, v20, v18;
	v19 =	vsub.s32 v21, v19  }
0x202: {  	v18 =	vsel vm3, v19, v18  }
0x203: {  	v19 =	vadd.s32 v26, v18  }
0x204: {  	s31 =	simm.s32 $0x8040;
	vm0 =	vge.s32 v19, v17  }
0x205: {  	v20 =	vld [tilespmem:s31+$0x0];
	v19 =	vmctz.xlane vm0;
	_ =	sdelay $0x1  }
0x206: {  	vm0 =	vlt.s32 v19, $0xF  }
0x207: {  	v22 =	vshll.u32 v28, $0x4;
	v21 =	vnsel vm0, $0xF, v19  }
0x208: {  	v16 =	vshll.u32 v16, $0xA;
	v22 =	vadd.s32 v22, v21  }
0x209: {  	v16 =	vor.u32 v16, v22;
	v22 =	vshrl.u32 v20, $0xA  }
0x20a: {  	vm0 =	veq.s32 v22, v16  }
0x20b: {  	v20 =	vand.u32 $0x3FF, v20;
	_ =	sdelay $0x4  }
0x20c: {  	[tilespmem:v20+s22+$0x0] =	vst.idx.add.s32.msk vm0, v8  }
0x20d: {  	v20 =	vld [tilespmem:s31+$0x10];
	_ =	sdelay $0x1  }
0x20e: {  	v22 =	vld [tilespmem:s31+$0xFFFFFFC0]  }
0x20f: {  	s0 =	simm.s32 $0x80C0  }
0x210: {  	v23 =	vld [tilespmem:s0+$0x0]  }
0x211: {  	v24 =	vshrl.u32 v20, $0xA  }
0x212: {  	vm0 =	veq.s32 v24, v16  }
0x213: {  	v20 =	vand.u32 $0x3FF, v20;
	v24 =	vshrl.u32 v22, $0xA  }
0x214: {  	vm1 =	veq.s32 v24, v16  }
0x215: {  	v22 =	vand.u32 $0x3FF, v22;
	v24 =	vshrl.u32 v23, $0xA  }
0x216: {  	vm2 =	veq.s32 v24, v16  }
0x217: {  	v23 =	vand.u32 $0x3FF, v23;
	v24 =	vld [tilespmem:s0+$0xFFFFFFC0]  }
0x218: {  	[tilespmem:v20+s22+$0x0] =	vst.idx.add.s32.msk vm0, v8  }
0x219: {  	v20 =	vld [tilespmem:s31+$0x20]  }
0x21a: {  	[tilespmem:v22+s22+$0x0] =	vst.idx.add.s32.msk vm1, v8  }
0x21b: {  	v22 =	vld [tilespmem:s31+$0xFFFFFFD0]  }
0x21c: {  	v25 =	vshrl.u32 v24, $0xA;
	[tilespmem:v23+s22+$0x0] =	vst.idx.add.s32.msk vm2, v8  }
0x21d: {  	vm0 =	veq.s32 v25, v16;
	v23 =	vld [tilespmem:s0+$0x10]  }
0x21e: {  	v24 =	vand.u32 $0x3FF, v24;
	v25 =	vshrl.u32 v20, $0xA  }
0x21f: {  	s2 =	simm.s32 $0x8140;
	vm1 =	veq.s32 v25, v16  }
0x220: {  	v27 =	vld [tilespmem:s2+$0x0];
	v20 =	vand.u32 $0x3FF, v20;
	v25 =	vshrl.u32 v22, $0xA  }
0x221: {  	vm2 =	veq.s32 v25, v16  }
0x222: {  	v22 =	vand.u32 $0x3FF, v22;
	v25 =	vld [tilespmem:s2+$0xFFFFFFC0];
	v28 =	vshrl.u32 v23, $0xA  }
0x223: {  	[tilespmem:v24+s22+$0x0] =	vst.idx.add.s32.msk vm0, v8;
	vm0 =	veq.s32 v28, v16  }
0x224: {  	v23 =	vand.u32 $0x3FF, v23;
	v24 =	vld [tilespmem:s0+$0xFFFFFFD0]  }
0x225: {  	v28 =	vshrl.u32 v27, $0xA;
	[tilespmem:v20+s22+$0x0] =	vst.idx.add.s32.msk vm1, v8  }
0x226: {  	vm3 =	veq.s32 v28, v16;
	v28 =	vld [tilespmem:s31+$0x30]  }
0x227: {  	v27 =	vand.u32 $0x3FF, v27;
	v20 =	vshrl.u32 v25, $0xA;
	[tilespmem:v22+s22+$0x0] =	vst.idx.add.s32.msk vm2, v8  }
0x228: {  	vm1 =	veq.s32 v20, v16;
	v20 =	vld [tilespmem:s31+$0xFFFFFFE0]  }
0x229: {  	v22 =	vand.u32 $0x3FF, v25;
	v25 =	vshrl.u32 v24, $0xA;
	[tilespmem:v23+s22+$0x0] =	vst.idx.add.s32.msk vm0, v8  }
0x22a: {  	s4 =	simm.s32 $0x81C0;
	vm0 =	veq.s32 v25, v16;
	v23 =	vld [tilespmem:s0+$0x20]  }
0x22b: {  	v29 =	vld [tilespmem:s4+$0x0];
	v24 =	vand.u32 $0x3FF, v24  }
0x22c: {  	[tilespmem:v27+s22+$0x0] =	vst.idx.add.s32.msk vm3, v8;
	v25 =	vshrl.u32 v28, $0xA  }
0x22d: {  	v27 =	vld [tilespmem:s2+$0x10];
	vm2 =	veq.s32 v25, v16;
	v25 =	vshrl.u32 v20, $0xA  }
0x22e: {  	[tilespmem:v22+s22+$0x0] =	vst.idx.add.s32.msk vm1, v8;
	v22 =	vand.u32 $0x3FF, v28;
	vm1 =	veq.s32 v25, v16  }
0x22f: {  	v20 =	vand.u32 $0x3FF, v20;
	v25 =	vld [tilespmem:s2+$0xFFFFFFD0];
	v28 =	vshrl.u32 v23, $0xA  }
0x230: {  	[tilespmem:v24+s22+$0x0] =	vst.idx.add.s32.msk vm0, v8;
	vm0 =	veq.s32 v28, v16  }
0x231: {  	v23 =	vand.u32 $0x3FF, v23  }
0x232: {  	v24 =	vld [tilespmem:s4+$0xFFFFFFC0];
	v28 =	vshrl.u32 v27, $0xA  }
0x233: {  	vm3 =	veq.s32 v28, v16;
	[tilespmem:v22+s22+$0x0] =	vst.idx.add.s32.msk vm2, v8  }
0x234: {  	v27 =	vand.u32 $0x3FF, v27;
	v28 =	vshrl.u32 v25, $0xA;
	[tilespmem:v20+s22+$0x0] =	vst.idx.add.s32.msk vm1, v8;
	v20 =	vshrl.u32 v29, $0xA  }
0x235: {  	vm1 =	veq.s32 v28, v16;
	v28 =	vld [tilespmem:s31+$0xFFFFFFF0];
	vm2 =	veq.s32 v20, v16  }
0x236: {  	[tilespmem:v23+s22+$0x0] =	vst.idx.add.s32.msk vm0, v8;
	v23 =	vand.u32 $0x3FF, v29  }
0x237: {  	v25 =	vand.u32 $0x3FF, v25;
	v20 =	vshrl.u32 v24, $0xA;
	v29 =	vld [tilespmem:s0+$0x30]  }
0x238: {  	v22 =	vld [tilespmem:s0+$0xFFFFFFE0];
	vm15 =	veq.s32 v20, v16  }
0x239: {  	v63 =	vand.u32 $0x3FF, v24;
	[tilespmem:v27+s22+$0x0] =	vst.idx.add.s32.msk vm3, v8  }
0x23a: {  	v20 =	vadd.s32 $0xFFFFFFFF, v21;
	v24 =	vld [tilespmem:s2+$0x20]  }
0x23b: {  	vm0 =	vgt.s32 v20, $0x0;
	[tilespmem:v23+s22+$0x0] =	vst.idx.add.s32.msk vm2, v8;
	v23 =	vshrl.u32 v28, $0xA  }
0x23c: {  	v20 =	vnsel vm0, $0x0, v20;
	[tilespmem:v25+s22+$0x0] =	vst.idx.add.s32.msk vm1, v8;
	vm0 =	veq.s32 v23, v16;
	v23 =	vshrl.u32 v29, $0xA  }
0x23d: {  	v21 =	vshrl.u32 v22, $0xA;
	v25 =	vld [tilespmem:s4+$0x10];
	vm2 =	veq.s32 v23, v16  }
0x23e: {  	v22 =	vand.u32 $0x3FF, v22;
	vm1 =	veq.s32 v21, v16;
	[tilespmem:v63+s22+$0x0] =	vst.idx.add.s32.msk vm15, v8;
	v23 =	vand.u32 $0x3FF, v29  }
0x23f: {  	s5 =	simm.s32 $0x6;
	s6 =	simm.s32 $0x8240;
	s3 =	simm.s32 $0x4;
	v20 =	vperm.xlane v26, v20;
	v21 =	vand.u32 $0x3FF, v28;
	v27 =	vshrl.u32 v24, $0xA;
	v26 =	vld [tilespmem:s4+$0xFFFFFFD0]  }
.LBB2_14:
0x240: {  	v28 =	vld [tilespmem:s6+$0x0];
	s5 =	sadd.s32 $0x2, s5;
	vm3 =	veq.s32 v27, v16  }
0x241: {  	v24 =	vand.u32 $0x3FF, v24;
	v27 =	vld [tilespmem:s6+$0xFFFFFFC0];
	p0 =	slt.u32 s5, $0x7E  }
0x242: {  	v29 =	vshrl.u32 v25, $0xA;
	v30 =	vld [tilespmem:s2+$0xFFFFFFE0]  }
0x243: {  	vm4 =	veq.s32 v29, v16;
	[tilespmem:v23+s22+$0x0] =	vst.idx.add.s32.msk vm2, v8  }
0x244: {  	v25 =	vand.u32 $0x3FF, v25;
	v23 =	vshrl.u32 v26, $0xA;
	v26 =	vand.u32 $0x3FF, v26;
	[tilespmem:v22+s22+$0x0] =	vst.idx.add.s32.msk vm1, v8  }
0x245: {  	v22 =	vshrl.u32 v28, $0xA;
	vm2 =	veq.s32 v23, v16;
	v23 =	vld [tilespmem:s0+$0xFFFFFFF0];
	s0 =	smov.u32 s2;
	s2 =	smov.u32 s4;
	s4 =	smov.u32 s6  }
0x246: {  	v29 =	vshrl.u32 v27, $0xA;
	v27 =	vand.u32 $0x3FF, v27;
	vm5 =	veq.s32 v22, v16;
	[tilespmem:v24+s22+$0x0] =	vst.idx.add.s32.msk vm3, v8  }
0x247: {  	v28 =	vand.u32 $0x3FF, v28;
	vm3 =	veq.s32 v29, v16;
	v22 =	vshrl.u32 v30, $0xA;
	v29 =	vld [tilespmem:s0+$0x30]  }
0x248: {  	vm1 =	veq.s32 v22, v16;
	v22 =	vand.u32 $0x3FF, v30;
	[tilespmem:v21+s22+$0x0] =	vst.idx.add.s32.msk vm0, v8  }
0x249: {  	[tilespmem:v25+s22+$0x0] =	vst.idx.add.s32.msk vm4, v8  }
0x24a: {  	v24 =	vld [tilespmem:s2+$0x20];
	v25 =	vshrl.u32 v23, $0xA;
	v21 =	vand.u32 $0x3FF, v23  }
.Ltmp6:
0x24b: {  	[tilespmem:v26+s22+$0x0] =	vst.idx.add.s32.msk vm2, v8;
	vm0 =	veq.s32 v25, v16;
	(pc) =	sbr.rel @p0 .LBB2_14-.Ltmp6, $4  }
0x24c: {  	[tilespmem:v28+s22+$0x0] =	vst.idx.add.s32.msk vm5, v8;
	v23 =	vshrl.u32 v29, $0xA  }
0x24d: {  	v25 =	vld [tilespmem:s6+$0x10];
	vm2 =	veq.s32 v23, v16  }
0x24e: {  	v23 =	vand.u32 $0x3FF, v29;
	[tilespmem:v27+s22+$0x0] =	vst.idx.add.s32.msk vm3, v8  }
0x24f: {  	s6 =	sadd.s32 $0x80, s6;
	v26 =	vld [tilespmem:s4+$0xFFFFFFD0];
	v27 =	vshrl.u32 v24, $0xA  }
0x250: {  	_ =	sdelay $0x1  }
0x251: {  	v28 =	vshrl.u32 v25, $0xA  }
0x252: {  	vm3 =	veq.s32 v28, v16  }
0x253: {  	v52 =	vand.u32 $0x3FF, v25;
	v51 =	vshrl.u32 v26, $0xA  }
0x254: {  	vm4 =	veq.s32 v51, v16  }
0x255: {  	v53 =	vand.u32 $0x3FF, v26;
	_ =	sdelay $0x1  }
0x256: {  	v54 =	vld [tilespmem:s2+$0xFFFFFFE0]  }
0x257: {  	[tilespmem:v52+s22+$0x0] =	vst.idx.add.s32.msk vm3, v8  }
0x258: {  	v25 =	vld [tilespmem:s4+$0x20]  }
0x259: {  	[tilespmem:v53+s22+$0x0] =	vst.idx.add.s32.msk vm4, v8  }
0x25a: {  	vm8 =	veq.s32 v27, v16;
	v26 =	vld [tilespmem:s4+$0xFFFFFFE0]  }
0x25b: {  	v24 =	vand.u32 $0x3FF, v24;
	v55 =	vshrl.u32 v54, $0xA  }
0x25c: {  	vm9 =	veq.s32 v55, v16  }
0x25d: {  	v56 =	vand.u32 $0x3FF, v54;
	v57 =	vshrl.u32 v25, $0xA  }
0x25e: {  	[tilespmem:v22+s22+$0x0] =	vst.idx.add.s32.msk vm1, v8;
	vm10 =	veq.s32 v57, v16  }
0x25f: {  	v22 =	vld [tilespmem:s0+$0xFFFFFFF0];
	v25 =	vand.u32 $0x3FF, v25;
	v58 =	vshrl.u32 v26, $0xA  }
0x260: {  	[tilespmem:v24+s22+$0x0] =	vst.idx.add.s32.msk vm8, v8;
	vm11 =	veq.s32 v58, v16  }
0x261: {  	v24 =	vld [tilespmem:s2+$0x30];
	v26 =	vand.u32 $0x3FF, v26  }
0x262: {  	[tilespmem:v56+s22+$0x0] =	vst.idx.add.s32.msk vm9, v8  }
0x263: {  	v27 =	vld [tilespmem:s2+$0xFFFFFFF0]  }
0x264: {  	[tilespmem:v25+s22+$0x0] =	vst.idx.add.s32.msk vm10, v8  }
0x265: {  	v25 =	vld [tilespmem:s4+$0x30]  }
0x266: {  	[tilespmem:v26+s22+$0x0] =	vst.idx.add.s32.msk vm11, v8  }
0x267: {  	v26 =	vld [tilespmem:s4+$0xFFFFFFF0]  }
0x268: {  	v60 =	vshrl.u32 v22, $0xA  }
0x269: {  	vm13 =	veq.s32 v60, v16;
	v59 =	vshrl.u32 v24, $0xA  }
0x26a: {  	v22 =	vand.u32 $0x3FF, v22;
	vm12 =	veq.s32 v59, v16;
	v62 =	vshrl.u32 v27, $0xA  }
0x26b: {  	v24 =	vand.u32 $0x3FF, v24;
	vm5 =	veq.s32 v62, v16;
	v61 =	vshrl.u32 v25, $0xA  }
0x26c: {  	[tilespmem:v23+s22+$0x0] =	vst.idx.add.s32.msk vm2, v8;
	v23 =	vand.u32 $0x3FF, v27;
	vm14 =	veq.s32 v61, v16;
	v63 =	vshrl.u32 v26, $0xA  }
0x26d: {  	v25 =	vand.u32 $0x3FF, v25;
	vm15 =	veq.s32 v63, v16  }
0x26e: {  	[tilespmem:v21+s22+$0x0] =	vst.idx.add.s32.msk vm0, v8;
	v21 =	vand.u32 $0x3FF, v26  }
0x26f: {  	[tilespmem:v22+s22+$0x0] =	vst.idx.add.s32.msk vm13, v8  }
0x270: {  	[tilespmem:v24+s22+$0x0] =	vst.idx.add.s32.msk vm12, v8  }
0x271: {  	[tilespmem:v23+s22+$0x0] =	vst.idx.add.s32.msk vm5, v8  }
0x272: {  	[tilespmem:v25+s22+$0x0] =	vst.idx.add.s32.msk vm14, v8  }
0x273: {  	s5 =	simm.s32 $0xA010;
	[tilespmem:v21+s22+$0x0] =	vst.idx.add.s32.msk vm15, v8  }
0x274: {  	v21 =	vld [tilespmem:s5+$0xFFFFFFF0]  }
0x275: {  	v22 =	vld [tilespmem:s5+$0x0];
	_ =	sdelay $0x3  }
0x276: {  	s2 =	simm.s32 $0xA030;
	(xrf0) =	vadd.scan.msk.s32 $0xffff, v21  }
0x277: {  	v21 =	vld [tilespmem:s2+$0xFFFFFFF0];
	(xrf0) =	vadd.scan.msk.s32 $0xffff, v22  }
0x278: {  	v22 =	vld [tilespmem:s2+$0x0];
	_ =	sdelay $0x2  }
0x279: {  	[tilespmem:s5+$0xFFFFFFF0] =	vst v7  }
0x27a: {  	s0 =	simm.s32 $0xA050;
	s4 =	simm.s32 $0xA410;
	[tilespmem:s5+$0x0] =	vst v7;
	(xrf0) =	vadd.scan.msk.s32 $0xffff, v21;
	v23, _, _ =	vpop (xrf0)  }
0x27b: {  	v21 =	vld [tilespmem:s0+$0xFFFFFFF0];
	(xrf0) =	vadd.scan.msk.s32 $0xffff, v22;
	[tilespmem:s4+$0xFFFFFFF0] =	vst v23;
	v22, _, _ =	vpop (xrf0)  }
.LBB2_16:
0x27c: {  	s3 =	sadd.s32 $0x2, s3  }
0x27d: {  	v23 =	vld [tilespmem:s0+$0x0];
	[tilespmem:s4+$0x0] =	vst v22;
	s4 =	sadd.s32 $0x20, s4;
	p0 =	slt.u32 s3, $0x3E  }
.Ltmp7:
0x27e: {  	(pc) =	sbr.rel @p0 .LBB2_16-.Ltmp7, $4  }
0x27f: {  	_ = 	snop  }
0x280: {  	[tilespmem:s2+$0xFFFFFFF0] =	vst v7  }
0x281: {  	(xrf0) =	vadd.scan.msk.s32 $0xffff, v21;
	[tilespmem:s2+$0x0] =	vst v7;
	v22, _, _ =	vpop (xrf0);
	s2 =	smov.u32 s0;
	s0 =	sadd.s32 $0x20, s0  }
0x282: {  	v21 =	vld [tilespmem:s0+$0xFFFFFFF0];
	(xrf0) =	vadd.scan.msk.s32 $0xffff, v23;
	[tilespmem:s4+$0xFFFFFFF0] =	vst v22;
	v22, _, _ =	vpop (xrf0)  }
0x283: {  	v23 =	vld [tilespmem:s0+$0x0];
	_ =	sdelay $0x3  }
0x284: {  	[tilespmem:s4+$0x0] =	vst v22;
	(xrf0) =	vadd.scan.msk.s32 $0xffff, v21  }
0x285: {  	[tilespmem:s2+$0xFFFFFFF0] =	vst v7;
	(xrf0) =	vadd.scan.msk.s32 $0xffff, v23  }
0x286: {  	[tilespmem:s2+$0x0] =	vst v7  }
0x287: {  	[tilespmem:s0+$0xFFFFFFF0] =	vst v7  }
0x288: {  	s3 =	sadd.s32 $0x20, s4;
	[tilespmem:s0+$0x0] =	vst v7;
	v21, _, _ =	vpop (xrf0)  }
0x289: {  	[tilespmem:s3+$0xFFFFFFF0] =	vst v21;
	v21, _, _ =	vpop (xrf0)  }
0x28a: {  	s30 =	sadd.s32 $0x20, s3;
	[tilespmem:s3+$0x0] =	vst v21;
	v21, _, _ =	vpop (xrf0)  }
0x28b: {  	[tilespmem:s30+$0xFFFFFFF0] =	vst v21;
	v21, _, _ =	vpop (xrf0)  }
0x28c: {  	[tilespmem:s30+$0x0] =	vst v21  }
0x28d: {  	v21 =	vld.idx.msk [tilespmem:v9+s23+$0x0], $0xffff;
	_ =	sdelay $0x2  }
0x28e: {  	v22 =	vld.idx.msk [tilespmem:v11+s23+$0x0], $0xffff;
	_ =	sdelay $0x1  }
0x28f: {  	(xrf0) =	vadd.scan.msk.s32 $0xffff, v21  }
0x290: {  	vm0 =	vgt.s32 v19, $0x0  }
0x291: {  	v19 =	vnsel vm0, $0x0, v20;
	v23 =	vld.idx.msk [tilespmem:v12+s23+$0x0], $0xffff  }
0x292: {  	v18 =	vadd.s32 v19, v18;
	(xrf0) =	vadd.scan.msk.s32 $0xffff, v22;
	_ =	sdelay $0x2  }
0x293: {  	v17 =	vsub.s32 v17, v18;
	v19 =	vld.idx.msk [tilespmem:v13+s23+$0x0], $0xffff;
	v18, _, _ =	vpop (xrf0)  }
0x294: {  	(xrf0) =	vadd.scan.msk.s32 $0xffff, v23;
	vm0 =	vge.s32 v18, v17  }
0x295: {  	v24 =	vperm.xlane v18, v10;
	v20 =	vmctz.xlane vm0  }
0x296: {  	v25, _, _ =	vpop (xrf0)  }
0x297: {  	v26 =	vmpcnt.ones.xlane vm0;
	v24 =	vadd.s32 v24, v25;
	vm0 =	vlt.s32 v20, $0xF  }
0x298: {  	(xrf0) =	vadd.scan.msk.s32 $0xffff, v19;
	v25 =	vnsel vm0, $0xF, v20;
	vm0 =	vge.s32 v24, v17  }
0x299: {  	vm1 =	vgt.s32 v26, $0x0;
	v27 =	vperm.xlane v24, v10;
	v26 =	vmctz.xlane vm0  }
0x29a: {  	v29, _, _ =	vpop (xrf0);
	v30 =	vmpcnt.ones.xlane vm0  }
0x29b: {  	v28 =	vnsel vm1, $0xFFFFFFFF, v25;
	v27 =	vadd.s32 v27, v29;
	vm0 =	vlt.s32 v26, $0xF  }
0x29c: {  	vm2 =	vge.s32 v27, v17;
	vm3 =	vgt.s32 v30, $0x0;
	v31 =	vperm.xlane v27, v10  }
0x29d: {  	v58 =	vnsel vm0, $0xF, v26;
	vm0 =	vlt.s32 v28, $0x0;
	v59 =	vmctz.xlane vm2  }
0x29e: {  	v33, _, _ =	vpop (xrf0);
	v34 =	vmpcnt.ones.xlane vm2;
	vm0 =	vmand vm0, vm3  }
0x29f: {  	v32 =	vadd.s32 $0x10, v58;
	v31 =	vadd.s32 v31, v33;
	vm2 =	vlt.s32 v59, $0xF  }
0x2a0: {  	v28 =	vsel vm0, v32, v28;
	vm3 =	vge.s32 v31, v17;
	vm4 =	vgt.s32 v34, $0x0  }
0x2a1: {  	v60 =	vnsel vm2, $0xF, v59;
	vm2 =	vlt.s32 v28, $0x0;
	v61 =	vmctz.xlane vm3  }
0x2a2: {  	v36 =	vmpcnt.ones.xlane vm3;
	vm2 =	vmand vm2, vm4;
	v35 =	vadd.s32 $0x20, v60  }
0x2a3: {  	v28 =	vsel vm2, v35, v28;
	vm3 =	vlt.s32 v61, $0xF  }
0x2a4: {  	vm13 =	vgt.s32 v36, $0x0;
	v62 =	vnsel vm3, $0xF, v61;
	vm3 =	vlt.s32 v28, $0x0  }
0x2a5: {  	vm3 =	vmand vm3, vm13;
	v63 =	vadd.s32 $0x30, v62  }
0x2a6: {  	v28 =	vsel vm3, v63, v28  }
0x2a7: {  	v36 =	vxor.u32 $0x80000000, v28  }
0x2a8: {  	(xrf0) =	vmax.scan.msk.u32 $0xffff, v36;
	_ =	sdelay $0x5  }
0x2a9: {  	v36, _, _ =	vpop (xrf0)  }
0x2aa: {  	(v2sf) =	vpush v36, $0xF;
	_ =	sdelay $0x8  }
0x2ab: {  	v20 =	vshrl.u32 v20, $0x1B  }
0x2ac: {  	v20 =	vand.u32 $0x10, v20  }
0x2ad: {  	v20 =	vadd.s32 v25, v20  }
0x2ae: {  	vm14 =	vgt.s32 v14, v15;
	v18 =	vperm.xlane v18, v20;
	v20 =	vperm.xlane v21, v20  }
0x2af: {  	v14 =	vsel vm14, v14, v15  }
0x2b0: {  	v14 =	vadd.f32 $9.999999930e-09, v14;
	vm15 =	vlt.s32 v26, $0x0;
	v15 =	vsub.s32 v18, v20  }
0x2b1: {  	v18 =	vshrl.u32 v59, $0x1B;
	v15 =	vnsel vm1, $0x0, v15;
	v20 =	vsel vm15, v32, v58;
	s31 =	spop (v2sf)  }
0x2b2: {  	v18 =	vand.u32 $0x10, v18;
	v21 =	vperm.xlane v24, v20;
	v24 =	vshrl.u32 v61, $0x1B;
	s0 =	sshll.u32 s31, $0x6  }
0x2b3: {  	v20 =	vperm.xlane v22, v20;
	v18 =	vadd.s32 v60, v18;
	v24 =	vand.u32 $0x10, v24;
	s0 =	sshra.s32 s0, $0x2  }
0x2b4: {  	v22 =	vperm.xlane v27, v18;
	v18 =	vperm.xlane v23, v18;
	v23 =	vadd.s32 v62, v24;
	v24 =	vld [tilespmem:s0+$0xA400]  }
0x2b5: {  	v20 =	vsub.s32 v21, v20;
	v21 =	vperm.xlane v31, v23;
	v19 =	vperm.xlane v19, v23  }
0x2b6: {  	(erf) = vrcp.f32 v14;
	v15 =	vsel vm0, v20, v15;
	v18 =	vsub.s32 v22, v18  }
0x2b7: {  	v14 =	vsel vm2, v18, v15;
	v15 =	vsub.s32 v21, v19  }
0x2b8: {  	v14 =	vsel vm3, v15, v14  }
0x2b9: {  	v14 =	vadd.s32 v24, v14  }
0x2ba: {  	s7 =	simm.s32 $0x8040;
	vm0 =	vge.s32 v14, v17  }
0x2bb: {  	v17 =	vld [tilespmem:s7+$0x0];
	v14 =	vmctz.xlane vm0  }
0x2bc: {  	v15 =	vshll.u32 v28, $0x4  }
0x2bd: {  	vm0 =	vlt.s32 v14, $0xF  }
0x2be: {  	v14 =	vnsel vm0, $0xF, v14  }
0x2bf: {  	v16 =	vshll.u32 v16, $0xA;
	v18 =	vld [tilespmem:s7+$0xFFFFFFC0];
	v14 =	vadd.s32 v15, v14;
	v15 =	vpop (erf)  }
0x2c0: {  	v14 =	vor.u32 v16, v14;
	v16 =	vmul.f32 v17, v15  }
0x2c1: {  	vm0 =	vgt.s32 v17, v14  }
0x2c2: {  	s4 =	simm.s32 $0x80C0;
	s0 =	simm.s32 $0x40;
	v16 =	vnsel vm0, $0x0, v16  }
0x2c3: {  	v17 =	vld [tilespmem:s4+$0x0];
	[tilespmem:s0+$0x0] =	vst v16  }
0x2c4: {  	v16 =	vmul.f32 v18, v15;
	v19 =	vld [tilespmem:s7+$0x10]  }
0x2c5: {  	vm0 =	vgt.s32 v18, v14  }
0x2c6: {  	v16 =	vnsel vm0, $0x0, v16  }
0x2c7: {  	v18 =	vld [tilespmem:s4+$0xFFFFFFC0];
	[tilespmem:s0+$0xFFFFFFC0] =	vst v16  }
0x2c8: {  	v16 =	vmul.f32 v17, v15;
	v20 =	vld [tilespmem:s7+$0xFFFFFFD0]  }
0x2c9: {  	vm0 =	vgt.s32 v17, v14;
	v17 =	vmul.f32 v19, v15  }
0x2ca: {  	s5 =	simm.s32 $0x8140;
	s2 =	simm.s32 $0xC0;
	v16 =	vnsel vm0, $0x0, v16;
	vm0 =	vgt.s32 v19, v14  }
0x2cb: {  	v19 =	vld [tilespmem:s5+$0x0];
	[tilespmem:s2+$0x0] =	vst v16;
	v16 =	vnsel vm0, $0x0, v17  }
0x2cc: {  	v21 =	vld [tilespmem:s4+$0x10];
	v17 =	vmul.f32 v18, v15;
	[tilespmem:s0+$0x10] =	vst v16  }
0x2cd: {  	vm0 =	vgt.s32 v18, v14;
	v16 =	vmul.f32 v20, v15;
	v18 =	vld [tilespmem:s7+$0x20]  }
0x2ce: {  	v17 =	vnsel vm0, $0x0, v17;
	vm0 =	vgt.s32 v20, v14  }
0x2cf: {  	v20 =	vld [tilespmem:s5+$0xFFFFFFC0];
	[tilespmem:s2+$0xFFFFFFC0] =	vst v17;
	v16 =	vnsel vm0, $0x0, v16  }
0x2d0: {  	v17 =	vmul.f32 v19, v15;
	v22 =	vld [tilespmem:s4+$0xFFFFFFD0];
	[tilespmem:s0+$0xFFFFFFD0] =	vst v16  }
0x2d1: {  	vm0 =	vgt.s32 v19, v14;
	v16 =	vmul.f32 v21, v15;
	v19 =	vld [tilespmem:s7+$0xFFFFFFE0]  }
0x2d2: {  	s6 =	simm.s32 $0x81C0;
	s3 =	simm.s32 $0x140;
	v17 =	vnsel vm0, $0x0, v17;
	vm0 =	vgt.s32 v21, v14;
	v21 =	vmul.f32 v18, v15  }
0x2d3: {  	v23 =	vld [tilespmem:s6+$0x0];
	[tilespmem:s3+$0x0] =	vst v17;
	v16 =	vnsel vm0, $0x0, v16;
	vm0 =	vgt.s32 v18, v14  }
0x2d4: {  	v17 =	vmul.f32 v20, v15;
	v25 =	vld [tilespmem:s5+$0x10];
	[tilespmem:s2+$0x10] =	vst v16;
	v16 =	vnsel vm0, $0x0, v21  }
0x2d5: {  	v18 =	vld [tilespmem:s4+$0x20];
	vm0 =	vgt.s32 v20, v14;
	v20 =	vmul.f32 v22, v15;
	[tilespmem:s0+$0x20] =	vst v16  }
0x2d6: {  	v17 =	vnsel vm0, $0x0, v17;
	vm0 =	vgt.s32 v22, v14;
	v22 =	vmul.f32 v19, v15;
	v16 =	vld [tilespmem:s7+$0x30]  }
0x2d7: {  	v21 =	vld [tilespmem:s6+$0xFFFFFFC0];
	[tilespmem:s3+$0xFFFFFFC0] =	vst v17;
	v17 =	vnsel vm0, $0x0, v20;
	vm0 =	vgt.s32 v19, v14  }
0x2d8: {  	v24 =	vmul.f32 v23, v15;
	v20 =	vld [tilespmem:s5+$0xFFFFFFD0];
	[tilespmem:s2+$0xFFFFFFD0] =	vst v17;
	v17 =	vnsel vm0, $0x0, v22  }
0x2d9: {  	vm0 =	vgt.s32 v23, v14;
	v23 =	vmul.f32 v25, v15;
	v19 =	vld [tilespmem:s4+$0xFFFFFFE0];
	[tilespmem:s0+$0xFFFFFFE0] =	vst v17  }
0x2da: {  	s8 =	simm.s32 $0x6;
	s15 =	simm.s32 $0x8240;
	s14 =	simm.s32 $0x1C0;
	v24 =	vnsel vm0, $0x0, v24;
	vm0 =	vgt.s32 v25, v14;
	v22 =	vmul.f32 v18, v15;
	v17 =	vld [tilespmem:s7+$0xFFFFFFF0]  }
.LBB2_18:
0x2db: {  	v25 =	vld [tilespmem:s15+$0x0];
	s8 =	sadd.s32 $0x2, s8;
	[tilespmem:s14+$0x0] =	vst v24;
	v23 =	vnsel vm0, $0x0, v23;
	vm0 =	vgt.s32 v18, v14;
	v24 =	vmul.f32 v16, v15;
	s7 =	smov.u32 s5;
	s5 =	smov.u32 s6  }
0x2dc: {  	s6 =	smov.u32 s15;
	s16 =	smov.u32 s0;
	p0 =	slt.u32 s8, $0x7E;
	v26 =	vmul.f32 v21, v15;
	v27 =	vld [tilespmem:s5+$0x10];
	[tilespmem:s3+$0x10] =	vst v23;
	v22 =	vnsel vm0, $0x0, v22;
	vm0 =	vgt.s32 v16, v14  }
0x2dd: {  	s0 =	smov.u32 s2;
	vm1 =	vgt.s32 v21, v14;
	v23 =	vmul.f32 v20, v15;
	v18 =	vld [tilespmem:s7+$0x20];
	[tilespmem:s2+$0x20] =	vst v22;
	v21 =	vnsel vm0, $0x0, v24;
	s2 =	smov.u32 s3;
	s3 =	smov.u32 s14  }
.Ltmp8:
0x2de: {  	vm0 =	vgt.s32 v20, v14;
	v22 =	vnsel vm1, $0x0, v26;
	v24 =	vmul.f32 v19, v15;
	v16 =	vld [tilespmem:s4+$0x30];
	[tilespmem:s16+$0x30] =	vst v21;
	(pc) =	sbr.rel @p0 .LBB2_18-.Ltmp8, $4  }
0x2df: {  	v21 =	vld [tilespmem:s15+$0xFFFFFFC0];
	[tilespmem:s14+$0xFFFFFFC0] =	vst v22;
	v22 =	vnsel vm0, $0x0, v23;
	vm0 =	vgt.s32 v19, v14;
	v26 =	vmul.f32 v17, v15  }
0x2e0: {  	v28 =	vmul.f32 v25, v15;
	v20 =	vld [tilespmem:s5+$0xFFFFFFD0];
	[tilespmem:s2+$0xFFFFFFD0] =	vst v22;
	v22 =	vnsel vm0, $0x0, v24;
	vm0 =	vgt.s32 v17, v14  }
0x2e1: {  	vm1 =	vgt.s32 v25, v14;
	v23 =	vmul.f32 v27, v15;
	v19 =	vld [tilespmem:s7+$0xFFFFFFE0];
	[tilespmem:s0+$0xFFFFFFE0] =	vst v22;
	v25 =	vnsel vm0, $0x0, v26  }
0x2e2: {  	s15 =	sadd.s32 $0x80, s15;
	s14 =	sadd.s32 $0x80, s14;
	vm0 =	vgt.s32 v27, v14;
	v24 =	vnsel vm1, $0x0, v28;
	v22 =	vmul.f32 v18, v15;
	v17 =	vld [tilespmem:s4+$0xFFFFFFF0];
	[tilespmem:s16+$0xFFFFFFF0] =	vst v25;
	s4 =	smov.u32 s7  }
0x2e3: {  	_ = 	snop  }
0x2e4: {  	v25 =	vmul.f32 v21, v15  }
0x2e5: {  	vm1 =	vgt.s32 v21, v14  }
0x2e6: {  	[tilespmem:s14+$0x0] =	vst v24;
	v21 =	vnsel vm1, $0x0, v25  }
0x2e7: {  	v24 =	vld [tilespmem:s6+$0x10];
	[tilespmem:s14+$0xFFFFFFC0] =	vst v21  }
0x2e8: {  	v21 =	vld [tilespmem:s6+$0xFFFFFFD0];
	_ =	sdelay $0x2  }
0x2e9: {  	v25 =	vmul.f32 v20, v15  }
0x2ea: {  	v23 =	vnsel vm0, $0x0, v23;
	vm11 =	vgt.s32 v20, v14;
	v20 =	vmul.f32 v24, v15  }
0x2eb: {  	[tilespmem:s3+$0x10] =	vst v23;
	v23 =	vnsel vm11, $0x0, v25;
	vm12 =	vgt.s32 v24, v14;
	v24 =	vmul.f32 v21, v15  }
0x2ec: {  	v25 =	vld [tilespmem:s5+$0x20];
	[tilespmem:s3+$0xFFFFFFD0] =	vst v23;
	v20 =	vnsel vm12, $0x0, v20;
	vm13 =	vgt.s32 v21, v14  }
0x2ed: {  	[tilespmem:s14+$0x10] =	vst v20;
	v21 =	vld [tilespmem:s5+$0xFFFFFFE0];
	v20 =	vnsel vm13, $0x0, v24  }
0x2ee: {  	v23 =	vld [tilespmem:s6+$0x20];
	[tilespmem:s14+$0xFFFFFFD0] =	vst v20  }
0x2ef: {  	v20 =	vld [tilespmem:s6+$0xFFFFFFE0]  }
0x2f0: {  	vm14 =	vgt.s32 v18, v14;
	v18 =	vmul.f32 v19, v15  }
0x2f1: {  	v22 =	vnsel vm14, $0x0, v22;
	vm15 =	vgt.s32 v19, v14;
	v19 =	vmul.f32 v25, v15  }
0x2f2: {  	[tilespmem:s2+$0x20] =	vst v22;
	v18 =	vnsel vm15, $0x0, v18;
	vm4 =	vgt.s32 v25, v14;
	v22 =	vmul.f32 v21, v15  }
0x2f3: {  	[tilespmem:s2+$0xFFFFFFE0] =	vst v18;
	v24 =	vld [tilespmem:s4+$0x30];
	v18 =	vnsel vm4, $0x0, v19;
	vm5 =	vgt.s32 v21, v14;
	v19 =	vmul.f32 v23, v15  }
0x2f4: {  	[tilespmem:s3+$0x20] =	vst v18;
	v21 =	vld [tilespmem:s4+$0xFFFFFFF0];
	vm6 =	vgt.s32 v23, v14;
	v18 =	vnsel vm5, $0x0, v22;
	v22 =	vmul.f32 v20, v15  }
0x2f5: {  	v23 =	vld [tilespmem:s5+$0x30];
	[tilespmem:s3+$0xFFFFFFE0] =	vst v18;
	v18 =	vnsel vm6, $0x0, v19;
	vm7 =	vgt.s32 v20, v14  }
0x2f6: {  	v19 =	vmul.f32 v16, v15;
	v20 =	vld [tilespmem:s5+$0xFFFFFFF0];
	[tilespmem:s14+$0x20] =	vst v18;
	v18 =	vnsel vm7, $0x0, v22  }
0x2f7: {  	vm8 =	vgt.s32 v16, v14;
	v16 =	vmul.f32 v17, v15;
	v22 =	vld [tilespmem:s6+$0x30];
	[tilespmem:s14+$0xFFFFFFE0] =	vst v18  }
0x2f8: {  	vm9 =	vgt.s32 v17, v14;
	v17 =	vmul.f32 v24, v15;
	v18 =	vnsel vm8, $0x0, v19;
	v19 =	vld [tilespmem:s6+$0xFFFFFFF0]  }
0x2f9: {  	vm10 =	vgt.s32 v24, v14;
	v16 =	vnsel vm9, $0x0, v16;
	[tilespmem:s0+$0x30] =	vst v18;
	v18 =	vmul.f32 v21, v15  }
0x2fa: {  	vm11 =	vgt.s32 v21, v14;
	[tilespmem:s0+$0xFFFFFFF0] =	vst v16;
	v16 =	vnsel vm10, $0x0, v17;
	v17 =	vmul.f32 v23, v15  }
0x2fb: {  	vm12 =	vgt.s32 v23, v14;
	[tilespmem:s2+$0x30] =	vst v16;
	v16 =	vnsel vm11, $0x0, v18;
	v18 =	vmul.f32 v20, v15  }
0x2fc: {  	vm13 =	vgt.s32 v20, v14;
	[tilespmem:s2+$0xFFFFFFF0] =	vst v16;
	v16 =	vnsel vm12, $0x0, v17;
	v17 =	vmul.f32 v22, v15  }
0x2fd: {  	vm14 =	vgt.s32 v22, v14;
	[tilespmem:s3+$0x30] =	vst v16;
	v16 =	vnsel vm13, $0x0, v18;
	v15 =	vmul.f32 v19, v15  }
0x2fe: {  	[tilespmem:s3+$0xFFFFFFF0] =	vst v16;
	v16 =	vnsel vm14, $0x0, v17;
	vm15 =	vgt.s32 v19, v14  }
0x2ff: {  	[tilespmem:s14+$0x30] =	vst v16;
	v14 =	vnsel vm15, $0x0, v15  }
0x300: {  	[tilespmem:s14+$0xFFFFFFF0] =	vst v14  }
0x301: {  	[hbm4b:s9+s12] =	stream.strided.scatter [tilespmem:s1], [sflag:$0x5], $0x2000, s13, s12, $0x38;
	[tilespmem:$0xA900] =	vst v63  }
0x302: {  	_ =	swait.ge [sflag:s24], $0x2000  }
0x303: {  	[sflag:s24] =	ssyncset.done $0x0  }
0x304: {  	[sflag:s24] =	ssyncadd.s32 $0xFFFFE000  }
0x305: {  	_ =	swait.ge [sflag:s25], $0x2000  }
0x306: {  	[sflag:s25] =	ssyncset.done $0x0  }
0x307: {  	s31 =	simm.s32 $0x6040;
	[sflag:s25] =	ssyncadd.s32 $0xFFFFE000  }
0x308: {  	v15 =	vld [tilespmem:s31+$0x0]  }
0x309: {  	v19 =	vld [tilespmem:s31+$0x10]  }
0x30a: {  	v16 =	vld [tilespmem:s31+$0x20]  }
0x30b: {  	v14 =	vld [tilespmem:s31+$0x30]  }
0x30c: {  	v22 =	vld [tilespmem:s31+$0xFFFFFFC0]  }
0x30d: {  	v21 =	vld [tilespmem:s31+$0xFFFFFFD0]  }
0x30e: {  	v17 =	vld [tilespmem:s31+$0xFFFFFFE0]  }
0x30f: {  	s0 =	simm.s32 $0x2040;
	v18 =	vld [tilespmem:s31+$0xFFFFFFF0]  }
0x310: {  	v23 =	vld [tilespmem:s0+$0xFFFFFFC0]  }
0x311: {  	v31 =	vld [tilespmem:s0+$0x0]  }
0x312: {  	v27 =	vld [tilespmem:s0+$0x10]  }
0x313: {  	v32 =	vld [tilespmem:s0+$0xFFFFFFD0]  }
0x314: {  	v33 =	vld [tilespmem:s0+$0xFFFFFFE0]  }
0x315: {  	v26 =	vimm.f32 $-1.000000000e+00;
	v20 =	vimm.f32 $-1.000000000e+00;
	v30 =	vld [tilespmem:s0+$0x20]  }
0x316: {  	v25 =	vimm.f32 $-1.000000000e+00;
	v24 =	vimm.f32 $-1.000000000e+00;
	v28 =	vld [tilespmem:s0+$0xFFFFFFF0];
	v34 =	vmax.f32 v20, v23  }
0x317: {  	s2 =	simm.s32 $0x0;
	s3 =	simm.s32 $0x60C0;
	v29 =	vld [tilespmem:s0+$0x30];
	v35 =	vmax.f32 v20, v22;
	v22 =	vimm.f32 $-1.000000000e+00;
	v23 =	vimm.f32 $-1.000000000e+00  }
.LBB2_20:
0x318: {  	v34 =	vmax.f32 v34, v31;
	v35 =	vmax.f32 v35, v15;
	v15 =	vld [tilespmem:s3+$0x0]  }
0x319: {  	v20 =	vmax.f32 v20, v32;
	v21 =	vmax.f32 v22, v21;
	v31 =	vld [tilespmem:s3+$0x10];
	v23 =	vmax.f32 v23, v33  }
0x31a: {  	v20 =	vmax.f32 v20, v27;
	v22 =	vmax.f32 v21, v19;
	v32 =	vld [tilespmem:s3+$0x20];
	v23 =	vmax.f32 v23, v30  }
0x31b: {  	v17 =	vmax.f32 v24, v17;
	v18 =	vmax.f32 v26, v18;
	v27 =	vld [tilespmem:s3+$0x30];
	v19 =	vmax.f32 v25, v28  }
0x31c: {  	v24 =	vmax.f32 v17, v16;
	v26 =	vmax.f32 v18, v14;
	v36 =	vld [tilespmem:s3+$0xFFFFFFC0];
	v25 =	vmax.f32 v19, v29  }
0x31d: {  	v21 =	vld [tilespmem:s3+$0xFFFFFFD0]  }
0x31e: {  	v17 =	vld [tilespmem:s3+$0xFFFFFFE0];
	v19 =	vmov v31  }
0x31f: {  	s0 =	sadd.s32 $0x80, s0;
	v18 =	vld [tilespmem:s3+$0xFFFFFFF0];
	v16 =	vmov v32  }
0x320: {  	v31 =	vld [tilespmem:s0+$0x0];
	v14 =	vmov v27  }
0x321: {  	s2 =	sadd.s32 $0x2, s2;
	v27 =	vld [tilespmem:s0+$0x10]  }
0x322: {  	p0 =	slt.u32 s2, $0x7E;
	v29 =	vld [tilespmem:s0+$0xFFFFFFC0]  }
.Ltmp9:
0x323: {  	v32 =	vld [tilespmem:s0+$0xFFFFFFD0];
	(pc) =	sbr.rel @p0 .LBB2_20-.Ltmp9, $4  }
0x324: {  	v33 =	vld [tilespmem:s0+$0xFFFFFFE0]  }
0x325: {  	v30 =	vld [tilespmem:s0+$0x20]  }
0x326: {  	v28 =	vld [tilespmem:s0+$0xFFFFFFF0]  }
0x327: {  	s3 =	sadd.s32 $0x80, s3;
	v35 =	vmax.f32 v35, v36;
	v34 =	vmax.f32 v34, v29;
	v29 =	vld [tilespmem:s0+$0x30]  }
0x328: {  	v31 =	vmax.f32 v34, v31  }
0x329: {  	v15 =	vmax.f32 v35, v15;
	v20 =	vmax.f32 v20, v32;
	v21 =	vmax.f32 v22, v21  }
0x32a: {  	v17 =	vmax.f32 v24, v17;
	v18 =	vmax.f32 v26, v18;
	v22 =	vmax.f32 v23, v33  }
0x32b: {  	v20 =	vmax.f32 v20, v27;
	v19 =	vmax.f32 v21, v19;
	v16 =	vmax.f32 v17, v16  }
0x32c: {  	v21 =	vmax.f32 v22, v30;
	v17 =	vmax.f32 v31, v20;
	v22 =	vmax.f32 v25, v28  }
0x32d: {  	v15 =	vmax.f32 v15, v19;
	v17 =	vmax.f32 v17, v21;
	v20 =	vmax.f32 v22, v29  }
0x32e: {  	v14 =	vmax.f32 v18, v14;
	v15 =	vmax.f32 v15, v16;
	v16 =	vmax.f32 v17, v20  }
0x32f: {  	v14 =	vmax.f32 v15, v14;
	v15 =	vperm.xlane v16, v1  }
0x330: {  	v17 =	vperm.xlane v14, v1  }
0x331: {  	v15 =	vmax.f32 v16, v15  }
0x332: {  	v14 =	vmax.f32 v14, v17;
	v16 =	vperm.xlane v15, v4  }
0x333: {  	v17 =	vperm.xlane v14, v4  }
0x334: {  	v15 =	vmax.f32 v15, v16  }
0x335: {  	v14 =	vmax.f32 v14, v17;
	v16 =	vperm.xlane v15, v5  }
0x336: {  	v17 =	vperm.xlane v14, v5  }
0x337: {  	v15 =	vmax.f32 v15, v16  }
0x338: {  	v14 =	vmax.f32 v14, v17;
	v16 =	vperm.xlane v15, v6  }
0x339: {  	v17 =	vperm.xlane v14, v6  }
0x33a: {  	v15 =	vmax.f32 v15, v16  }
0x33b: {  	v14 =	vmax.f32 v14, v17;
	v15 =	vadd.f32 $9.999999930e-09, v15  }
0x33c: {  	v14 =	vadd.f32 $9.999999930e-09, v14  }
0x33d: {  	(erf) = vrcp.f32 v15  }
0x33e: {  	(erf) = vrcp.f32 v14;
	_ =	sdelay $0x3  }
0x33f: {  	v15 =	vld [tilespmem:$0xA880]  }
0x340: {  	s4 =	simm.s32 $0x2040;
	v14 =	vld [tilespmem:$0xA800]  }
0x341: {  	s6 =	simm.s32 $0x6040;
	v17 =	vld [tilespmem:s4+$0xFFFFFFC0]  }
0x342: {  	v16 =	vld [tilespmem:s6+$0xFFFFFFC0]  }
0x343: {  	v18 =	vpop (erf)  }
0x344: {  	v19 =	vpop (erf)  }
0x345: {  	v14 =	vmul.f32 v14, v18;
	v15 =	vmul.f32 v19, v15  }
0x346: {  	v18 =	vld [tilespmem:s6+$0x0]  }
0x347: {  	v19 =	vld [tilespmem:s4+$0x0];
	v17 =	vmul.f32 v17, v14;
	v16 =	vmul.f32 v16, v15;
	_ =	sdelay $0x1  }
0x348: {  	v17 =	vadd.f32 v16, v17  }
0x349: {  	s15 =	simm.s32 $0x20C0  }
0x34a: {  	v21 =	vld [tilespmem:s15+$0x0];
	v16 =	vshrl.u32 v17, $0x14  }
0x34b: {  	s18 =	simm.s32 $0x60C0;
	v22 =	vld [tilespmem:s15+$0xFFFFFFC0];
	v18 =	vmul.f32 v18, v15;
	v19 =	vmul.f32 v19, v14;
	v16 =	vmin.u32 v16, $0x3FF  }
0x34c: {  	v20 =	vld [tilespmem:s18+$0x0]  }
0x34d: {  	v18 =	vadd.f32 v18, v19;
	v19 =	vld [tilespmem:s18+$0xFFFFFFC0]  }
0x34e: {  	s5 =	simm.s32 $0x8040  }
0x34f: {  	[tilespmem:s5+$0xFFFFFFC0] =	vst v17;
	v23 =	vshrl.u32 v18, $0x14  }
0x350: {  	v23 =	vmin.u32 v23, $0x3FF;
	[tilespmem:v16+s22+$0x0] =	vst.idx.add.s32.msk $0xffff, v8  }
0x351: {  	v21 =	vmul.f32 v21, v14;
	v20 =	vmul.f32 v20, v15;
	v16 =	vld [tilespmem:s6+$0xFFFFFFD0]  }
0x352: {  	s2 =	simm.s32 $0x2140;
	v22 =	vmul.f32 v22, v14;
	v19 =	vmul.f32 v19, v15;
	v24 =	vld [tilespmem:s4+$0xFFFFFFD0]  }
0x353: {  	s14 =	simm.s32 $0x61C0;
	v26 =	vld [tilespmem:s2+$0x0];
	v20 =	vadd.f32 v20, v21  }
0x354: {  	v36 =	vld [tilespmem:s14+$0xFFFFFFC0];
	[tilespmem:s5+$0x0] =	vst v18;
	v19 =	vadd.f32 v19, v22  }
0x355: {  	v22 =	vshrl.u32 v20, $0x14;
	[tilespmem:v23+s22+$0x0] =	vst.idx.add.s32.msk $0xffff, v8  }
0x356: {  	v22 =	vmin.u32 v22, $0x3FF;
	v21 =	vld [tilespmem:s6+$0x10];
	v25 =	vshrl.u32 v19, $0x14  }
0x357: {  	s3 =	simm.s32 $0x6240;
	v23 =	vld [tilespmem:s4+$0x10];
	v25 =	vmin.u32 v25, $0x3FF;
	v16 =	vmul.f32 v16, v15;
	v24 =	vmul.f32 v24, v14  }
0x358: {  	s0 =	simm.s32 $0x6140;
	s30 =	simm.s32 $0x80C0;
	v58 =	vld [tilespmem:s3+$0x0]  }
0x359: {  	v28 =	vld [tilespmem:s0+$0xFFFFFFC0];
	[tilespmem:s30+$0x0] =	vst v20;
	v24 =	vadd.f32 v16, v24  }
0x35a: {  	[tilespmem:s30+$0xFFFFFFC0] =	vst v19;
	v16 =	vld [tilespmem:s0+$0x0]  }
0x35b: {  	[tilespmem:v22+s22+$0x0] =	vst.idx.add.s32.msk $0xffff, v8;
	v27 =	vshrl.u32 v24, $0x14  }
0x35c: {  	v21 =	vmul.f32 v21, v15;
	v23 =	vmul.f32 v23, v14;
	[tilespmem:v25+s22+$0x0] =	vst.idx.add.s32.msk $0xffff, v8;
	v22 =	vmin.u32 v27, $0x3FF  }
0x35d: {  	v25 =	vld [tilespmem:s2+$0xFFFFFFC0]  }
0x35e: {  	v31 =	vld [tilespmem:s18+$0x10];
	v21 =	vadd.f32 v21, v23  }
0x35f: {  	v26 =	vmul.f32 v26, v14;
	v23 =	vld [tilespmem:s15+$0xFFFFFFD0];
	v16 =	vmul.f32 v16, v15  }
0x360: {  	[tilespmem:s5+$0xFFFFFFD0] =	vst v24;
	v27 =	vld [tilespmem:s18+$0xFFFFFFD0];
	v29 =	vshrl.u32 v21, $0x14  }
0x361: {  	v26 =	vadd.f32 v16, v26;
	v16 =	vimm.s32 $0x0;
	[tilespmem:v22+s22+$0x0] =	vst.idx.add.s32.msk $0xffff, v8;
	v22 =	vmin.u32 v29, $0x3FF  }
0x362: {  	v28 =	vmul.f32 v28, v15;
	v25 =	vmul.f32 v25, v14;
	vm0 =	vgt.s32 v16, v17;
	v29 =	vld [tilespmem:s4+$0xFFFFFFE0]  }
0x363: {  	v30 =	vld [tilespmem:s6+$0xFFFFFFE0];
	v17 =	vsel vm0, v16, v17  }
0x364: {  	s16 =	simm.s32 $0x21C0;
	v25 =	vadd.f32 v28, v25;
	v28 =	vld [tilespmem:s15+$0x10];
	v49 =	vshrl.u32 v26, $0x14;
	vm0 =	vgt.s32 v17, v18  }
0x365: {  	[tilespmem:s5+$0x10] =	vst v21;
	v32 =	vmin.u32 v49, $0x3FF;
	v17 =	vsel vm0, v17, v18;
	v18 =	vld [tilespmem:s16+$0x0]  }
0x366: {  	v27 =	vmul.f32 v27, v15;
	[tilespmem:v22+s22+$0x0] =	vst.idx.add.s32.msk $0xffff, v8;
	v22 =	vmul.f32 v23, v14;
	v23 =	vshrl.u32 v25, $0x14  }
0x367: {  	vm1 =	vgt.s32 v16, v24;
	vm0 =	vgt.s32 v17, v19;
	v50 =	vld [tilespmem:s4+$0x20];
	v23 =	vmin.u32 v23, $0x3FF  }
0x368: {  	s31 =	simm.s32 $0x8140;
	v31 =	vmul.f32 v31, v15;
	v24 =	vsel vm1, v16, v24;
	v17 =	vsel vm0, v17, v19;
	v51 =	vld [tilespmem:s6+$0x20]  }
0x369: {  	[tilespmem:s31+$0x0] =	vst v26;
	v28 =	vmul.f32 v28, v14;
	vm0 =	vgt.s32 v17, v20;
	v22 =	vadd.f32 v27, v22;
	v27 =	vld [tilespmem:s14+$0x0]  }
0x36a: {  	v19 =	vmul.f32 v30, v15;
	[tilespmem:v32+s22+$0x0] =	vst.idx.add.s32.msk $0xffff, v8;
	v17 =	vsel vm0, v17, v20  }
0x36b: {  	[tilespmem:s31+$0xFFFFFFC0] =	vst v25;
	v28 =	vadd.f32 v31, v28;
	vm0 =	vgt.s32 v17, v25;
	v56 =	vld [tilespmem:s0+$0x10];
	v52 =	vshrl.u32 v22, $0x14  }
0x36c: {  	v17 =	vsel vm0, v17, v25;
	v53 =	vmin.u32 v52, $0x3FF;
	[tilespmem:v23+s22+$0x0] =	vst.idx.add.s32.msk $0xffff, v8;
	v23 =	vmul.f32 v29, v14  }
0x36d: {  	vm0 =	vgt.s32 v17, v26;
	v29 =	vld [tilespmem:s16+$0xFFFFFFC0];
	v54 =	vmul.f32 v51, v15;
	v33 =	vmul.f32 v50, v14  }
0x36e: {  	v17 =	vsel vm0, v17, v26;
	v26 =	vld [tilespmem:s2+$0x10];
	v19 =	vadd.f32 v19, v23;
	v23 =	vshrl.u32 v28, $0x14  }
0x36f: {  	vm1 =	vgt.s32 v24, v21;
	v30 =	vld [tilespmem:s2+$0xFFFFFFD0];
	v23 =	vmin.u32 v23, $0x3FF  }
0x370: {  	v21 =	vsel vm1, v24, v21;
	[tilespmem:s30+$0xFFFFFFD0] =	vst v22;
	v20 =	vld [tilespmem:s0+$0xFFFFFFD0];
	v24 =	vadd.f32 v54, v33  }
0x371: {  	v18 =	vmul.f32 v18, v14;
	vm1 =	vgt.s32 v21, v22;
	[tilespmem:v53+s22+$0x0] =	vst.idx.add.s32.msk $0xffff, v8;
	v31 =	vshrl.u32 v19, $0x14  }
0x372: {  	v27 =	vmul.f32 v27, v15;
	v33 =	vshrl.u32 v24, $0x14;
	v55 =	vld [tilespmem:s15+$0xFFFFFFE0];
	v25 =	vmin.u32 v31, $0x3FF  }
0x373: {  	[tilespmem:s30+$0x10] =	vst v28;
	v21 =	vsel vm1, v21, v22;
	v31 =	vld [tilespmem:s18+$0xFFFFFFE0];
	v33 =	vmin.u32 v33, $0x3FF  }
0x374: {  	vm1 =	vgt.s32 v21, v28;
	v18 =	vadd.f32 v27, v18;
	[tilespmem:v23+s22+$0x0] =	vst.idx.add.s32.msk $0xffff, v8  }
0x375: {  	v21 =	vsel vm1, v21, v28;
	[tilespmem:s5+$0xFFFFFFE0] =	vst v19;
	v28 =	vmul.f32 v30, v14;
	v57 =	vld [tilespmem:s15+$0x20]  }
0x376: {  	[tilespmem:s5+$0x20] =	vst v24;
	v27 =	vshrl.u32 v18, $0x14;
	v23 =	vmul.f32 v29, v14;
	v29 =	vmul.f32 v36, v15;
	v30 =	vld [tilespmem:s18+$0x20]  }
0x377: {  	vm6 =	vgt.s32 v16, v19;
	v20 =	vmul.f32 v20, v15;
	v27 =	vmin.u32 v27, $0x3FF;
	[tilespmem:v25+s22+$0x0] =	vst.idx.add.s32.msk $0xffff, v8  }
0x378: {  	v19 =	vsel vm6, v16, v19;
	v22 =	vadd.f32 v29, v23;
	[tilespmem:v33+s22+$0x0] =	vst.idx.add.s32.msk $0xffff, v8  }
0x379: {  	vm0 =	vgt.s32 v19, v24;
	v20 =	vadd.f32 v20, v28;
	v23 =	vld [tilespmem:s4+$0xFFFFFFF0]  }
0x37a: {  	s17 =	simm.s32 $0x81C0;
	v28 =	vmul.f32 v31, v15;
	v31 =	vmul.f32 v55, v14;
	v25 =	vld [tilespmem:s6+$0xFFFFFFF0];
	v29 =	vshrl.u32 v22, $0x14  }
0x37b: {  	[tilespmem:s17+$0x0] =	vst v18;
	v19 =	vsel vm0, v19, v24;
	v24 =	vld [tilespmem:s4+$0x30];
	v29 =	vmin.u32 v29, $0x3FF  }
0x37c: {  	v60 =	vshrl.u32 v20, $0x14;
	[tilespmem:v27+s22+$0x0] =	vst.idx.add.s32.msk $0xffff, v8;
	vm7 =	vgt.s32 v17, v22;
	v31 =	vadd.f32 v28, v31  }
0x37d: {  	vm1 =	vgt.s32 v21, v20;
	v28 =	vld [tilespmem:s3+$0xFFFFFFC0];
	[tilespmem:s17+$0xFFFFFFC0] =	vst v22;
	v17 =	vsel vm7, v17, v22;
	v22 =	vmin.u32 v60, $0x3FF  }
0x37e: {  	s4 =	simm.s32 $0x2240;
	v59 =	vld [tilespmem:s6+$0x30];
	v27 =	vmul.f32 v58, v15;
	vm0 =	vgt.s32 v17, v18;
	vm8 =	vgt.s32 v19, v31  }
0x37f: {  	v37 =	vsel vm0, v17, v18;
	v17 =	vld [tilespmem:s4+$0x0];
	v23 =	vmul.f32 v23, v14;
	v25 =	vmul.f32 v25, v15  }
0x380: {  	v18 =	vsel vm1, v21, v20;
	v21 =	vmul.f32 v56, v15;
	[tilespmem:v29+s22+$0x0] =	vst.idx.add.s32.msk $0xffff, v8  }
0x381: {  	[tilespmem:s31+$0xFFFFFFD0] =	vst v20;
	v19 =	vsel vm8, v19, v31;
	v38 =	vadd.f32 v25, v23;
	v23 =	vmul.f32 v26, v14;
	v26 =	vld [tilespmem:s4+$0xFFFFFFC0]  }
0x382: {  	v24 =	vmul.f32 v24, v14;
	v28 =	vmul.f32 v28, v15;
	v25 =	vshrl.u32 v31, $0x14;
	[tilespmem:v22+s22+$0x0] =	vst.idx.add.s32.msk $0xffff, v8  }
0x383: {  	v61 =	vmin.u32 v25, $0x3FF;
	v25 =	vld [tilespmem:s14+$0xFFFFFFD0];
	v29 =	vshrl.u32 v38, $0x14;
	v32 =	vadd.f32 v21, v23  }
0x384: {  	v62 =	vld [tilespmem:s0+$0xFFFFFFE0];
	v21 =	vmul.f32 v59, v15;
	vm9 =	vgt.s32 v16, v38;
	v23 =	vmul.f32 v30, v15  }
0x385: {  	v30 =	vld [tilespmem:s16+$0xFFFFFFD0];
	v17 =	vmul.f32 v17, v14;
	v16 =	vsel vm9, v16, v38;
	v20 =	vshrl.u32 v32, $0x14  }
0x386: {  	v34 =	vadd.f32 v21, v24;
	v24 =	vmul.f32 v57, v14;
	vm10 =	vgt.s32 v18, v32  }
0x387: {  	v21 =	vld [tilespmem:s2+$0xFFFFFFE0];
	v27 =	vadd.f32 v27, v17;
	v20 =	vmin.u32 v20, $0x3FF;
	v26 =	vmul.f32 v26, v14  }
0x388: {  	[tilespmem:s30+$0xFFFFFFE0] =	vst v31;
	v18 =	vsel vm10, v18, v32;
	v22 =	vshrl.u32 v34, $0x14;
	v39 =	vadd.f32 v23, v24;
	v23 =	vld [tilespmem:s14+$0x10]  }
0x389: {  	[tilespmem:s31+$0x10] =	vst v32;
	vm11 =	vgt.s32 v16, v34;
	v24 =	vld [tilespmem:s16+$0x10];
	v25 =	vmul.f32 v25, v15;
	v32 =	vmul.f32 v62, v15  }
0x38a: {  	[tilespmem:v61+s22+$0x0] =	vst.idx.add.s32.msk $0xffff, v8;
	v22 =	vmin.u32 v22, $0x3FF;
	v26 =	vadd.f32 v28, v26;
	v40 =	vmul.f32 v30, v14  }
0x38b: {  	[tilespmem:s5+$0x30] =	vst v34;
	v17 =	vsel vm11, v16, v34;
	v34 =	vmin.u32 v29, $0x3FF;
	v29 =	vld [tilespmem:s15+$0xFFFFFFF0];
	v63 =	vshrl.u32 v39, $0x14  }
0x38c: {  	v28 =	vshrl.u32 v27, $0x14;
	v31 =	vld [tilespmem:s18+$0xFFFFFFF0];
	vm12 =	vgt.s32 v19, v39;
	v35 =	vmin.u32 v63, $0x3FF  }
0x38d: {  	v16 =	vshrl.u32 v26, $0x14;
	vm13 =	vgt.s32 v37, v26;
	v25 =	vadd.f32 v25, v40;
	[tilespmem:v20+s22+$0x0] =	vst.idx.add.s32.msk $0xffff, v8  }
0x38e: {  	[tilespmem:s5+$0xFFFFFFF0] =	vst v38;
	v19 =	vsel vm12, v19, v39;
	v30 =	vmin.u32 v16, $0x3FF;
	v16 =	vsel vm13, v37, v26;
	v20 =	vld [tilespmem:s2+$0x20]  }
0x38f: {  	s7 =	simm.s32 $0x22C0;
	v28 =	vmin.u32 v28, $0x3FF;
	vm14 =	vgt.s32 v16, v27;
	vm15 =	vgt.s32 v18, v25;
	[tilespmem:v22+s22+$0x0] =	vst.idx.add.s32.msk $0xffff, v8  }
0x390: {  	s8 =	simm.s32 $0x62C0;
	s6 =	simm.s32 $0x8;
	s5 =	simm.s32 $0x8240;
	[tilespmem:s30+$0x20] =	vst v39;
	v33 =	vshrl.u32 v25, $0x14;
	v22 =	vld [tilespmem:s0+$0x20];
	v16 =	vsel vm14, v16, v27;
	v18 =	vsel vm15, v18, v25  }
.LBB2_22:
0x391: {  	s6 =	sadd.s32 $0x2, s6;
	v21 =	vmul.f32 v21, v14;
	[tilespmem:v35+s22+$0x0] =	vst.idx.add.s32.msk $0xffff, v8  }
0x392: {  	p0 =	slt.u32 s6, $0x7E;
	[tilespmem:v34+s22+$0x0] =	vst.idx.add.s32.msk $0xffff, v8  }
0x393: {  	[tilespmem:s5+$0x0] =	vst v27;
	v21 =	vadd.f32 v32, v21;
	v27 =	vld [tilespmem:s15+$0x30];
	s15 =	smov.u32 s2;
	s2 =	smov.u32 s16;
	s16 =	smov.u32 s4  }
0x394: {  	s4 =	smov.u32 s7;
	v32 =	vld [tilespmem:s8+$0x0]  }
0x395: {  	v29 =	vmul.f32 v29, v14;
	[tilespmem:s31+$0xFFFFFFE0] =	vst v21;
	v34 =	vshrl.u32 v21, $0x14;
	v31 =	vmul.f32 v31, v15;
	v35 =	vld [tilespmem:s18+$0x30];
	s18 =	smov.u32 s0;
	s0 =	smov.u32 s14;
	s14 =	smov.u32 s3  }
0x396: {  	v23 =	vmul.f32 v23, v15;
	vm0 =	vgt.s32 v19, v21;
	s3 =	smov.u32 s8;
	v36 =	vld [tilespmem:s7+$0x0]  }
0x397: {  	v37 =	vld [tilespmem:s8+$0xFFFFFFC0];
	[tilespmem:s5+$0xFFFFFFC0] =	vst v26;
	v26 =	vadd.f32 v31, v29  }
0x398: {  	v24 =	vmul.f32 v24, v14;
	[tilespmem:v28+s22+$0x0] =	vst.idx.add.s32.msk $0xffff, v8;
	v28 =	vmin.u32 v33, $0x3FF  }
0x399: {  	v27 =	vmul.f32 v27, v14;
	[tilespmem:v30+s22+$0x0] =	vst.idx.add.s32.msk $0xffff, v8;
	v29 =	vshrl.u32 v26, $0x14;
	vm1 =	vgt.s32 v17, v26  }
0x39a: {  	v22 =	vmul.f32 v22, v15;
	v24 =	vadd.f32 v23, v24;
	v30 =	vld [tilespmem:s7+$0xFFFFFFC0];
	[tilespmem:s30+$0xFFFFFFF0] =	vst v26;
	v23 =	vmul.f32 v35, v15  }
0x39b: {  	v20 =	vmul.f32 v20, v14;
	v19 =	vsel vm0, v19, v21;
	v33 =	vmin.u32 v34, $0x3FF;
	v31 =	vld [tilespmem:s16+$0xFFFFFFD0]  }
0x39c: {  	v21 =	vshrl.u32 v24, $0x14;
	vm0 =	vgt.s32 v18, v24;
	v34 =	vld [tilespmem:s14+$0xFFFFFFD0];
	[tilespmem:s17+$0xFFFFFFD0] =	vst v25;
	v25 =	vadd.f32 v23, v27  }
0x39d: {  	v17 =	vsel vm1, v17, v26;
	v23 =	vmul.f32 v32, v15;
	[tilespmem:v28+s22+$0x0] =	vst.idx.add.s32.msk $0xffff, v8;
	v28 =	vmin.u32 v21, $0x3FF  }
0x39e: {  	v22 =	vadd.f32 v22, v20;
	v26 =	vmul.f32 v36, v14;
	v21 =	vld [tilespmem:s2+$0xFFFFFFE0];
	[tilespmem:s30+$0x30] =	vst v25;
	v20 =	vshrl.u32 v25, $0x14;
	s30 =	smov.u32 s31;
	s31 =	smov.u32 s17;
	s17 =	smov.u32 s5  }
0x39f: {  	v32 =	vmul.f32 v37, v15;
	v30 =	vmul.f32 v30, v14;
	v36 =	vld [tilespmem:s0+$0xFFFFFFE0];
	v37 =	vmin.u32 v20, $0x3FF  }
0x3a0: {  	v18 =	vsel vm0, v18, v24;
	v27 =	vadd.f32 v23, v26;
	vm0 =	vgt.s32 v17, v25;
	v23 =	vld [tilespmem:s14+$0x10];
	[tilespmem:s31+$0x10] =	vst v24  }
0x3a1: {  	v26 =	vadd.f32 v32, v30;
	v32 =	vmul.f32 v34, v15;
	v24 =	vld [tilespmem:s16+$0x10];
	[tilespmem:s30+$0x20] =	vst v22;
	v34 =	vshrl.u32 v22, $0x14  }
0x3a2: {  	v17 =	vsel vm0, v17, v25;
	v20 =	vshrl.u32 v27, $0x14;
	v31 =	vmul.f32 v31, v14;
	[tilespmem:v28+s22+$0x0] =	vst.idx.add.s32.msk $0xffff, v8  }
0x3a3: {  	vm0 =	vgt.s32 v19, v22;
	v28 =	vmin.u32 v20, $0x3FF;
	v25 =	vshrl.u32 v26, $0x14;
	v20 =	vld [tilespmem:s2+$0x20]  }
.Ltmp10:
0x3a4: {  	v19 =	vsel vm0, v19, v22;
	v35 =	vmin.u32 v34, $0x3FF;
	v30 =	vmin.u32 v25, $0x3FF;
	[tilespmem:v37+s22+$0x0] =	vst.idx.add.s32.msk $0xffff, v8;
	(pc) =	sbr.rel @p0 .LBB2_22-.Ltmp10, $4  }
0x3a5: {  	v34 =	vmin.u32 v29, $0x3FF;
	vm0 =	vgt.s32 v16, v26;
	v25 =	vadd.f32 v32, v31;
	v22 =	vld [tilespmem:s0+$0x20]  }
0x3a6: {  	s5 =	sadd.s32 $0x80, s5;
	v16 =	vsel vm0, v16, v26;
	v32 =	vmul.f32 v36, v15;
	[tilespmem:v33+s22+$0x0] =	vst.idx.add.s32.msk $0xffff, v8  }
0x3a7: {  	vm0 =	vgt.s32 v16, v27;
	v33 =	vshrl.u32 v25, $0x14;
	vm1 =	vgt.s32 v18, v25;
	v29 =	vld [tilespmem:s15+$0xFFFFFFF0]  }
0x3a8: {  	s8 =	sadd.s32 $0x80, s8;
	s7 =	sadd.s32 $0x80, s7;
	v16 =	vsel vm0, v16, v27;
	v18 =	vsel vm1, v18, v25;
	v31 =	vld [tilespmem:s18+$0xFFFFFFF0]  }
0x3a9: {  	_ =	sdelay $0x1  }
0x3aa: {  	[tilespmem:s5+$0xFFFFFFC0] =	vst v26  }
0x3ab: {  	[tilespmem:s5+$0x0] =	vst v27  }
0x3ac: {  	[tilespmem:v30+s22+$0x0] =	vst.idx.add.s32.msk $0xffff, v8  }
0x3ad: {  	[tilespmem:v28+s22+$0x0] =	vst.idx.add.s32.msk $0xffff, v8  }
0x3ae: {  	v26 =	vld [tilespmem:s4+$0xFFFFFFD0]  }
0x3af: {  	v58 =	vld [tilespmem:s3+$0xFFFFFFD0]  }
0x3b0: {  	v59 =	vld [tilespmem:s3+$0x10]  }
0x3b1: {  	v63 =	vld [tilespmem:s4+$0x10]  }
0x3b2: {  	v23 =	vmul.f32 v23, v15;
	v24 =	vmul.f32 v24, v14  }
0x3b3: {  	v60 =	vmin.u32 v33, $0x3FF  }
0x3b4: {  	v23 =	vadd.f32 v23, v24  }
0x3b5: {  	[tilespmem:v35+s22+$0x0] =	vst.idx.add.s32.msk $0xffff, v8;
	v27 =	vmul.f32 v58, v15;
	v26 =	vmul.f32 v26, v14  }
0x3b6: {  	[tilespmem:v34+s22+$0x0] =	vst.idx.add.s32.msk $0xffff, v8;
	v40 =	vshrl.u32 v23, $0x14;
	v24 =	vmul.f32 v59, v15;
	v43 =	vmul.f32 v63, v14  }
0x3b7: {  	[tilespmem:s17+$0xFFFFFFD0] =	vst v25;
	v35 =	vld [tilespmem:s15+$0x30];
	v41 =	vmin.u32 v40, $0x3FF;
	v26 =	vadd.f32 v27, v26  }
0x3b8: {  	[tilespmem:v60+s22+$0x0] =	vst.idx.add.s32.msk $0xffff, v8;
	v24 =	vadd.f32 v24, v43  }
0x3b9: {  	v28 =	vld [tilespmem:s16+$0xFFFFFFE0];
	v44 =	vshrl.u32 v26, $0x14  }
0x3ba: {  	v45 =	vld [tilespmem:s14+$0xFFFFFFE0];
	v47 =	vshrl.u32 v24, $0x14;
	v34 =	vmin.u32 v44, $0x3FF  }
0x3bb: {  	v36 =	vld [tilespmem:s18+$0x30];
	[tilespmem:s17+$0x10] =	vst v23;
	v48 =	vmin.u32 v47, $0x3FF  }
0x3bc: {  	v21 =	vmul.f32 v21, v14;
	[tilespmem:v41+s22+$0x0] =	vst.idx.add.s32.msk $0xffff, v8  }
0x3bd: {  	v46 =	vld [tilespmem:s16+$0x20];
	[tilespmem:s5+$0xFFFFFFD0] =	vst v26  }
0x3be: {  	v21 =	vadd.f32 v32, v21;
	v61 =	vmul.f32 v35, v14;
	v49 =	vld [tilespmem:s14+$0x20];
	[tilespmem:s5+$0x10] =	vst v24  }
0x3bf: {  	v35 =	vmul.f32 v45, v15;
	v28 =	vmul.f32 v28, v14;
	[tilespmem:v34+s22+$0x0] =	vst.idx.add.s32.msk $0xffff, v8  }
0x3c0: {  	v20 =	vmul.f32 v20, v14;
	v22 =	vmul.f32 v22, v15;
	v50 =	vshrl.u32 v21, $0x14;
	[tilespmem:v48+s22+$0x0] =	vst.idx.add.s32.msk $0xffff, v8  }
0x3c1: {  	v51 =	vmin.u32 v50, $0x3FF;
	v55 =	vadd.f32 v35, v28;
	v52 =	vld [tilespmem:s4+$0xFFFFFFE0]  }
0x3c2: {  	v20 =	vadd.f32 v22, v20;
	v29 =	vmul.f32 v29, v14;
	v54 =	vld [tilespmem:s3+$0xFFFFFFE0]  }
0x3c3: {  	v31 =	vmul.f32 v31, v15;
	vm0 =	vgt.s32 v19, v21;
	v59 =	vshrl.u32 v55, $0x14;
	v57 =	vld [tilespmem:s4+$0x20]  }
0x3c4: {  	v53 =	vshrl.u32 v20, $0x14;
	v62 =	vmul.f32 v36, v15;
	v22 =	vmin.u32 v59, $0x3FF;
	v58 =	vld [tilespmem:s3+$0x20]  }
0x3c5: {  	[tilespmem:s31+$0xFFFFFFE0] =	vst v21;
	v56 =	vmul.f32 v49, v15;
	v27 =	vmul.f32 v46, v14;
	v34 =	vmin.u32 v53, $0x3FF  }
0x3c6: {  	vm15 =	vgt.s32 v18, v23;
	v29 =	vadd.f32 v31, v29;
	[tilespmem:v51+s22+$0x0] =	vst.idx.add.s32.msk $0xffff, v8  }
0x3c7: {  	[tilespmem:s31+$0x20] =	vst v20;
	v19 =	vsel vm0, v19, v21;
	v30 =	vadd.f32 v62, v61;
	v60 =	vld [tilespmem:s2+$0xFFFFFFF0];
	v27 =	vadd.f32 v56, v27  }
0x3c8: {  	vm1 =	vgt.s32 v17, v29;
	v61 =	vld [tilespmem:s0+$0xFFFFFFF0];
	[tilespmem:s17+$0xFFFFFFE0] =	vst v55;
	v36 =	vmul.f32 v54, v15;
	v33 =	vmul.f32 v52, v14  }
0x3c9: {  	v62 =	vshrl.u32 v27, $0x14;
	[tilespmem:v22+s22+$0x0] =	vst.idx.add.s32.msk $0xffff, v8;
	v35 =	vmul.f32 v58, v15;
	v32 =	vmul.f32 v57, v14  }
0x3ca: {  	v42 =	vshrl.u32 v30, $0x14;
	[tilespmem:v34+s22+$0x0] =	vst.idx.add.s32.msk $0xffff, v8;
	v34 =	vmin.u32 v62, $0x3FF;
	v33 =	vadd.f32 v36, v33  }
0x3cb: {  	v17 =	vsel vm1, v17, v29;
	v25 =	vmin.u32 v42, $0x3FF;
	v42 =	vld [tilespmem:s16+$0xFFFFFFF0];
	v32 =	vadd.f32 v35, v32  }
0x3cc: {  	v18 =	vsel vm15, v18, v23;
	vm1 =	vgt.s32 v17, v30;
	v43 =	vld [tilespmem:s14+$0xFFFFFFF0];
	v41 =	vshrl.u32 v33, $0x14  }
0x3cd: {  	[tilespmem:s30+$0x30] =	vst v30;
	vm5 =	vgt.s32 v18, v26;
	v63 =	vld [tilespmem:s2+$0x30];
	v44 =	vshrl.u32 v32, $0x14;
	v22 =	vmin.u32 v41, $0x3FF  }
0x3ce: {  	v17 =	vsel vm1, v17, v30;
	v18 =	vsel vm5, v18, v26;
	[tilespmem:s17+$0x20] =	vst v27;
	v40 =	vld [tilespmem:s0+$0x30];
	v30 =	vmin.u32 v44, $0x3FF  }
0x3cf: {  	vm4 =	vgt.s32 v19, v20;
	vm8 =	vgt.s32 v18, v24;
	[tilespmem:v34+s22+$0x0] =	vst.idx.add.s32.msk $0xffff, v8  }
0x3d0: {  	v19 =	vsel vm4, v19, v20;
	v18 =	vsel vm8, v18, v24;
	[tilespmem:s5+$0xFFFFFFE0] =	vst v33;
	v46 =	vld [tilespmem:s16+$0x30]  }
0x3d1: {  	vm6 =	vgt.s32 v19, v55;
	vm15 =	vgt.s32 v16, v18;
	[tilespmem:s5+$0x20] =	vst v32;
	v48 =	vld [tilespmem:s14+$0x30]  }
0x3d2: {  	v47 =	vshrl.u32 v29, $0x14;
	v28 =	vmul.f32 v60, v14;
	v31 =	vmul.f32 v61, v15;
	[tilespmem:v22+s22+$0x0] =	vst.idx.add.s32.msk $0xffff, v8  }
0x3d3: {  	v20 =	vmin.u32 v47, $0x3FF;
	v52 =	vmul.f32 v42, v14;
	v23 =	vmul.f32 v43, v15;
	[tilespmem:v30+s22+$0x0] =	vst.idx.add.s32.msk $0xffff, v8  }
0x3d4: {  	v28 =	vadd.f32 v31, v28;
	v45 =	vmul.f32 v63, v14;
	v21 =	vmul.f32 v40, v15;
	v50 =	vld [tilespmem:s4+$0xFFFFFFF0]  }
0x3d5: {  	v19 =	vsel vm6, v19, v55;
	v16 =	vsel vm15, v16, v18;
	v56 =	vadd.f32 v23, v52;
	v30 =	vld [tilespmem:s4+$0x30]  }
0x3d6: {  	v49 =	vshrl.u32 v28, $0x14;
	vm7 =	vgt.s32 v17, v28;
	v21 =	vadd.f32 v21, v45;
	v53 =	vld [tilespmem:s3+$0x30]  }
0x3d7: {  	vm9 =	vgt.s32 v19, v27;
	v17 =	vsel vm7, v17, v28;
	v24 =	vshrl.u32 v56, $0x14;
	v55 =	vld [tilespmem:s3+$0xFFFFFFF0]  }
0x3d8: {  	[tilespmem:s30+$0xFFFFFFF0] =	vst v29;
	v51 =	vshrl.u32 v21, $0x14;
	v54 =	vmul.f32 v46, v14;
	v31 =	vmul.f32 v48, v15  }
0x3d9: {  	[tilespmem:v25+s22+$0x0] =	vst.idx.add.s32.msk $0xffff, v8;
	vm0 =	vgt.s32 v17, v21;
	v61 =	vmin.u32 v24, $0x3FF;
	v25 =	vmin.u32 v51, $0x3FF  }
0x3da: {  	[tilespmem:v20+s22+$0x0] =	vst.idx.add.s32.msk $0xffff, v8;
	v22 =	vmin.u32 v49, $0x3FF;
	v17 =	vsel vm0, v17, v21;
	v57 =	vadd.f32 v31, v54  }
0x3db: {  	[tilespmem:s31+$0xFFFFFFF0] =	vst v28;
	vm11 =	vgt.s32 v17, v56;
	v59 =	vmul.f32 v30, v14;
	v60 =	vmul.f32 v53, v15  }
0x3dc: {  	[tilespmem:s17+$0xFFFFFFF0] =	vst v56;
	v58 =	vshrl.u32 v57, $0x14;
	v14 =	vmul.f32 v50, v14;
	v15 =	vmul.f32 v55, v15  }
0x3dd: {  	[tilespmem:s31+$0x30] =	vst v21;
	v17 =	vsel vm11, v17, v56;
	v21 =	vmin.u32 v58, $0x3FF;
	v62 =	vadd.f32 v60, v59  }
0x3de: {  	v19 =	vsel vm9, v19, v27;
	vm12 =	vgt.s32 v17, v57;
	[tilespmem:s17+$0x30] =	vst v57;
	v14 =	vadd.f32 v15, v14  }
0x3df: {  	vm10 =	vgt.s32 v19, v33;
	[tilespmem:v61+s22+$0x0] =	vst.idx.add.s32.msk $0xffff, v8;
	v15 =	vsel vm12, v17, v57;
	v17 =	vshrl.u32 v62, $0x14  }
0x3e0: {  	v19 =	vsel vm10, v19, v33;
	[tilespmem:v25+s22+$0x0] =	vst.idx.add.s32.msk $0xffff, v8;
	v63 =	vshrl.u32 v14, $0x14;
	v17 =	vmin.u32 v17, $0x3FF  }
0x3e1: {  	vm13 =	vgt.s32 v19, v32;
	[tilespmem:v22+s22+$0x0] =	vst.idx.add.s32.msk $0xffff, v8;
	vm14 =	vgt.s32 v15, v14;
	v20 =	vmin.u32 v63, $0x3FF  }
0x3e2: {  	v19 =	vsel vm13, v19, v32;
	[tilespmem:v21+s22+$0x0] =	vst.idx.add.s32.msk $0xffff, v8;
	v15 =	vsel vm14, v15, v14  }
0x3e3: {  	vm1 =	vgt.s32 v16, v19;
	[tilespmem:s5+$0xFFFFFFF0] =	vst v14;
	vm0 =	vgt.s32 v15, v62  }
0x3e4: {  	[tilespmem:s5+$0x30] =	vst v62;
	v14 =	vsel vm0, v15, v62;
	v15 =	vsel vm1, v16, v19  }
0x3e5: {  	vm0 =	vgt.s32 v15, v14;
	[tilespmem:v17+s22+$0x0] =	vst.idx.add.s32.msk $0xffff, v8  }
0x3e6: {  	s31 =	simm.s32 $0xA010;
	v14 =	vsel vm0, v15, v14;
	[tilespmem:v20+s22+$0x0] =	vst.idx.add.s32.msk $0xffff, v8  }
0x3e7: {  	v15 =	vperm.xlane v14, v0;
	v16 =	vld [tilespmem:s31+$0xFFFFFFF0]  }
0x3e8: {  	v17 =	vld [tilespmem:s31+$0x0]  }
0x3e9: {  	vm0 =	vgt.s32 v14, v15  }
0x3ea: {  	v14 =	vsel vm0, v14, v15  }
0x3eb: {  	v15 =	vperm.xlane v14, v2  }
0x3ec: {  	s0 =	simm.s32 $0xA030;
	(xrf0) =	vadd.scan.msk.s32 $0xffff, v16  }
0x3ed: {  	vm0 =	vgt.s32 v14, v15;
	v16 =	vld [tilespmem:s0+$0xFFFFFFF0];
	(xrf0) =	vadd.scan.msk.s32 $0xffff, v17  }
0x3ee: {  	v14 =	vsel vm0, v14, v15;
	v17 =	vld [tilespmem:s0+$0x0]  }
0x3ef: {  	v15 =	vperm.xlane v14, v3;
	_ =	sdelay $0x1  }
0x3f0: {  	[tilespmem:s31+$0xFFFFFFF0] =	vst v7;
	vm0 =	vgt.s32 v14, v15  }
0x3f1: {  	s2 =	simm.s32 $0xA050;
	s3 =	simm.s32 $0xA410;
	[tilespmem:s31+$0x0] =	vst v7;
	v14 =	vsel vm0, v14, v15;
	(xrf0) =	vadd.scan.msk.s32 $0xffff, v16;
	v18, _, _ =	vpop (xrf0)  }
0x3f2: {  	s4 =	simm.s32 $0x4;
	v16 =	vld [tilespmem:s2+$0xFFFFFFF0];
	v15 =	vperm.xlane v14, v6;
	(xrf0) =	vadd.scan.msk.s32 $0xffff, v17;
	[tilespmem:s3+$0xFFFFFFF0] =	vst v18;
	v17, _, _ =	vpop (xrf0)  }
.LBB2_24:
0x3f3: {  	s4 =	sadd.s32 $0x2, s4  }
0x3f4: {  	v18 =	vld [tilespmem:s2+$0x0];
	[tilespmem:s3+$0x0] =	vst v17;
	s3 =	sadd.s32 $0x20, s3;
	p0 =	slt.u32 s4, $0x3E  }
.Ltmp11:
0x3f5: {  	(pc) =	sbr.rel @p0 .LBB2_24-.Ltmp11, $4  }
0x3f6: {  	_ = 	snop  }
0x3f7: {  	[tilespmem:s0+$0xFFFFFFF0] =	vst v7  }
0x3f8: {  	(xrf0) =	vadd.scan.msk.s32 $0xffff, v16;
	[tilespmem:s0+$0x0] =	vst v7;
	v17, _, _ =	vpop (xrf0);
	s0 =	smov.u32 s2;
	s2 =	sadd.s32 $0x20, s2  }
0x3f9: {  	v16 =	vld [tilespmem:s2+$0xFFFFFFF0];
	(xrf0) =	vadd.scan.msk.s32 $0xffff, v18;
	[tilespmem:s3+$0xFFFFFFF0] =	vst v17;
	v17, _, _ =	vpop (xrf0)  }
0x3fa: {  	v18 =	vld [tilespmem:s2+$0x0];
	_ =	sdelay $0x3  }
0x3fb: {  	[tilespmem:s3+$0x0] =	vst v17;
	(xrf0) =	vadd.scan.msk.s32 $0xffff, v16  }
0x3fc: {  	[tilespmem:s0+$0xFFFFFFF0] =	vst v7;
	(xrf0) =	vadd.scan.msk.s32 $0xffff, v18  }
0x3fd: {  	[tilespmem:s0+$0x0] =	vst v7  }
0x3fe: {  	[tilespmem:s2+$0xFFFFFFF0] =	vst v7  }
0x3ff: {  	s17 =	sadd.s32 $0x20, s3;
	[tilespmem:s2+$0x0] =	vst v7;
	v16, _, _ =	vpop (xrf0)  }
0x400: {  	[tilespmem:s17+$0xFFFFFFF0] =	vst v16;
	v16, _, _ =	vpop (xrf0)  }
0x401: {  	s18 =	sadd.s32 $0x20, s17;
	[tilespmem:s17+$0x0] =	vst v16;
	v16, _, _ =	vpop (xrf0)  }
0x402: {  	[tilespmem:s18+$0xFFFFFFF0] =	vst v16;
	v16, _, _ =	vpop (xrf0)  }
0x403: {  	[tilespmem:s18+$0x0] =	vst v16  }
0x404: {  	v16 =	vld.idx.msk [tilespmem:v9+s23+$0x0], $0xffff;
	_ =	sdelay $0x2  }
0x405: {  	v17 =	vld.idx.msk [tilespmem:v11+s23+$0x0], $0xffff;
	_ =	sdelay $0x1  }
0x406: {  	(xrf0) =	vadd.scan.msk.s32 $0xffff, v16;
	_ =	sdelay $0x1  }
0x407: {  	v18 =	vld.idx.msk [tilespmem:v12+s23+$0x0], $0xffff  }
0x408: {  	(xrf0) =	vadd.scan.msk.s32 $0xffff, v17;
	_ =	sdelay $0x2  }
0x409: {  	v20 =	vld.idx.msk [tilespmem:v13+s23+$0x0], $0xffff;
	v19, _, _ =	vpop (xrf0)  }
0x40a: {  	(xrf0) =	vadd.scan.msk.s32 $0xffff, v18;
	vm0 =	vgt.s32 v19, $0x1000  }
0x40b: {  	v22 =	vperm.xlane v19, v10;
	v21 =	vmctz.xlane vm0  }
0x40c: {  	v23, _, _ =	vpop (xrf0)  }
0x40d: {  	v24 =	vmpcnt.ones.xlane vm0;
	v22 =	vadd.s32 v22, v23;
	vm0 =	vlt.s32 v21, $0xF  }
0x40e: {  	(xrf0) =	vadd.scan.msk.s32 $0xffff, v20;
	v23 =	vnsel vm0, $0xF, v21;
	vm0 =	vgt.s32 v22, $0x1000  }
0x40f: {  	vm1 =	vgt.s32 v24, $0x0;
	v25 =	vperm.xlane v22, v10;
	v24 =	vmctz.xlane vm0  }
0x410: {  	v27, _, _ =	vpop (xrf0);
	v28 =	vmpcnt.ones.xlane vm0  }
0x411: {  	v26 =	vnsel vm1, $0xFFFFFFFF, v23;
	v25 =	vadd.s32 v25, v27;
	vm0 =	vlt.s32 v24, $0xF  }
0x412: {  	vm2 =	vgt.s32 v25, $0x1000;
	vm3 =	vgt.s32 v28, $0x0;
	v29 =	vperm.xlane v25, v10  }
0x413: {  	v27 =	vnsel vm0, $0xF, v24;
	vm0 =	vlt.s32 v26, $0x0;
	v57 =	vmctz.xlane vm2  }
0x414: {  	v31, _, _ =	vpop (xrf0);
	v32 =	vmpcnt.ones.xlane vm2;
	vm0 =	vmand vm0, vm3  }
0x415: {  	v30 =	vadd.s32 $0x10, v27;
	v29 =	vadd.s32 v29, v31;
	vm2 =	vlt.s32 v57, $0xF  }
0x416: {  	v26 =	vsel vm0, v30, v26;
	vm3 =	vgt.s32 v29, $0x1000;
	vm4 =	vgt.s32 v32, $0x0  }
0x417: {  	v58 =	vnsel vm2, $0xF, v57;
	vm2 =	vlt.s32 v26, $0x0;
	v59 =	vmctz.xlane vm3  }
0x418: {  	v34 =	vmpcnt.ones.xlane vm3;
	vm2 =	vmand vm2, vm4;
	v33 =	vadd.s32 $0x20, v58  }
0x419: {  	v26 =	vsel vm2, v33, v26;
	vm3 =	vlt.s32 v59, $0xF  }
0x41a: {  	vm13 =	vgt.s32 v34, $0x0;
	v60 =	vnsel vm3, $0xF, v59;
	vm3 =	vlt.s32 v26, $0x0  }
0x41b: {  	vm3 =	vmand vm3, vm13;
	v61 =	vadd.s32 $0x30, v60  }
0x41c: {  	v26 =	vsel vm3, v61, v26  }
0x41d: {  	v34 =	vxor.u32 $0x80000000, v26  }
0x41e: {  	(xrf0) =	vmax.scan.msk.u32 $0xffff, v34;
	_ =	sdelay $0x5  }
0x41f: {  	v34, _, _ =	vpop (xrf0)  }
0x420: {  	(v2sf) =	vpush v34, $0xF;
	_ =	sdelay $0x8  }
0x421: {  	v21 =	vshrl.u32 v21, $0x1B  }
0x422: {  	v21 =	vand.u32 $0x10, v21  }
0x423: {  	v21 =	vadd.s32 v23, v21  }
0x424: {  	v19 =	vperm.xlane v19, v21;
	v16 =	vperm.xlane v16, v21;
	_ =	sdelay $0x1  }
0x425: {  	vm14 =	vlt.s32 v24, $0x0;
	v16 =	vsub.s32 v19, v16  }
0x426: {  	v19 =	vsel vm14, v30, v27;
	v16 =	vnsel vm1, $0x0, v16;
	v21 =	vshrl.u32 v57, $0x1B;
	s30 =	spop (v2sf)  }
0x427: {  	v22 =	vperm.xlane v22, v19;
	v21 =	vand.u32 $0x10, v21;
	v23 =	vshrl.u32 v59, $0x1B;
	s0 =	sshll.u32 s30, $0x6  }
0x428: {  	v17 =	vperm.xlane v17, v19;
	v19 =	vadd.s32 v58, v21;
	v21 =	vand.u32 $0x10, v23;
	s0 =	sshra.s32 s0, $0x2  }
0x429: {  	v18 =	vperm.xlane v18, v19;
	v23 =	vperm.xlane v25, v19;
	v21 =	vadd.s32 v60, v21;
	v19 =	vld [tilespmem:s0+$0xA400]  }
0x42a: {  	v17 =	vsub.s32 v22, v17;
	v22 =	vperm.xlane v29, v21;
	v20 =	vperm.xlane v20, v21  }
0x42b: {  	v16 =	vsel vm0, v17, v16;
	v17 =	vsub.s32 v23, v18  }
0x42c: {  	v16 =	vsel vm2, v17, v16;
	v17 =	vsub.s32 v22, v20  }
0x42d: {  	v17 =	vsel vm3, v17, v16  }
0x42e: {  	s31 =	simm.s32 $0x8040;
	v16 =	vadd.s32 v19, v17  }
0x42f: {  	v20 =	vld [tilespmem:s31+$0x0];
	vm0 =	vgt.s32 v16, $0x1000  }
0x430: {  	v18 =	vmctz.xlane vm0;
	_ =	sdelay $0x1  }
0x431: {  	vm0 =	vlt.s32 v18, $0xF  }
0x432: {  	v16 =	vshll.u32 v26, $0x4;
	v21 =	vnsel vm0, $0xF, v18  }
0x433: {  	v22 =	vshrl.u32 v20, $0x14;
	v16 =	vadd.s32 v16, v21  }
0x434: {  	v20 =	vshrl.u32 v20, $0xA;
	vm0 =	veq.s32 v22, v16  }
0x435: {  	v20 =	vand.u32 $0x3FF, v20;
	_ =	sdelay $0x1  }
0x436: {  	v22 =	vld [tilespmem:s31+$0xFFFFFFC0];
	_ =	sdelay $0x2  }
0x437: {  	[tilespmem:v20+s22+$0x0] =	vst.idx.add.s32.msk vm0, v8  }
0x438: {  	v20 =	vld [tilespmem:s31+$0x10]  }
0x439: {  	v23 =	vshrl.u32 v22, $0x14  }
0x43a: {  	s0 =	simm.s32 $0x80C0;
	v22 =	vshrl.u32 v22, $0xA;
	vm0 =	veq.s32 v23, v16  }
0x43b: {  	v23 =	vld [tilespmem:s0+$0x0];
	v22 =	vand.u32 $0x3FF, v22;
	_ =	sdelay $0x1  }
0x43c: {  	v24 =	vshrl.u32 v20, $0x14  }
0x43d: {  	v20 =	vshrl.u32 v20, $0xA;
	vm1 =	veq.s32 v24, v16  }
0x43e: {  	v20 =	vand.u32 $0x3FF, v20  }
0x43f: {  	[tilespmem:v22+s22+$0x0] =	vst.idx.add.s32.msk vm0, v8;
	v24 =	vshrl.u32 v23, $0x14  }
0x440: {  	v22 =	vshrl.u32 v23, $0xA;
	v23 =	vld [tilespmem:s31+$0xFFFFFFD0];
	vm0 =	veq.s32 v24, v16  }
0x441: {  	v22 =	vand.u32 $0x3FF, v22;
	v24 =	vld [tilespmem:s0+$0xFFFFFFC0];
	_ =	sdelay $0x1  }
0x442: {  	[tilespmem:v20+s22+$0x0] =	vst.idx.add.s32.msk vm1, v8  }
0x443: {  	v20 =	vld [tilespmem:s31+$0x20]  }
0x444: {  	v25 =	vshrl.u32 v23, $0x14  }
0x445: {  	[tilespmem:v22+s22+$0x0] =	vst.idx.add.s32.msk vm0, v8;
	v22 =	vshrl.u32 v23, $0xA;
	vm0 =	veq.s32 v25, v16;
	v23 =	vshrl.u32 v24, $0x14  }
0x446: {  	v24 =	vshrl.u32 v24, $0xA;
	v25 =	vld [tilespmem:s0+$0x10];
	v22 =	vand.u32 $0x3FF, v22;
	vm1 =	veq.s32 v23, v16  }
0x447: {  	s2 =	simm.s32 $0x8140;
	v23 =	vand.u32 $0x3FF, v24  }
0x448: {  	v26 =	vld [tilespmem:s2+$0x0];
	v24 =	vshrl.u32 v20, $0x14  }
0x449: {  	v20 =	vshrl.u32 v20, $0xA;
	vm2 =	veq.s32 v24, v16  }
0x44a: {  	v20 =	vand.u32 $0x3FF, v20;
	v24 =	vld [tilespmem:s2+$0xFFFFFFC0]  }
0x44b: {  	v27 =	vshrl.u32 v25, $0x14;
	[tilespmem:v22+s22+$0x0] =	vst.idx.add.s32.msk vm0, v8  }
0x44c: {  	v22 =	vshrl.u32 v25, $0xA;
	vm0 =	veq.s32 v27, v16;
	[tilespmem:v23+s22+$0x0] =	vst.idx.add.s32.msk vm1, v8  }
0x44d: {  	v22 =	vand.u32 $0x3FF, v22;
	v23 =	vshrl.u32 v26, $0x14;
	v25 =	vld [tilespmem:s0+$0xFFFFFFD0]  }
0x44e: {  	v26 =	vshrl.u32 v26, $0xA;
	vm1 =	veq.s32 v23, v16  }
0x44f: {  	[tilespmem:v20+s22+$0x0] =	vst.idx.add.s32.msk vm2, v8;
	v20 =	vand.u32 $0x3FF, v26  }
0x450: {  	v23 =	vshrl.u32 v24, $0x14;
	v26 =	vld [tilespmem:s31+$0x30]  }
0x451: {  	v27 =	vld [tilespmem:s31+$0xFFFFFFE0];
	v24 =	vshrl.u32 v24, $0xA;
	vm2 =	veq.s32 v23, v16  }
0x452: {  	v23 =	vand.u32 $0x3FF, v24;
	[tilespmem:v22+s22+$0x0] =	vst.idx.add.s32.msk vm0, v8;
	v22 =	vshrl.u32 v25, $0x14  }
0x453: {  	v25 =	vshrl.u32 v25, $0xA;
	v24 =	vld [tilespmem:s0+$0x20];
	vm0 =	veq.s32 v22, v16  }
0x454: {  	[tilespmem:v20+s22+$0x0] =	vst.idx.add.s32.msk vm1, v8;
	v20 =	vand.u32 $0x3FF, v25  }
0x455: {  	s4 =	simm.s32 $0x81C0;
	v22 =	vshrl.u32 v26, $0x14;
	v25 =	vld [tilespmem:s2+$0x10]  }
0x456: {  	v62 =	vld [tilespmem:s4+$0x0];
	v26 =	vshrl.u32 v26, $0xA;
	vm1 =	veq.s32 v22, v16;
	v22 =	vshrl.u32 v27, $0x14  }
0x457: {  	[tilespmem:v23+s22+$0x0] =	vst.idx.add.s32.msk vm2, v8;
	v23 =	vand.u32 $0x3FF, v26;
	v26 =	vshrl.u32 v27, $0xA;
	vm2 =	veq.s32 v22, v16  }
0x458: {  	v27 =	vshrl.u32 v24, $0x14;
	v22 =	vld [tilespmem:s2+$0xFFFFFFD0];
	v26 =	vand.u32 $0x3FF, v26  }
0x459: {  	[tilespmem:v20+s22+$0x0] =	vst.idx.add.s32.msk vm0, v8;
	v20 =	vshrl.u32 v24, $0xA;
	vm0 =	veq.s32 v27, v16  }
0x45a: {  	v27 =	vld [tilespmem:s4+$0xFFFFFFC0];
	v24 =	vshrl.u32 v25, $0x14;
	v20 =	vand.u32 $0x3FF, v20  }
0x45b: {  	vm3 =	veq.s32 v24, v16;
	v24 =	vld [tilespmem:s0+$0xFFFFFFE0]  }
0x45c: {  	v25 =	vshrl.u32 v25, $0xA;
	[tilespmem:v23+s22+$0x0] =	vst.idx.add.s32.msk vm1, v8  }
0x45d: {  	v23 =	vand.u32 $0x3FF, v25;
	v25 =	vshrl.u32 v22, $0x14;
	[tilespmem:v26+s22+$0x0] =	vst.idx.add.s32.msk vm2, v8  }
0x45e: {  	v22 =	vshrl.u32 v22, $0xA;
	v26 =	vshrl.u32 v62, $0x14;
	vm1 =	veq.s32 v25, v16;
	v25 =	vld [tilespmem:s31+$0xFFFFFFF0]  }
0x45f: {  	v28 =	vshrl.u32 v62, $0xA;
	v22 =	vand.u32 $0x3FF, v22;
	vm2 =	veq.s32 v26, v16;
	[tilespmem:v20+s22+$0x0] =	vst.idx.add.s32.msk vm0, v8  }
0x460: {  	v21 =	vadd.s32 $0xFFFFFFFF, v21;
	v26 =	vand.u32 $0x3FF, v28;
	v20 =	vshrl.u32 v27, $0x14;
	v63 =	vld [tilespmem:s0+$0x30]  }
0x461: {  	v27 =	vshrl.u32 v27, $0xA;
	vm0 =	vgt.s32 v21, $0x0;
	vm15 =	veq.s32 v20, v16  }
0x462: {  	v27 =	vand.u32 $0x3FF, v27;
	v20 =	vnsel vm0, $0x0, v21;
	[tilespmem:v23+s22+$0x0] =	vst.idx.add.s32.msk vm3, v8  }
0x463: {  	v19 =	vperm.xlane v19, v20;
	v20 =	vshrl.u32 v24, $0x14;
	v23 =	vld [tilespmem:s2+$0x20]  }
0x464: {  	[tilespmem:v22+s22+$0x0] =	vst.idx.add.s32.msk vm1, v8;
	vm1 =	veq.s32 v20, v16;
	v20 =	vshrl.u32 v25, $0x14;
	v22 =	vshrl.u32 v25, $0xA  }
0x465: {  	[tilespmem:v26+s22+$0x0] =	vst.idx.add.s32.msk vm2, v8;
	vm0 =	veq.s32 v20, v16;
	v20 =	vand.u32 $0x3FF, v22;
	v22 =	vshrl.u32 v63, $0x14  }
0x466: {  	v21 =	vshrl.u32 v24, $0xA;
	v24 =	vld [tilespmem:s4+$0x10];
	v25 =	vshrl.u32 v63, $0xA;
	vm2 =	veq.s32 v22, v16  }
0x467: {  	[tilespmem:v27+s22+$0x0] =	vst.idx.add.s32.msk vm15, v8;
	v22 =	vand.u32 $0x3FF, v25  }
0x468: {  	s3 =	simm.s32 $0x4;
	s5 =	simm.s32 $0x6;
	s6 =	simm.s32 $0x8240;
	v21 =	vand.u32 $0x3FF, v21;
	v25 =	vld [tilespmem:s4+$0xFFFFFFD0];
	v26 =	vshrl.u32 v23, $0x14  }
.LBB2_26:
0x469: {  	v27 =	vld [tilespmem:s6+$0x0];
	s5 =	sadd.s32 $0x2, s5;
	v23 =	vshrl.u32 v23, $0xA;
	vm3 =	veq.s32 v26, v16  }
0x46a: {  	v26 =	vld [tilespmem:s6+$0xFFFFFFC0];
	p0 =	slt.u32 s5, $0x7E;
	v23 =	vand.u32 $0x3FF, v23  }
0x46b: {  	v28 =	vshrl.u32 v24, $0x14;
	v29 =	vld [tilespmem:s2+$0xFFFFFFE0]  }
0x46c: {  	v24 =	vshrl.u32 v24, $0xA;
	vm4 =	veq.s32 v28, v16;
	[tilespmem:v22+s22+$0x0] =	vst.idx.add.s32.msk vm2, v8  }
0x46d: {  	v24 =	vand.u32 $0x3FF, v24;
	v22 =	vshrl.u32 v25, $0x14;
	v25 =	vshrl.u32 v25, $0xA;
	[tilespmem:v21+s22+$0x0] =	vst.idx.add.s32.msk vm1, v8  }
0x46e: {  	v21 =	vshrl.u32 v27, $0x14;
	vm2 =	veq.s32 v22, v16;
	v22 =	vand.u32 $0x3FF, v25;
	v25 =	vld [tilespmem:s0+$0xFFFFFFF0];
	s0 =	smov.u32 s2;
	s2 =	smov.u32 s4;
	s4 =	smov.u32 s6  }
0x46f: {  	v27 =	vshrl.u32 v27, $0xA;
	v28 =	vshrl.u32 v26, $0x14;
	vm5 =	veq.s32 v21, v16;
	[tilespmem:v23+s22+$0x0] =	vst.idx.add.s32.msk vm3, v8  }
0x470: {  	v21 =	vshrl.u32 v26, $0xA;
	v26 =	vand.u32 $0x3FF, v27;
	vm3 =	veq.s32 v28, v16;
	v27 =	vld [tilespmem:s0+$0x30]  }
0x471: {  	v28 =	vand.u32 $0x3FF, v21;
	v21 =	vshrl.u32 v29, $0x14;
	v23 =	vshrl.u32 v29, $0xA;
	[tilespmem:v20+s22+$0x0] =	vst.idx.add.s32.msk vm0, v8  }
0x472: {  	vm1 =	veq.s32 v21, v16;
	v21 =	vand.u32 $0x3FF, v23;
	[tilespmem:v24+s22+$0x0] =	vst.idx.add.s32.msk vm4, v8  }
0x473: {  	v23 =	vld [tilespmem:s2+$0x20];
	v20 =	vshrl.u32 v25, $0x14;
	v24 =	vshrl.u32 v25, $0xA  }
.Ltmp12:
0x474: {  	[tilespmem:v22+s22+$0x0] =	vst.idx.add.s32.msk vm2, v8;
	vm0 =	veq.s32 v20, v16;
	v20 =	vand.u32 $0x3FF, v24;
	(pc) =	sbr.rel @p0 .LBB2_26-.Ltmp12, $4  }
0x475: {  	[tilespmem:v26+s22+$0x0] =	vst.idx.add.s32.msk vm5, v8;
	v22 =	vshrl.u32 v27, $0x14  }
0x476: {  	v25 =	vshrl.u32 v27, $0xA;
	v24 =	vld [tilespmem:s6+$0x10];
	vm2 =	veq.s32 v22, v16  }
0x477: {  	v22 =	vand.u32 $0x3FF, v25;
	[tilespmem:v28+s22+$0x0] =	vst.idx.add.s32.msk vm3, v8  }
0x478: {  	s6 =	sadd.s32 $0x80, s6;
	v25 =	vld [tilespmem:s4+$0xFFFFFFD0];
	v26 =	vshrl.u32 v23, $0x14  }
0x479: {  	_ =	sdelay $0x1  }
0x47a: {  	v27 =	vshrl.u32 v24, $0x14  }
0x47b: {  	v52 =	vshrl.u32 v24, $0xA;
	vm3 =	veq.s32 v27, v16  }
0x47c: {  	v24 =	vand.u32 $0x3FF, v52;
	v53 =	vshrl.u32 v25, $0x14  }
0x47d: {  	v54 =	vshrl.u32 v25, $0xA;
	vm4 =	veq.s32 v53, v16  }
0x47e: {  	v25 =	vand.u32 $0x3FF, v54;
	_ =	sdelay $0x1  }
0x47f: {  	v55 =	vld [tilespmem:s2+$0xFFFFFFE0]  }
0x480: {  	[tilespmem:v24+s22+$0x0] =	vst.idx.add.s32.msk vm3, v8  }
0x481: {  	v24 =	vld [tilespmem:s4+$0x20]  }
0x482: {  	[tilespmem:v25+s22+$0x0] =	vst.idx.add.s32.msk vm4, v8  }
0x483: {  	v23 =	vshrl.u32 v23, $0xA;
	vm8 =	veq.s32 v26, v16;
	v25 =	vld [tilespmem:s4+$0xFFFFFFE0]  }
0x484: {  	v23 =	vand.u32 $0x3FF, v23;
	v56 =	vshrl.u32 v55, $0x14  }
0x485: {  	v27 =	vshrl.u32 v55, $0xA;
	vm9 =	veq.s32 v56, v16  }
0x486: {  	v27 =	vand.u32 $0x3FF, v27;
	v57 =	vshrl.u32 v24, $0x14  }
0x487: {  	[tilespmem:v21+s22+$0x0] =	vst.idx.add.s32.msk vm1, v8;
	v24 =	vshrl.u32 v24, $0xA;
	vm5 =	veq.s32 v57, v16  }
0x488: {  	v58 =	vld [tilespmem:s0+$0xFFFFFFF0];
	v21 =	vand.u32 $0x3FF, v24;
	v59 =	vshrl.u32 v25, $0x14  }
0x489: {  	[tilespmem:v23+s22+$0x0] =	vst.idx.add.s32.msk vm8, v8;
	v23 =	vshrl.u32 v25, $0xA;
	vm10 =	veq.s32 v59, v16  }
0x48a: {  	v60 =	vld [tilespmem:s2+$0x30];
	v23 =	vand.u32 $0x3FF, v23  }
0x48b: {  	[tilespmem:v27+s22+$0x0] =	vst.idx.add.s32.msk vm9, v8  }
0x48c: {  	v61 =	vld [tilespmem:s2+$0xFFFFFFF0]  }
0x48d: {  	[tilespmem:v21+s22+$0x0] =	vst.idx.add.s32.msk vm5, v8  }
0x48e: {  	v21 =	vld [tilespmem:s4+$0x30]  }
0x48f: {  	[tilespmem:v23+s22+$0x0] =	vst.idx.add.s32.msk vm10, v8  }
0x490: {  	v24 =	vshrl.u32 v58, $0xA;
	v62 =	vld [tilespmem:s4+$0xFFFFFFF0]  }
0x491: {  	v25 =	vshrl.u32 v60, $0xA;
	v24 =	vand.u32 $0x3FF, v24;
	v23 =	vshrl.u32 v58, $0x14  }
0x492: {  	v25 =	vand.u32 $0x3FF, v25;
	vm11 =	veq.s32 v23, v16;
	v23 =	vshrl.u32 v60, $0x14  }
0x493: {  	v26 =	vshrl.u32 v61, $0xA;
	vm12 =	veq.s32 v23, v16;
	v23 =	vshrl.u32 v21, $0x14  }
0x494: {  	v21 =	vshrl.u32 v21, $0xA;
	vm13 =	veq.s32 v23, v16;
	v23 =	vshrl.u32 v61, $0x14  }
0x495: {  	v21 =	vand.u32 $0x3FF, v21;
	vm14 =	veq.s32 v23, v16;
	v23 =	vshrl.u32 v62, $0x14  }
0x496: {  	[tilespmem:v22+s22+$0x0] =	vst.idx.add.s32.msk vm2, v8;
	v22 =	vand.u32 $0x3FF, v26;
	v63 =	vshrl.u32 v62, $0xA;
	vm15 =	veq.s32 v23, v16  }
0x497: {  	[tilespmem:v20+s22+$0x0] =	vst.idx.add.s32.msk vm0, v8;
	v20 =	vand.u32 $0x3FF, v63  }
0x498: {  	[tilespmem:v24+s22+$0x0] =	vst.idx.add.s32.msk vm11, v8  }
0x499: {  	[tilespmem:v25+s22+$0x0] =	vst.idx.add.s32.msk vm12, v8  }
0x49a: {  	[tilespmem:v21+s22+$0x0] =	vst.idx.add.s32.msk vm13, v8  }
0x49b: {  	[tilespmem:v22+s22+$0x0] =	vst.idx.add.s32.msk vm14, v8  }
0x49c: {  	s5 =	simm.s32 $0xA010;
	[tilespmem:v20+s22+$0x0] =	vst.idx.add.s32.msk vm15, v8  }
0x49d: {  	v20 =	vld [tilespmem:s5+$0xFFFFFFF0]  }
0x49e: {  	v21 =	vld [tilespmem:s5+$0x0];
	_ =	sdelay $0x3  }
0x49f: {  	s2 =	simm.s32 $0xA030;
	(xrf0) =	vadd.scan.msk.s32 $0xffff, v20  }
0x4a0: {  	v20 =	vld [tilespmem:s2+$0xFFFFFFF0];
	(xrf0) =	vadd.scan.msk.s32 $0xffff, v21  }
0x4a1: {  	v21 =	vld [tilespmem:s2+$0x0];
	_ =	sdelay $0x2  }
0x4a2: {  	[tilespmem:s5+$0xFFFFFFF0] =	vst v7  }
0x4a3: {  	s0 =	simm.s32 $0xA050;
	s4 =	simm.s32 $0xA410;
	[tilespmem:s5+$0x0] =	vst v7;
	(xrf0) =	vadd.scan.msk.s32 $0xffff, v20;
	v22, _, _ =	vpop (xrf0)  }
0x4a4: {  	v20 =	vld [tilespmem:s0+$0xFFFFFFF0];
	(xrf0) =	vadd.scan.msk.s32 $0xffff, v21;
	[tilespmem:s4+$0xFFFFFFF0] =	vst v22;
	v21, _, _ =	vpop (xrf0)  }
.LBB2_28:
0x4a5: {  	s3 =	sadd.s32 $0x2, s3  }
0x4a6: {  	v22 =	vld [tilespmem:s0+$0x0];
	[tilespmem:s4+$0x0] =	vst v21;
	s4 =	sadd.s32 $0x20, s4;
	p0 =	slt.u32 s3, $0x3E  }
.Ltmp13:
0x4a7: {  	(pc) =	sbr.rel @p0 .LBB2_28-.Ltmp13, $4  }
0x4a8: {  	_ = 	snop  }
0x4a9: {  	[tilespmem:s2+$0xFFFFFFF0] =	vst v7  }
0x4aa: {  	(xrf0) =	vadd.scan.msk.s32 $0xffff, v20;
	[tilespmem:s2+$0x0] =	vst v7;
	v21, _, _ =	vpop (xrf0);
	s2 =	smov.u32 s0;
	s0 =	sadd.s32 $0x20, s0  }
0x4ab: {  	v20 =	vld [tilespmem:s0+$0xFFFFFFF0];
	(xrf0) =	vadd.scan.msk.s32 $0xffff, v22;
	[tilespmem:s4+$0xFFFFFFF0] =	vst v21;
	v21, _, _ =	vpop (xrf0)  }
0x4ac: {  	v22 =	vld [tilespmem:s0+$0x0];
	_ =	sdelay $0x3  }
0x4ad: {  	[tilespmem:s4+$0x0] =	vst v21;
	(xrf0) =	vadd.scan.msk.s32 $0xffff, v20  }
0x4ae: {  	[tilespmem:s2+$0xFFFFFFF0] =	vst v7;
	(xrf0) =	vadd.scan.msk.s32 $0xffff, v22  }
0x4af: {  	[tilespmem:s2+$0x0] =	vst v7  }
0x4b0: {  	[tilespmem:s0+$0xFFFFFFF0] =	vst v7  }
0x4b1: {  	s3 =	sadd.s32 $0x20, s4;
	[tilespmem:s0+$0x0] =	vst v7;
	v20, _, _ =	vpop (xrf0)  }
0x4b2: {  	[tilespmem:s3+$0xFFFFFFF0] =	vst v20;
	v20, _, _ =	vpop (xrf0)  }
0x4b3: {  	s18 =	sadd.s32 $0x20, s3;
	[tilespmem:s3+$0x0] =	vst v20;
	v20, _, _ =	vpop (xrf0)  }
0x4b4: {  	[tilespmem:s18+$0xFFFFFFF0] =	vst v20;
	v20, _, _ =	vpop (xrf0)  }
0x4b5: {  	[tilespmem:s18+$0x0] =	vst v20  }
0x4b6: {  	v20 =	vld.idx.msk [tilespmem:v9+s23+$0x0], $0xffff;
	_ =	sdelay $0x1  }
0x4b7: {  	v21 =	vld.idx.msk [tilespmem:v11+s23+$0x0], $0xffff;
	_ =	sdelay $0x2  }
0x4b8: {  	(xrf0) =	vadd.scan.msk.s32 $0xffff, v20  }
0x4b9: {  	v22 =	vld.idx.msk [tilespmem:v12+s23+$0x0], $0xffff  }
0x4ba: {  	vm0 =	vgt.s32 v18, $0x0;
	(xrf0) =	vadd.scan.msk.s32 $0xffff, v21  }
0x4bb: {  	v18 =	vnsel vm0, $0x0, v19;
	_ =	sdelay $0x1  }
0x4bc: {  	v17 =	vadd.s32 v18, v17;
	v19 =	vld.idx.msk [tilespmem:v13+s23+$0x0], $0xffff  }
0x4bd: {  	v17 =	vsub.s32 $0x1001, v17;
	v18, _, _ =	vpop (xrf0);
	(xrf0) =	vadd.scan.msk.s32 $0xffff, v22  }
0x4be: {  	vm0 =	vge.s32 v18, v17;
	v24 =	vperm.xlane v18, v10  }
0x4bf: {  	v25, _, _ =	vpop (xrf0);
	v23 =	vmctz.xlane vm0  }
0x4c0: {  	v26 =	vmpcnt.ones.xlane vm0;
	v24 =	vadd.s32 v24, v25  }
0x4c1: {  	(xrf0) =	vadd.scan.msk.s32 $0xffff, v19;
	vm0 =	vlt.s32 v23, $0xF;
	vm1 =	vge.s32 v24, v17;
	v27 =	vperm.xlane v24, v10  }
0x4c2: {  	v25 =	vnsel vm0, $0xF, v23;
	vm0 =	vgt.s32 v26, $0x0;
	v26 =	vmctz.xlane vm1  }
0x4c3: {  	v30 =	vmpcnt.ones.xlane vm1;
	v29, _, _ =	vpop (xrf0)  }
0x4c4: {  	v28 =	vnsel vm0, $0xFFFFFFFF, v25;
	vm1 =	vlt.s32 v26, $0xF;
	v27 =	vadd.s32 v27, v29  }
0x4c5: {  	vm3 =	vgt.s32 v30, $0x0;
	v29 =	vnsel vm1, $0xF, v26;
	vm2 =	vge.s32 v27, v17  }
0x4c6: {  	vm1 =	vlt.s32 v28, $0x0;
	v31 =	vperm.xlane v27, v10;
	v58 =	vmctz.xlane vm2  }
0x4c7: {  	v33, _, _ =	vpop (xrf0);
	vm1 =	vmand vm1, vm3;
	v32 =	vadd.s32 $0x10, v29;
	v34 =	vmpcnt.ones.xlane vm2  }
0x4c8: {  	v31 =	vadd.s32 v31, v33;
	v28 =	vsel vm1, v32, v28  }
0x4c9: {  	vm2 =	vlt.s32 v58, $0xF;
	vm3 =	vge.s32 v31, v17;
	vm4 =	vgt.s32 v34, $0x0  }
0x4ca: {  	v59 =	vnsel vm2, $0xF, v58;
	vm2 =	vlt.s32 v28, $0x0;
	v60 =	vmctz.xlane vm3  }
0x4cb: {  	v36 =	vmpcnt.ones.xlane vm3;
	vm2 =	vmand vm2, vm4;
	v35 =	vadd.s32 $0x20, v59  }
0x4cc: {  	v28 =	vsel vm2, v35, v28;
	vm3 =	vlt.s32 v60, $0xF  }
0x4cd: {  	vm13 =	vgt.s32 v36, $0x0;
	v61 =	vnsel vm3, $0xF, v60;
	vm3 =	vlt.s32 v28, $0x0  }
0x4ce: {  	vm3 =	vmand vm3, vm13;
	v62 =	vadd.s32 $0x30, v61  }
0x4cf: {  	v28 =	vsel vm3, v62, v28  }
0x4d0: {  	v36 =	vxor.u32 $0x80000000, v28  }
0x4d1: {  	(xrf0) =	vmax.scan.msk.u32 $0xffff, v36;
	_ =	sdelay $0x5  }
0x4d2: {  	v36, _, _ =	vpop (xrf0)  }
0x4d3: {  	(v2sf) =	vpush v36, $0xF;
	_ =	sdelay $0x9  }
0x4d4: {  	v23 =	vshrl.u32 v23, $0x1B  }
0x4d5: {  	v23 =	vand.u32 $0x10, v23  }
0x4d6: {  	v23 =	vadd.s32 v25, v23  }
0x4d7: {  	vm14 =	vlt.s32 v26, $0x0;
	v18 =	vperm.xlane v18, v23;
	v20 =	vperm.xlane v20, v23  }
0x4d8: {  	v23 =	vsel vm14, v32, v29  }
0x4d9: {  	v18 =	vsub.s32 v18, v20;
	v20 =	vperm.xlane v24, v23;
	v24 =	vshrl.u32 v58, $0x1B;
	s30 =	spop (v2sf)  }
0x4da: {  	v21 =	vperm.xlane v21, v23;
	v23 =	vand.u32 $0x10, v24;
	v24 =	vshrl.u32 v60, $0x1B;
	s0 =	sshll.u32 s30, $0x6  }
0x4db: {  	v18 =	vnsel vm0, $0x0, v18;
	v23 =	vadd.s32 v59, v23;
	v24 =	vand.u32 $0x10, v24;
	s0 =	sshra.s32 s0, $0x2  }
0x4dc: {  	v25 =	vperm.xlane v27, v23;
	v22 =	vperm.xlane v22, v23;
	v23 =	vadd.s32 v61, v24;
	v26 =	vld [tilespmem:s0+$0xA400]  }
0x4dd: {  	v20 =	vsub.s32 v20, v21;
	v21 =	vperm.xlane v31, v23;
	v19 =	vperm.xlane v19, v23  }
0x4de: {  	v18 =	vsel vm1, v20, v18;
	v20 =	vsub.s32 v25, v22  }
0x4df: {  	v18 =	vsel vm2, v20, v18;
	v19 =	vsub.s32 v21, v19  }
0x4e0: {  	v18 =	vsel vm3, v19, v18  }
0x4e1: {  	v19 =	vadd.s32 v26, v18  }
0x4e2: {  	s31 =	simm.s32 $0x8040;
	vm0 =	vge.s32 v19, v17  }
0x4e3: {  	v20 =	vld [tilespmem:s31+$0x0];
	v19 =	vmctz.xlane vm0;
	_ =	sdelay $0x1  }
0x4e4: {  	vm0 =	vlt.s32 v19, $0xF  }
0x4e5: {  	v22 =	vshll.u32 v28, $0x4;
	v21 =	vnsel vm0, $0xF, v19  }
0x4e6: {  	v16 =	vshll.u32 v16, $0xA;
	v22 =	vadd.s32 v22, v21  }
0x4e7: {  	v16 =	vor.u32 v16, v22;
	v22 =	vshrl.u32 v20, $0xA  }
0x4e8: {  	vm0 =	veq.s32 v22, v16  }
0x4e9: {  	v20 =	vand.u32 $0x3FF, v20;
	_ =	sdelay $0x4  }
0x4ea: {  	[tilespmem:v20+s22+$0x0] =	vst.idx.add.s32.msk vm0, v8  }
0x4eb: {  	v20 =	vld [tilespmem:s31+$0x10];
	_ =	sdelay $0x1  }
0x4ec: {  	v22 =	vld [tilespmem:s31+$0xFFFFFFC0]  }
0x4ed: {  	s0 =	simm.s32 $0x80C0  }
0x4ee: {  	v23 =	vld [tilespmem:s0+$0x0]  }
0x4ef: {  	v24 =	vshrl.u32 v20, $0xA  }
0x4f0: {  	vm0 =	veq.s32 v24, v16  }
0x4f1: {  	v20 =	vand.u32 $0x3FF, v20;
	v24 =	vshrl.u32 v22, $0xA  }
0x4f2: {  	vm1 =	veq.s32 v24, v16  }
0x4f3: {  	v22 =	vand.u32 $0x3FF, v22;
	v24 =	vshrl.u32 v23, $0xA  }
0x4f4: {  	vm2 =	veq.s32 v24, v16  }
0x4f5: {  	v23 =	vand.u32 $0x3FF, v23;
	v24 =	vld [tilespmem:s0+$0xFFFFFFC0]  }
0x4f6: {  	[tilespmem:v20+s22+$0x0] =	vst.idx.add.s32.msk vm0, v8  }
0x4f7: {  	v20 =	vld [tilespmem:s31+$0x20]  }
0x4f8: {  	[tilespmem:v22+s22+$0x0] =	vst.idx.add.s32.msk vm1, v8  }
0x4f9: {  	v22 =	vld [tilespmem:s31+$0xFFFFFFD0]  }
0x4fa: {  	v25 =	vshrl.u32 v24, $0xA;
	[tilespmem:v23+s22+$0x0] =	vst.idx.add.s32.msk vm2, v8  }
0x4fb: {  	vm0 =	veq.s32 v25, v16;
	v23 =	vld [tilespmem:s0+$0x10]  }
0x4fc: {  	v24 =	vand.u32 $0x3FF, v24;
	v25 =	vshrl.u32 v20, $0xA  }
0x4fd: {  	s2 =	simm.s32 $0x8140;
	vm1 =	veq.s32 v25, v16  }
0x4fe: {  	v27 =	vld [tilespmem:s2+$0x0];
	v20 =	vand.u32 $0x3FF, v20;
	v25 =	vshrl.u32 v22, $0xA  }
0x4ff: {  	vm2 =	veq.s32 v25, v16  }
0x500: {  	v22 =	vand.u32 $0x3FF, v22;
	v25 =	vld [tilespmem:s2+$0xFFFFFFC0];
	v28 =	vshrl.u32 v23, $0xA  }
0x501: {  	[tilespmem:v24+s22+$0x0] =	vst.idx.add.s32.msk vm0, v8;
	vm0 =	veq.s32 v28, v16  }
0x502: {  	v23 =	vand.u32 $0x3FF, v23;
	v24 =	vld [tilespmem:s0+$0xFFFFFFD0]  }
0x503: {  	v28 =	vshrl.u32 v27, $0xA;
	[tilespmem:v20+s22+$0x0] =	vst.idx.add.s32.msk vm1, v8  }
0x504: {  	vm3 =	veq.s32 v28, v16;
	v28 =	vld [tilespmem:s31+$0x30]  }
0x505: {  	v27 =	vand.u32 $0x3FF, v27;
	v20 =	vshrl.u32 v25, $0xA;
	[tilespmem:v22+s22+$0x0] =	vst.idx.add.s32.msk vm2, v8  }
0x506: {  	vm1 =	veq.s32 v20, v16;
	v20 =	vld [tilespmem:s31+$0xFFFFFFE0]  }
0x507: {  	v22 =	vand.u32 $0x3FF, v25;
	v25 =	vshrl.u32 v24, $0xA;
	[tilespmem:v23+s22+$0x0] =	vst.idx.add.s32.msk vm0, v8  }
0x508: {  	s4 =	simm.s32 $0x81C0;
	vm0 =	veq.s32 v25, v16;
	v23 =	vld [tilespmem:s0+$0x20]  }
0x509: {  	v29 =	vld [tilespmem:s4+$0x0];
	v24 =	vand.u32 $0x3FF, v24  }
0x50a: {  	[tilespmem:v27+s22+$0x0] =	vst.idx.add.s32.msk vm3, v8;
	v25 =	vshrl.u32 v28, $0xA  }
0x50b: {  	v27 =	vld [tilespmem:s2+$0x10];
	vm2 =	veq.s32 v25, v16;
	v25 =	vshrl.u32 v20, $0xA  }
0x50c: {  	[tilespmem:v22+s22+$0x0] =	vst.idx.add.s32.msk vm1, v8;
	v22 =	vand.u32 $0x3FF, v28;
	vm1 =	veq.s32 v25, v16  }
0x50d: {  	v20 =	vand.u32 $0x3FF, v20;
	v25 =	vld [tilespmem:s2+$0xFFFFFFD0];
	v28 =	vshrl.u32 v23, $0xA  }
0x50e: {  	[tilespmem:v24+s22+$0x0] =	vst.idx.add.s32.msk vm0, v8;
	vm0 =	veq.s32 v28, v16  }
0x50f: {  	v23 =	vand.u32 $0x3FF, v23  }
0x510: {  	v24 =	vld [tilespmem:s4+$0xFFFFFFC0];
	v28 =	vshrl.u32 v27, $0xA  }
0x511: {  	vm3 =	veq.s32 v28, v16;
	[tilespmem:v22+s22+$0x0] =	vst.idx.add.s32.msk vm2, v8  }
0x512: {  	v27 =	vand.u32 $0x3FF, v27;
	v28 =	vshrl.u32 v25, $0xA;
	[tilespmem:v20+s22+$0x0] =	vst.idx.add.s32.msk vm1, v8;
	v20 =	vshrl.u32 v29, $0xA  }
0x513: {  	vm1 =	veq.s32 v28, v16;
	v28 =	vld [tilespmem:s31+$0xFFFFFFF0];
	vm2 =	veq.s32 v20, v16  }
0x514: {  	[tilespmem:v23+s22+$0x0] =	vst.idx.add.s32.msk vm0, v8;
	v23 =	vand.u32 $0x3FF, v29  }
0x515: {  	v25 =	vand.u32 $0x3FF, v25;
	v20 =	vshrl.u32 v24, $0xA;
	v29 =	vld [tilespmem:s0+$0x30]  }
0x516: {  	v22 =	vld [tilespmem:s0+$0xFFFFFFE0];
	vm15 =	veq.s32 v20, v16  }
0x517: {  	v63 =	vand.u32 $0x3FF, v24;
	[tilespmem:v27+s22+$0x0] =	vst.idx.add.s32.msk vm3, v8  }
0x518: {  	v20 =	vadd.s32 $0xFFFFFFFF, v21;
	v24 =	vld [tilespmem:s2+$0x20]  }
0x519: {  	vm0 =	vgt.s32 v20, $0x0;
	[tilespmem:v23+s22+$0x0] =	vst.idx.add.s32.msk vm2, v8;
	v23 =	vshrl.u32 v28, $0xA  }
0x51a: {  	v20 =	vnsel vm0, $0x0, v20;
	[tilespmem:v25+s22+$0x0] =	vst.idx.add.s32.msk vm1, v8;
	vm0 =	veq.s32 v23, v16;
	v23 =	vshrl.u32 v29, $0xA  }
0x51b: {  	v21 =	vshrl.u32 v22, $0xA;
	v25 =	vld [tilespmem:s4+$0x10];
	vm2 =	veq.s32 v23, v16  }
0x51c: {  	v22 =	vand.u32 $0x3FF, v22;
	vm1 =	veq.s32 v21, v16;
	[tilespmem:v63+s22+$0x0] =	vst.idx.add.s32.msk vm15, v8;
	v23 =	vand.u32 $0x3FF, v29  }
0x51d: {  	s5 =	simm.s32 $0x6;
	s6 =	simm.s32 $0x8240;
	s3 =	simm.s32 $0x4;
	v20 =	vperm.xlane v26, v20;
	v21 =	vand.u32 $0x3FF, v28;
	v27 =	vshrl.u32 v24, $0xA;
	v26 =	vld [tilespmem:s4+$0xFFFFFFD0]  }
.LBB2_30:
0x51e: {  	v28 =	vld [tilespmem:s6+$0x0];
	s5 =	sadd.s32 $0x2, s5;
	vm3 =	veq.s32 v27, v16  }
0x51f: {  	v24 =	vand.u32 $0x3FF, v24;
	v27 =	vld [tilespmem:s6+$0xFFFFFFC0];
	p0 =	slt.u32 s5, $0x7E  }
0x520: {  	v29 =	vshrl.u32 v25, $0xA;
	v30 =	vld [tilespmem:s2+$0xFFFFFFE0]  }
0x521: {  	vm4 =	veq.s32 v29, v16;
	[tilespmem:v23+s22+$0x0] =	vst.idx.add.s32.msk vm2, v8  }
0x522: {  	v25 =	vand.u32 $0x3FF, v25;
	v23 =	vshrl.u32 v26, $0xA;
	v26 =	vand.u32 $0x3FF, v26;
	[tilespmem:v22+s22+$0x0] =	vst.idx.add.s32.msk vm1, v8  }
0x523: {  	v22 =	vshrl.u32 v28, $0xA;
	vm2 =	veq.s32 v23, v16;
	v23 =	vld [tilespmem:s0+$0xFFFFFFF0];
	s0 =	smov.u32 s2;
	s2 =	smov.u32 s4;
	s4 =	smov.u32 s6  }
0x524: {  	v29 =	vshrl.u32 v27, $0xA;
	v27 =	vand.u32 $0x3FF, v27;
	vm5 =	veq.s32 v22, v16;
	[tilespmem:v24+s22+$0x0] =	vst.idx.add.s32.msk vm3, v8  }
0x525: {  	v28 =	vand.u32 $0x3FF, v28;
	vm3 =	veq.s32 v29, v16;
	v22 =	vshrl.u32 v30, $0xA;
	v29 =	vld [tilespmem:s0+$0x30]  }
0x526: {  	vm1 =	veq.s32 v22, v16;
	v22 =	vand.u32 $0x3FF, v30;
	[tilespmem:v21+s22+$0x0] =	vst.idx.add.s32.msk vm0, v8  }
0x527: {  	[tilespmem:v25+s22+$0x0] =	vst.idx.add.s32.msk vm4, v8  }
0x528: {  	v24 =	vld [tilespmem:s2+$0x20];
	v25 =	vshrl.u32 v23, $0xA;
	v21 =	vand.u32 $0x3FF, v23  }
.Ltmp14:
0x529: {  	[tilespmem:v26+s22+$0x0] =	vst.idx.add.s32.msk vm2, v8;
	vm0 =	veq.s32 v25, v16;
	(pc) =	sbr.rel @p0 .LBB2_30-.Ltmp14, $4  }
0x52a: {  	[tilespmem:v28+s22+$0x0] =	vst.idx.add.s32.msk vm5, v8;
	v23 =	vshrl.u32 v29, $0xA  }
0x52b: {  	v25 =	vld [tilespmem:s6+$0x10];
	vm2 =	veq.s32 v23, v16  }
0x52c: {  	v23 =	vand.u32 $0x3FF, v29;
	[tilespmem:v27+s22+$0x0] =	vst.idx.add.s32.msk vm3, v8  }
0x52d: {  	s6 =	sadd.s32 $0x80, s6;
	v26 =	vld [tilespmem:s4+$0xFFFFFFD0];
	v27 =	vshrl.u32 v24, $0xA  }
0x52e: {  	_ =	sdelay $0x1  }
0x52f: {  	v28 =	vshrl.u32 v25, $0xA  }
0x530: {  	vm3 =	veq.s32 v28, v16  }
0x531: {  	v52 =	vand.u32 $0x3FF, v25;
	v51 =	vshrl.u32 v26, $0xA  }
0x532: {  	vm4 =	veq.s32 v51, v16  }
0x533: {  	v53 =	vand.u32 $0x3FF, v26;
	_ =	sdelay $0x1  }
0x534: {  	v54 =	vld [tilespmem:s2+$0xFFFFFFE0]  }
0x535: {  	[tilespmem:v52+s22+$0x0] =	vst.idx.add.s32.msk vm3, v8  }
0x536: {  	v25 =	vld [tilespmem:s4+$0x20]  }
0x537: {  	[tilespmem:v53+s22+$0x0] =	vst.idx.add.s32.msk vm4, v8  }
0x538: {  	vm8 =	veq.s32 v27, v16;
	v26 =	vld [tilespmem:s4+$0xFFFFFFE0]  }
0x539: {  	v24 =	vand.u32 $0x3FF, v24;
	v55 =	vshrl.u32 v54, $0xA  }
0x53a: {  	vm9 =	veq.s32 v55, v16  }
0x53b: {  	v56 =	vand.u32 $0x3FF, v54;
	v57 =	vshrl.u32 v25, $0xA  }
0x53c: {  	[tilespmem:v22+s22+$0x0] =	vst.idx.add.s32.msk vm1, v8;
	vm10 =	veq.s32 v57, v16  }
0x53d: {  	v22 =	vld [tilespmem:s0+$0xFFFFFFF0];
	v25 =	vand.u32 $0x3FF, v25;
	v58 =	vshrl.u32 v26, $0xA  }
0x53e: {  	[tilespmem:v24+s22+$0x0] =	vst.idx.add.s32.msk vm8, v8;
	vm11 =	veq.s32 v58, v16  }
0x53f: {  	v24 =	vld [tilespmem:s2+$0x30];
	v26 =	vand.u32 $0x3FF, v26  }
0x540: {  	[tilespmem:v56+s22+$0x0] =	vst.idx.add.s32.msk vm9, v8  }
0x541: {  	v27 =	vld [tilespmem:s2+$0xFFFFFFF0]  }
0x542: {  	[tilespmem:v25+s22+$0x0] =	vst.idx.add.s32.msk vm10, v8  }
0x543: {  	v25 =	vld [tilespmem:s4+$0x30]  }
0x544: {  	[tilespmem:v26+s22+$0x0] =	vst.idx.add.s32.msk vm11, v8  }
0x545: {  	v26 =	vld [tilespmem:s4+$0xFFFFFFF0]  }
0x546: {  	v60 =	vshrl.u32 v22, $0xA  }
0x547: {  	vm13 =	veq.s32 v60, v16;
	v59 =	vshrl.u32 v24, $0xA  }
0x548: {  	v22 =	vand.u32 $0x3FF, v22;
	vm12 =	veq.s32 v59, v16;
	v62 =	vshrl.u32 v27, $0xA  }
0x549: {  	v24 =	vand.u32 $0x3FF, v24;
	vm5 =	veq.s32 v62, v16;
	v61 =	vshrl.u32 v25, $0xA  }
0x54a: {  	[tilespmem:v23+s22+$0x0] =	vst.idx.add.s32.msk vm2, v8;
	v23 =	vand.u32 $0x3FF, v27;
	vm14 =	veq.s32 v61, v16;
	v63 =	vshrl.u32 v26, $0xA  }
0x54b: {  	v25 =	vand.u32 $0x3FF, v25;
	vm15 =	veq.s32 v63, v16  }
0x54c: {  	[tilespmem:v21+s22+$0x0] =	vst.idx.add.s32.msk vm0, v8;
	v21 =	vand.u32 $0x3FF, v26  }
0x54d: {  	[tilespmem:v22+s22+$0x0] =	vst.idx.add.s32.msk vm13, v8  }
0x54e: {  	[tilespmem:v24+s22+$0x0] =	vst.idx.add.s32.msk vm12, v8  }
0x54f: {  	[tilespmem:v23+s22+$0x0] =	vst.idx.add.s32.msk vm5, v8  }
0x550: {  	[tilespmem:v25+s22+$0x0] =	vst.idx.add.s32.msk vm14, v8  }
0x551: {  	s5 =	simm.s32 $0xA010;
	[tilespmem:v21+s22+$0x0] =	vst.idx.add.s32.msk vm15, v8  }
0x552: {  	v21 =	vld [tilespmem:s5+$0xFFFFFFF0]  }
0x553: {  	v22 =	vld [tilespmem:s5+$0x0];
	_ =	sdelay $0x3  }
0x554: {  	s2 =	simm.s32 $0xA030;
	(xrf0) =	vadd.scan.msk.s32 $0xffff, v21  }
0x555: {  	v21 =	vld [tilespmem:s2+$0xFFFFFFF0];
	(xrf0) =	vadd.scan.msk.s32 $0xffff, v22  }
0x556: {  	v22 =	vld [tilespmem:s2+$0x0];
	_ =	sdelay $0x2  }
0x557: {  	[tilespmem:s5+$0xFFFFFFF0] =	vst v7  }
0x558: {  	s0 =	simm.s32 $0xA050;
	s4 =	simm.s32 $0xA410;
	[tilespmem:s5+$0x0] =	vst v7;
	(xrf0) =	vadd.scan.msk.s32 $0xffff, v21;
	v23, _, _ =	vpop (xrf0)  }
0x559: {  	v21 =	vld [tilespmem:s0+$0xFFFFFFF0];
	(xrf0) =	vadd.scan.msk.s32 $0xffff, v22;
	[tilespmem:s4+$0xFFFFFFF0] =	vst v23;
	v22, _, _ =	vpop (xrf0)  }
.LBB2_32:
0x55a: {  	s3 =	sadd.s32 $0x2, s3  }
0x55b: {  	v23 =	vld [tilespmem:s0+$0x0];
	[tilespmem:s4+$0x0] =	vst v22;
	s4 =	sadd.s32 $0x20, s4;
	p0 =	slt.u32 s3, $0x3E  }
.Ltmp15:
0x55c: {  	(pc) =	sbr.rel @p0 .LBB2_32-.Ltmp15, $4  }
0x55d: {  	_ = 	snop  }
0x55e: {  	[tilespmem:s2+$0xFFFFFFF0] =	vst v7  }
0x55f: {  	(xrf0) =	vadd.scan.msk.s32 $0xffff, v21;
	[tilespmem:s2+$0x0] =	vst v7;
	v22, _, _ =	vpop (xrf0);
	s2 =	smov.u32 s0;
	s0 =	sadd.s32 $0x20, s0  }
0x560: {  	v21 =	vld [tilespmem:s0+$0xFFFFFFF0];
	(xrf0) =	vadd.scan.msk.s32 $0xffff, v23;
	[tilespmem:s4+$0xFFFFFFF0] =	vst v22;
	v22, _, _ =	vpop (xrf0)  }
0x561: {  	v23 =	vld [tilespmem:s0+$0x0];
	_ =	sdelay $0x3  }
0x562: {  	[tilespmem:s4+$0x0] =	vst v22;
	(xrf0) =	vadd.scan.msk.s32 $0xffff, v21  }
0x563: {  	[tilespmem:s2+$0xFFFFFFF0] =	vst v7;
	(xrf0) =	vadd.scan.msk.s32 $0xffff, v23  }
0x564: {  	[tilespmem:s2+$0x0] =	vst v7  }
0x565: {  	[tilespmem:s0+$0xFFFFFFF0] =	vst v7  }
0x566: {  	s3 =	sadd.s32 $0x20, s4;
	[tilespmem:s0+$0x0] =	vst v7;
	v21, _, _ =	vpop (xrf0)  }
0x567: {  	[tilespmem:s3+$0xFFFFFFF0] =	vst v21;
	v21, _, _ =	vpop (xrf0)  }
0x568: {  	s30 =	sadd.s32 $0x20, s3;
	[tilespmem:s3+$0x0] =	vst v21;
	v21, _, _ =	vpop (xrf0)  }
0x569: {  	[tilespmem:s30+$0xFFFFFFF0] =	vst v21;
	v21, _, _ =	vpop (xrf0)  }
0x56a: {  	[tilespmem:s30+$0x0] =	vst v21  }
0x56b: {  	v21 =	vld.idx.msk [tilespmem:v9+s23+$0x0], $0xffff;
	_ =	sdelay $0x2  }
0x56c: {  	v22 =	vld.idx.msk [tilespmem:v11+s23+$0x0], $0xffff;
	_ =	sdelay $0x1  }
0x56d: {  	(xrf0) =	vadd.scan.msk.s32 $0xffff, v21  }
0x56e: {  	vm0 =	vgt.s32 v19, $0x0  }
0x56f: {  	v19 =	vnsel vm0, $0x0, v20;
	v23 =	vld.idx.msk [tilespmem:v12+s23+$0x0], $0xffff  }
0x570: {  	v18 =	vadd.s32 v19, v18;
	(xrf0) =	vadd.scan.msk.s32 $0xffff, v22;
	_ =	sdelay $0x2  }
0x571: {  	v17 =	vsub.s32 v17, v18;
	v19 =	vld.idx.msk [tilespmem:v13+s23+$0x0], $0xffff;
	v18, _, _ =	vpop (xrf0)  }
0x572: {  	(xrf0) =	vadd.scan.msk.s32 $0xffff, v23;
	vm0 =	vge.s32 v18, v17  }
0x573: {  	v24 =	vperm.xlane v18, v10;
	v20 =	vmctz.xlane vm0  }
0x574: {  	v25, _, _ =	vpop (xrf0)  }
0x575: {  	v26 =	vmpcnt.ones.xlane vm0;
	v24 =	vadd.s32 v24, v25;
	vm0 =	vlt.s32 v20, $0xF  }
0x576: {  	(xrf0) =	vadd.scan.msk.s32 $0xffff, v19;
	v25 =	vnsel vm0, $0xF, v20;
	vm0 =	vge.s32 v24, v17  }
0x577: {  	vm1 =	vgt.s32 v26, $0x0;
	v27 =	vperm.xlane v24, v10;
	v26 =	vmctz.xlane vm0  }
0x578: {  	v29, _, _ =	vpop (xrf0);
	v30 =	vmpcnt.ones.xlane vm0  }
0x579: {  	v28 =	vnsel vm1, $0xFFFFFFFF, v25;
	v27 =	vadd.s32 v27, v29;
	vm0 =	vlt.s32 v26, $0xF  }
0x57a: {  	vm2 =	vge.s32 v27, v17;
	vm3 =	vgt.s32 v30, $0x0;
	v31 =	vperm.xlane v27, v10  }
0x57b: {  	v58 =	vnsel vm0, $0xF, v26;
	vm0 =	vlt.s32 v28, $0x0;
	v59 =	vmctz.xlane vm2  }
0x57c: {  	v33, _, _ =	vpop (xrf0);
	v34 =	vmpcnt.ones.xlane vm2;
	vm0 =	vmand vm0, vm3  }
0x57d: {  	v32 =	vadd.s32 $0x10, v58;
	v31 =	vadd.s32 v31, v33;
	vm2 =	vlt.s32 v59, $0xF  }
0x57e: {  	v28 =	vsel vm0, v32, v28;
	vm3 =	vge.s32 v31, v17;
	vm4 =	vgt.s32 v34, $0x0  }
0x57f: {  	v60 =	vnsel vm2, $0xF, v59;
	vm2 =	vlt.s32 v28, $0x0;
	v61 =	vmctz.xlane vm3  }
0x580: {  	v36 =	vmpcnt.ones.xlane vm3;
	vm2 =	vmand vm2, vm4;
	v35 =	vadd.s32 $0x20, v60  }
0x581: {  	v28 =	vsel vm2, v35, v28;
	vm3 =	vlt.s32 v61, $0xF  }
0x582: {  	vm13 =	vgt.s32 v36, $0x0;
	v62 =	vnsel vm3, $0xF, v61;
	vm3 =	vlt.s32 v28, $0x0  }
0x583: {  	vm3 =	vmand vm3, vm13;
	v63 =	vadd.s32 $0x30, v62  }
0x584: {  	v28 =	vsel vm3, v63, v28  }
0x585: {  	v36 =	vxor.u32 $0x80000000, v28  }
0x586: {  	(xrf0) =	vmax.scan.msk.u32 $0xffff, v36;
	_ =	sdelay $0x5  }
0x587: {  	v36, _, _ =	vpop (xrf0)  }
0x588: {  	(v2sf) =	vpush v36, $0xF;
	_ =	sdelay $0x8  }
0x589: {  	v20 =	vshrl.u32 v20, $0x1B  }
0x58a: {  	v20 =	vand.u32 $0x10, v20  }
0x58b: {  	v20 =	vadd.s32 v25, v20  }
0x58c: {  	vm14 =	vgt.s32 v14, v15;
	v18 =	vperm.xlane v18, v20;
	v20 =	vperm.xlane v21, v20  }
0x58d: {  	v14 =	vsel vm14, v14, v15  }
0x58e: {  	v14 =	vadd.f32 $9.999999930e-09, v14;
	vm15 =	vlt.s32 v26, $0x0;
	v15 =	vsub.s32 v18, v20  }
0x58f: {  	v18 =	vshrl.u32 v59, $0x1B;
	v15 =	vnsel vm1, $0x0, v15;
	v20 =	vsel vm15, v32, v58;
	s31 =	spop (v2sf)  }
0x590: {  	v18 =	vand.u32 $0x10, v18;
	v21 =	vperm.xlane v24, v20;
	v24 =	vshrl.u32 v61, $0x1B;
	s0 =	sshll.u32 s31, $0x6  }
0x591: {  	v20 =	vperm.xlane v22, v20;
	v18 =	vadd.s32 v60, v18;
	v24 =	vand.u32 $0x10, v24;
	s0 =	sshra.s32 s0, $0x2  }
0x592: {  	v22 =	vperm.xlane v27, v18;
	v18 =	vperm.xlane v23, v18;
	v23 =	vadd.s32 v62, v24;
	v24 =	vld [tilespmem:s0+$0xA400]  }
0x593: {  	v20 =	vsub.s32 v21, v20;
	v21 =	vperm.xlane v31, v23;
	v19 =	vperm.xlane v19, v23  }
0x594: {  	(erf) = vrcp.f32 v14;
	v15 =	vsel vm0, v20, v15;
	v18 =	vsub.s32 v22, v18  }
0x595: {  	v14 =	vsel vm2, v18, v15;
	v15 =	vsub.s32 v21, v19  }
0x596: {  	v14 =	vsel vm3, v15, v14  }
0x597: {  	v14 =	vadd.s32 v24, v14  }
0x598: {  	s7 =	simm.s32 $0x8040;
	vm0 =	vge.s32 v14, v17  }
0x599: {  	v17 =	vld [tilespmem:s7+$0x0];
	v14 =	vmctz.xlane vm0  }
0x59a: {  	v15 =	vshll.u32 v28, $0x4  }
0x59b: {  	vm0 =	vlt.s32 v14, $0xF  }
0x59c: {  	v14 =	vnsel vm0, $0xF, v14  }
0x59d: {  	v16 =	vshll.u32 v16, $0xA;
	v18 =	vld [tilespmem:s7+$0xFFFFFFC0];
	v14 =	vadd.s32 v15, v14;
	v15 =	vpop (erf)  }
0x59e: {  	v14 =	vor.u32 v16, v14;
	v16 =	vmul.f32 v17, v15  }
0x59f: {  	vm0 =	vgt.s32 v17, v14  }
0x5a0: {  	s4 =	simm.s32 $0x80C0;
	s0 =	simm.s32 $0x2040;
	v16 =	vnsel vm0, $0x0, v16  }
0x5a1: {  	v17 =	vld [tilespmem:s4+$0x0];
	[tilespmem:s0+$0x0] =	vst v16  }
0x5a2: {  	v16 =	vmul.f32 v18, v15;
	v19 =	vld [tilespmem:s7+$0x10]  }
0x5a3: {  	vm0 =	vgt.s32 v18, v14  }
0x5a4: {  	v16 =	vnsel vm0, $0x0, v16  }
0x5a5: {  	v18 =	vld [tilespmem:s4+$0xFFFFFFC0];
	[tilespmem:s0+$0xFFFFFFC0] =	vst v16  }
0x5a6: {  	v16 =	vmul.f32 v17, v15;
	v20 =	vld [tilespmem:s7+$0xFFFFFFD0]  }
0x5a7: {  	vm0 =	vgt.s32 v17, v14;
	v17 =	vmul.f32 v19, v15  }
0x5a8: {  	s5 =	simm.s32 $0x8140;
	s2 =	simm.s32 $0x20C0;
	v16 =	vnsel vm0, $0x0, v16;
	vm0 =	vgt.s32 v19, v14  }
0x5a9: {  	v19 =	vld [tilespmem:s5+$0x0];
	[tilespmem:s2+$0x0] =	vst v16;
	v16 =	vnsel vm0, $0x0, v17  }
0x5aa: {  	v21 =	vld [tilespmem:s4+$0x10];
	v17 =	vmul.f32 v18, v15;
	[tilespmem:s0+$0x10] =	vst v16  }
0x5ab: {  	vm0 =	vgt.s32 v18, v14;
	v16 =	vmul.f32 v20, v15;
	v18 =	vld [tilespmem:s7+$0x20]  }
0x5ac: {  	v17 =	vnsel vm0, $0x0, v17;
	vm0 =	vgt.s32 v20, v14  }
0x5ad: {  	v20 =	vld [tilespmem:s5+$0xFFFFFFC0];
	[tilespmem:s2+$0xFFFFFFC0] =	vst v17;
	v16 =	vnsel vm0, $0x0, v16  }
0x5ae: {  	v17 =	vmul.f32 v19, v15;
	v22 =	vld [tilespmem:s4+$0xFFFFFFD0];
	[tilespmem:s0+$0xFFFFFFD0] =	vst v16  }
0x5af: {  	vm0 =	vgt.s32 v19, v14;
	v16 =	vmul.f32 v21, v15;
	v19 =	vld [tilespmem:s7+$0xFFFFFFE0]  }
0x5b0: {  	s6 =	simm.s32 $0x81C0;
	s3 =	simm.s32 $0x2140;
	v17 =	vnsel vm0, $0x0, v17;
	vm0 =	vgt.s32 v21, v14;
	v21 =	vmul.f32 v18, v15  }
0x5b1: {  	v23 =	vld [tilespmem:s6+$0x0];
	[tilespmem:s3+$0x0] =	vst v17;
	v16 =	vnsel vm0, $0x0, v16;
	vm0 =	vgt.s32 v18, v14  }
0x5b2: {  	v17 =	vmul.f32 v20, v15;
	v25 =	vld [tilespmem:s5+$0x10];
	[tilespmem:s2+$0x10] =	vst v16;
	v16 =	vnsel vm0, $0x0, v21  }
0x5b3: {  	v18 =	vld [tilespmem:s4+$0x20];
	vm0 =	vgt.s32 v20, v14;
	v20 =	vmul.f32 v22, v15;
	[tilespmem:s0+$0x20] =	vst v16  }
0x5b4: {  	v17 =	vnsel vm0, $0x0, v17;
	vm0 =	vgt.s32 v22, v14;
	v22 =	vmul.f32 v19, v15;
	v16 =	vld [tilespmem:s7+$0x30]  }
0x5b5: {  	v21 =	vld [tilespmem:s6+$0xFFFFFFC0];
	[tilespmem:s3+$0xFFFFFFC0] =	vst v17;
	v17 =	vnsel vm0, $0x0, v20;
	vm0 =	vgt.s32 v19, v14  }
0x5b6: {  	v24 =	vmul.f32 v23, v15;
	v20 =	vld [tilespmem:s5+$0xFFFFFFD0];
	[tilespmem:s2+$0xFFFFFFD0] =	vst v17;
	v17 =	vnsel vm0, $0x0, v22  }
0x5b7: {  	vm0 =	vgt.s32 v23, v14;
	v23 =	vmul.f32 v25, v15;
	v19 =	vld [tilespmem:s4+$0xFFFFFFE0];
	[tilespmem:s0+$0xFFFFFFE0] =	vst v17  }
0x5b8: {  	s8 =	simm.s32 $0x6;
	s15 =	simm.s32 $0x8240;
	s14 =	simm.s32 $0x21C0;
	v24 =	vnsel vm0, $0x0, v24;
	vm0 =	vgt.s32 v25, v14;
	v22 =	vmul.f32 v18, v15;
	v17 =	vld [tilespmem:s7+$0xFFFFFFF0]  }
.LBB2_34:
0x5b9: {  	v25 =	vld [tilespmem:s15+$0x0];
	s8 =	sadd.s32 $0x2, s8;
	[tilespmem:s14+$0x0] =	vst v24;
	v23 =	vnsel vm0, $0x0, v23;
	vm0 =	vgt.s32 v18, v14;
	v24 =	vmul.f32 v16, v15;
	s7 =	smov.u32 s5;
	s5 =	smov.u32 s6  }
0x5ba: {  	s6 =	smov.u32 s15;
	s16 =	smov.u32 s0;
	p0 =	slt.u32 s8, $0x7E;
	v26 =	vmul.f32 v21, v15;
	v27 =	vld [tilespmem:s5+$0x10];
	[tilespmem:s3+$0x10] =	vst v23;
	v22 =	vnsel vm0, $0x0, v22;
	vm0 =	vgt.s32 v16, v14  }
0x5bb: {  	s0 =	smov.u32 s2;
	vm1 =	vgt.s32 v21, v14;
	v23 =	vmul.f32 v20, v15;
	v18 =	vld [tilespmem:s7+$0x20];
	[tilespmem:s2+$0x20] =	vst v22;
	v21 =	vnsel vm0, $0x0, v24;
	s2 =	smov.u32 s3;
	s3 =	smov.u32 s14  }
.Ltmp16:
0x5bc: {  	vm0 =	vgt.s32 v20, v14;
	v22 =	vnsel vm1, $0x0, v26;
	v24 =	vmul.f32 v19, v15;
	v16 =	vld [tilespmem:s4+$0x30];
	[tilespmem:s16+$0x30] =	vst v21;
	(pc) =	sbr.rel @p0 .LBB2_34-.Ltmp16, $4  }
0x5bd: {  	v21 =	vld [tilespmem:s15+$0xFFFFFFC0];
	[tilespmem:s14+$0xFFFFFFC0] =	vst v22;
	v22 =	vnsel vm0, $0x0, v23;
	vm0 =	vgt.s32 v19, v14;
	v26 =	vmul.f32 v17, v15  }
0x5be: {  	v28 =	vmul.f32 v25, v15;
	v20 =	vld [tilespmem:s5+$0xFFFFFFD0];
	[tilespmem:s2+$0xFFFFFFD0] =	vst v22;
	v22 =	vnsel vm0, $0x0, v24;
	vm0 =	vgt.s32 v17, v14  }
0x5bf: {  	vm1 =	vgt.s32 v25, v14;
	v23 =	vmul.f32 v27, v15;
	v19 =	vld [tilespmem:s7+$0xFFFFFFE0];
	[tilespmem:s0+$0xFFFFFFE0] =	vst v22;
	v25 =	vnsel vm0, $0x0, v26  }
0x5c0: {  	s15 =	sadd.s32 $0x80, s15;
	s14 =	sadd.s32 $0x80, s14;
	vm0 =	vgt.s32 v27, v14;
	v24 =	vnsel vm1, $0x0, v28;
	v22 =	vmul.f32 v18, v15;
	v17 =	vld [tilespmem:s4+$0xFFFFFFF0];
	[tilespmem:s16+$0xFFFFFFF0] =	vst v25;
	s4 =	smov.u32 s7  }
0x5c1: {  	_ = 	snop  }
0x5c2: {  	v25 =	vmul.f32 v21, v15  }
0x5c3: {  	vm1 =	vgt.s32 v21, v14  }
0x5c4: {  	[tilespmem:s14+$0x0] =	vst v24;
	v21 =	vnsel vm1, $0x0, v25  }
0x5c5: {  	v24 =	vld [tilespmem:s6+$0x10];
	[tilespmem:s14+$0xFFFFFFC0] =	vst v21  }
0x5c6: {  	v21 =	vld [tilespmem:s6+$0xFFFFFFD0];
	_ =	sdelay $0x2  }
0x5c7: {  	v28 =	vmul.f32 v20, v15  }
0x5c8: {  	v23 =	vnsel vm0, $0x0, v23;
	vm11 =	vgt.s32 v20, v14;
	v29 =	vmul.f32 v24, v15  }
0x5c9: {  	[tilespmem:s3+$0x10] =	vst v23;
	v30 =	vnsel vm11, $0x0, v28;
	vm12 =	vgt.s32 v24, v14;
	v31 =	vmul.f32 v21, v15  }
0x5ca: {  	v32 =	vld [tilespmem:s5+$0x20];
	[tilespmem:s3+$0xFFFFFFD0] =	vst v30;
	v20 =	vnsel vm12, $0x0, v29;
	vm13 =	vgt.s32 v21, v14  }
0x5cb: {  	v33 =	vld [tilespmem:s5+$0xFFFFFFE0];
	[tilespmem:s14+$0x10] =	vst v20;
	v34 =	vnsel vm13, $0x0, v31  }
0x5cc: {  	v35 =	vld [tilespmem:s6+$0x20];
	[tilespmem:s14+$0xFFFFFFD0] =	vst v34  }
0x5cd: {  	v20 =	vld [tilespmem:s6+$0xFFFFFFE0]  }
0x5ce: {  	vm14 =	vgt.s32 v18, v14;
	v36 =	vmul.f32 v19, v15  }
0x5cf: {  	v22 =	vnsel vm14, $0x0, v22;
	vm15 =	vgt.s32 v19, v14;
	v37 =	vmul.f32 v32, v15  }
0x5d0: {  	[tilespmem:s2+$0x20] =	vst v22;
	v18 =	vnsel vm15, $0x0, v36;
	vm4 =	vgt.s32 v32, v14;
	v38 =	vmul.f32 v33, v15  }
0x5d1: {  	v39 =	vld [tilespmem:s4+$0x30];
	[tilespmem:s2+$0xFFFFFFE0] =	vst v18;
	v40 =	vnsel vm4, $0x0, v37;
	vm5 =	vgt.s32 v33, v14;
	v41 =	vmul.f32 v35, v15  }
0x5d2: {  	v42 =	vld [tilespmem:s4+$0xFFFFFFF0];
	[tilespmem:s3+$0x20] =	vst v40;
	v43 =	vnsel vm5, $0x0, v38;
	vm6 =	vgt.s32 v35, v14;
	v44 =	vmul.f32 v20, v15  }
0x5d3: {  	v45 =	vld [tilespmem:s5+$0x30];
	[tilespmem:s3+$0xFFFFFFE0] =	vst v43;
	v46 =	vnsel vm6, $0x0, v41;
	vm7 =	vgt.s32 v20, v14  }
0x5d4: {  	v47 =	vmul.f32 v16, v15;
	v48 =	vld [tilespmem:s5+$0xFFFFFFF0];
	[tilespmem:s14+$0x20] =	vst v46;
	v49 =	vnsel vm7, $0x0, v44  }
0x5d5: {  	vm8 =	vgt.s32 v16, v14;
	v50 =	vmul.f32 v17, v15;
	v51 =	vld [tilespmem:s6+$0x30];
	[tilespmem:s14+$0xFFFFFFE0] =	vst v49  }
0x5d6: {  	v52 =	vnsel vm8, $0x0, v47;
	vm9 =	vgt.s32 v17, v14;
	v53 =	vmul.f32 v39, v15;
	v54 =	vld [tilespmem:s6+$0xFFFFFFF0]  }
0x5d7: {  	[tilespmem:s0+$0x30] =	vst v52;
	v16 =	vnsel vm9, $0x0, v50;
	vm10 =	vgt.s32 v39, v14;
	v55 =	vmul.f32 v42, v15  }
0x5d8: {  	[tilespmem:s0+$0xFFFFFFF0] =	vst v16;
	v56 =	vnsel vm10, $0x0, v53;
	vm11 =	vgt.s32 v42, v14;
	v57 =	vmul.f32 v45, v15  }
0x5d9: {  	[tilespmem:s2+$0x30] =	vst v56;
	v58 =	vnsel vm11, $0x0, v55;
	vm12 =	vgt.s32 v45, v14;
	v59 =	vmul.f32 v48, v15  }
0x5da: {  	[tilespmem:s2+$0xFFFFFFF0] =	vst v58;
	v60 =	vnsel vm12, $0x0, v57;
	vm13 =	vgt.s32 v48, v14;
	v61 =	vmul.f32 v51, v15  }
0x5db: {  	[tilespmem:s3+$0x30] =	vst v60;
	v62 =	vnsel vm13, $0x0, v59;
	vm14 =	vgt.s32 v51, v14;
	v15 =	vmul.f32 v54, v15  }
0x5dc: {  	[tilespmem:s3+$0xFFFFFFF0] =	vst v62;
	v63 =	vnsel vm14, $0x0, v61;
	vm15 =	vgt.s32 v54, v14  }
0x5dd: {  	[tilespmem:s14+$0x30] =	vst v63;
	v14 =	vnsel vm15, $0x0, v15  }
0x5de: {  	s29 =	sadd.s32 $0x1, s29;
	s3 =	simm.s32 $0x2000;
	[tilespmem:s14+$0xFFFFFFF0] =	vst v14  }
0x5df: {  	[hbm4b:s10+s12] =	stream.strided.scatter [tilespmem:s3], [sflag:$0x6], $0x2000, s13, s12, $0x38;
	[tilespmem:$0xA900] =	vst v63  }
0x5e0: {  	p0 =	sne.s32 s29, s11;
	_ =	swait.ge [sflag:s26], $0x2000  }
.Ltmp17:
0x5e1: {  	[sflag:s26] =	ssyncset.done $0x0;
	(pc) =	sbr.rel @p0 .LBB2_1-.Ltmp17, $4  }
0x5e2: {  	[sflag:s26] =	ssyncadd.s32 $0xFFFFE000  }
0x5e3: {  	_ =	swait.ge [sflag:s28], $0x2000  }
0x5e4: {  	[sflag:s28] =	ssyncset.done $0x0  }
0x5e5: {  	[sflag:s28] =	ssyncadd.s32 $0xFFFFE000  }
0x5e6: {  	_ =	sfence.sel $0x180000  }
0x5e7: {  	[bflag:$0x0] =	sbarrier.arrive $0xFFFF  }
0x5e8: {  	_ =	strace $0x90000047  }
0x5e9: {  	s0 =	stileid.u32;
	[bflag:$0x2] =	sbarrier.arrive $0xFFFF  }
0x5ea: {  	p0 =	sne.s32 s0, $0x0;
	s0 =	rddreg [dreg:$0x4]  }
0x5eb: {  	s0 =	sadd.s32 @!p0 $0x100000, s0  }
0x5ec: {  	[sflag:s0] =	ssyncadd.tile.s32 @!p0 $0x1;
	_ =	shalt  }
.Lfunc_end2:
_tile_overlayer_lowered:
.L_overlay_start_2:
0x5ed: {  	(tag) =	ssettag $0x2  }
0x5ee: {  	s0 =	rddreg [dreg:$0x0];
	s2 =	stileid.u32  }
0x5ef: {  	s1 =	rddreg [dreg:$0x1];
	p0 =	sne.s32 s2, $0x0  }
0x5f0: {  	s3 =	rddreg [dreg:$0x2];
	[bflag:$0x3] =	sbarrier.arrive $0xFFFF;
	s2 =	simm.s32 @!p0 $0x1C08  }
0x5f1: {  	[timem:s3], [sflag:s2] =	dma.local @!p0 [hbm:s0], s1  }
0x5f2: {  	s0 =	simm.s32 @!p0 $0x8  }
0x5f3: {  	_ =	swait.ge @!p0 [sflag:s0], s1  }
0x5f4: {  	s1 =	ssub.s32 @!p0 $0x0, s1;
	[sflag:s0] =	ssyncset.done @!p0 $0x0  }
0x5f5: {  	[sflag:s0] =	ssyncadd.s32 @!p0 s1  }
0x5f6: {  	[bflag:$0x3] =	sbarrier.arrive $0xFFFF  }
0x5f7: {  	_ =	shalt  }

</sc_bundles>
